<compile_context>
chip_gen: v7x
topology: tpu7x:2x2x1
jax: 0.10.2.dev20260603
libtpu: 0.0.44.dev20260713+nightly
codegen_flags: <defaults>
</compile_context>

<pallas_src>
import functools

import jax
import jax.numpy as jnp
from jax import lax
from jax.experimental import pallas as pl
from jax.experimental.pallas import tpu as pltpu
from jax.experimental.pallas import tpu_sc as plsc


@functools.lru_cache(maxsize=None)
def _build_sc_copy(n_rows, n_cols, row_offset, dtype_name):
    dtype = jnp.dtype(dtype_name)
    info = plsc.get_sparse_core_info()
    num_workers = info.num_cores * info.num_subcores
    assert n_rows % num_workers == 0, (n_rows, num_workers)
    rows_per = n_rows // num_workers

    mesh = plsc.VectorSubcoreMesh(core_axis_name="c", subcore_axis_name="s")

    nv = 4
    nbuf = 3
    chunk = 8
    assert rows_per % (nv * chunk) == 0, (rows_per, nv, chunk)
    rows_v = rows_per // nv
    nch = rows_v // chunk

    @functools.partial(
        pl.kernel,
        mesh=mesh,
        out_type=jax.ShapeDtypeStruct((n_rows, n_cols), dtype),
        scratch_types=[
            pltpu.VMEM((nv, nbuf, chunk, n_cols), dtype),
            pltpu.SemaphoreType.DMA((nv, nbuf)),
            pltpu.SemaphoreType.DMA((nv, nbuf)),
        ],
    )
    def sc_copy(w_hbm, out_hbm, buf, in_sems, out_sems):
        sid = lax.axis_index("s")
        wid = sid * info.num_cores + lax.axis_index("c")
        base = wid * rows_per

        def in_copy(v, i, b):
            return pltpu.make_async_copy(
                w_hbm.at[
                    pl.ds(row_offset + base + v * rows_v + i * chunk, chunk)
                ],
                buf.at[v, b],
                in_sems.at[v, b],
            )

        def out_copy(v, i, b):
            return pltpu.make_async_copy(
                buf.at[v, b],
                out_hbm.at[pl.ds(base + v * rows_v + i * chunk, chunk)],
                out_sems.at[v, b],
            )

        for b in range(min(nbuf, nch)):
            for v in range(nv):
                in_copy(v, b, b).start()
        for i in range(nch):
            b = i % nbuf
            for v in range(nv):
                in_copy(v, i, b).wait()
                out_copy(v, i, b).start()
            j = i + nbuf
            if j < nch:
                for v in range(nv):
                    out_copy(v, i, b).wait()
                    in_copy(v, j, b).start()
        for i in range(max(nch - nbuf, 0), nch):
            for v in range(nv):
                out_copy(v, i, i % nbuf).wait()

    return sc_copy


def kernel(input, weights):
    bsz, seq_len = input.shape
    origin_shift = weights.shape[0] // 2
    start = int(-seq_len / 2)
    end = round(seq_len / 2 + 1e-05)
    n_out = end - start
    row_offset = start + origin_shift
    sc_copy = _build_sc_copy(
        n_out, weights.shape[1], row_offset, weights.dtype.name
    )
    return sc_copy(weights)

# --- scband reference (transcript-rebuilt; emitter-appended) ---
"""Pipeline reference for scband-relative-embedding-1786706395842 (READ-ONLY COPY).

The authoritative reference and input builder live on the scoring server;
editing this copy changes nothing except your own understanding.
"""

import jax, jax.numpy as jnp
import numpy as np
import math

EMBEDDING_DIM = 1024
PADDING_IDX = 0
INIT_SIZE = 16384  # number of rows in the sinusoidal relative-position table


def _get_embedding(num_embeddings, embedding_dim, padding_idx):
    # Faithful port of the fairseq/fastNLP sinusoidal relative embedding builder
    half_dim = embedding_dim // 2
    emb = math.log(10000) / (half_dim - 1)
    emb = np.exp(np.arange(half_dim, dtype=np.float32) * -emb)
    pos = np.arange(-(num_embeddings // 2), num_embeddings // 2, dtype=np.float32)
    emb = pos[:, None] * emb[None, :]
    emb = np.concatenate([np.sin(emb), np.cos(emb)], axis=1).reshape(num_embeddings, -1)
    if embedding_dim % 2 == 1:
        emb = np.concatenate([emb, np.zeros((num_embeddings, 1), dtype=np.float32)], axis=1)
    if padding_idx is not None:
        emb[padding_idx, :] = 0.0
    return jnp.asarray(emb, dtype=jnp.float32)


def setup_inputs(seed: int = 0) -> dict:
    key = jax.random.key(seed)
    # token ids: only the shape (bsz, seq_len) matters to this module
    inp = jax.random.randint(key, (4, 8192), 0, 32000, dtype=jnp.int32)
    weights = _get_embedding(INIT_SIZE, EMBEDDING_DIM, PADDING_IDX)
    return {"input": inp, "weights": weights}


def reference(input, weights):
    bsz, seq_len = input.shape
    origin_shift = weights.shape[0] // 2
    # max_pos = padding_idx + seq_len = 8192 <= origin_shift = 8192, so no regrowth branch
    start = int(-seq_len / 2)
    end = round(seq_len / 2 + 1e-05)
    positions = jnp.arange(start, end, dtype=jnp.int32) + origin_shift
    embed = jnp.take(weights, positions, axis=0)
    # .detach() in the torch module
    embed = jax.lax.stop_gradient(embed)
    return embed

if __name__ == "__main__":
    import jax
    _d = setup_inputs()
    print(jax.jit(kernel)(*tuple(_d.values())))

</pallas_src>

<mosaic_0001>
#map = affine_map<(d0, d1) -> (0, 0)>
module attributes {stable_mosaic.version = 14 : i64} {
  func.func @sc_copy(%arg0: i32, %arg1: i32, %arg2: memref<16384x1024xf32, #tpu.memory_space<hbm>>, %arg3: memref<8192x1024xf32, #tpu.memory_space<hbm>>, %arg4: memref<4x3x8x1024xf32, #tpu.memory_space<vmem>>, %arg5: memref<4x3x!tpu.dma_semaphore, #tpu.memory_space<semaphore_mem>>, %arg6: memref<4x3x!tpu.dma_semaphore, #tpu.memory_space<semaphore_mem>>) attributes {dimension_semantics = [#tpu.dimension_semantics<core_parallel>, #tpu.dimension_semantics<subcore_parallel>], iteration_bounds = array<i64: 2, 16>, scalar_prefetch = 0 : i64, scratch_operands = 3 : i64, tpu.core_type = #tpu.core_type<sc_vector_subcore>, window_params = [{transform_indices = #map}, {transform_indices = #map}]} {
    %mul3A = arith.constant 2 : i32
    %mul3A_0 = arith.muli %arg1, %mul3A : i32
    %add3A = arith.addi %mul3A_0, %arg0 : i32
    %mul3A_1 = arith.constant 256 : i32
    %mul3A_2 = arith.muli %add3A, %mul3A_1 : i32
    %add3A_3 = arith.constant 4096 : i32
    %add3A_4 = arith.addi %add3A_3, %mul3A_2 : i32
    %add3A_5 = arith.constant 0 : i32
    %add3A_6 = arith.addi %add3A_4, %add3A_5 : i32
    %add3A_7 = arith.constant 0 : i32
    %add3A_8 = arith.addi %add3A_6, %add3A_7 : i32
    %dma_start3A = arith.constant 0 : i32
    %dma_start3A_9 = arith.constant 0 : i32
    %dma_start3A_10 = arith.constant 0 : i32
    %dma_start3A_11 = arith.constant 0 : i32
    %dma_start3A_12 = arith.constant 0 : i32
    %dma_start3A_13 = arith.constant 0 : i32
    %dma_start3A_14 = tpu.memref_slice %arg4[%dma_start3A, %dma_start3A_9, %dma_start3A_12, %dma_start3A_13] : memref<4x3x8x1024xf32, #tpu.memory_space<vmem>> -> memref<1x1x8x1024xf32, #tpu.memory_space<vmem>>
    %dma_start3A_15 = tpu.memref_squeeze %dma_start3A_14 : memref<1x1x8x1024xf32, #tpu.memory_space<vmem>> -> memref<8x1024xf32, #tpu.memory_space<vmem>>
    %dma_start3A_16 = arith.constant 0 : i32
    %dma_start3A_17 = tpu.memref_slice %arg2[%add3A_8, %dma_start3A_16] : memref<16384x1024xf32, #tpu.memory_space<hbm>> -> memref<8x1024xf32, #tpu.memory_space<hbm>>
    %dma_start3A_18 = tpu.memref_slice %arg5[%dma_start3A_10, %dma_start3A_11] : memref<4x3x!tpu.dma_semaphore, #tpu.memory_space<semaphore_mem>> -> memref<1x1x!tpu.dma_semaphore, #tpu.memory_space<semaphore_mem>>
    %dma_start3A_19 = tpu.memref_squeeze %dma_start3A_18 : memref<1x1x!tpu.dma_semaphore, #tpu.memory_space<semaphore_mem>> -> memref<!tpu.dma_semaphore, #tpu.memory_space<semaphore_mem>>
    %dma_start3A_20 = arith.constant 0 : i32
    %dma_start3A_21 = arith.constant 0 : i32
    %dma_start3A_22 = tpu.memref_slice %arg4[%dma_start3A, %dma_start3A_9, %dma_start3A_20, %dma_start3A_21] : memref<4x3x8x1024xf32, #tpu.memory_space<vmem>> -> memref<1x1x8x1024xf32, #tpu.memory_space<vmem>>
    %dma_start3A_23 = tpu.memref_squeeze %dma_start3A_22 : memref<1x1x8x1024xf32, #tpu.memory_space<vmem>> -> memref<8x1024xf32, #tpu.memory_space<vmem>>
    %dma_start3A_24 = arith.constant 0 : i32
    %dma_start3A_25 = tpu.memref_slice %arg2[%add3A_8, %dma_start3A_24] : memref<16384x1024xf32, #tpu.memory_space<hbm>> -> memref<8x1024xf32, #tpu.memory_space<hbm>>
    tpu.enqueue_dma source(%dma_start3A_25 : memref<8x1024xf32, #tpu.memory_space<hbm>>) target(%dma_start3A_23 : memref<8x1024xf32, #tpu.memory_space<vmem>>) target_semaphore(%dma_start3A_19 : memref<!tpu.dma_semaphore, #tpu.memory_space<semaphore_mem>>)
    %add3A_26 = arith.constant 4096 : i32
    %add3A_27 = arith.addi %add3A_26, %mul3A_2 : i32
    %add3A_28 = arith.constant 64 : i32
    %add3A_29 = arith.addi %add3A_27, %add3A_28 : i32
    %add3A_30 = arith.constant 0 : i32
    %add3A_31 = arith.addi %add3A_29, %add3A_30 : i32
    %dma_start3A_32 = arith.constant 1 : i32
    %dma_start3A_33 = arith.constant 0 : i32
    %dma_start3A_34 = arith.constant 1 : i32
    %dma_start3A_35 = arith.constant 0 : i32
    %dma_start3A_36 = arith.constant 0 : i32
    %dma_start3A_37 = arith.constant 0 : i32
    %dma_start3A_38 = tpu.memref_slice %arg4[%dma_start3A_32, %dma_start3A_33, %dma_start3A_36, %dma_start3A_37] : memref<4x3x8x1024xf32, #tpu.memory_space<vmem>> -> memref<1x1x8x1024xf32, #tpu.memory_space<vmem>>
    %dma_start3A_39 = tpu.memref_squeeze %dma_start3A_38 : memref<1x1x8x1024xf32, #tpu.memory_space<vmem>> -> memref<8x1024xf32, #tpu.memory_space<vmem>>
    %dma_start3A_40 = arith.constant 0 : i32
    %dma_start3A_41 = tpu.memref_slice %arg2[%add3A_31, %dma_start3A_40] : memref<16384x1024xf32, #tpu.memory_space<hbm>> -> memref<8x1024xf32, #tpu.memory_space<hbm>>
    %dma_start3A_42 = tpu.memref_slice %arg5[%dma_start3A_34, %dma_start3A_35] : memref<4x3x!tpu.dma_semaphore, #tpu.memory_space<semaphore_mem>> -> memref<1x1x!tpu.dma_semaphore, #tpu.memory_space<semaphore_mem>>
    %dma_start3A_43 = tpu.memref_squeeze %dma_start3A_42 : memref<1x1x!tpu.dma_semaphore, #tpu.memory_space<semaphore_mem>> -> memref<!tpu.dma_semaphore, #tpu.memory_space<semaphore_mem>>
    %dma_start3A_44 = arith.constant 0 : i32
    %dma_start3A_45 = arith.constant 0 : i32
    %dma_start3A_46 = tpu.memref_slice %arg4[%dma_start3A_32, %dma_start3A_33, %dma_start3A_44, %dma_start3A_45] : memref<4x3x8x1024xf32, #tpu.memory_space<vmem>> -> memref<1x1x8x1024xf32, #tpu.memory_space<vmem>>
    %dma_start3A_47 = tpu.memref_squeeze %dma_start3A_46 : memref<1x1x8x1024xf32, #tpu.memory_space<vmem>> -> memref<8x1024xf32, #tpu.memory_space<vmem>>
    %dma_start3A_48 = arith.constant 0 : i32
    %dma_start3A_49 = tpu.memref_slice %arg2[%add3A_31, %dma_start3A_48] : memref<16384x1024xf32, #tpu.memory_space<hbm>> -> memref<8x1024xf32, #tpu.memory_space<hbm>>
    tpu.enqueue_dma source(%dma_start3A_49 : memref<8x1024xf32, #tpu.memory_space<hbm>>) target(%dma_start3A_47 : memref<8x1024xf32, #tpu.memory_space<vmem>>) target_semaphore(%dma_start3A_43 : memref<!tpu.dma_semaphore, #tpu.memory_space<semaphore_mem>>)
    %add3A_50 = arith.constant 4096 : i32
    %add3A_51 = arith.addi %add3A_50, %mul3A_2 : i32
    %add3A_52 = arith.constant 128 : i32
    %add3A_53 = arith.addi %add3A_51, %add3A_52 : i32
    %add3A_54 = arith.constant 0 : i32
    %add3A_55 = arith.addi %add3A_53, %add3A_54 : i32
    %dma_start3A_56 = arith.constant 2 : i32
    %dma_start3A_57 = arith.constant 0 : i32
    %dma_start3A_58 = arith.constant 2 : i32
    %dma_start3A_59 = arith.constant 0 : i32
    %dma_start3A_60 = arith.constant 0 : i32
    %dma_start3A_61 = arith.constant 0 : i32
    %dma_start3A_62 = tpu.memref_slice %arg4[%dma_start3A_56, %dma_start3A_57, %dma_start3A_60, %dma_start3A_61] : memref<4x3x8x1024xf32, #tpu.memory_space<vmem>> -> memref<1x1x8x1024xf32, #tpu.memory_space<vmem>>
    %dma_start3A_63 = tpu.memref_squeeze %dma_start3A_62 : memref<1x1x8x1024xf32, #tpu.memory_space<vmem>> -> memref<8x1024xf32, #tpu.memory_space<vmem>>
    %dma_start3A_64 = arith.constant 0 : i32
    %dma_start3A_65 = tpu.memref_slice %arg2[%add3A_55, %dma_start3A_64] : memref<16384x1024xf32, #tpu.memory_space<hbm>> -> memref<8x1024xf32, #tpu.memory_space<hbm>>
    %dma_start3A_66 = tpu.memref_slice %arg5[%dma_start3A_58, %dma_start3A_59] : memref<4x3x!tpu.dma_semaphore, #tpu.memory_space<semaphore_mem>> -> memref<1x1x!tpu.dma_semaphore, #tpu.memory_space<semaphore_mem>>
    %dma_start3A_67 = tpu.memref_squeeze %dma_start3A_66 : memref<1x1x!tpu.dma_semaphore, #tpu.memory_space<semaphore_mem>> -> memref<!tpu.dma_semaphore, #tpu.memory_space<semaphore_mem>>
    %dma_start3A_68 = arith.constant 0 : i32
    %dma_start3A_69 = arith.constant 0 : i32
    %dma_start3A_70 = tpu.memref_slice %arg4[%dma_start3A_56, %dma_start3A_57, %dma_start3A_68, %dma_start3A_69] : memref<4x3x8x1024xf32, #tpu.memory_space<vmem>> -> memref<1x1x8x1024xf32, #tpu.memory_space<vmem>>
    %dma_start3A_71 = tpu.memref_squeeze %dma_start3A_70 : memref<1x1x8x1024xf32, #tpu.memory_space<vmem>> -> memref<8x1024xf32, #tpu.memory_space<vmem>>
    %dma_start3A_72 = arith.constant 0 : i32
    %dma_start3A_73 = tpu.memref_slice %arg2[%add3A_55, %dma_start3A_72] : memref<16384x1024xf32, #tpu.memory_space<hbm>> -> memref<8x1024xf32, #tpu.memory_space<hbm>>
    tpu.enqueue_dma source(%dma_start3A_73 : memref<8x1024xf32, #tpu.memory_space<hbm>>) target(%dma_start3A_71 : memref<8x1024xf32, #tpu.memory_space<vmem>>) target_semaphore(%dma_start3A_67 : memref<!tpu.dma_semaphore, #tpu.memory_space<semaphore_mem>>)
    %add3A_74 = arith.constant 4096 : i32
    %add3A_75 = arith.addi %add3A_74, %mul3A_2 : i32
    %add3A_76 = arith.constant 192 : i32
    %add3A_77 = arith.addi %add3A_75, %add3A_76 : i32
    %add3A_78 = arith.constant 0 : i32
    %add3A_79 = arith.addi %add3A_77, %add3A_78 : i32
    %dma_start3A_80 = arith.constant 3 : i32
    %dma_start3A_81 = arith.constant 0 : i32
    %dma_start3A_82 = arith.constant 3 : i32
    %dma_start3A_83 = arith.constant 0 : i32
    %dma_start3A_84 = arith.constant 0 : i32
    %dma_start3A_85 = arith.constant 0 : i32
    %dma_start3A_86 = tpu.memref_slice %arg4[%dma_start3A_80, %dma_start3A_81, %dma_start3A_84, %dma_start3A_85] : memref<4x3x8x1024xf32, #tpu.memory_space<vmem>> -> memref<1x1x8x1024xf32, #tpu.memory_space<vmem>>
    %dma_start3A_87 = tpu.memref_squeeze %dma_start3A_86 : memref<1x1x8x1024xf32, #tpu.memory_space<vmem>> -> memref<8x1024xf32, #tpu.memory_space<vmem>>
    %dma_start3A_88 = arith.constant 0 : i32
    %dma_start3A_89 = tpu.memref_slice %arg2[%add3A_79, %dma_start3A_88] : memref<16384x1024xf32, #tpu.memory_space<hbm>> -> memref<8x1024xf32, #tpu.memory_space<hbm>>
    %dma_start3A_90 = tpu.memref_slice %arg5[%dma_start3A_82, %dma_start3A_83] : memref<4x3x!tpu.dma_semaphore, #tpu.memory_space<semaphore_mem>> -> memref<1x1x!tpu.dma_semaphore, #tpu.memory_space<semaphore_mem>>
    %dma_start3A_91 = tpu.memref_squeeze %dma_start3A_90 : memref<1x1x!tpu.dma_semaphore, #tpu.memory_space<semaphore_mem>> -> memref<!tpu.dma_semaphore, #tpu.memory_space<semaphore_mem>>
    %dma_start3A_92 = arith.constant 0 : i32
    %dma_start3A_93 = arith.constant 0 : i32
    %dma_start3A_94 = tpu.memref_slice %arg4[%dma_start3A_80, %dma_start3A_81, %dma_start3A_92, %dma_start3A_93] : memref<4x3x8x1024xf32, #tpu.memory_space<vmem>> -> memref<1x1x8x1024xf32, #tpu.memory_space<vmem>>
    %dma_start3A_95 = tpu.memref_squeeze %dma_start3A_94 : memref<1x1x8x1024xf32, #tpu.memory_space<vmem>> -> memref<8x1024xf32, #tpu.memory_space<vmem>>
    %dma_start3A_96 = arith.constant 0 : i32
    %dma_start3A_97 = tpu.memref_slice %arg2[%add3A_79, %dma_start3A_96] : memref<16384x1024xf32, #tpu.memory_space<hbm>> -> memref<8x1024xf32, #tpu.memory_space<hbm>>
    tpu.enqueue_dma source(%dma_start3A_97 : memref<8x1024xf32, #tpu.memory_space<hbm>>) target(%dma_start3A_95 : memref<8x1024xf32, #tpu.memory_space<vmem>>) target_semaphore(%dma_start3A_91 : memref<!tpu.dma_semaphore, #tpu.memory_space<semaphore_mem>>)
    %add3A_98 = arith.constant 4096 : i32
    %add3A_99 = arith.addi %add3A_98, %mul3A_2 : i32
    %add3A_100 = arith.constant 0 : i32
    %add3A_101 = arith.addi %add3A_99, %add3A_100 : i32
    %add3A_102 = arith.constant 8 : i32
    %add3A_103 = arith.addi %add3A_101, %add3A_102 : i32
    %dma_start3A_104 = arith.constant 0 : i32
    %dma_start3A_105 = arith.constant 1 : i32
    %dma_start3A_106 = arith.constant 0 : i32
    %dma_start3A_107 = arith.constant 1 : i32
    %dma_start3A_108 = arith.constant 0 : i32
    %dma_start3A_109 = arith.constant 0 : i32
    %dma_start3A_110 = tpu.memref_slice %arg4[%dma_start3A_104, %dma_start3A_105, %dma_start3A_108, %dma_start3A_109] : memref<4x3x8x1024xf32, #tpu.memory_space<vmem>> -> memref<1x1x8x1024xf32, #tpu.memory_space<vmem>>
    %dma_start3A_111 = tpu.memref_squeeze %dma_start3A_110 : memref<1x1x8x1024xf32, #tpu.memory_space<vmem>> -> memref<8x1024xf32, #tpu.memory_space<vmem>>
    %dma_start3A_112 = arith.constant 0 : i32
    %dma_start3A_113 = tpu.memref_slice %arg2[%add3A_103, %dma_start3A_112] : memref<16384x1024xf32, #tpu.memory_space<hbm>> -> memref<8x1024xf32, #tpu.memory_space<hbm>>
    %dma_start3A_114 = tpu.memref_slice %arg5[%dma_start3A_106, %dma_start3A_107] : memref<4x3x!tpu.dma_semaphore, #tpu.memory_space<semaphore_mem>> -> memref<1x1x!tpu.dma_semaphore, #tpu.memory_space<semaphore_mem>>
    %dma_start3A_115 = tpu.memref_squeeze %dma_start3A_114 : memref<1x1x!tpu.dma_semaphore, #tpu.memory_space<semaphore_mem>> -> memref<!tpu.dma_semaphore, #tpu.memory_space<semaphore_mem>>
    %dma_start3A_116 = arith.constant 0 : i32
    %dma_start3A_117 = arith.constant 0 : i32
    %dma_start3A_118 = tpu.memref_slice %arg4[%dma_start3A_104, %dma_start3A_105, %dma_start3A_116, %dma_start3A_117] : memref<4x3x8x1024xf32, #tpu.memory_space<vmem>> -> memref<1x1x8x1024xf32, #tpu.memory_space<vmem>>
    %dma_start3A_119 = tpu.memref_squeeze %dma_start3A_118 : memref<1x1x8x1024xf32, #tpu.memory_space<vmem>> -> memref<8x1024xf32, #tpu.memory_space<vmem>>
    %dma_start3A_120 = arith.constant 0 : i32
    %dma_start3A_121 = tpu.memref_slice %arg2[%add3A_103, %dma_start3A_120] : memref<16384x1024xf32, #tpu.memory_space<hbm>> -> memref<8x1024xf32, #tpu.memory_space<hbm>>
    tpu.enqueue_dma source(%dma_start3A_121 : memref<8x1024xf32, #tpu.memory_space<hbm>>) target(%dma_start3A_119 : memref<8x1024xf32, #tpu.memory_space<vmem>>) target_semaphore(%dma_start3A_115 : memref<!tpu.dma_semaphore, #tpu.memory_space<semaphore_mem>>)
    %add3A_122 = arith.constant 4096 : i32
    %add3A_123 = arith.addi %add3A_122, %mul3A_2 : i32
    %add3A_124 = arith.constant 64 : i32
    %add3A_125 = arith.addi %add3A_123, %add3A_124 : i32
    %add3A_126 = arith.constant 8 : i32
    %add3A_127 = arith.addi %add3A_125, %add3A_126 : i32
    %dma_start3A_128 = arith.constant 1 : i32
    %dma_start3A_129 = arith.constant 1 : i32
    %dma_start3A_130 = arith.constant 1 : i32
    %dma_start3A_131 = arith.constant 1 : i32
    %dma_start3A_132 = arith.constant 0 : i32
    %dma_start3A_133 = arith.constant 0 : i32
    %dma_start3A_134 = tpu.memref_slice %arg4[%dma_start3A_128, %dma_start3A_129, %dma_start3A_132, %dma_start3A_133] : memref<4x3x8x1024xf32, #tpu.memory_space<vmem>> -> memref<1x1x8x1024xf32, #tpu.memory_space<vmem>>
    %dma_start3A_135 = tpu.memref_squeeze %dma_start3A_134 : memref<1x1x8x1024xf32, #tpu.memory_space<vmem>> -> memref<8x1024xf32, #tpu.memory_space<vmem>>
    %dma_start3A_136 = arith.constant 0 : i32
    %dma_start3A_137 = tpu.memref_slice %arg2[%add3A_127, %dma_start3A_136] : memref<16384x1024xf32, #tpu.memory_space<hbm>> -> memref<8x1024xf32, #tpu.memory_space<hbm>>
    %dma_start3A_138 = tpu.memref_slice %arg5[%dma_start3A_130, %dma_start3A_131] : memref<4x3x!tpu.dma_semaphore, #tpu.memory_space<semaphore_mem>> -> memref<1x1x!tpu.dma_semaphore, #tpu.memory_space<semaphore_mem>>
    %dma_start3A_139 = tpu.memref_squeeze %dma_start3A_138 : memref<1x1x!tpu.dma_semaphore, #tpu.memory_space<semaphore_mem>> -> memref<!tpu.dma_semaphore, #tpu.memory_space<semaphore_mem>>
    %dma_start3A_140 = arith.constant 0 : i32
    %dma_start3A_141 = arith.constant 0 : i32
    %dma_start3A_142 = tpu.memref_slice %arg4[%dma_start3A_128, %dma_start3A_129, %dma_start3A_140, %dma_start3A_141] : memref<4x3x8x1024xf32, #tpu.memory_space<vmem>> -> memref<1x1x8x1024xf32, #tpu.memory_space<vmem>>
    %dma_start3A_143 = tpu.memref_squeeze %dma_start3A_142 : memref<1x1x8x1024xf32, #tpu.memory_space<vmem>> -> memref<8x1024xf32, #tpu.memory_space<vmem>>
    %dma_start3A_144 = arith.constant 0 : i32
    %dma_start3A_145 = tpu.memref_slice %arg2[%add3A_127, %dma_start3A_144] : memref<16384x1024xf32, #tpu.memory_space<hbm>> -> memref<8x1024xf32, #tpu.memory_space<hbm>>
    tpu.enqueue_dma source(%dma_start3A_145 : memref<8x1024xf32, #tpu.memory_space<hbm>>) target(%dma_start3A_143 : memref<8x1024xf32, #tpu.memory_space<vmem>>) target_semaphore(%dma_start3A_139 : memref<!tpu.dma_semaphore, #tpu.memory_space<semaphore_mem>>)
    %add3A_146 = arith.constant 4096 : i32
    %add3A_147 = arith.addi %add3A_146, %mul3A_2 : i32
    %add3A_148 = arith.constant 128 : i32
    %add3A_149 = arith.addi %add3A_147, %add3A_148 : i32
    %add3A_150 = arith.constant 8 : i32
    %add3A_151 = arith.addi %add3A_149, %add3A_150 : i32
    %dma_start3A_152 = arith.constant 2 : i32
    %dma_start3A_153 = arith.constant 1 : i32
    %dma_start3A_154 = arith.constant 2 : i32
    %dma_start3A_155 = arith.constant 1 : i32
    %dma_start3A_156 = arith.constant 0 : i32
    %dma_start3A_157 = arith.constant 0 : i32
    %dma_start3A_158 = tpu.memref_slice %arg4[%dma_start3A_152, %dma_start3A_153, %dma_start3A_156, %dma_start3A_157] : memref<4x3x8x1024xf32, #tpu.memory_space<vmem>> -> memref<1x1x8x1024xf32, #tpu.memory_space<vmem>>
    %dma_start3A_159 = tpu.memref_squeeze %dma_start3A_158 : memref<1x1x8x1024xf32, #tpu.memory_space<vmem>> -> memref<8x1024xf32, #tpu.memory_space<vmem>>
    %dma_start3A_160 = arith.constant 0 : i32
    %dma_start3A_161 = tpu.memref_slice %arg2[%add3A_151, %dma_start3A_160] : memref<16384x1024xf32, #tpu.memory_space<hbm>> -> memref<8x1024xf32, #tpu.memory_space<hbm>>
    %dma_start3A_162 = tpu.memref_slice %arg5[%dma_start3A_154, %dma_start3A_155] : memref<4x3x!tpu.dma_semaphore, #tpu.memory_space<semaphore_mem>> -> memref<1x1x!tpu.dma_semaphore, #tpu.memory_space<semaphore_mem>>
    %dma_start3A_163 = tpu.memref_squeeze %dma_start3A_162 : memref<1x1x!tpu.dma_semaphore, #tpu.memory_space<semaphore_mem>> -> memref<!tpu.dma_semaphore, #tpu.memory_space<semaphore_mem>>
    %dma_start3A_164 = arith.constant 0 : i32
    %dma_start3A_165 = arith.constant 0 : i32
    %dma_start3A_166 = tpu.memref_slice %arg4[%dma_start3A_152, %dma_start3A_153, %dma_start3A_164, %dma_start3A_165] : memref<4x3x8x1024xf32, #tpu.memory_space<vmem>> -> memref<1x1x8x1024xf32, #tpu.memory_space<vmem>>
    %dma_start3A_167 = tpu.memref_squeeze %dma_start3A_166 : memref<1x1x8x1024xf32, #tpu.memory_space<vmem>> -> memref<8x1024xf32, #tpu.memory_space<vmem>>
    %dma_start3A_168 = arith.constant 0 : i32
    %dma_start3A_169 = tpu.memref_slice %arg2[%add3A_151, %dma_start3A_168] : memref<16384x1024xf32, #tpu.memory_space<hbm>> -> memref<8x1024xf32, #tpu.memory_space<hbm>>
    tpu.enqueue_dma source(%dma_start3A_169 : memref<8x1024xf32, #tpu.memory_space<hbm>>) target(%dma_start3A_167 : memref<8x1024xf32, #tpu.memory_space<vmem>>) target_semaphore(%dma_start3A_163 : memref<!tpu.dma_semaphore, #tpu.memory_space<semaphore_mem>>)
    %add3A_170 = arith.constant 4096 : i32
    %add3A_171 = arith.addi %add3A_170, %mul3A_2 : i32
    %add3A_172 = arith.constant 192 : i32
    %add3A_173 = arith.addi %add3A_171, %add3A_172 : i32
    %add3A_174 = arith.constant 8 : i32
    %add3A_175 = arith.addi %add3A_173, %add3A_174 : i32
    %dma_start3A_176 = arith.constant 3 : i32
    %dma_start3A_177 = arith.constant 1 : i32
    %dma_start3A_178 = arith.constant 3 : i32
    %dma_start3A_179 = arith.constant 1 : i32
    %dma_start3A_180 = arith.constant 0 : i32
    %dma_start3A_181 = arith.constant 0 : i32
    %dma_start3A_182 = tpu.memref_slice %arg4[%dma_start3A_176, %dma_start3A_177, %dma_start3A_180, %dma_start3A_181] : memref<4x3x8x1024xf32, #tpu.memory_space<vmem>> -> memref<1x1x8x1024xf32, #tpu.memory_space<vmem>>
    %dma_start3A_183 = tpu.memref_squeeze %dma_start3A_182 : memref<1x1x8x1024xf32, #tpu.memory_space<vmem>> -> memref<8x1024xf32, #tpu.memory_space<vmem>>
    %dma_start3A_184 = arith.constant 0 : i32
    %dma_start3A_185 = tpu.memref_slice %arg2[%add3A_175, %dma_start3A_184] : memref<16384x1024xf32, #tpu.memory_space<hbm>> -> memref<8x1024xf32, #tpu.memory_space<hbm>>
    %dma_start3A_186 = tpu.memref_slice %arg5[%dma_start3A_178, %dma_start3A_179] : memref<4x3x!tpu.dma_semaphore, #tpu.memory_space<semaphore_mem>> -> memref<1x1x!tpu.dma_semaphore, #tpu.memory_space<semaphore_mem>>
    %dma_start3A_187 = tpu.memref_squeeze %dma_start3A_186 : memref<1x1x!tpu.dma_semaphore, #tpu.memory_space<semaphore_mem>> -> memref<!tpu.dma_semaphore, #tpu.memory_space<semaphore_mem>>
    %dma_start3A_188 = arith.constant 0 : i32
    %dma_start3A_189 = arith.constant 0 : i32
    %dma_start3A_190 = tpu.memref_slice %arg4[%dma_start3A_176, %dma_start3A_177, %dma_start3A_188, %dma_start3A_189] : memref<4x3x8x1024xf32, #tpu.memory_space<vmem>> -> memref<1x1x8x1024xf32, #tpu.memory_space<vmem>>
    %dma_start3A_191 = tpu.memref_squeeze %dma_start3A_190 : memref<1x1x8x1024xf32, #tpu.memory_space<vmem>> -> memref<8x1024xf32, #tpu.memory_space<vmem>>
    %dma_start3A_192 = arith.constant 0 : i32
    %dma_start3A_193 = tpu.memref_slice %arg2[%add3A_175, %dma_start3A_192] : memref<16384x1024xf32, #tpu.memory_space<hbm>> -> memref<8x1024xf32, #tpu.memory_space<hbm>>
    tpu.enqueue_dma source(%dma_start3A_193 : memref<8x1024xf32, #tpu.memory_space<hbm>>) target(%dma_start3A_191 : memref<8x1024xf32, #tpu.memory_space<vmem>>) target_semaphore(%dma_start3A_187 : memref<!tpu.dma_semaphore, #tpu.memory_space<semaphore_mem>>)
    %add3A_194 = arith.constant 4096 : i32
    %add3A_195 = arith.addi %add3A_194, %mul3A_2 : i32
    %add3A_196 = arith.constant 0 : i32
    %add3A_197 = arith.addi %add3A_195, %add3A_196 : i32
    %add3A_198 = arith.constant 16 : i32
    %add3A_199 = arith.addi %add3A_197, %add3A_198 : i32
    %dma_start3A_200 = arith.constant 0 : i32
    %dma_start3A_201 = arith.constant 2 : i32
    %dma_start3A_202 = arith.constant 0 : i32
    %dma_start3A_203 = arith.constant 2 : i32
    %dma_start3A_204 = arith.constant 0 : i32
    %dma_start3A_205 = arith.constant 0 : i32
    %dma_start3A_206 = tpu.memref_slice %arg4[%dma_start3A_200, %dma_start3A_201, %dma_start3A_204, %dma_start3A_205] : memref<4x3x8x1024xf32, #tpu.memory_space<vmem>> -> memref<1x1x8x1024xf32, #tpu.memory_space<vmem>>
    %dma_start3A_207 = tpu.memref_squeeze %dma_start3A_206 : memref<1x1x8x1024xf32, #tpu.memory_space<vmem>> -> memref<8x1024xf32, #tpu.memory_space<vmem>>
    %dma_start3A_208 = arith.constant 0 : i32
    %dma_start3A_209 = tpu.memref_slice %arg2[%add3A_199, %dma_start3A_208] : memref<16384x1024xf32, #tpu.memory_space<hbm>> -> memref<8x1024xf32, #tpu.memory_space<hbm>>
    %dma_start3A_210 = tpu.memref_slice %arg5[%dma_start3A_202, %dma_start3A_203] : memref<4x3x!tpu.dma_semaphore, #tpu.memory_space<semaphore_mem>> -> memref<1x1x!tpu.dma_semaphore, #tpu.memory_space<semaphore_mem>>
    %dma_start3A_211 = tpu.memref_squeeze %dma_start3A_210 : memref<1x1x!tpu.dma_semaphore, #tpu.memory_space<semaphore_mem>> -> memref<!tpu.dma_semaphore, #tpu.memory_space<semaphore_mem>>
    %dma_start3A_212 = arith.constant 0 : i32
    %dma_start3A_213 = arith.constant 0 : i32
    %dma_start3A_214 = tpu.memref_slice %arg4[%dma_start3A_200, %dma_start3A_201, %dma_start3A_212, %dma_start3A_213] : memref<4x3x8x1024xf32, #tpu.memory_space<vmem>> -> memref<1x1x8x1024xf32, #tpu.memory_space<vmem>>
    %dma_start3A_215 = tpu.memref_squeeze %dma_start3A_214 : memref<1x1x8x1024xf32, #tpu.memory_space<vmem>> -> memref<8x1024xf32, #tpu.memory_space<vmem>>
    %dma_start3A_216 = arith.constant 0 : i32
    %dma_start3A_217 = tpu.memref_slice %arg2[%add3A_199, %dma_start3A_216] : memref<16384x1024xf32, #tpu.memory_space<hbm>> -> memref<8x1024xf32, #tpu.memory_space<hbm>>
    tpu.enqueue_dma source(%dma_start3A_217 : memref<8x1024xf32, #tpu.memory_space<hbm>>) target(%dma_start3A_215 : memref<8x1024xf32, #tpu.memory_space<vmem>>) target_semaphore(%dma_start3A_211 : memref<!tpu.dma_semaphore, #tpu.memory_space<semaphore_mem>>)
    %add3A_218 = arith.constant 4096 : i32
    %add3A_219 = arith.addi %add3A_218, %mul3A_2 : i32
    %add3A_220 = arith.constant 64 : i32
    %add3A_221 = arith.addi %add3A_219, %add3A_220 : i32
    %add3A_222 = arith.constant 16 : i32
    %add3A_223 = arith.addi %add3A_221, %add3A_222 : i32
    %dma_start3A_224 = arith.constant 1 : i32
    %dma_start3A_225 = arith.constant 2 : i32
    %dma_start3A_226 = arith.constant 1 : i32
    %dma_start3A_227 = arith.constant 2 : i32
    %dma_start3A_228 = arith.constant 0 : i32
    %dma_start3A_229 = arith.constant 0 : i32
    %dma_start3A_230 = tpu.memref_slice %arg4[%dma_start3A_224, %dma_start3A_225, %dma_start3A_228, %dma_start3A_229] : memref<4x3x8x1024xf32, #tpu.memory_space<vmem>> -> memref<1x1x8x1024xf32, #tpu.memory_space<vmem>>
    %dma_start3A_231 = tpu.memref_squeeze %dma_start3A_230 : memref<1x1x8x1024xf32, #tpu.memory_space<vmem>> -> memref<8x1024xf32, #tpu.memory_space<vmem>>
    %dma_start3A_232 = arith.constant 0 : i32
    %dma_start3A_233 = tpu.memref_slice %arg2[%add3A_223, %dma_start3A_232] : memref<16384x1024xf32, #tpu.memory_space<hbm>> -> memref<8x1024xf32, #tpu.memory_space<hbm>>
    %dma_start3A_234 = tpu.memref_slice %arg5[%dma_start3A_226, %dma_start3A_227] : memref<4x3x!tpu.dma_semaphore, #tpu.memory_space<semaphore_mem>> -> memref<1x1x!tpu.dma_semaphore, #tpu.memory_space<semaphore_mem>>
    %dma_start3A_235 = tpu.memref_squeeze %dma_start3A_234 : memref<1x1x!tpu.dma_semaphore, #tpu.memory_space<semaphore_mem>> -> memref<!tpu.dma_semaphore, #tpu.memory_space<semaphore_mem>>
    %dma_start3A_236 = arith.constant 0 : i32
    %dma_start3A_237 = arith.constant 0 : i32
    %dma_start3A_238 = tpu.memref_slice %arg4[%dma_start3A_224, %dma_start3A_225, %dma_start3A_236, %dma_start3A_237] : memref<4x3x8x1024xf32, #tpu.memory_space<vmem>> -> memref<1x1x8x1024xf32, #tpu.memory_space<vmem>>
    %dma_start3A_239 = tpu.memref_squeeze %dma_start3A_238 : memref<1x1x8x1024xf32, #tpu.memory_space<vmem>> -> memref<8x1024xf32, #tpu.memory_space<vmem>>
    %dma_start3A_240 = arith.constant 0 : i32
    %dma_start3A_241 = tpu.memref_slice %arg2[%add3A_223, %dma_start3A_240] : memref<16384x1024xf32, #tpu.memory_space<hbm>> -> memref<8x1024xf32, #tpu.memory_space<hbm>>
    tpu.enqueue_dma source(%dma_start3A_241 : memref<8x1024xf32, #tpu.memory_space<hbm>>) target(%dma_start3A_239 : memref<8x1024xf32, #tpu.memory_space<vmem>>) target_semaphore(%dma_start3A_235 : memref<!tpu.dma_semaphore, #tpu.memory_space<semaphore_mem>>)
    %add3A_242 = arith.constant 4096 : i32
    %add3A_243 = arith.addi %add3A_242, %mul3A_2 : i32
    %add3A_244 = arith.constant 128 : i32
    %add3A_245 = arith.addi %add3A_243, %add3A_244 : i32
    %add3A_246 = arith.constant 16 : i32
    %add3A_247 = arith.addi %add3A_245, %add3A_246 : i32
    %dma_start3A_248 = arith.constant 2 : i32
    %dma_start3A_249 = arith.constant 2 : i32
    %dma_start3A_250 = arith.constant 2 : i32
    %dma_start3A_251 = arith.constant 2 : i32
    %dma_start3A_252 = arith.constant 0 : i32
    %dma_start3A_253 = arith.constant 0 : i32
    %dma_start3A_254 = tpu.memref_slice %arg4[%dma_start3A_248, %dma_start3A_249, %dma_start3A_252, %dma_start3A_253] : memref<4x3x8x1024xf32, #tpu.memory_space<vmem>> -> memref<1x1x8x1024xf32, #tpu.memory_space<vmem>>
    %dma_start3A_255 = tpu.memref_squeeze %dma_start3A_254 : memref<1x1x8x1024xf32, #tpu.memory_space<vmem>> -> memref<8x1024xf32, #tpu.memory_space<vmem>>
    %dma_start3A_256 = arith.constant 0 : i32
    %dma_start3A_257 = tpu.memref_slice %arg2[%add3A_247, %dma_start3A_256] : memref<16384x1024xf32, #tpu.memory_space<hbm>> -> memref<8x1024xf32, #tpu.memory_space<hbm>>
    %dma_start3A_258 = tpu.memref_slice %arg5[%dma_start3A_250, %dma_start3A_251] : memref<4x3x!tpu.dma_semaphore, #tpu.memory_space<semaphore_mem>> -> memref<1x1x!tpu.dma_semaphore, #tpu.memory_space<semaphore_mem>>
    %dma_start3A_259 = tpu.memref_squeeze %dma_start3A_258 : memref<1x1x!tpu.dma_semaphore, #tpu.memory_space<semaphore_mem>> -> memref<!tpu.dma_semaphore, #tpu.memory_space<semaphore_mem>>
    %dma_start3A_260 = arith.constant 0 : i32
    %dma_start3A_261 = arith.constant 0 : i32
    %dma_start3A_262 = tpu.memref_slice %arg4[%dma_start3A_248, %dma_start3A_249, %dma_start3A_260, %dma_start3A_261] : memref<4x3x8x1024xf32, #tpu.memory_space<vmem>> -> memref<1x1x8x1024xf32, #tpu.memory_space<vmem>>
    %dma_start3A_263 = tpu.memref_squeeze %dma_start3A_262 : memref<1x1x8x1024xf32, #tpu.memory_space<vmem>> -> memref<8x1024xf32, #tpu.memory_space<vmem>>
    %dma_start3A_264 = arith.constant 0 : i32
    %dma_start3A_265 = tpu.memref_slice %arg2[%add3A_247, %dma_start3A_264] : memref<16384x1024xf32, #tpu.memory_space<hbm>> -> memref<8x1024xf32, #tpu.memory_space<hbm>>
    tpu.enqueue_dma source(%dma_start3A_265 : memref<8x1024xf32, #tpu.memory_space<hbm>>) target(%dma_start3A_263 : memref<8x1024xf32, #tpu.memory_space<vmem>>) target_semaphore(%dma_start3A_259 : memref<!tpu.dma_semaphore, #tpu.memory_space<semaphore_mem>>)
    %add3A_266 = arith.constant 4096 : i32
    %add3A_267 = arith.addi %add3A_266, %mul3A_2 : i32
    %add3A_268 = arith.constant 192 : i32
    %add3A_269 = arith.addi %add3A_267, %add3A_268 : i32
    %add3A_270 = arith.constant 16 : i32
    %add3A_271 = arith.addi %add3A_269, %add3A_270 : i32
    %dma_start3A_272 = arith.constant 3 : i32
    %dma_start3A_273 = arith.constant 2 : i32
    %dma_start3A_274 = arith.constant 3 : i32
    %dma_start3A_275 = arith.constant 2 : i32
    %dma_start3A_276 = arith.constant 0 : i32
    %dma_start3A_277 = arith.constant 0 : i32
    %dma_start3A_278 = tpu.memref_slice %arg4[%dma_start3A_272, %dma_start3A_273, %dma_start3A_276, %dma_start3A_277] : memref<4x3x8x1024xf32, #tpu.memory_space<vmem>> -> memref<1x1x8x1024xf32, #tpu.memory_space<vmem>>
    %dma_start3A_279 = tpu.memref_squeeze %dma_start3A_278 : memref<1x1x8x1024xf32, #tpu.memory_space<vmem>> -> memref<8x1024xf32, #tpu.memory_space<vmem>>
    %dma_start3A_280 = arith.constant 0 : i32
    %dma_start3A_281 = tpu.memref_slice %arg2[%add3A_271, %dma_start3A_280] : memref<16384x1024xf32, #tpu.memory_space<hbm>> -> memref<8x1024xf32, #tpu.memory_space<hbm>>
    %dma_start3A_282 = tpu.memref_slice %arg5[%dma_start3A_274, %dma_start3A_275] : memref<4x3x!tpu.dma_semaphore, #tpu.memory_space<semaphore_mem>> -> memref<1x1x!tpu.dma_semaphore, #tpu.memory_space<semaphore_mem>>
    %dma_start3A_283 = tpu.memref_squeeze %dma_start3A_282 : memref<1x1x!tpu.dma_semaphore, #tpu.memory_space<semaphore_mem>> -> memref<!tpu.dma_semaphore, #tpu.memory_space<semaphore_mem>>
    %dma_start3A_284 = arith.constant 0 : i32
    %dma_start3A_285 = arith.constant 0 : i32
    %dma_start3A_286 = tpu.memref_slice %arg4[%dma_start3A_272, %dma_start3A_273, %dma_start3A_284, %dma_start3A_285] : memref<4x3x8x1024xf32, #tpu.memory_space<vmem>> -> memref<1x1x8x1024xf32, #tpu.memory_space<vmem>>
    %dma_start3A_287 = tpu.memref_squeeze %dma_start3A_286 : memref<1x1x8x1024xf32, #tpu.memory_space<vmem>> -> memref<8x1024xf32, #tpu.memory_space<vmem>>
    %dma_start3A_288 = arith.constant 0 : i32
    %dma_start3A_289 = tpu.memref_slice %arg2[%add3A_271, %dma_start3A_288] : memref<16384x1024xf32, #tpu.memory_space<hbm>> -> memref<8x1024xf32, #tpu.memory_space<hbm>>
    tpu.enqueue_dma source(%dma_start3A_289 : memref<8x1024xf32, #tpu.memory_space<hbm>>) target(%dma_start3A_287 : memref<8x1024xf32, #tpu.memory_space<vmem>>) target_semaphore(%dma_start3A_283 : memref<!tpu.dma_semaphore, #tpu.memory_space<semaphore_mem>>)
    %add3A_290 = arith.constant 4096 : i32
    %add3A_291 = arith.addi %add3A_290, %mul3A_2 : i32
    %add3A_292 = arith.constant 0 : i32
    %add3A_293 = arith.addi %add3A_291, %add3A_292 : i32
    %add3A_294 = arith.constant 0 : i32
    %add3A_295 = arith.addi %add3A_293, %add3A_294 : i32
    %dma_wait3A = arith.constant 0 : i32
    %dma_wait3A_296 = arith.constant 0 : i32
    %dma_wait3A_297 = arith.constant 0 : i32
    %dma_wait3A_298 = arith.constant 0 : i32
    %dma_wait3A_299 = arith.constant 0 : i32
    %dma_wait3A_300 = arith.constant 0 : i32
    %dma_wait3A_301 = tpu.memref_slice %arg4[%dma_wait3A, %dma_wait3A_296, %dma_wait3A_299, %dma_wait3A_300] : memref<4x3x8x1024xf32, #tpu.memory_space<vmem>> -> memref<1x1x8x1024xf32, #tpu.memory_space<vmem>>
    %dma_wait3A_302 = tpu.memref_squeeze %dma_wait3A_301 : memref<1x1x8x1024xf32, #tpu.memory_space<vmem>> -> memref<8x1024xf32, #tpu.memory_space<vmem>>
    %dma_wait3A_303 = arith.constant 0 : i32
    %dma_wait3A_304 = tpu.memref_slice %arg2[%add3A_295, %dma_wait3A_303] : memref<16384x1024xf32, #tpu.memory_space<hbm>> -> memref<8x1024xf32, #tpu.memory_space<hbm>>
    %dma_wait3A_305 = tpu.memref_slice %arg5[%dma_wait3A_297, %dma_wait3A_298] : memref<4x3x!tpu.dma_semaphore, #tpu.memory_space<semaphore_mem>> -> memref<1x1x!tpu.dma_semaphore, #tpu.memory_space<semaphore_mem>>
    %dma_wait3A_306 = tpu.memref_squeeze %dma_wait3A_305 : memref<1x1x!tpu.dma_semaphore, #tpu.memory_space<semaphore_mem>> -> memref<!tpu.dma_semaphore, #tpu.memory_space<semaphore_mem>>
    %dma_wait3A_307 = arith.constant 0 : i32
    %dma_wait3A_308 = arith.constant 0 : i32
    %dma_wait3A_309 = tpu.memref_slice %arg4[%dma_wait3A, %dma_wait3A_296, %dma_wait3A_307, %dma_wait3A_308] : memref<4x3x8x1024xf32, #tpu.memory_space<vmem>> -> memref<1x1x8x1024xf32, #tpu.memory_space<vmem>>
    %dma_wait3A_310 = tpu.memref_squeeze %dma_wait3A_309 : memref<1x1x8x1024xf32, #tpu.memory_space<vmem>> -> memref<8x1024xf32, #tpu.memory_space<vmem>>
    %dma_wait3A_311 = arith.constant 0 : i32
    %dma_wait3A_312 = tpu.memref_slice %arg2[%add3A_295, %dma_wait3A_311] : memref<16384x1024xf32, #tpu.memory_space<hbm>> -> memref<8x1024xf32, #tpu.memory_space<hbm>>
    tpu.wait_dma2 semaphore(%dma_wait3A_306 : memref<!tpu.dma_semaphore, #tpu.memory_space<semaphore_mem>>) src(%dma_wait3A_312 : memref<8x1024xf32, #tpu.memory_space<hbm>>) dst(%dma_wait3A_310 : memref<8x1024xf32, #tpu.memory_space<vmem>>)
    %add3A_313 = arith.constant 0 : i32
    %add3A_314 = arith.addi %mul3A_2, %add3A_313 : i32
    %add3A_315 = arith.constant 0 : i32
    %add3A_316 = arith.addi %add3A_314, %add3A_315 : i32
    %dma_start3A_317 = arith.constant 0 : i32
    %dma_start3A_318 = arith.constant 0 : i32
    %dma_start3A_319 = arith.constant 0 : i32
    %dma_start3A_320 = arith.constant 0 : i32
    %dma_start3A_321 = arith.constant 0 : i32
    %dma_start3A_322 = arith.constant 0 : i32
    %dma_start3A_323 = tpu.memref_slice %arg4[%dma_start3A_317, %dma_start3A_318, %dma_start3A_321, %dma_start3A_322] : memref<4x3x8x1024xf32, #tpu.memory_space<vmem>> -> memref<1x1x8x1024xf32, #tpu.memory_space<vmem>>
    %dma_start3A_324 = tpu.memref_squeeze %dma_start3A_323 : memref<1x1x8x1024xf32, #tpu.memory_space<vmem>> -> memref<8x1024xf32, #tpu.memory_space<vmem>>
    %dma_start3A_325 = arith.constant 0 : i32
    %dma_start3A_326 = tpu.memref_slice %arg3[%add3A_316, %dma_start3A_325] : memref<8192x1024xf32, #tpu.memory_space<hbm>> -> memref<8x1024xf32, #tpu.memory_space<hbm>>
    %dma_start3A_327 = tpu.memref_slice %arg6[%dma_start3A_319, %dma_start3A_320] : memref<4x3x!tpu.dma_semaphore, #tpu.memory_space<semaphore_mem>> -> memref<1x1x!tpu.dma_semaphore, #tpu.memory_space<semaphore_mem>>
    %dma_start3A_328 = tpu.memref_squeeze %dma_start3A_327 : memref<1x1x!tpu.dma_semaphore, #tpu.memory_space<semaphore_mem>> -> memref<!tpu.dma_semaphore, #tpu.memory_space<semaphore_mem>>
    %dma_start3A_329 = arith.constant 0 : i32
    %dma_start3A_330 = tpu.memref_slice %arg3[%add3A_316, %dma_start3A_329] : memref<8192x1024xf32, #tpu.memory_space<hbm>> -> memref<8x1024xf32, #tpu.memory_space<hbm>>
    %dma_start3A_331 = arith.constant 0 : i32
    %dma_start3A_332 = arith.constant 0 : i32
    %dma_start3A_333 = tpu.memref_slice %arg4[%dma_start3A_317, %dma_start3A_318, %dma_start3A_331, %dma_start3A_332] : memref<4x3x8x1024xf32, #tpu.memory_space<vmem>> -> memref<1x1x8x1024xf32, #tpu.memory_space<vmem>>
    %dma_start3A_334 = tpu.memref_squeeze %dma_start3A_333 : memref<1x1x8x1024xf32, #tpu.memory_space<vmem>> -> memref<8x1024xf32, #tpu.memory_space<vmem>>
    tpu.enqueue_dma source(%dma_start3A_334 : memref<8x1024xf32, #tpu.memory_space<vmem>>) target(%dma_start3A_330 : memref<8x1024xf32, #tpu.memory_space<hbm>>) target_semaphore(%dma_start3A_328 : memref<!tpu.dma_semaphore, #tpu.memory_space<semaphore_mem>>)
    %add3A_335 = arith.constant 4096 : i32
    %add3A_336 = arith.addi %add3A_335, %mul3A_2 : i32
    %add3A_337 = arith.constant 64 : i32
    %add3A_338 = arith.addi %add3A_336, %add3A_337 : i32
    %add3A_339 = arith.constant 0 : i32
    %add3A_340 = arith.addi %add3A_338, %add3A_339 : i32
    %dma_wait3A_341 = arith.constant 1 : i32
    %dma_wait3A_342 = arith.constant 0 : i32
    %dma_wait3A_343 = arith.constant 1 : i32
    %dma_wait3A_344 = arith.constant 0 : i32
    %dma_wait3A_345 = arith.constant 0 : i32
    %dma_wait3A_346 = arith.constant 0 : i32
    %dma_wait3A_347 = tpu.memref_slice %arg4[%dma_wait3A_341, %dma_wait3A_342, %dma_wait3A_345, %dma_wait3A_346] : memref<4x3x8x1024xf32, #tpu.memory_space<vmem>> -> memref<1x1x8x1024xf32, #tpu.memory_space<vmem>>
    %dma_wait3A_348 = tpu.memref_squeeze %dma_wait3A_347 : memref<1x1x8x1024xf32, #tpu.memory_space<vmem>> -> memref<8x1024xf32, #tpu.memory_space<vmem>>
    %dma_wait3A_349 = arith.constant 0 : i32
    %dma_wait3A_350 = tpu.memref_slice %arg2[%add3A_340, %dma_wait3A_349] : memref<16384x1024xf32, #tpu.memory_space<hbm>> -> memref<8x1024xf32, #tpu.memory_space<hbm>>
    %dma_wait3A_351 = tpu.memref_slice %arg5[%dma_wait3A_343, %dma_wait3A_344] : memref<4x3x!tpu.dma_semaphore, #tpu.memory_space<semaphore_mem>> -> memref<1x1x!tpu.dma_semaphore, #tpu.memory_space<semaphore_mem>>
    %dma_wait3A_352 = tpu.memref_squeeze %dma_wait3A_351 : memref<1x1x!tpu.dma_semaphore, #tpu.memory_space<semaphore_mem>> -> memref<!tpu.dma_semaphore, #tpu.memory_space<semaphore_mem>>
    %dma_wait3A_353 = arith.constant 0 : i32
    %dma_wait3A_354 = arith.constant 0 : i32
    %dma_wait3A_355 = tpu.memref_slice %arg4[%dma_wait3A_341, %dma_wait3A_342, %dma_wait3A_353, %dma_wait3A_354] : memref<4x3x8x1024xf32, #tpu.memory_space<vmem>> -> memref<1x1x8x1024xf32, #tpu.memory_space<vmem>>
    %dma_wait3A_356 = tpu.memref_squeeze %dma_wait3A_355 : memref<1x1x8x1024xf32, #tpu.memory_space<vmem>> -> memref<8x1024xf32, #tpu.memory_space<vmem>>
    %dma_wait3A_357 = arith.constant 0 : i32
    %dma_wait3A_358 = tpu.memref_slice %arg2[%add3A_340, %dma_wait3A_357] : memref<16384x1024xf32, #tpu.memory_space<hbm>> -> memref<8x1024xf32, #tpu.memory_space<hbm>>
    tpu.wait_dma2 semaphore(%dma_wait3A_352 : memref<!tpu.dma_semaphore, #tpu.memory_space<semaphore_mem>>) src(%dma_wait3A_358 : memref<8x1024xf32, #tpu.memory_space<hbm>>) dst(%dma_wait3A_356 : memref<8x1024xf32, #tpu.memory_space<vmem>>)
    %add3A_359 = arith.constant 64 : i32
    %add3A_360 = arith.addi %mul3A_2, %add3A_359 : i32
    %add3A_361 = arith.constant 0 : i32
    %add3A_362 = arith.addi %add3A_360, %add3A_361 : i32
    %dma_start3A_363 = arith.constant 1 : i32
    %dma_start3A_364 = arith.constant 0 : i32
    %dma_start3A_365 = arith.constant 1 : i32
    %dma_start3A_366 = arith.constant 0 : i32
    %dma_start3A_367 = arith.constant 0 : i32
    %dma_start3A_368 = arith.constant 0 : i32
    %dma_start3A_369 = tpu.memref_slice %arg4[%dma_start3A_363, %dma_start3A_364, %dma_start3A_367, %dma_start3A_368] : memref<4x3x8x1024xf32, #tpu.memory_space<vmem>> -> memref<1x1x8x1024xf32, #tpu.memory_space<vmem>>
    %dma_start3A_370 = tpu.memref_squeeze %dma_start3A_369 : memref<1x1x8x1024xf32, #tpu.memory_space<vmem>> -> memref<8x1024xf32, #tpu.memory_space<vmem>>
    %dma_start3A_371 = arith.constant 0 : i32
    %dma_start3A_372 = tpu.memref_slice %arg3[%add3A_362, %dma_start3A_371] : memref<8192x1024xf32, #tpu.memory_space<hbm>> -> memref<8x1024xf32, #tpu.memory_space<hbm>>
    %dma_start3A_373 = tpu.memref_slice %arg6[%dma_start3A_365, %dma_start3A_366] : memref<4x3x!tpu.dma_semaphore, #tpu.memory_space<semaphore_mem>> -> memref<1x1x!tpu.dma_semaphore, #tpu.memory_space<semaphore_mem>>
    %dma_start3A_374 = tpu.memref_squeeze %dma_start3A_373 : memref<1x1x!tpu.dma_semaphore, #tpu.memory_space<semaphore_mem>> -> memref<!tpu.dma_semaphore, #tpu.memory_space<semaphore_mem>>
    %dma_start3A_375 = arith.constant 0 : i32
    %dma_start3A_376 = tpu.memref_slice %arg3[%add3A_362, %dma_start3A_375] : memref<8192x1024xf32, #tpu.memory_space<hbm>> -> memref<8x1024xf32, #tpu.memory_space<hbm>>
    %dma_start3A_377 = arith.constant 0 : i32
    %dma_start3A_378 = arith.constant 0 : i32
    %dma_start3A_379 = tpu.memref_slice %arg4[%dma_start3A_363, %dma_start3A_364, %dma_start3A_377, %dma_start3A_378] : memref<4x3x8x1024xf32, #tpu.memory_space<vmem>> -> memref<1x1x8x1024xf32, #tpu.memory_space<vmem>>
    %dma_start3A_380 = tpu.memref_squeeze %dma_start3A_379 : memref<1x1x8x1024xf32, #tpu.memory_space<vmem>> -> memref<8x1024xf32, #tpu.memory_space<vmem>>
    tpu.enqueue_dma source(%dma_start3A_380 : memref<8x1024xf32, #tpu.memory_space<vmem>>) target(%dma_start3A_376 : memref<8x1024xf32, #tpu.memory_space<hbm>>) target_semaphore(%dma_start3A_374 : memref<!tpu.dma_semaphore, #tpu.memory_space<semaphore_mem>>)
    %add3A_381 = arith.constant 4096 : i32
    %add3A_382 = arith.addi %add3A_381, %mul3A_2 : i32
    %add3A_383 = arith.constant 128 : i32
    %add3A_384 = arith.addi %add3A_382, %add3A_383 : i32
    %add3A_385 = arith.constant 0 : i32
    %add3A_386 = arith.addi %add3A_384, %add3A_385 : i32
    %dma_wait3A_387 = arith.constant 2 : i32
    %dma_wait3A_388 = arith.constant 0 : i32
    %dma_wait3A_389 = arith.constant 2 : i32
    %dma_wait3A_390 = arith.constant 0 : i32
    %dma_wait3A_391 = arith.constant 0 : i32
    %dma_wait3A_392 = arith.constant 0 : i32
    %dma_wait3A_393 = tpu.memref_slice %arg4[%dma_wait3A_387, %dma_wait3A_388, %dma_wait3A_391, %dma_wait3A_392] : memref<4x3x8x1024xf32, #tpu.memory_space<vmem>> -> memref<1x1x8x1024xf32, #tpu.memory_space<vmem>>
    %dma_wait3A_394 = tpu.memref_squeeze %dma_wait3A_393 : memref<1x1x8x1024xf32, #tpu.memory_space<vmem>> -> memref<8x1024xf32, #tpu.memory_space<vmem>>
    %dma_wait3A_395 = arith.constant 0 : i32
    %dma_wait3A_396 = tpu.memref_slice %arg2[%add3A_386, %dma_wait3A_395] : memref<16384x1024xf32, #tpu.memory_space<hbm>> -> memref<8x1024xf32, #tpu.memory_space<hbm>>
    %dma_wait3A_397 = tpu.memref_slice %arg5[%dma_wait3A_389, %dma_wait3A_390] : memref<4x3x!tpu.dma_semaphore, #tpu.memory_space<semaphore_mem>> -> memref<1x1x!tpu.dma_semaphore, #tpu.memory_space<semaphore_mem>>
    %dma_wait3A_398 = tpu.memref_squeeze %dma_wait3A_397 : memref<1x1x!tpu.dma_semaphore, #tpu.memory_space<semaphore_mem>> -> memref<!tpu.dma_semaphore, #tpu.memory_space<semaphore_mem>>
    %dma_wait3A_399 = arith.constant 0 : i32
    %dma_wait3A_400 = arith.constant 0 : i32
    %dma_wait3A_401 = tpu.memref_slice %arg4[%dma_wait3A_387, %dma_wait3A_388, %dma_wait3A_399, %dma_wait3A_400] : memref<4x3x8x1024xf32, #tpu.memory_space<vmem>> -> memref<1x1x8x1024xf32, #tpu.memory_space<vmem>>
    %dma_wait3A_402 = tpu.memref_squeeze %dma_wait3A_401 : memref<1x1x8x1024xf32, #tpu.memory_space<vmem>> -> memref<8x1024xf32, #tpu.memory_space<vmem>>
    %dma_wait3A_403 = arith.constant 0 : i32
    %dma_wait3A_404 = tpu.memref_slice %arg2[%add3A_386, %dma_wait3A_403] : memref<16384x1024xf32, #tpu.memory_space<hbm>> -> memref<8x1024xf32, #tpu.memory_space<hbm>>
    tpu.wait_dma2 semaphore(%dma_wait3A_398 : memref<!tpu.dma_semaphore, #tpu.memory_space<semaphore_mem>>) src(%dma_wait3A_404 : memref<8x1024xf32, #tpu.memory_space<hbm>>) dst(%dma_wait3A_402 : memref<8x1024xf32, #tpu.memory_space<vmem>>)
    %add3A_405 = arith.constant 128 : i32
    %add3A_406 = arith.addi %mul3A_2, %add3A_405 : i32
    %add3A_407 = arith.constant 0 : i32
    %add3A_408 = arith.addi %add3A_406, %add3A_407 : i32
    %dma_start3A_409 = arith.constant 2 : i32
    %dma_start3A_410 = arith.constant 0 : i32
    %dma_start3A_411 = arith.constant 2 : i32
    %dma_start3A_412 = arith.constant 0 : i32
    %dma_start3A_413 = arith.constant 0 : i32
    %dma_start3A_414 = arith.constant 0 : i32
    %dma_start3A_415 = tpu.memref_slice %arg4[%dma_start3A_409, %dma_start3A_410, %dma_start3A_413, %dma_start3A_414] : memref<4x3x8x1024xf32, #tpu.memory_space<vmem>> -> memref<1x1x8x1024xf32, #tpu.memory_space<vmem>>
    %dma_start3A_416 = tpu.memref_squeeze %dma_start3A_415 : memref<1x1x8x1024xf32, #tpu.memory_space<vmem>> -> memref<8x1024xf32, #tpu.memory_space<vmem>>
    %dma_start3A_417 = arith.constant 0 : i32
    %dma_start3A_418 = tpu.memref_slice %arg3[%add3A_408, %dma_start3A_417] : memref<8192x1024xf32, #tpu.memory_space<hbm>> -> memref<8x1024xf32, #tpu.memory_space<hbm>>
    %dma_start3A_419 = tpu.memref_slice %arg6[%dma_start3A_411, %dma_start3A_412] : memref<4x3x!tpu.dma_semaphore, #tpu.memory_space<semaphore_mem>> -> memref<1x1x!tpu.dma_semaphore, #tpu.memory_space<semaphore_mem>>
    %dma_start3A_420 = tpu.memref_squeeze %dma_start3A_419 : memref<1x1x!tpu.dma_semaphore, #tpu.memory_space<semaphore_mem>> -> memref<!tpu.dma_semaphore, #tpu.memory_space<semaphore_mem>>
    %dma_start3A_421 = arith.constant 0 : i32
    %dma_start3A_422 = tpu.memref_slice %arg3[%add3A_408, %dma_start3A_421] : memref<8192x1024xf32, #tpu.memory_space<hbm>> -> memref<8x1024xf32, #tpu.memory_space<hbm>>
    %dma_start3A_423 = arith.constant 0 : i32
    %dma_start3A_424 = arith.constant 0 : i32
    %dma_start3A_425 = tpu.memref_slice %arg4[%dma_start3A_409, %dma_start3A_410, %dma_start3A_423, %dma_start3A_424] : memref<4x3x8x1024xf32, #tpu.memory_space<vmem>> -> memref<1x1x8x1024xf32, #tpu.memory_space<vmem>>
    %dma_start3A_426 = tpu.memref_squeeze %dma_start3A_425 : memref<1x1x8x1024xf32, #tpu.memory_space<vmem>> -> memref<8x1024xf32, #tpu.memory_space<vmem>>
    tpu.enqueue_dma source(%dma_start3A_426 : memref<8x1024xf32, #tpu.memory_space<vmem>>) target(%dma_start3A_422 : memref<8x1024xf32, #tpu.memory_space<hbm>>) target_semaphore(%dma_start3A_420 : memref<!tpu.dma_semaphore, #tpu.memory_space<semaphore_mem>>)
    %add3A_427 = arith.constant 4096 : i32
    %add3A_428 = arith.addi %add3A_427, %mul3A_2 : i32
    %add3A_429 = arith.constant 192 : i32
    %add3A_430 = arith.addi %add3A_428, %add3A_429 : i32
    %add3A_431 = arith.constant 0 : i32
    %add3A_432 = arith.addi %add3A_430, %add3A_431 : i32
    %dma_wait3A_433 = arith.constant 3 : i32
    %dma_wait3A_434 = arith.constant 0 : i32
    %dma_wait3A_435 = arith.constant 3 : i32
    %dma_wait3A_436 = arith.constant 0 : i32
    %dma_wait3A_437 = arith.constant 0 : i32
    %dma_wait3A_438 = arith.constant 0 : i32
    %dma_wait3A_439 = tpu.memref_slice %arg4[%dma_wait3A_433, %dma_wait3A_434, %dma_wait3A_437, %dma_wait3A_438] : memref<4x3x8x1024xf32, #tpu.memory_space<vmem>> -> memref<1x1x8x1024xf32, #tpu.memory_space<vmem>>
    %dma_wait3A_440 = tpu.memref_squeeze %dma_wait3A_439 : memref<1x1x8x1024xf32, #tpu.memory_space<vmem>> -> memref<8x1024xf32, #tpu.memory_space<vmem>>
    %dma_wait3A_441 = arith.constant 0 : i32
    %dma_wait3A_442 = tpu.memref_slice %arg2[%add3A_432, %dma_wait3A_441] : memref<16384x1024xf32, #tpu.memory_space<hbm>> -> memref<8x1024xf32, #tpu.memory_space<hbm>>
    %dma_wait3A_443 = tpu.memref_slice %arg5[%dma_wait3A_435, %dma_wait3A_436] : memref<4x3x!tpu.dma_semaphore, #tpu.memory_space<semaphore_mem>> -> memref<1x1x!tpu.dma_semaphore, #tpu.memory_space<semaphore_mem>>
    %dma_wait3A_444 = tpu.memref_squeeze %dma_wait3A_443 : memref<1x1x!tpu.dma_semaphore, #tpu.memory_space<semaphore_mem>> -> memref<!tpu.dma_semaphore, #tpu.memory_space<semaphore_mem>>
    %dma_wait3A_445 = arith.constant 0 : i32
    %dma_wait3A_446 = arith.constant 0 : i32
    %dma_wait3A_447 = tpu.memref_slice %arg4[%dma_wait3A_433, %dma_wait3A_434, %dma_wait3A_445, %dma_wait3A_446] : memref<4x3x8x1024xf32, #tpu.memory_space<vmem>> -> memref<1x1x8x1024xf32, #tpu.memory_space<vmem>>
    %dma_wait3A_448 = tpu.memref_squeeze %dma_wait3A_447 : memref<1x1x8x1024xf32, #tpu.memory_space<vmem>> -> memref<8x1024xf32, #tpu.memory_space<vmem>>
    %dma_wait3A_449 = arith.constant 0 : i32
    %dma_wait3A_450 = tpu.memref_slice %arg2[%add3A_432, %dma_wait3A_449] : memref<16384x1024xf32, #tpu.memory_space<hbm>> -> memref<8x1024xf32, #tpu.memory_space<hbm>>
    tpu.wait_dma2 semaphore(%dma_wait3A_444 : memref<!tpu.dma_semaphore, #tpu.memory_space<semaphore_mem>>) src(%dma_wait3A_450 : memref<8x1024xf32, #tpu.memory_space<hbm>>) dst(%dma_wait3A_448 : memref<8x1024xf32, #tpu.memory_space<vmem>>)
    %add3A_451 = arith.constant 192 : i32
    %add3A_452 = arith.addi %mul3A_2, %add3A_451 : i32
    %add3A_453 = arith.constant 0 : i32
    %add3A_454 = arith.addi %add3A_452, %add3A_453 : i32
    %dma_start3A_455 = arith.constant 3 : i32
    %dma_start3A_456 = arith.constant 0 : i32
    %dma_start3A_457 = arith.constant 3 : i32
    %dma_start3A_458 = arith.constant 0 : i32
    %dma_start3A_459 = arith.constant 0 : i32
    %dma_start3A_460 = arith.constant 0 : i32
    %dma_start3A_461 = tpu.memref_slice %arg4[%dma_start3A_455, %dma_start3A_456, %dma_start3A_459, %dma_start3A_460] : memref<4x3x8x1024xf32, #tpu.memory_space<vmem>> -> memref<1x1x8x1024xf32, #tpu.memory_space<vmem>>
    %dma_start3A_462 = tpu.memref_squeeze %dma_start3A_461 : memref<1x1x8x1024xf32, #tpu.memory_space<vmem>> -> memref<8x1024xf32, #tpu.memory_space<vmem>>
    %dma_start3A_463 = arith.constant 0 : i32
    %dma_start3A_464 = tpu.memref_slice %arg3[%add3A_454, %dma_start3A_463] : memref<8192x1024xf32, #tpu.memory_space<hbm>> -> memref<8x1024xf32, #tpu.memory_space<hbm>>
    %dma_start3A_465 = tpu.memref_slice %arg6[%dma_start3A_457, %dma_start3A_458] : memref<4x3x!tpu.dma_semaphore, #tpu.memory_space<semaphore_mem>> -> memref<1x1x!tpu.dma_semaphore, #tpu.memory_space<semaphore_mem>>
    %dma_start3A_466 = tpu.memref_squeeze %dma_start3A_465 : memref<1x1x!tpu.dma_semaphore, #tpu.memory_space<semaphore_mem>> -> memref<!tpu.dma_semaphore, #tpu.memory_space<semaphore_mem>>
    %dma_start3A_467 = arith.constant 0 : i32
    %dma_start3A_468 = tpu.memref_slice %arg3[%add3A_454, %dma_start3A_467] : memref<8192x1024xf32, #tpu.memory_space<hbm>> -> memref<8x1024xf32, #tpu.memory_space<hbm>>
    %dma_start3A_469 = arith.constant 0 : i32
    %dma_start3A_470 = arith.constant 0 : i32
    %dma_start3A_471 = tpu.memref_slice %arg4[%dma_start3A_455, %dma_start3A_456, %dma_start3A_469, %dma_start3A_470] : memref<4x3x8x1024xf32, #tpu.memory_space<vmem>> -> memref<1x1x8x1024xf32, #tpu.memory_space<vmem>>
    %dma_start3A_472 = tpu.memref_squeeze %dma_start3A_471 : memref<1x1x8x1024xf32, #tpu.memory_space<vmem>> -> memref<8x1024xf32, #tpu.memory_space<vmem>>
    tpu.enqueue_dma source(%dma_start3A_472 : memref<8x1024xf32, #tpu.memory_space<vmem>>) target(%dma_start3A_468 : memref<8x1024xf32, #tpu.memory_space<hbm>>) target_semaphore(%dma_start3A_466 : memref<!tpu.dma_semaphore, #tpu.memory_space<semaphore_mem>>)
    %add3A_473 = arith.constant 0 : i32
    %add3A_474 = arith.addi %mul3A_2, %add3A_473 : i32
    %add3A_475 = arith.constant 0 : i32
    %add3A_476 = arith.addi %add3A_474, %add3A_475 : i32
    %dma_wait3A_477 = arith.constant 0 : i32
    %dma_wait3A_478 = arith.constant 0 : i32
    %dma_wait3A_479 = arith.constant 0 : i32
    %dma_wait3A_480 = arith.constant 0 : i32
    %dma_wait3A_481 = arith.constant 0 : i32
    %dma_wait3A_482 = arith.constant 0 : i32
    %dma_wait3A_483 = tpu.memref_slice %arg4[%dma_wait3A_477, %dma_wait3A_478, %dma_wait3A_481, %dma_wait3A_482] : memref<4x3x8x1024xf32, #tpu.memory_space<vmem>> -> memref<1x1x8x1024xf32, #tpu.memory_space<vmem>>
    %dma_wait3A_484 = tpu.memref_squeeze %dma_wait3A_483 : memref<1x1x8x1024xf32, #tpu.memory_space<vmem>> -> memref<8x1024xf32, #tpu.memory_space<vmem>>
    %dma_wait3A_485 = arith.constant 0 : i32
    %dma_wait3A_486 = tpu.memref_slice %arg3[%add3A_476, %dma_wait3A_485] : memref<8192x1024xf32, #tpu.memory_space<hbm>> -> memref<8x1024xf32, #tpu.memory_space<hbm>>
    %dma_wait3A_487 = tpu.memref_slice %arg6[%dma_wait3A_479, %dma_wait3A_480] : memref<4x3x!tpu.dma_semaphore, #tpu.memory_space<semaphore_mem>> -> memref<1x1x!tpu.dma_semaphore, #tpu.memory_space<semaphore_mem>>
    %dma_wait3A_488 = tpu.memref_squeeze %dma_wait3A_487 : memref<1x1x!tpu.dma_semaphore, #tpu.memory_space<semaphore_mem>> -> memref<!tpu.dma_semaphore, #tpu.memory_space<semaphore_mem>>
    %dma_wait3A_489 = arith.constant 0 : i32
    %dma_wait3A_490 = tpu.memref_slice %arg3[%add3A_476, %dma_wait3A_489] : memref<8192x1024xf32, #tpu.memory_space<hbm>> -> memref<8x1024xf32, #tpu.memory_space<hbm>>
    %dma_wait3A_491 = arith.constant 0 : i32
    %dma_wait3A_492 = arith.constant 0 : i32
    %dma_wait3A_493 = tpu.memref_slice %arg4[%dma_wait3A_477, %dma_wait3A_478, %dma_wait3A_491, %dma_wait3A_492] : memref<4x3x8x1024xf32, #tpu.memory_space<vmem>> -> memref<1x1x8x1024xf32, #tpu.memory_space<vmem>>
    %dma_wait3A_494 = tpu.memref_squeeze %dma_wait3A_493 : memref<1x1x8x1024xf32, #tpu.memory_space<vmem>> -> memref<8x1024xf32, #tpu.memory_space<vmem>>
    tpu.wait_dma2 semaphore(%dma_wait3A_488 : memref<!tpu.dma_semaphore, #tpu.memory_space<semaphore_mem>>) src(%dma_wait3A_494 : memref<8x1024xf32, #tpu.memory_space<vmem>>) dst(%dma_wait3A_490 : memref<8x1024xf32, #tpu.memory_space<hbm>>)
    %add3A_495 = arith.constant 4096 : i32
    %add3A_496 = arith.addi %add3A_495, %mul3A_2 : i32
    %add3A_497 = arith.constant 0 : i32
    %add3A_498 = arith.addi %add3A_496, %add3A_497 : i32
    %add3A_499 = arith.constant 24 : i32
    %add3A_500 = arith.addi %add3A_498, %add3A_499 : i32
    %dma_start3A_501 = arith.constant 0 : i32
    %dma_start3A_502 = arith.constant 0 : i32
    %dma_start3A_503 = arith.constant 0 : i32
    %dma_start3A_504 = arith.constant 0 : i32
    %dma_start3A_505 = arith.constant 0 : i32
    %dma_start3A_506 = arith.constant 0 : i32
    %dma_start3A_507 = tpu.memref_slice %arg4[%dma_start3A_501, %dma_start3A_502, %dma_start3A_505, %dma_start3A_506] : memref<4x3x8x1024xf32, #tpu.memory_space<vmem>> -> memref<1x1x8x1024xf32, #tpu.memory_space<vmem>>
    %dma_start3A_508 = tpu.memref_squeeze %dma_start3A_507 : memref<1x1x8x1024xf32, #tpu.memory_space<vmem>> -> memref<8x1024xf32, #tpu.memory_space<vmem>>
    %dma_start3A_509 = arith.constant 0 : i32
    %dma_start3A_510 = tpu.memref_slice %arg2[%add3A_500, %dma_start3A_509] : memref<16384x1024xf32, #tpu.memory_space<hbm>> -> memref<8x1024xf32, #tpu.memory_space<hbm>>
    %dma_start3A_511 = tpu.memref_slice %arg5[%dma_start3A_503, %dma_start3A_504] : memref<4x3x!tpu.dma_semaphore, #tpu.memory_space<semaphore_mem>> -> memref<1x1x!tpu.dma_semaphore, #tpu.memory_space<semaphore_mem>>
    %dma_start3A_512 = tpu.memref_squeeze %dma_start3A_511 : memref<1x1x!tpu.dma_semaphore, #tpu.memory_space<semaphore_mem>> -> memref<!tpu.dma_semaphore, #tpu.memory_space<semaphore_mem>>
    %dma_start3A_513 = arith.constant 0 : i32
    %dma_start3A_514 = arith.constant 0 : i32
    %dma_start3A_515 = tpu.memref_slice %arg4[%dma_start3A_501, %dma_start3A_502, %dma_start3A_513, %dma_start3A_514] : memref<4x3x8x1024xf32, #tpu.memory_space<vmem>> -> memref<1x1x8x1024xf32, #tpu.memory_space<vmem>>
    %dma_start3A_516 = tpu.memref_squeeze %dma_start3A_515 : memref<1x1x8x1024xf32, #tpu.memory_space<vmem>> -> memref<8x1024xf32, #tpu.memory_space<vmem>>
    %dma_start3A_517 = arith.constant 0 : i32
    %dma_start3A_518 = tpu.memref_slice %arg2[%add3A_500, %dma_start3A_517] : memref<16384x1024xf32, #tpu.memory_space<hbm>> -> memref<8x1024xf32, #tpu.memory_space<hbm>>
    tpu.enqueue_dma source(%dma_start3A_518 : memref<8x1024xf32, #tpu.memory_space<hbm>>) target(%dma_start3A_516 : memref<8x1024xf32, #tpu.memory_space<vmem>>) target_semaphore(%dma_start3A_512 : memref<!tpu.dma_semaphore, #tpu.memory_space<semaphore_mem>>)
    %add3A_519 = arith.constant 64 : i32
    %add3A_520 = arith.addi %mul3A_2, %add3A_519 : i32
    %add3A_521 = arith.constant 0 : i32
    %add3A_522 = arith.addi %add3A_520, %add3A_521 : i32
    %dma_wait3A_523 = arith.constant 1 : i32
    %dma_wait3A_524 = arith.constant 0 : i32
    %dma_wait3A_525 = arith.constant 1 : i32
    %dma_wait3A_526 = arith.constant 0 : i32
    %dma_wait3A_527 = arith.constant 0 : i32
    %dma_wait3A_528 = arith.constant 0 : i32
    %dma_wait3A_529 = tpu.memref_slice %arg4[%dma_wait3A_523, %dma_wait3A_524, %dma_wait3A_527, %dma_wait3A_528] : memref<4x3x8x1024xf32, #tpu.memory_space<vmem>> -> memref<1x1x8x1024xf32, #tpu.memory_space<vmem>>
    %dma_wait3A_530 = tpu.memref_squeeze %dma_wait3A_529 : memref<1x1x8x1024xf32, #tpu.memory_space<vmem>> -> memref<8x1024xf32, #tpu.memory_space<vmem>>
    %dma_wait3A_531 = arith.constant 0 : i32
    %dma_wait3A_532 = tpu.memref_slice %arg3[%add3A_522, %dma_wait3A_531] : memref<8192x1024xf32, #tpu.memory_space<hbm>> -> memref<8x1024xf32, #tpu.memory_space<hbm>>
    %dma_wait3A_533 = tpu.memref_slice %arg6[%dma_wait3A_525, %dma_wait3A_526] : memref<4x3x!tpu.dma_semaphore, #tpu.memory_space<semaphore_mem>> -> memref<1x1x!tpu.dma_semaphore, #tpu.memory_space<semaphore_mem>>
    %dma_wait3A_534 = tpu.memref_squeeze %dma_wait3A_533 : memref<1x1x!tpu.dma_semaphore, #tpu.memory_space<semaphore_mem>> -> memref<!tpu.dma_semaphore, #tpu.memory_space<semaphore_mem>>
    %dma_wait3A_535 = arith.constant 0 : i32
    %dma_wait3A_536 = tpu.memref_slice %arg3[%add3A_522, %dma_wait3A_535] : memref<8192x1024xf32, #tpu.memory_space<hbm>> -> memref<8x1024xf32, #tpu.memory_space<hbm>>
    %dma_wait3A_537 = arith.constant 0 : i32
    %dma_wait3A_538 = arith.constant 0 : i32
    %dma_wait3A_539 = tpu.memref_slice %arg4[%dma_wait3A_523, %dma_wait3A_524, %dma_wait3A_537, %dma_wait3A_538] : memref<4x3x8x1024xf32, #tpu.memory_space<vmem>> -> memref<1x1x8x1024xf32, #tpu.memory_space<vmem>>
    %dma_wait3A_540 = tpu.memref_squeeze %dma_wait3A_539 : memref<1x1x8x1024xf32, #tpu.memory_space<vmem>> -> memref<8x1024xf32, #tpu.memory_space<vmem>>
    tpu.wait_dma2 semaphore(%dma_wait3A_534 : memref<!tpu.dma_semaphore, #tpu.memory_space<semaphore_mem>>) src(%dma_wait3A_540 : memref<8x1024xf32, #tpu.memory_space<vmem>>) dst(%dma_wait3A_536 : memref<8x1024xf32, #tpu.memory_space<hbm>>)
    %add3A_541 = arith.constant 4096 : i32
    %add3A_542 = arith.addi %add3A_541, %mul3A_2 : i32
    %add3A_543 = arith.constant 64 : i32
    %add3A_544 = arith.addi %add3A_542, %add3A_543 : i32
    %add3A_545 = arith.constant 24 : i32
    %add3A_546 = arith.addi %add3A_544, %add3A_545 : i32
    %dma_start3A_547 = arith.constant 1 : i32
    %dma_start3A_548 = arith.constant 0 : i32
    %dma_start3A_549 = arith.constant 1 : i32
    %dma_start3A_550 = arith.constant 0 : i32
    %dma_start3A_551 = arith.constant 0 : i32
    %dma_start3A_552 = arith.constant 0 : i32
    %dma_start3A_553 = tpu.memref_slice %arg4[%dma_start3A_547, %dma_start3A_548, %dma_start3A_551, %dma_start3A_552] : memref<4x3x8x1024xf32, #tpu.memory_space<vmem>> -> memref<1x1x8x1024xf32, #tpu.memory_space<vmem>>
    %dma_start3A_554 = tpu.memref_squeeze %dma_start3A_553 : memref<1x1x8x1024xf32, #tpu.memory_space<vmem>> -> memref<8x1024xf32, #tpu.memory_space<vmem>>
    %dma_start3A_555 = arith.constant 0 : i32
    %dma_start3A_556 = tpu.memref_slice %arg2[%add3A_546, %dma_start3A_555] : memref<16384x1024xf32, #tpu.memory_space<hbm>> -> memref<8x1024xf32, #tpu.memory_space<hbm>>
    %dma_start3A_557 = tpu.memref_slice %arg5[%dma_start3A_549, %dma_start3A_550] : memref<4x3x!tpu.dma_semaphore, #tpu.memory_space<semaphore_mem>> -> memref<1x1x!tpu.dma_semaphore, #tpu.memory_space<semaphore_mem>>
    %dma_start3A_558 = tpu.memref_squeeze %dma_start3A_557 : memref<1x1x!tpu.dma_semaphore, #tpu.memory_space<semaphore_mem>> -> memref<!tpu.dma_semaphore, #tpu.memory_space<semaphore_mem>>
    %dma_start3A_559 = arith.constant 0 : i32
    %dma_start3A_560 = arith.constant 0 : i32
    %dma_start3A_561 = tpu.memref_slice %arg4[%dma_start3A_547, %dma_start3A_548, %dma_start3A_559, %dma_start3A_560] : memref<4x3x8x1024xf32, #tpu.memory_space<vmem>> -> memref<1x1x8x1024xf32, #tpu.memory_space<vmem>>
    %dma_start3A_562 = tpu.memref_squeeze %dma_start3A_561 : memref<1x1x8x1024xf32, #tpu.memory_space<vmem>> -> memref<8x1024xf32, #tpu.memory_space<vmem>>
    %dma_start3A_563 = arith.constant 0 : i32
    %dma_start3A_564 = tpu.memref_slice %arg2[%add3A_546, %dma_start3A_563] : memref<16384x1024xf32, #tpu.memory_space<hbm>> -> memref<8x1024xf32, #tpu.memory_space<hbm>>
    tpu.enqueue_dma source(%dma_start3A_564 : memref<8x1024xf32, #tpu.memory_space<hbm>>) target(%dma_start3A_562 : memref<8x1024xf32, #tpu.memory_space<vmem>>) target_semaphore(%dma_start3A_558 : memref<!tpu.dma_semaphore, #tpu.memory_space<semaphore_mem>>)
    %add3A_565 = arith.constant 128 : i32
    %add3A_566 = arith.addi %mul3A_2, %add3A_565 : i32
    %add3A_567 = arith.constant 0 : i32
    %add3A_568 = arith.addi %add3A_566, %add3A_567 : i32
    %dma_wait3A_569 = arith.constant 2 : i32
    %dma_wait3A_570 = arith.constant 0 : i32
    %dma_wait3A_571 = arith.constant 2 : i32
    %dma_wait3A_572 = arith.constant 0 : i32
    %dma_wait3A_573 = arith.constant 0 : i32
    %dma_wait3A_574 = arith.constant 0 : i32
    %dma_wait3A_575 = tpu.memref_slice %arg4[%dma_wait3A_569, %dma_wait3A_570, %dma_wait3A_573, %dma_wait3A_574] : memref<4x3x8x1024xf32, #tpu.memory_space<vmem>> -> memref<1x1x8x1024xf32, #tpu.memory_space<vmem>>
    %dma_wait3A_576 = tpu.memref_squeeze %dma_wait3A_575 : memref<1x1x8x1024xf32, #tpu.memory_space<vmem>> -> memref<8x1024xf32, #tpu.memory_space<vmem>>
    %dma_wait3A_577 = arith.constant 0 : i32
    %dma_wait3A_578 = tpu.memref_slice %arg3[%add3A_568, %dma_wait3A_577] : memref<8192x1024xf32, #tpu.memory_space<hbm>> -> memref<8x1024xf32, #tpu.memory_space<hbm>>
    %dma_wait3A_579 = tpu.memref_slice %arg6[%dma_wait3A_571, %dma_wait3A_572] : memref<4x3x!tpu.dma_semaphore, #tpu.memory_space<semaphore_mem>> -> memref<1x1x!tpu.dma_semaphore, #tpu.memory_space<semaphore_mem>>
    %dma_wait3A_580 = tpu.memref_squeeze %dma_wait3A_579 : memref<1x1x!tpu.dma_semaphore, #tpu.memory_space<semaphore_mem>> -> memref<!tpu.dma_semaphore, #tpu.memory_space<semaphore_mem>>
    %dma_wait3A_581 = arith.constant 0 : i32
    %dma_wait3A_582 = tpu.memref_slice %arg3[%add3A_568, %dma_wait3A_581] : memref<8192x1024xf32, #tpu.memory_space<hbm>> -> memref<8x1024xf32, #tpu.memory_space<hbm>>
    %dma_wait3A_583 = arith.constant 0 : i32
    %dma_wait3A_584 = arith.constant 0 : i32
    %dma_wait3A_585 = tpu.memref_slice %arg4[%dma_wait3A_569, %dma_wait3A_570, %dma_wait3A_583, %dma_wait3A_584] : memref<4x3x8x1024xf32, #tpu.memory_space<vmem>> -> memref<1x1x8x1024xf32, #tpu.memory_space<vmem>>
    %dma_wait3A_586 = tpu.memref_squeeze %dma_wait3A_585 : memref<1x1x8x1024xf32, #tpu.memory_space<vmem>> -> memref<8x1024xf32, #tpu.memory_space<vmem>>
    tpu.wait_dma2 semaphore(%dma_wait3A_580 : memref<!tpu.dma_semaphore, #tpu.memory_space<semaphore_mem>>) src(%dma_wait3A_586 : memref<8x1024xf32, #tpu.memory_space<vmem>>) dst(%dma_wait3A_582 : memref<8x1024xf32, #tpu.memory_space<hbm>>)
    %add3A_587 = arith.constant 4096 : i32
    %add3A_588 = arith.addi %add3A_587, %mul3A_2 : i32
    %add3A_589 = arith.constant 128 : i32
    %add3A_590 = arith.addi %add3A_588, %add3A_589 : i32
    %add3A_591 = arith.constant 24 : i32
    %add3A_592 = arith.addi %add3A_590, %add3A_591 : i32
    %dma_start3A_593 = arith.constant 2 : i32
    %dma_start3A_594 = arith.constant 0 : i32
    %dma_start3A_595 = arith.constant 2 : i32
    %dma_start3A_596 = arith.constant 0 : i32
    %dma_start3A_597 = arith.constant 0 : i32
    %dma_start3A_598 = arith.constant 0 : i32
    %dma_start3A_599 = tpu.memref_slice %arg4[%dma_start3A_593, %dma_start3A_594, %dma_start3A_597, %dma_start3A_598] : memref<4x3x8x1024xf32, #tpu.memory_space<vmem>> -> memref<1x1x8x1024xf32, #tpu.memory_space<vmem>>
    %dma_start3A_600 = tpu.memref_squeeze %dma_start3A_599 : memref<1x1x8x1024xf32, #tpu.memory_space<vmem>> -> memref<8x1024xf32, #tpu.memory_space<vmem>>
    %dma_start3A_601 = arith.constant 0 : i32
    %dma_start3A_602 = tpu.memref_slice %arg2[%add3A_592, %dma_start3A_601] : memref<16384x1024xf32, #tpu.memory_space<hbm>> -> memref<8x1024xf32, #tpu.memory_space<hbm>>
    %dma_start3A_603 = tpu.memref_slice %arg5[%dma_start3A_595, %dma_start3A_596] : memref<4x3x!tpu.dma_semaphore, #tpu.memory_space<semaphore_mem>> -> memref<1x1x!tpu.dma_semaphore, #tpu.memory_space<semaphore_mem>>
    %dma_start3A_604 = tpu.memref_squeeze %dma_start3A_603 : memref<1x1x!tpu.dma_semaphore, #tpu.memory_space<semaphore_mem>> -> memref<!tpu.dma_semaphore, #tpu.memory_space<semaphore_mem>>
    %dma_start3A_605 = arith.constant 0 : i32
    %dma_start3A_606 = arith.constant 0 : i32
    %dma_start3A_607 = tpu.memref_slice %arg4[%dma_start3A_593, %dma_start3A_594, %dma_start3A_605, %dma_start3A_606] : memref<4x3x8x1024xf32, #tpu.memory_space<vmem>> -> memref<1x1x8x1024xf32, #tpu.memory_space<vmem>>
    %dma_start3A_608 = tpu.memref_squeeze %dma_start3A_607 : memref<1x1x8x1024xf32, #tpu.memory_space<vmem>> -> memref<8x1024xf32, #tpu.memory_space<vmem>>
    %dma_start3A_609 = arith.constant 0 : i32
    %dma_start3A_610 = tpu.memref_slice %arg2[%add3A_592, %dma_start3A_609] : memref<16384x1024xf32, #tpu.memory_space<hbm>> -> memref<8x1024xf32, #tpu.memory_space<hbm>>
    tpu.enqueue_dma source(%dma_start3A_610 : memref<8x1024xf32, #tpu.memory_space<hbm>>) target(%dma_start3A_608 : memref<8x1024xf32, #tpu.memory_space<vmem>>) target_semaphore(%dma_start3A_604 : memref<!tpu.dma_semaphore, #tpu.memory_space<semaphore_mem>>)
    %add3A_611 = arith.constant 192 : i32
    %add3A_612 = arith.addi %mul3A_2, %add3A_611 : i32
    %add3A_613 = arith.constant 0 : i32
    %add3A_614 = arith.addi %add3A_612, %add3A_613 : i32
    %dma_wait3A_615 = arith.constant 3 : i32
    %dma_wait3A_616 = arith.constant 0 : i32
    %dma_wait3A_617 = arith.constant 3 : i32
    %dma_wait3A_618 = arith.constant 0 : i32
    %dma_wait3A_619 = arith.constant 0 : i32
    %dma_wait3A_620 = arith.constant 0 : i32
    %dma_wait3A_621 = tpu.memref_slice %arg4[%dma_wait3A_615, %dma_wait3A_616, %dma_wait3A_619, %dma_wait3A_620] : memref<4x3x8x1024xf32, #tpu.memory_space<vmem>> -> memref<1x1x8x1024xf32, #tpu.memory_space<vmem>>
    %dma_wait3A_622 = tpu.memref_squeeze %dma_wait3A_621 : memref<1x1x8x1024xf32, #tpu.memory_space<vmem>> -> memref<8x1024xf32, #tpu.memory_space<vmem>>
    %dma_wait3A_623 = arith.constant 0 : i32
    %dma_wait3A_624 = tpu.memref_slice %arg3[%add3A_614, %dma_wait3A_623] : memref<8192x1024xf32, #tpu.memory_space<hbm>> -> memref<8x1024xf32, #tpu.memory_space<hbm>>
    %dma_wait3A_625 = tpu.memref_slice %arg6[%dma_wait3A_617, %dma_wait3A_618] : memref<4x3x!tpu.dma_semaphore, #tpu.memory_space<semaphore_mem>> -> memref<1x1x!tpu.dma_semaphore, #tpu.memory_space<semaphore_mem>>
    %dma_wait3A_626 = tpu.memref_squeeze %dma_wait3A_625 : memref<1x1x!tpu.dma_semaphore, #tpu.memory_space<semaphore_mem>> -> memref<!tpu.dma_semaphore, #tpu.memory_space<semaphore_mem>>
    %dma_wait3A_627 = arith.constant 0 : i32
    %dma_wait3A_628 = tpu.memref_slice %arg3[%add3A_614, %dma_wait3A_627] : memref<8192x1024xf32, #tpu.memory_space<hbm>> -> memref<8x1024xf32, #tpu.memory_space<hbm>>
    %dma_wait3A_629 = arith.constant 0 : i32
    %dma_wait3A_630 = arith.constant 0 : i32
    %dma_wait3A_631 = tpu.memref_slice %arg4[%dma_wait3A_615, %dma_wait3A_616, %dma_wait3A_629, %dma_wait3A_630] : memref<4x3x8x1024xf32, #tpu.memory_space<vmem>> -> memref<1x1x8x1024xf32, #tpu.memory_space<vmem>>
    %dma_wait3A_632 = tpu.memref_squeeze %dma_wait3A_631 : memref<1x1x8x1024xf32, #tpu.memory_space<vmem>> -> memref<8x1024xf32, #tpu.memory_space<vmem>>
    tpu.wait_dma2 semaphore(%dma_wait3A_626 : memref<!tpu.dma_semaphore, #tpu.memory_space<semaphore_mem>>) src(%dma_wait3A_632 : memref<8x1024xf32, #tpu.memory_space<vmem>>) dst(%dma_wait3A_628 : memref<8x1024xf32, #tpu.memory_space<hbm>>)
    %add3A_633 = arith.constant 4096 : i32
    %add3A_634 = arith.addi %add3A_633, %mul3A_2 : i32
    %add3A_635 = arith.constant 192 : i32
    %add3A_636 = arith.addi %add3A_634, %add3A_635 : i32
    %add3A_637 = arith.constant 24 : i32
    %add3A_638 = arith.addi %add3A_636, %add3A_637 : i32
    %dma_start3A_639 = arith.constant 3 : i32
    %dma_start3A_640 = arith.constant 0 : i32
    %dma_start3A_641 = arith.constant 3 : i32
    %dma_start3A_642 = arith.constant 0 : i32
    %dma_start3A_643 = arith.constant 0 : i32
    %dma_start3A_644 = arith.constant 0 : i32
    %dma_start3A_645 = tpu.memref_slice %arg4[%dma_start3A_639, %dma_start3A_640, %dma_start3A_643, %dma_start3A_644] : memref<4x3x8x1024xf32, #tpu.memory_space<vmem>> -> memref<1x1x8x1024xf32, #tpu.memory_space<vmem>>
    %dma_start3A_646 = tpu.memref_squeeze %dma_start3A_645 : memref<1x1x8x1024xf32, #tpu.memory_space<vmem>> -> memref<8x1024xf32, #tpu.memory_space<vmem>>
    %dma_start3A_647 = arith.constant 0 : i32
    %dma_start3A_648 = tpu.memref_slice %arg2[%add3A_638, %dma_start3A_647] : memref<16384x1024xf32, #tpu.memory_space<hbm>> -> memref<8x1024xf32, #tpu.memory_space<hbm>>
    %dma_start3A_649 = tpu.memref_slice %arg5[%dma_start3A_641, %dma_start3A_642] : memref<4x3x!tpu.dma_semaphore, #tpu.memory_space<semaphore_mem>> -> memref<1x1x!tpu.dma_semaphore, #tpu.memory_space<semaphore_mem>>
    %dma_start3A_650 = tpu.memref_squeeze %dma_start3A_649 : memref<1x1x!tpu.dma_semaphore, #tpu.memory_space<semaphore_mem>> -> memref<!tpu.dma_semaphore, #tpu.memory_space<semaphore_mem>>
    %dma_start3A_651 = arith.constant 0 : i32
    %dma_start3A_652 = arith.constant 0 : i32
    %dma_start3A_653 = tpu.memref_slice %arg4[%dma_start3A_639, %dma_start3A_640, %dma_start3A_651, %dma_start3A_652] : memref<4x3x8x1024xf32, #tpu.memory_space<vmem>> -> memref<1x1x8x1024xf32, #tpu.memory_space<vmem>>
    %dma_start3A_654 = tpu.memref_squeeze %dma_start3A_653 : memref<1x1x8x1024xf32, #tpu.memory_space<vmem>> -> memref<8x1024xf32, #tpu.memory_space<vmem>>
    %dma_start3A_655 = arith.constant 0 : i32
    %dma_start3A_656 = tpu.memref_slice %arg2[%add3A_638, %dma_start3A_655] : memref<16384x1024xf32, #tpu.memory_space<hbm>> -> memref<8x1024xf32, #tpu.memory_space<hbm>>
    tpu.enqueue_dma source(%dma_start3A_656 : memref<8x1024xf32, #tpu.memory_space<hbm>>) target(%dma_start3A_654 : memref<8x1024xf32, #tpu.memory_space<vmem>>) target_semaphore(%dma_start3A_650 : memref<!tpu.dma_semaphore, #tpu.memory_space<semaphore_mem>>)
    %add3A_657 = arith.constant 4096 : i32
    %add3A_658 = arith.addi %add3A_657, %mul3A_2 : i32
    %add3A_659 = arith.constant 0 : i32
    %add3A_660 = arith.addi %add3A_658, %add3A_659 : i32
    %add3A_661 = arith.constant 8 : i32
    %add3A_662 = arith.addi %add3A_660, %add3A_661 : i32
    %dma_wait3A_663 = arith.constant 0 : i32
    %dma_wait3A_664 = arith.constant 1 : i32
    %dma_wait3A_665 = arith.constant 0 : i32
    %dma_wait3A_666 = arith.constant 1 : i32
    %dma_wait3A_667 = arith.constant 0 : i32
    %dma_wait3A_668 = arith.constant 0 : i32
    %dma_wait3A_669 = tpu.memref_slice %arg4[%dma_wait3A_663, %dma_wait3A_664, %dma_wait3A_667, %dma_wait3A_668] : memref<4x3x8x1024xf32, #tpu.memory_space<vmem>> -> memref<1x1x8x1024xf32, #tpu.memory_space<vmem>>
    %dma_wait3A_670 = tpu.memref_squeeze %dma_wait3A_669 : memref<1x1x8x1024xf32, #tpu.memory_space<vmem>> -> memref<8x1024xf32, #tpu.memory_space<vmem>>
    %dma_wait3A_671 = arith.constant 0 : i32
    %dma_wait3A_672 = tpu.memref_slice %arg2[%add3A_662, %dma_wait3A_671] : memref<16384x1024xf32, #tpu.memory_space<hbm>> -> memref<8x1024xf32, #tpu.memory_space<hbm>>
    %dma_wait3A_673 = tpu.memref_slice %arg5[%dma_wait3A_665, %dma_wait3A_666] : memref<4x3x!tpu.dma_semaphore, #tpu.memory_space<semaphore_mem>> -> memref<1x1x!tpu.dma_semaphore, #tpu.memory_space<semaphore_mem>>
    %dma_wait3A_674 = tpu.memref_squeeze %dma_wait3A_673 : memref<1x1x!tpu.dma_semaphore, #tpu.memory_space<semaphore_mem>> -> memref<!tpu.dma_semaphore, #tpu.memory_space<semaphore_mem>>
    %dma_wait3A_675 = arith.constant 0 : i32
    %dma_wait3A_676 = arith.constant 0 : i32
    %dma_wait3A_677 = tpu.memref_slice %arg4[%dma_wait3A_663, %dma_wait3A_664, %dma_wait3A_675, %dma_wait3A_676] : memref<4x3x8x1024xf32, #tpu.memory_space<vmem>> -> memref<1x1x8x1024xf32, #tpu.memory_space<vmem>>
    %dma_wait3A_678 = tpu.memref_squeeze %dma_wait3A_677 : memref<1x1x8x1024xf32, #tpu.memory_space<vmem>> -> memref<8x1024xf32, #tpu.memory_space<vmem>>
    %dma_wait3A_679 = arith.constant 0 : i32
    %dma_wait3A_680 = tpu.memref_slice %arg2[%add3A_662, %dma_wait3A_679] : memref<16384x1024xf32, #tpu.memory_space<hbm>> -> memref<8x1024xf32, #tpu.memory_space<hbm>>
    tpu.wait_dma2 semaphore(%dma_wait3A_674 : memref<!tpu.dma_semaphore, #tpu.memory_space<semaphore_mem>>) src(%dma_wait3A_680 : memref<8x1024xf32, #tpu.memory_space<hbm>>) dst(%dma_wait3A_678 : memref<8x1024xf32, #tpu.memory_space<vmem>>)
    %add3A_681 = arith.constant 0 : i32
    %add3A_682 = arith.addi %mul3A_2, %add3A_681 : i32
    %add3A_683 = arith.constant 8 : i32
    %add3A_684 = arith.addi %add3A_682, %add3A_683 : i32
    %dma_start3A_685 = arith.constant 0 : i32
    %dma_start3A_686 = arith.constant 1 : i32
    %dma_start3A_687 = arith.constant 0 : i32
    %dma_start3A_688 = arith.constant 1 : i32
    %dma_start3A_689 = arith.constant 0 : i32
    %dma_start3A_690 = arith.constant 0 : i32
    %dma_start3A_691 = tpu.memref_slice %arg4[%dma_start3A_685, %dma_start3A_686, %dma_start3A_689, %dma_start3A_690] : memref<4x3x8x1024xf32, #tpu.memory_space<vmem>> -> memref<1x1x8x1024xf32, #tpu.memory_space<vmem>>
    %dma_start3A_692 = tpu.memref_squeeze %dma_start3A_691 : memref<1x1x8x1024xf32, #tpu.memory_space<vmem>> -> memref<8x1024xf32, #tpu.memory_space<vmem>>
    %dma_start3A_693 = arith.constant 0 : i32
    %dma_start3A_694 = tpu.memref_slice %arg3[%add3A_684, %dma_start3A_693] : memref<8192x1024xf32, #tpu.memory_space<hbm>> -> memref<8x1024xf32, #tpu.memory_space<hbm>>
    %dma_start3A_695 = tpu.memref_slice %arg6[%dma_start3A_687, %dma_start3A_688] : memref<4x3x!tpu.dma_semaphore, #tpu.memory_space<semaphore_mem>> -> memref<1x1x!tpu.dma_semaphore, #tpu.memory_space<semaphore_mem>>
    %dma_start3A_696 = tpu.memref_squeeze %dma_start3A_695 : memref<1x1x!tpu.dma_semaphore, #tpu.memory_space<semaphore_mem>> -> memref<!tpu.dma_semaphore, #tpu.memory_space<semaphore_mem>>
    %dma_start3A_697 = arith.constant 0 : i32
    %dma_start3A_698 = tpu.memref_slice %arg3[%add3A_684, %dma_start3A_697] : memref<8192x1024xf32, #tpu.memory_space<hbm>> -> memref<8x1024xf32, #tpu.memory_space<hbm>>
    %dma_start3A_699 = arith.constant 0 : i32
    %dma_start3A_700 = arith.constant 0 : i32
    %dma_start3A_701 = tpu.memref_slice %arg4[%dma_start3A_685, %dma_start3A_686, %dma_start3A_699, %dma_start3A_700] : memref<4x3x8x1024xf32, #tpu.memory_space<vmem>> -> memref<1x1x8x1024xf32, #tpu.memory_space<vmem>>
    %dma_start3A_702 = tpu.memref_squeeze %dma_start3A_701 : memref<1x1x8x1024xf32, #tpu.memory_space<vmem>> -> memref<8x1024xf32, #tpu.memory_space<vmem>>
    tpu.enqueue_dma source(%dma_start3A_702 : memref<8x1024xf32, #tpu.memory_space<vmem>>) target(%dma_start3A_698 : memref<8x1024xf32, #tpu.memory_space<hbm>>) target_semaphore(%dma_start3A_696 : memref<!tpu.dma_semaphore, #tpu.memory_space<semaphore_mem>>)
    %add3A_703 = arith.constant 4096 : i32
    %add3A_704 = arith.addi %add3A_703, %mul3A_2 : i32
    %add3A_705 = arith.constant 64 : i32
    %add3A_706 = arith.addi %add3A_704, %add3A_705 : i32
    %add3A_707 = arith.constant 8 : i32
    %add3A_708 = arith.addi %add3A_706, %add3A_707 : i32
    %dma_wait3A_709 = arith.constant 1 : i32
    %dma_wait3A_710 = arith.constant 1 : i32
    %dma_wait3A_711 = arith.constant 1 : i32
    %dma_wait3A_712 = arith.constant 1 : i32
    %dma_wait3A_713 = arith.constant 0 : i32
    %dma_wait3A_714 = arith.constant 0 : i32
    %dma_wait3A_715 = tpu.memref_slice %arg4[%dma_wait3A_709, %dma_wait3A_710, %dma_wait3A_713, %dma_wait3A_714] : memref<4x3x8x1024xf32, #tpu.memory_space<vmem>> -> memref<1x1x8x1024xf32, #tpu.memory_space<vmem>>
    %dma_wait3A_716 = tpu.memref_squeeze %dma_wait3A_715 : memref<1x1x8x1024xf32, #tpu.memory_space<vmem>> -> memref<8x1024xf32, #tpu.memory_space<vmem>>
    %dma_wait3A_717 = arith.constant 0 : i32
    %dma_wait3A_718 = tpu.memref_slice %arg2[%add3A_708, %dma_wait3A_717] : memref<16384x1024xf32, #tpu.memory_space<hbm>> -> memref<8x1024xf32, #tpu.memory_space<hbm>>
    %dma_wait3A_719 = tpu.memref_slice %arg5[%dma_wait3A_711, %dma_wait3A_712] : memref<4x3x!tpu.dma_semaphore, #tpu.memory_space<semaphore_mem>> -> memref<1x1x!tpu.dma_semaphore, #tpu.memory_space<semaphore_mem>>
    %dma_wait3A_720 = tpu.memref_squeeze %dma_wait3A_719 : memref<1x1x!tpu.dma_semaphore, #tpu.memory_space<semaphore_mem>> -> memref<!tpu.dma_semaphore, #tpu.memory_space<semaphore_mem>>
    %dma_wait3A_721 = arith.constant 0 : i32
    %dma_wait3A_722 = arith.constant 0 : i32
    %dma_wait3A_723 = tpu.memref_slice %arg4[%dma_wait3A_709, %dma_wait3A_710, %dma_wait3A_721, %dma_wait3A_722] : memref<4x3x8x1024xf32, #tpu.memory_space<vmem>> -> memref<1x1x8x1024xf32, #tpu.memory_space<vmem>>
    %dma_wait3A_724 = tpu.memref_squeeze %dma_wait3A_723 : memref<1x1x8x1024xf32, #tpu.memory_space<vmem>> -> memref<8x1024xf32, #tpu.memory_space<vmem>>
    %dma_wait3A_725 = arith.constant 0 : i32
    %dma_wait3A_726 = tpu.memref_slice %arg2[%add3A_708, %dma_wait3A_725] : memref<16384x1024xf32, #tpu.memory_space<hbm>> -> memref<8x1024xf32, #tpu.memory_space<hbm>>
    tpu.wait_dma2 semaphore(%dma_wait3A_720 : memref<!tpu.dma_semaphore, #tpu.memory_space<semaphore_mem>>) src(%dma_wait3A_726 : memref<8x1024xf32, #tpu.memory_space<hbm>>) dst(%dma_wait3A_724 : memref<8x1024xf32, #tpu.memory_space<vmem>>)
    %add3A_727 = arith.constant 64 : i32
    %add3A_728 = arith.addi %mul3A_2, %add3A_727 : i32
    %add3A_729 = arith.constant 8 : i32
    %add3A_730 = arith.addi %add3A_728, %add3A_729 : i32
    %dma_start3A_731 = arith.constant 1 : i32
    %dma_start3A_732 = arith.constant 1 : i32
    %dma_start3A_733 = arith.constant 1 : i32
    %dma_start3A_734 = arith.constant 1 : i32
    %dma_start3A_735 = arith.constant 0 : i32
    %dma_start3A_736 = arith.constant 0 : i32
    %dma_start3A_737 = tpu.memref_slice %arg4[%dma_start3A_731, %dma_start3A_732, %dma_start3A_735, %dma_start3A_736] : memref<4x3x8x1024xf32, #tpu.memory_space<vmem>> -> memref<1x1x8x1024xf32, #tpu.memory_space<vmem>>
    %dma_start3A_738 = tpu.memref_squeeze %dma_start3A_737 : memref<1x1x8x1024xf32, #tpu.memory_space<vmem>> -> memref<8x1024xf32, #tpu.memory_space<vmem>>
    %dma_start3A_739 = arith.constant 0 : i32
    %dma_start3A_740 = tpu.memref_slice %arg3[%add3A_730, %dma_start3A_739] : memref<8192x1024xf32, #tpu.memory_space<hbm>> -> memref<8x1024xf32, #tpu.memory_space<hbm>>
    %dma_start3A_741 = tpu.memref_slice %arg6[%dma_start3A_733, %dma_start3A_734] : memref<4x3x!tpu.dma_semaphore, #tpu.memory_space<semaphore_mem>> -> memref<1x1x!tpu.dma_semaphore, #tpu.memory_space<semaphore_mem>>
    %dma_start3A_742 = tpu.memref_squeeze %dma_start3A_741 : memref<1x1x!tpu.dma_semaphore, #tpu.memory_space<semaphore_mem>> -> memref<!tpu.dma_semaphore, #tpu.memory_space<semaphore_mem>>
    %dma_start3A_743 = arith.constant 0 : i32
    %dma_start3A_744 = tpu.memref_slice %arg3[%add3A_730, %dma_start3A_743] : memref<8192x1024xf32, #tpu.memory_space<hbm>> -> memref<8x1024xf32, #tpu.memory_space<hbm>>
    %dma_start3A_745 = arith.constant 0 : i32
    %dma_start3A_746 = arith.constant 0 : i32
    %dma_start3A_747 = tpu.memref_slice %arg4[%dma_start3A_731, %dma_start3A_732, %dma_start3A_745, %dma_start3A_746] : memref<4x3x8x1024xf32, #tpu.memory_space<vmem>> -> memref<1x1x8x1024xf32, #tpu.memory_space<vmem>>
    %dma_start3A_748 = tpu.memref_squeeze %dma_start3A_747 : memref<1x1x8x1024xf32, #tpu.memory_space<vmem>> -> memref<8x1024xf32, #tpu.memory_space<vmem>>
    tpu.enqueue_dma source(%dma_start3A_748 : memref<8x1024xf32, #tpu.memory_space<vmem>>) target(%dma_start3A_744 : memref<8x1024xf32, #tpu.memory_space<hbm>>) target_semaphore(%dma_start3A_742 : memref<!tpu.dma_semaphore, #tpu.memory_space<semaphore_mem>>)
    %add3A_749 = arith.constant 4096 : i32
    %add3A_750 = arith.addi %add3A_749, %mul3A_2 : i32
    %add3A_751 = arith.constant 128 : i32
    %add3A_752 = arith.addi %add3A_750, %add3A_751 : i32
    %add3A_753 = arith.constant 8 : i32
    %add3A_754 = arith.addi %add3A_752, %add3A_753 : i32
    %dma_wait3A_755 = arith.constant 2 : i32
    %dma_wait3A_756 = arith.constant 1 : i32
    %dma_wait3A_757 = arith.constant 2 : i32
    %dma_wait3A_758 = arith.constant 1 : i32
    %dma_wait3A_759 = arith.constant 0 : i32
    %dma_wait3A_760 = arith.constant 0 : i32
    %dma_wait3A_761 = tpu.memref_slice %arg4[%dma_wait3A_755, %dma_wait3A_756, %dma_wait3A_759, %dma_wait3A_760] : memref<4x3x8x1024xf32, #tpu.memory_space<vmem>> -> memref<1x1x8x1024xf32, #tpu.memory_space<vmem>>
    %dma_wait3A_762 = tpu.memref_squeeze %dma_wait3A_761 : memref<1x1x8x1024xf32, #tpu.memory_space<vmem>> -> memref<8x1024xf32, #tpu.memory_space<vmem>>
    %dma_wait3A_763 = arith.constant 0 : i32
    %dma_wait3A_764 = tpu.memref_slice %arg2[%add3A_754, %dma_wait3A_763] : memref<16384x1024xf32, #tpu.memory_space<hbm>> -> memref<8x1024xf32, #tpu.memory_space<hbm>>
    %dma_wait3A_765 = tpu.memref_slice %arg5[%dma_wait3A_757, %dma_wait3A_758] : memref<4x3x!tpu.dma_semaphore, #tpu.memory_space<semaphore_mem>> -> memref<1x1x!tpu.dma_semaphore, #tpu.memory_space<semaphore_mem>>
    %dma_wait3A_766 = tpu.memref_squeeze %dma_wait3A_765 : memref<1x1x!tpu.dma_semaphore, #tpu.memory_space<semaphore_mem>> -> memref<!tpu.dma_semaphore, #tpu.memory_space<semaphore_mem>>
    %dma_wait3A_767 = arith.constant 0 : i32
    %dma_wait3A_768 = arith.constant 0 : i32
    %dma_wait3A_769 = tpu.memref_slice %arg4[%dma_wait3A_755, %dma_wait3A_756, %dma_wait3A_767, %dma_wait3A_768] : memref<4x3x8x1024xf32, #tpu.memory_space<vmem>> -> memref<1x1x8x1024xf32, #tpu.memory_space<vmem>>
    %dma_wait3A_770 = tpu.memref_squeeze %dma_wait3A_769 : memref<1x1x8x1024xf32, #tpu.memory_space<vmem>> -> memref<8x1024xf32, #tpu.memory_space<vmem>>
    %dma_wait3A_771 = arith.constant 0 : i32
    %dma_wait3A_772 = tpu.memref_slice %arg2[%add3A_754, %dma_wait3A_771] : memref<16384x1024xf32, #tpu.memory_space<hbm>> -> memref<8x1024xf32, #tpu.memory_space<hbm>>
    tpu.wait_dma2 semaphore(%dma_wait3A_766 : memref<!tpu.dma_semaphore, #tpu.memory_space<semaphore_mem>>) src(%dma_wait3A_772 : memref<8x1024xf32, #tpu.memory_space<hbm>>) dst(%dma_wait3A_770 : memref<8x1024xf32, #tpu.memory_space<vmem>>)
    %add3A_773 = arith.constant 128 : i32
    %add3A_774 = arith.addi %mul3A_2, %add3A_773 : i32
    %add3A_775 = arith.constant 8 : i32
    %add3A_776 = arith.addi %add3A_774, %add3A_775 : i32
    %dma_start3A_777 = arith.constant 2 : i32
    %dma_start3A_778 = arith.constant 1 : i32
    %dma_start3A_779 = arith.constant 2 : i32
    %dma_start3A_780 = arith.constant 1 : i32
    %dma_start3A_781 = arith.constant 0 : i32
    %dma_start3A_782 = arith.constant 0 : i32
    %dma_start3A_783 = tpu.memref_slice %arg4[%dma_start3A_777, %dma_start3A_778, %dma_start3A_781, %dma_start3A_782] : memref<4x3x8x1024xf32, #tpu.memory_space<vmem>> -> memref<1x1x8x1024xf32, #tpu.memory_space<vmem>>
    %dma_start3A_784 = tpu.memref_squeeze %dma_start3A_783 : memref<1x1x8x1024xf32, #tpu.memory_space<vmem>> -> memref<8x1024xf32, #tpu.memory_space<vmem>>
    %dma_start3A_785 = arith.constant 0 : i32
    %dma_start3A_786 = tpu.memref_slice %arg3[%add3A_776, %dma_start3A_785] : memref<8192x1024xf32, #tpu.memory_space<hbm>> -> memref<8x1024xf32, #tpu.memory_space<hbm>>
    %dma_start3A_787 = tpu.memref_slice %arg6[%dma_start3A_779, %dma_start3A_780] : memref<4x3x!tpu.dma_semaphore, #tpu.memory_space<semaphore_mem>> -> memref<1x1x!tpu.dma_semaphore, #tpu.memory_space<semaphore_mem>>
    %dma_start3A_788 = tpu.memref_squeeze %dma_start3A_787 : memref<1x1x!tpu.dma_semaphore, #tpu.memory_space<semaphore_mem>> -> memref<!tpu.dma_semaphore, #tpu.memory_space<semaphore_mem>>
    %dma_start3A_789 = arith.constant 0 : i32
    %dma_start3A_790 = tpu.memref_slice %arg3[%add3A_776, %dma_start3A_789] : memref<8192x1024xf32, #tpu.memory_space<hbm>> -> memref<8x1024xf32, #tpu.memory_space<hbm>>
    %dma_start3A_791 = arith.constant 0 : i32
    %dma_start3A_792 = arith.constant 0 : i32
    %dma_start3A_793 = tpu.memref_slice %arg4[%dma_start3A_777, %dma_start3A_778, %dma_start3A_791, %dma_start3A_792] : memref<4x3x8x1024xf32, #tpu.memory_space<vmem>> -> memref<1x1x8x1024xf32, #tpu.memory_space<vmem>>
    %dma_start3A_794 = tpu.memref_squeeze %dma_start3A_793 : memref<1x1x8x1024xf32, #tpu.memory_space<vmem>> -> memref<8x1024xf32, #tpu.memory_space<vmem>>
    tpu.enqueue_dma source(%dma_start3A_794 : memref<8x1024xf32, #tpu.memory_space<vmem>>) target(%dma_start3A_790 : memref<8x1024xf32, #tpu.memory_space<hbm>>) target_semaphore(%dma_start3A_788 : memref<!tpu.dma_semaphore, #tpu.memory_space<semaphore_mem>>)
    %add3A_795 = arith.constant 4096 : i32
    %add3A_796 = arith.addi %add3A_795, %mul3A_2 : i32
    %add3A_797 = arith.constant 192 : i32
    %add3A_798 = arith.addi %add3A_796, %add3A_797 : i32
    %add3A_799 = arith.constant 8 : i32
    %add3A_800 = arith.addi %add3A_798, %add3A_799 : i32
    %dma_wait3A_801 = arith.constant 3 : i32
    %dma_wait3A_802 = arith.constant 1 : i32
    %dma_wait3A_803 = arith.constant 3 : i32
    %dma_wait3A_804 = arith.constant 1 : i32
    %dma_wait3A_805 = arith.constant 0 : i32
    %dma_wait3A_806 = arith.constant 0 : i32
    %dma_wait3A_807 = tpu.memref_slice %arg4[%dma_wait3A_801, %dma_wait3A_802, %dma_wait3A_805, %dma_wait3A_806] : memref<4x3x8x1024xf32, #tpu.memory_space<vmem>> -> memref<1x1x8x1024xf32, #tpu.memory_space<vmem>>
    %dma_wait3A_808 = tpu.memref_squeeze %dma_wait3A_807 : memref<1x1x8x1024xf32, #tpu.memory_space<vmem>> -> memref<8x1024xf32, #tpu.memory_space<vmem>>
    %dma_wait3A_809 = arith.constant 0 : i32
    %dma_wait3A_810 = tpu.memref_slice %arg2[%add3A_800, %dma_wait3A_809] : memref<16384x1024xf32, #tpu.memory_space<hbm>> -> memref<8x1024xf32, #tpu.memory_space<hbm>>
    %dma_wait3A_811 = tpu.memref_slice %arg5[%dma_wait3A_803, %dma_wait3A_804] : memref<4x3x!tpu.dma_semaphore, #tpu.memory_space<semaphore_mem>> -> memref<1x1x!tpu.dma_semaphore, #tpu.memory_space<semaphore_mem>>
    %dma_wait3A_812 = tpu.memref_squeeze %dma_wait3A_811 : memref<1x1x!tpu.dma_semaphore, #tpu.memory_space<semaphore_mem>> -> memref<!tpu.dma_semaphore, #tpu.memory_space<semaphore_mem>>
    %dma_wait3A_813 = arith.constant 0 : i32
    %dma_wait3A_814 = arith.constant 0 : i32
    %dma_wait3A_815 = tpu.memref_slice %arg4[%dma_wait3A_801, %dma_wait3A_802, %dma_wait3A_813, %dma_wait3A_814] : memref<4x3x8x1024xf32, #tpu.memory_space<vmem>> -> memref<1x1x8x1024xf32, #tpu.memory_space<vmem>>
    %dma_wait3A_816 = tpu.memref_squeeze %dma_wait3A_815 : memref<1x1x8x1024xf32, #tpu.memory_space<vmem>> -> memref<8x1024xf32, #tpu.memory_space<vmem>>
    %dma_wait3A_817 = arith.constant 0 : i32
    %dma_wait3A_818 = tpu.memref_slice %arg2[%add3A_800, %dma_wait3A_817] : memref<16384x1024xf32, #tpu.memory_space<hbm>> -> memref<8x1024xf32, #tpu.memory_space<hbm>>
    tpu.wait_dma2 semaphore(%dma_wait3A_812 : memref<!tpu.dma_semaphore, #tpu.memory_space<semaphore_mem>>) src(%dma_wait3A_818 : memref<8x1024xf32, #tpu.memory_space<hbm>>) dst(%dma_wait3A_816 : memref<8x1024xf32, #tpu.memory_space<vmem>>)
    %add3A_819 = arith.constant 192 : i32
    %add3A_820 = arith.addi %mul3A_2, %add3A_819 : i32
    %add3A_821 = arith.constant 8 : i32
    %add3A_822 = arith.addi %add3A_820, %add3A_821 : i32
    %dma_start3A_823 = arith.constant 3 : i32
    %dma_start3A_824 = arith.constant 1 : i32
    %dma_start3A_825 = arith.constant 3 : i32
    %dma_start3A_826 = arith.constant 1 : i32
    %dma_start3A_827 = arith.constant 0 : i32
    %dma_start3A_828 = arith.constant 0 : i32
    %dma_start3A_829 = tpu.memref_slice %arg4[%dma_start3A_823, %dma_start3A_824, %dma_start3A_827, %dma_start3A_828] : memref<4x3x8x1024xf32, #tpu.memory_space<vmem>> -> memref<1x1x8x1024xf32, #tpu.memory_space<vmem>>
    %dma_start3A_830 = tpu.memref_squeeze %dma_start3A_829 : memref<1x1x8x1024xf32, #tpu.memory_space<vmem>> -> memref<8x1024xf32, #tpu.memory_space<vmem>>
    %dma_start3A_831 = arith.constant 0 : i32
    %dma_start3A_832 = tpu.memref_slice %arg3[%add3A_822, %dma_start3A_831] : memref<8192x1024xf32, #tpu.memory_space<hbm>> -> memref<8x1024xf32, #tpu.memory_space<hbm>>
    %dma_start3A_833 = tpu.memref_slice %arg6[%dma_start3A_825, %dma_start3A_826] : memref<4x3x!tpu.dma_semaphore, #tpu.memory_space<semaphore_mem>> -> memref<1x1x!tpu.dma_semaphore, #tpu.memory_space<semaphore_mem>>
    %dma_start3A_834 = tpu.memref_squeeze %dma_start3A_833 : memref<1x1x!tpu.dma_semaphore, #tpu.memory_space<semaphore_mem>> -> memref<!tpu.dma_semaphore, #tpu.memory_space<semaphore_mem>>
    %dma_start3A_835 = arith.constant 0 : i32
    %dma_start3A_836 = tpu.memref_slice %arg3[%add3A_822, %dma_start3A_835] : memref<8192x1024xf32, #tpu.memory_space<hbm>> -> memref<8x1024xf32, #tpu.memory_space<hbm>>
    %dma_start3A_837 = arith.constant 0 : i32
    %dma_start3A_838 = arith.constant 0 : i32
    %dma_start3A_839 = tpu.memref_slice %arg4[%dma_start3A_823, %dma_start3A_824, %dma_start3A_837, %dma_start3A_838] : memref<4x3x8x1024xf32, #tpu.memory_space<vmem>> -> memref<1x1x8x1024xf32, #tpu.memory_space<vmem>>
    %dma_start3A_840 = tpu.memref_squeeze %dma_start3A_839 : memref<1x1x8x1024xf32, #tpu.memory_space<vmem>> -> memref<8x1024xf32, #tpu.memory_space<vmem>>
    tpu.enqueue_dma source(%dma_start3A_840 : memref<8x1024xf32, #tpu.memory_space<vmem>>) target(%dma_start3A_836 : memref<8x1024xf32, #tpu.memory_space<hbm>>) target_semaphore(%dma_start3A_834 : memref<!tpu.dma_semaphore, #tpu.memory_space<semaphore_mem>>)
    %add3A_841 = arith.constant 0 : i32
    %add3A_842 = arith.addi %mul3A_2, %add3A_841 : i32
    %add3A_843 = arith.constant 8 : i32
    %add3A_844 = arith.addi %add3A_842, %add3A_843 : i32
    %dma_wait3A_845 = arith.constant 0 : i32
    %dma_wait3A_846 = arith.constant 1 : i32
    %dma_wait3A_847 = arith.constant 0 : i32
    %dma_wait3A_848 = arith.constant 1 : i32
    %dma_wait3A_849 = arith.constant 0 : i32
    %dma_wait3A_850 = arith.constant 0 : i32
    %dma_wait3A_851 = tpu.memref_slice %arg4[%dma_wait3A_845, %dma_wait3A_846, %dma_wait3A_849, %dma_wait3A_850] : memref<4x3x8x1024xf32, #tpu.memory_space<vmem>> -> memref<1x1x8x1024xf32, #tpu.memory_space<vmem>>
    %dma_wait3A_852 = tpu.memref_squeeze %dma_wait3A_851 : memref<1x1x8x1024xf32, #tpu.memory_space<vmem>> -> memref<8x1024xf32, #tpu.memory_space<vmem>>
    %dma_wait3A_853 = arith.constant 0 : i32
    %dma_wait3A_854 = tpu.memref_slice %arg3[%add3A_844, %dma_wait3A_853] : memref<8192x1024xf32, #tpu.memory_space<hbm>> -> memref<8x1024xf32, #tpu.memory_space<hbm>>
    %dma_wait3A_855 = tpu.memref_slice %arg6[%dma_wait3A_847, %dma_wait3A_848] : memref<4x3x!tpu.dma_semaphore, #tpu.memory_space<semaphore_mem>> -> memref<1x1x!tpu.dma_semaphore, #tpu.memory_space<semaphore_mem>>
    %dma_wait3A_856 = tpu.memref_squeeze %dma_wait3A_855 : memref<1x1x!tpu.dma_semaphore, #tpu.memory_space<semaphore_mem>> -> memref<!tpu.dma_semaphore, #tpu.memory_space<semaphore_mem>>
    %dma_wait3A_857 = arith.constant 0 : i32
    %dma_wait3A_858 = tpu.memref_slice %arg3[%add3A_844, %dma_wait3A_857] : memref<8192x1024xf32, #tpu.memory_space<hbm>> -> memref<8x1024xf32, #tpu.memory_space<hbm>>
    %dma_wait3A_859 = arith.constant 0 : i32
    %dma_wait3A_860 = arith.constant 0 : i32
    %dma_wait3A_861 = tpu.memref_slice %arg4[%dma_wait3A_845, %dma_wait3A_846, %dma_wait3A_859, %dma_wait3A_860] : memref<4x3x8x1024xf32, #tpu.memory_space<vmem>> -> memref<1x1x8x1024xf32, #tpu.memory_space<vmem>>
    %dma_wait3A_862 = tpu.memref_squeeze %dma_wait3A_861 : memref<1x1x8x1024xf32, #tpu.memory_space<vmem>> -> memref<8x1024xf32, #tpu.memory_space<vmem>>
    tpu.wait_dma2 semaphore(%dma_wait3A_856 : memref<!tpu.dma_semaphore, #tpu.memory_space<semaphore_mem>>) src(%dma_wait3A_862 : memref<8x1024xf32, #tpu.memory_space<vmem>>) dst(%dma_wait3A_858 : memref<8x1024xf32, #tpu.memory_space<hbm>>)
    %add3A_863 = arith.constant 4096 : i32
    %add3A_864 = arith.addi %add3A_863, %mul3A_2 : i32
    %add3A_865 = arith.constant 0 : i32
    %add3A_866 = arith.addi %add3A_864, %add3A_865 : i32
    %add3A_867 = arith.constant 32 : i32
    %add3A_868 = arith.addi %add3A_866, %add3A_867 : i32
    %dma_start3A_869 = arith.constant 0 : i32
    %dma_start3A_870 = arith.constant 1 : i32
    %dma_start3A_871 = arith.constant 0 : i32
    %dma_start3A_872 = arith.constant 1 : i32
    %dma_start3A_873 = arith.constant 0 : i32
    %dma_start3A_874 = arith.constant 0 : i32
    %dma_start3A_875 = tpu.memref_slice %arg4[%dma_start3A_869, %dma_start3A_870, %dma_start3A_873, %dma_start3A_874] : memref<4x3x8x1024xf32, #tpu.memory_space<vmem>> -> memref<1x1x8x1024xf32, #tpu.memory_space<vmem>>
    %dma_start3A_876 = tpu.memref_squeeze %dma_start3A_875 : memref<1x1x8x1024xf32, #tpu.memory_space<vmem>> -> memref<8x1024xf32, #tpu.memory_space<vmem>>
    %dma_start3A_877 = arith.constant 0 : i32
    %dma_start3A_878 = tpu.memref_slice %arg2[%add3A_868, %dma_start3A_877] : memref<16384x1024xf32, #tpu.memory_space<hbm>> -> memref<8x1024xf32, #tpu.memory_space<hbm>>
    %dma_start3A_879 = tpu.memref_slice %arg5[%dma_start3A_871, %dma_start3A_872] : memref<4x3x!tpu.dma_semaphore, #tpu.memory_space<semaphore_mem>> -> memref<1x1x!tpu.dma_semaphore, #tpu.memory_space<semaphore_mem>>
    %dma_start3A_880 = tpu.memref_squeeze %dma_start3A_879 : memref<1x1x!tpu.dma_semaphore, #tpu.memory_space<semaphore_mem>> -> memref<!tpu.dma_semaphore, #tpu.memory_space<semaphore_mem>>
    %dma_start3A_881 = arith.constant 0 : i32
    %dma_start3A_882 = arith.constant 0 : i32
    %dma_start3A_883 = tpu.memref_slice %arg4[%dma_start3A_869, %dma_start3A_870, %dma_start3A_881, %dma_start3A_882] : memref<4x3x8x1024xf32, #tpu.memory_space<vmem>> -> memref<1x1x8x1024xf32, #tpu.memory_space<vmem>>
    %dma_start3A_884 = tpu.memref_squeeze %dma_start3A_883 : memref<1x1x8x1024xf32, #tpu.memory_space<vmem>> -> memref<8x1024xf32, #tpu.memory_space<vmem>>
    %dma_start3A_885 = arith.constant 0 : i32
    %dma_start3A_886 = tpu.memref_slice %arg2[%add3A_868, %dma_start3A_885] : memref<16384x1024xf32, #tpu.memory_space<hbm>> -> memref<8x1024xf32, #tpu.memory_space<hbm>>
    tpu.enqueue_dma source(%dma_start3A_886 : memref<8x1024xf32, #tpu.memory_space<hbm>>) target(%dma_start3A_884 : memref<8x1024xf32, #tpu.memory_space<vmem>>) target_semaphore(%dma_start3A_880 : memref<!tpu.dma_semaphore, #tpu.memory_space<semaphore_mem>>)
    %add3A_887 = arith.constant 64 : i32
    %add3A_888 = arith.addi %mul3A_2, %add3A_887 : i32
    %add3A_889 = arith.constant 8 : i32
    %add3A_890 = arith.addi %add3A_888, %add3A_889 : i32
    %dma_wait3A_891 = arith.constant 1 : i32
    %dma_wait3A_892 = arith.constant 1 : i32
    %dma_wait3A_893 = arith.constant 1 : i32
    %dma_wait3A_894 = arith.constant 1 : i32
    %dma_wait3A_895 = arith.constant 0 : i32
    %dma_wait3A_896 = arith.constant 0 : i32
    %dma_wait3A_897 = tpu.memref_slice %arg4[%dma_wait3A_891, %dma_wait3A_892, %dma_wait3A_895, %dma_wait3A_896] : memref<4x3x8x1024xf32, #tpu.memory_space<vmem>> -> memref<1x1x8x1024xf32, #tpu.memory_space<vmem>>
    %dma_wait3A_898 = tpu.memref_squeeze %dma_wait3A_897 : memref<1x1x8x1024xf32, #tpu.memory_space<vmem>> -> memref<8x1024xf32, #tpu.memory_space<vmem>>
    %dma_wait3A_899 = arith.constant 0 : i32
    %dma_wait3A_900 = tpu.memref_slice %arg3[%add3A_890, %dma_wait3A_899] : memref<8192x1024xf32, #tpu.memory_space<hbm>> -> memref<8x1024xf32, #tpu.memory_space<hbm>>
    %dma_wait3A_901 = tpu.memref_slice %arg6[%dma_wait3A_893, %dma_wait3A_894] : memref<4x3x!tpu.dma_semaphore, #tpu.memory_space<semaphore_mem>> -> memref<1x1x!tpu.dma_semaphore, #tpu.memory_space<semaphore_mem>>
    %dma_wait3A_902 = tpu.memref_squeeze %dma_wait3A_901 : memref<1x1x!tpu.dma_semaphore, #tpu.memory_space<semaphore_mem>> -> memref<!tpu.dma_semaphore, #tpu.memory_space<semaphore_mem>>
    %dma_wait3A_903 = arith.constant 0 : i32
    %dma_wait3A_904 = tpu.memref_slice %arg3[%add3A_890, %dma_wait3A_903] : memref<8192x1024xf32, #tpu.memory_space<hbm>> -> memref<8x1024xf32, #tpu.memory_space<hbm>>
    %dma_wait3A_905 = arith.constant 0 : i32
    %dma_wait3A_906 = arith.constant 0 : i32
    %dma_wait3A_907 = tpu.memref_slice %arg4[%dma_wait3A_891, %dma_wait3A_892, %dma_wait3A_905, %dma_wait3A_906] : memref<4x3x8x1024xf32, #tpu.memory_space<vmem>> -> memref<1x1x8x1024xf32, #tpu.memory_space<vmem>>
    %dma_wait3A_908 = tpu.memref_squeeze %dma_wait3A_907 : memref<1x1x8x1024xf32, #tpu.memory_space<vmem>> -> memref<8x1024xf32, #tpu.memory_space<vmem>>
    tpu.wait_dma2 semaphore(%dma_wait3A_902 : memref<!tpu.dma_semaphore, #tpu.memory_space<semaphore_mem>>) src(%dma_wait3A_908 : memref<8x1024xf32, #tpu.memory_space<vmem>>) dst(%dma_wait3A_904 : memref<8x1024xf32, #tpu.memory_space<hbm>>)
    %add3A_909 = arith.constant 4096 : i32
    %add3A_910 = arith.addi %add3A_909, %mul3A_2 : i32
    %add3A_911 = arith.constant 64 : i32
    %add3A_912 = arith.addi %add3A_910, %add3A_911 : i32
    %add3A_913 = arith.constant 32 : i32
    %add3A_914 = arith.addi %add3A_912, %add3A_913 : i32
    %dma_start3A_915 = arith.constant 1 : i32
    %dma_start3A_916 = arith.constant 1 : i32
    %dma_start3A_917 = arith.constant 1 : i32
    %dma_start3A_918 = arith.constant 1 : i32
    %dma_start3A_919 = arith.constant 0 : i32
    %dma_start3A_920 = arith.constant 0 : i32
    %dma_start3A_921 = tpu.memref_slice %arg4[%dma_start3A_915, %dma_start3A_916, %dma_start3A_919, %dma_start3A_920] : memref<4x3x8x1024xf32, #tpu.memory_space<vmem>> -> memref<1x1x8x1024xf32, #tpu.memory_space<vmem>>
    %dma_start3A_922 = tpu.memref_squeeze %dma_start3A_921 : memref<1x1x8x1024xf32, #tpu.memory_space<vmem>> -> memref<8x1024xf32, #tpu.memory_space<vmem>>
    %dma_start3A_923 = arith.constant 0 : i32
    %dma_start3A_924 = tpu.memref_slice %arg2[%add3A_914, %dma_start3A_923] : memref<16384x1024xf32, #tpu.memory_space<hbm>> -> memref<8x1024xf32, #tpu.memory_space<hbm>>
    %dma_start3A_925 = tpu.memref_slice %arg5[%dma_start3A_917, %dma_start3A_918] : memref<4x3x!tpu.dma_semaphore, #tpu.memory_space<semaphore_mem>> -> memref<1x1x!tpu.dma_semaphore, #tpu.memory_space<semaphore_mem>>
    %dma_start3A_926 = tpu.memref_squeeze %dma_start3A_925 : memref<1x1x!tpu.dma_semaphore, #tpu.memory_space<semaphore_mem>> -> memref<!tpu.dma_semaphore, #tpu.memory_space<semaphore_mem>>
    %dma_start3A_927 = arith.constant 0 : i32
    %dma_start3A_928 = arith.constant 0 : i32
    %dma_start3A_929 = tpu.memref_slice %arg4[%dma_start3A_915, %dma_start3A_916, %dma_start3A_927, %dma_start3A_928] : memref<4x3x8x1024xf32, #tpu.memory_space<vmem>> -> memref<1x1x8x1024xf32, #tpu.memory_space<vmem>>
    %dma_start3A_930 = tpu.memref_squeeze %dma_start3A_929 : memref<1x1x8x1024xf32, #tpu.memory_space<vmem>> -> memref<8x1024xf32, #tpu.memory_space<vmem>>
    %dma_start3A_931 = arith.constant 0 : i32
    %dma_start3A_932 = tpu.memref_slice %arg2[%add3A_914, %dma_start3A_931] : memref<16384x1024xf32, #tpu.memory_space<hbm>> -> memref<8x1024xf32, #tpu.memory_space<hbm>>
    tpu.enqueue_dma source(%dma_start3A_932 : memref<8x1024xf32, #tpu.memory_space<hbm>>) target(%dma_start3A_930 : memref<8x1024xf32, #tpu.memory_space<vmem>>) target_semaphore(%dma_start3A_926 : memref<!tpu.dma_semaphore, #tpu.memory_space<semaphore_mem>>)
    %add3A_933 = arith.constant 128 : i32
    %add3A_934 = arith.addi %mul3A_2, %add3A_933 : i32
    %add3A_935 = arith.constant 8 : i32
    %add3A_936 = arith.addi %add3A_934, %add3A_935 : i32
    %dma_wait3A_937 = arith.constant 2 : i32
    %dma_wait3A_938 = arith.constant 1 : i32
    %dma_wait3A_939 = arith.constant 2 : i32
    %dma_wait3A_940 = arith.constant 1 : i32
    %dma_wait3A_941 = arith.constant 0 : i32
    %dma_wait3A_942 = arith.constant 0 : i32
    %dma_wait3A_943 = tpu.memref_slice %arg4[%dma_wait3A_937, %dma_wait3A_938, %dma_wait3A_941, %dma_wait3A_942] : memref<4x3x8x1024xf32, #tpu.memory_space<vmem>> -> memref<1x1x8x1024xf32, #tpu.memory_space<vmem>>
    %dma_wait3A_944 = tpu.memref_squeeze %dma_wait3A_943 : memref<1x1x8x1024xf32, #tpu.memory_space<vmem>> -> memref<8x1024xf32, #tpu.memory_space<vmem>>
    %dma_wait3A_945 = arith.constant 0 : i32
    %dma_wait3A_946 = tpu.memref_slice %arg3[%add3A_936, %dma_wait3A_945] : memref<8192x1024xf32, #tpu.memory_space<hbm>> -> memref<8x1024xf32, #tpu.memory_space<hbm>>
    %dma_wait3A_947 = tpu.memref_slice %arg6[%dma_wait3A_939, %dma_wait3A_940] : memref<4x3x!tpu.dma_semaphore, #tpu.memory_space<semaphore_mem>> -> memref<1x1x!tpu.dma_semaphore, #tpu.memory_space<semaphore_mem>>
    %dma_wait3A_948 = tpu.memref_squeeze %dma_wait3A_947 : memref<1x1x!tpu.dma_semaphore, #tpu.memory_space<semaphore_mem>> -> memref<!tpu.dma_semaphore, #tpu.memory_space<semaphore_mem>>
    %dma_wait3A_949 = arith.constant 0 : i32
    %dma_wait3A_950 = tpu.memref_slice %arg3[%add3A_936, %dma_wait3A_949] : memref<8192x1024xf32, #tpu.memory_space<hbm>> -> memref<8x1024xf32, #tpu.memory_space<hbm>>
    %dma_wait3A_951 = arith.constant 0 : i32
    %dma_wait3A_952 = arith.constant 0 : i32
    %dma_wait3A_953 = tpu.memref_slice %arg4[%dma_wait3A_937, %dma_wait3A_938, %dma_wait3A_951, %dma_wait3A_952] : memref<4x3x8x1024xf32, #tpu.memory_space<vmem>> -> memref<1x1x8x1024xf32, #tpu.memory_space<vmem>>
    %dma_wait3A_954 = tpu.memref_squeeze %dma_wait3A_953 : memref<1x1x8x1024xf32, #tpu.memory_space<vmem>> -> memref<8x1024xf32, #tpu.memory_space<vmem>>
    tpu.wait_dma2 semaphore(%dma_wait3A_948 : memref<!tpu.dma_semaphore, #tpu.memory_space<semaphore_mem>>) src(%dma_wait3A_954 : memref<8x1024xf32, #tpu.memory_space<vmem>>) dst(%dma_wait3A_950 : memref<8x1024xf32, #tpu.memory_space<hbm>>)
    %add3A_955 = arith.constant 4096 : i32
    %add3A_956 = arith.addi %add3A_955, %mul3A_2 : i32
    %add3A_957 = arith.constant 128 : i32
    %add3A_958 = arith.addi %add3A_956, %add3A_957 : i32
    %add3A_959 = arith.constant 32 : i32
    %add3A_960 = arith.addi %add3A_958, %add3A_959 : i32
    %dma_start3A_961 = arith.constant 2 : i32
    %dma_start3A_962 = arith.constant 1 : i32
    %dma_start3A_963 = arith.constant 2 : i32
    %dma_start3A_964 = arith.constant 1 : i32
    %dma_start3A_965 = arith.constant 0 : i32
    %dma_start3A_966 = arith.constant 0 : i32
    %dma_start3A_967 = tpu.memref_slice %arg4[%dma_start3A_961, %dma_start3A_962, %dma_start3A_965, %dma_start3A_966] : memref<4x3x8x1024xf32, #tpu.memory_space<vmem>> -> memref<1x1x8x1024xf32, #tpu.memory_space<vmem>>
    %dma_start3A_968 = tpu.memref_squeeze %dma_start3A_967 : memref<1x1x8x1024xf32, #tpu.memory_space<vmem>> -> memref<8x1024xf32, #tpu.memory_space<vmem>>
    %dma_start3A_969 = arith.constant 0 : i32
    %dma_start3A_970 = tpu.memref_slice %arg2[%add3A_960, %dma_start3A_969] : memref<16384x1024xf32, #tpu.memory_space<hbm>> -> memref<8x1024xf32, #tpu.memory_space<hbm>>
    %dma_start3A_971 = tpu.memref_slice %arg5[%dma_start3A_963, %dma_start3A_964] : memref<4x3x!tpu.dma_semaphore, #tpu.memory_space<semaphore_mem>> -> memref<1x1x!tpu.dma_semaphore, #tpu.memory_space<semaphore_mem>>
    %dma_start3A_972 = tpu.memref_squeeze %dma_start3A_971 : memref<1x1x!tpu.dma_semaphore, #tpu.memory_space<semaphore_mem>> -> memref<!tpu.dma_semaphore, #tpu.memory_space<semaphore_mem>>
    %dma_start3A_973 = arith.constant 0 : i32
    %dma_start3A_974 = arith.constant 0 : i32
    %dma_start3A_975 = tpu.memref_slice %arg4[%dma_start3A_961, %dma_start3A_962, %dma_start3A_973, %dma_start3A_974] : memref<4x3x8x1024xf32, #tpu.memory_space<vmem>> -> memref<1x1x8x1024xf32, #tpu.memory_space<vmem>>
    %dma_start3A_976 = tpu.memref_squeeze %dma_start3A_975 : memref<1x1x8x1024xf32, #tpu.memory_space<vmem>> -> memref<8x1024xf32, #tpu.memory_space<vmem>>
    %dma_start3A_977 = arith.constant 0 : i32
    %dma_start3A_978 = tpu.memref_slice %arg2[%add3A_960, %dma_start3A_977] : memref<16384x1024xf32, #tpu.memory_space<hbm>> -> memref<8x1024xf32, #tpu.memory_space<hbm>>
    tpu.enqueue_dma source(%dma_start3A_978 : memref<8x1024xf32, #tpu.memory_space<hbm>>) target(%dma_start3A_976 : memref<8x1024xf32, #tpu.memory_space<vmem>>) target_semaphore(%dma_start3A_972 : memref<!tpu.dma_semaphore, #tpu.memory_space<semaphore_mem>>)
    %add3A_979 = arith.constant 192 : i32
    %add3A_980 = arith.addi %mul3A_2, %add3A_979 : i32
    %add3A_981 = arith.constant 8 : i32
    %add3A_982 = arith.addi %add3A_980, %add3A_981 : i32
    %dma_wait3A_983 = arith.constant 3 : i32
    %dma_wait3A_984 = arith.constant 1 : i32
    %dma_wait3A_985 = arith.constant 3 : i32
    %dma_wait3A_986 = arith.constant 1 : i32
    %dma_wait3A_987 = arith.constant 0 : i32
    %dma_wait3A_988 = arith.constant 0 : i32
    %dma_wait3A_989 = tpu.memref_slice %arg4[%dma_wait3A_983, %dma_wait3A_984, %dma_wait3A_987, %dma_wait3A_988] : memref<4x3x8x1024xf32, #tpu.memory_space<vmem>> -> memref<1x1x8x1024xf32, #tpu.memory_space<vmem>>
    %dma_wait3A_990 = tpu.memref_squeeze %dma_wait3A_989 : memref<1x1x8x1024xf32, #tpu.memory_space<vmem>> -> memref<8x1024xf32, #tpu.memory_space<vmem>>
    %dma_wait3A_991 = arith.constant 0 : i32
    %dma_wait3A_992 = tpu.memref_slice %arg3[%add3A_982, %dma_wait3A_991] : memref<8192x1024xf32, #tpu.memory_space<hbm>> -> memref<8x1024xf32, #tpu.memory_space<hbm>>
    %dma_wait3A_993 = tpu.memref_slice %arg6[%dma_wait3A_985, %dma_wait3A_986] : memref<4x3x!tpu.dma_semaphore, #tpu.memory_space<semaphore_mem>> -> memref<1x1x!tpu.dma_semaphore, #tpu.memory_space<semaphore_mem>>
    %dma_wait3A_994 = tpu.memref_squeeze %dma_wait3A_993 : memref<1x1x!tpu.dma_semaphore, #tpu.memory_space<semaphore_mem>> -> memref<!tpu.dma_semaphore, #tpu.memory_space<semaphore_mem>>
    %dma_wait3A_995 = arith.constant 0 : i32
    %dma_wait3A_996 = tpu.memref_slice %arg3[%add3A_982, %dma_wait3A_995] : memref<8192x1024xf32, #tpu.memory_space<hbm>> -> memref<8x1024xf32, #tpu.memory_space<hbm>>
    %dma_wait3A_997 = arith.constant 0 : i32
    %dma_wait3A_998 = arith.constant 0 : i32
    %dma_wait3A_999 = tpu.memref_slice %arg4[%dma_wait3A_983, %dma_wait3A_984, %dma_wait3A_997, %dma_wait3A_998] : memref<4x3x8x1024xf32, #tpu.memory_space<vmem>> -> memref<1x1x8x1024xf32, #tpu.memory_space<vmem>>
    %dma_wait3A_1000 = tpu.memref_squeeze %dma_wait3A_999 : memref<1x1x8x1024xf32, #tpu.memory_space<vmem>> -> memref<8x1024xf32, #tpu.memory_space<vmem>>
    tpu.wait_dma2 semaphore(%dma_wait3A_994 : memref<!tpu.dma_semaphore, #tpu.memory_space<semaphore_mem>>) src(%dma_wait3A_1000 : memref<8x1024xf32, #tpu.memory_space<vmem>>) dst(%dma_wait3A_996 : memref<8x1024xf32, #tpu.memory_space<hbm>>)
    %add3A_1001 = arith.constant 4096 : i32
    %add3A_1002 = arith.addi %add3A_1001, %mul3A_2 : i32
    %add3A_1003 = arith.constant 192 : i32
    %add3A_1004 = arith.addi %add3A_1002, %add3A_1003 : i32
    %add3A_1005 = arith.constant 32 : i32
    %add3A_1006 = arith.addi %add3A_1004, %add3A_1005 : i32
    %dma_start3A_1007 = arith.constant 3 : i32
    %dma_start3A_1008 = arith.constant 1 : i32
    %dma_start3A_1009 = arith.constant 3 : i32
    %dma_start3A_1010 = arith.constant 1 : i32
    %dma_start3A_1011 = arith.constant 0 : i32
    %dma_start3A_1012 = arith.constant 0 : i32
    %dma_start3A_1013 = tpu.memref_slice %arg4[%dma_start3A_1007, %dma_start3A_1008, %dma_start3A_1011, %dma_start3A_1012] : memref<4x3x8x1024xf32, #tpu.memory_space<vmem>> -> memref<1x1x8x1024xf32, #tpu.memory_space<vmem>>
    %dma_start3A_1014 = tpu.memref_squeeze %dma_start3A_1013 : memref<1x1x8x1024xf32, #tpu.memory_space<vmem>> -> memref<8x1024xf32, #tpu.memory_space<vmem>>
    %dma_start3A_1015 = arith.constant 0 : i32
    %dma_start3A_1016 = tpu.memref_slice %arg2[%add3A_1006, %dma_start3A_1015] : memref<16384x1024xf32, #tpu.memory_space<hbm>> -> memref<8x1024xf32, #tpu.memory_space<hbm>>
    %dma_start3A_1017 = tpu.memref_slice %arg5[%dma_start3A_1009, %dma_start3A_1010] : memref<4x3x!tpu.dma_semaphore, #tpu.memory_space<semaphore_mem>> -> memref<1x1x!tpu.dma_semaphore, #tpu.memory_space<semaphore_mem>>
    %dma_start3A_1018 = tpu.memref_squeeze %dma_start3A_1017 : memref<1x1x!tpu.dma_semaphore, #tpu.memory_space<semaphore_mem>> -> memref<!tpu.dma_semaphore, #tpu.memory_space<semaphore_mem>>
    %dma_start3A_1019 = arith.constant 0 : i32
    %dma_start3A_1020 = arith.constant 0 : i32
    %dma_start3A_1021 = tpu.memref_slice %arg4[%dma_start3A_1007, %dma_start3A_1008, %dma_start3A_1019, %dma_start3A_1020] : memref<4x3x8x1024xf32, #tpu.memory_space<vmem>> -> memref<1x1x8x1024xf32, #tpu.memory_space<vmem>>
    %dma_start3A_1022 = tpu.memref_squeeze %dma_start3A_1021 : memref<1x1x8x1024xf32, #tpu.memory_space<vmem>> -> memref<8x1024xf32, #tpu.memory_space<vmem>>
    %dma_start3A_1023 = arith.constant 0 : i32
    %dma_start3A_1024 = tpu.memref_slice %arg2[%add3A_1006, %dma_start3A_1023] : memref<16384x1024xf32, #tpu.memory_space<hbm>> -> memref<8x1024xf32, #tpu.memory_space<hbm>>
    tpu.enqueue_dma source(%dma_start3A_1024 : memref<8x1024xf32, #tpu.memory_space<hbm>>) target(%dma_start3A_1022 : memref<8x1024xf32, #tpu.memory_space<vmem>>) target_semaphore(%dma_start3A_1018 : memref<!tpu.dma_semaphore, #tpu.memory_space<semaphore_mem>>)
    %add3A_1025 = arith.constant 4096 : i32
    %add3A_1026 = arith.addi %add3A_1025, %mul3A_2 : i32
    %add3A_1027 = arith.constant 0 : i32
    %add3A_1028 = arith.addi %add3A_1026, %add3A_1027 : i32
    %add3A_1029 = arith.constant 16 : i32
    %add3A_1030 = arith.addi %add3A_1028, %add3A_1029 : i32
    %dma_wait3A_1031 = arith.constant 0 : i32
    %dma_wait3A_1032 = arith.constant 2 : i32
    %dma_wait3A_1033 = arith.constant 0 : i32
    %dma_wait3A_1034 = arith.constant 2 : i32
    %dma_wait3A_1035 = arith.constant 0 : i32
    %dma_wait3A_1036 = arith.constant 0 : i32
    %dma_wait3A_1037 = tpu.memref_slice %arg4[%dma_wait3A_1031, %dma_wait3A_1032, %dma_wait3A_1035, %dma_wait3A_1036] : memref<4x3x8x1024xf32, #tpu.memory_space<vmem>> -> memref<1x1x8x1024xf32, #tpu.memory_space<vmem>>
    %dma_wait3A_1038 = tpu.memref_squeeze %dma_wait3A_1037 : memref<1x1x8x1024xf32, #tpu.memory_space<vmem>> -> memref<8x1024xf32, #tpu.memory_space<vmem>>
    %dma_wait3A_1039 = arith.constant 0 : i32
    %dma_wait3A_1040 = tpu.memref_slice %arg2[%add3A_1030, %dma_wait3A_1039] : memref<16384x1024xf32, #tpu.memory_space<hbm>> -> memref<8x1024xf32, #tpu.memory_space<hbm>>
    %dma_wait3A_1041 = tpu.memref_slice %arg5[%dma_wait3A_1033, %dma_wait3A_1034] : memref<4x3x!tpu.dma_semaphore, #tpu.memory_space<semaphore_mem>> -> memref<1x1x!tpu.dma_semaphore, #tpu.memory_space<semaphore_mem>>
    %dma_wait3A_1042 = tpu.memref_squeeze %dma_wait3A_1041 : memref<1x1x!tpu.dma_semaphore, #tpu.memory_space<semaphore_mem>> -> memref<!tpu.dma_semaphore, #tpu.memory_space<semaphore_mem>>
    %dma_wait3A_1043 = arith.constant 0 : i32
    %dma_wait3A_1044 = arith.constant 0 : i32
    %dma_wait3A_1045 = tpu.memref_slice %arg4[%dma_wait3A_1031, %dma_wait3A_1032, %dma_wait3A_1043, %dma_wait3A_1044] : memref<4x3x8x1024xf32, #tpu.memory_space<vmem>> -> memref<1x1x8x1024xf32, #tpu.memory_space<vmem>>
    %dma_wait3A_1046 = tpu.memref_squeeze %dma_wait3A_1045 : memref<1x1x8x1024xf32, #tpu.memory_space<vmem>> -> memref<8x1024xf32, #tpu.memory_space<vmem>>
    %dma_wait3A_1047 = arith.constant 0 : i32
    %dma_wait3A_1048 = tpu.memref_slice %arg2[%add3A_1030, %dma_wait3A_1047] : memref<16384x1024xf32, #tpu.memory_space<hbm>> -> memref<8x1024xf32, #tpu.memory_space<hbm>>
    tpu.wait_dma2 semaphore(%dma_wait3A_1042 : memref<!tpu.dma_semaphore, #tpu.memory_space<semaphore_mem>>) src(%dma_wait3A_1048 : memref<8x1024xf32, #tpu.memory_space<hbm>>) dst(%dma_wait3A_1046 : memref<8x1024xf32, #tpu.memory_space<vmem>>)
    %add3A_1049 = arith.constant 0 : i32
    %add3A_1050 = arith.addi %mul3A_2, %add3A_1049 : i32
    %add3A_1051 = arith.constant 16 : i32
    %add3A_1052 = arith.addi %add3A_1050, %add3A_1051 : i32
    %dma_start3A_1053 = arith.constant 0 : i32
    %dma_start3A_1054 = arith.constant 2 : i32
    %dma_start3A_1055 = arith.constant 0 : i32
    %dma_start3A_1056 = arith.constant 2 : i32
    %dma_start3A_1057 = arith.constant 0 : i32
    %dma_start3A_1058 = arith.constant 0 : i32
    %dma_start3A_1059 = tpu.memref_slice %arg4[%dma_start3A_1053, %dma_start3A_1054, %dma_start3A_1057, %dma_start3A_1058] : memref<4x3x8x1024xf32, #tpu.memory_space<vmem>> -> memref<1x1x8x1024xf32, #tpu.memory_space<vmem>>
    %dma_start3A_1060 = tpu.memref_squeeze %dma_start3A_1059 : memref<1x1x8x1024xf32, #tpu.memory_space<vmem>> -> memref<8x1024xf32, #tpu.memory_space<vmem>>
    %dma_start3A_1061 = arith.constant 0 : i32
    %dma_start3A_1062 = tpu.memref_slice %arg3[%add3A_1052, %dma_start3A_1061] : memref<8192x1024xf32, #tpu.memory_space<hbm>> -> memref<8x1024xf32, #tpu.memory_space<hbm>>
    %dma_start3A_1063 = tpu.memref_slice %arg6[%dma_start3A_1055, %dma_start3A_1056] : memref<4x3x!tpu.dma_semaphore, #tpu.memory_space<semaphore_mem>> -> memref<1x1x!tpu.dma_semaphore, #tpu.memory_space<semaphore_mem>>
    %dma_start3A_1064 = tpu.memref_squeeze %dma_start3A_1063 : memref<1x1x!tpu.dma_semaphore, #tpu.memory_space<semaphore_mem>> -> memref<!tpu.dma_semaphore, #tpu.memory_space<semaphore_mem>>
    %dma_start3A_1065 = arith.constant 0 : i32
    %dma_start3A_1066 = tpu.memref_slice %arg3[%add3A_1052, %dma_start3A_1065] : memref<8192x1024xf32, #tpu.memory_space<hbm>> -> memref<8x1024xf32, #tpu.memory_space<hbm>>
    %dma_start3A_1067 = arith.constant 0 : i32
    %dma_start3A_1068 = arith.constant 0 : i32
    %dma_start3A_1069 = tpu.memref_slice %arg4[%dma_start3A_1053, %dma_start3A_1054, %dma_start3A_1067, %dma_start3A_1068] : memref<4x3x8x1024xf32, #tpu.memory_space<vmem>> -> memref<1x1x8x1024xf32, #tpu.memory_space<vmem>>
    %dma_start3A_1070 = tpu.memref_squeeze %dma_start3A_1069 : memref<1x1x8x1024xf32, #tpu.memory_space<vmem>> -> memref<8x1024xf32, #tpu.memory_space<vmem>>
    tpu.enqueue_dma source(%dma_start3A_1070 : memref<8x1024xf32, #tpu.memory_space<vmem>>) target(%dma_start3A_1066 : memref<8x1024xf32, #tpu.memory_space<hbm>>) target_semaphore(%dma_start3A_1064 : memref<!tpu.dma_semaphore, #tpu.memory_space<semaphore_mem>>)
    %add3A_1071 = arith.constant 4096 : i32
    %add3A_1072 = arith.addi %add3A_1071, %mul3A_2 : i32
    %add3A_1073 = arith.constant 64 : i32
    %add3A_1074 = arith.addi %add3A_1072, %add3A_1073 : i32
    %add3A_1075 = arith.constant 16 : i32
    %add3A_1076 = arith.addi %add3A_1074, %add3A_1075 : i32
    %dma_wait3A_1077 = arith.constant 1 : i32
    %dma_wait3A_1078 = arith.constant 2 : i32
    %dma_wait3A_1079 = arith.constant 1 : i32
    %dma_wait3A_1080 = arith.constant 2 : i32
    %dma_wait3A_1081 = arith.constant 0 : i32
    %dma_wait3A_1082 = arith.constant 0 : i32
    %dma_wait3A_1083 = tpu.memref_slice %arg4[%dma_wait3A_1077, %dma_wait3A_1078, %dma_wait3A_1081, %dma_wait3A_1082] : memref<4x3x8x1024xf32, #tpu.memory_space<vmem>> -> memref<1x1x8x1024xf32, #tpu.memory_space<vmem>>
    %dma_wait3A_1084 = tpu.memref_squeeze %dma_wait3A_1083 : memref<1x1x8x1024xf32, #tpu.memory_space<vmem>> -> memref<8x1024xf32, #tpu.memory_space<vmem>>
    %dma_wait3A_1085 = arith.constant 0 : i32
    %dma_wait3A_1086 = tpu.memref_slice %arg2[%add3A_1076, %dma_wait3A_1085] : memref<16384x1024xf32, #tpu.memory_space<hbm>> -> memref<8x1024xf32, #tpu.memory_space<hbm>>
    %dma_wait3A_1087 = tpu.memref_slice %arg5[%dma_wait3A_1079, %dma_wait3A_1080] : memref<4x3x!tpu.dma_semaphore, #tpu.memory_space<semaphore_mem>> -> memref<1x1x!tpu.dma_semaphore, #tpu.memory_space<semaphore_mem>>
    %dma_wait3A_1088 = tpu.memref_squeeze %dma_wait3A_1087 : memref<1x1x!tpu.dma_semaphore, #tpu.memory_space<semaphore_mem>> -> memref<!tpu.dma_semaphore, #tpu.memory_space<semaphore_mem>>
    %dma_wait3A_1089 = arith.constant 0 : i32
    %dma_wait3A_1090 = arith.constant 0 : i32
    %dma_wait3A_1091 = tpu.memref_slice %arg4[%dma_wait3A_1077, %dma_wait3A_1078, %dma_wait3A_1089, %dma_wait3A_1090] : memref<4x3x8x1024xf32, #tpu.memory_space<vmem>> -> memref<1x1x8x1024xf32, #tpu.memory_space<vmem>>
    %dma_wait3A_1092 = tpu.memref_squeeze %dma_wait3A_1091 : memref<1x1x8x1024xf32, #tpu.memory_space<vmem>> -> memref<8x1024xf32, #tpu.memory_space<vmem>>
    %dma_wait3A_1093 = arith.constant 0 : i32
    %dma_wait3A_1094 = tpu.memref_slice %arg2[%add3A_1076, %dma_wait3A_1093] : memref<16384x1024xf32, #tpu.memory_space<hbm>> -> memref<8x1024xf32, #tpu.memory_space<hbm>>
    tpu.wait_dma2 semaphore(%dma_wait3A_1088 : memref<!tpu.dma_semaphore, #tpu.memory_space<semaphore_mem>>) src(%dma_wait3A_1094 : memref<8x1024xf32, #tpu.memory_space<hbm>>) dst(%dma_wait3A_1092 : memref<8x1024xf32, #tpu.memory_space<vmem>>)
    %add3A_1095 = arith.constant 64 : i32
    %add3A_1096 = arith.addi %mul3A_2, %add3A_1095 : i32
    %add3A_1097 = arith.constant 16 : i32
    %add3A_1098 = arith.addi %add3A_1096, %add3A_1097 : i32
    %dma_start3A_1099 = arith.constant 1 : i32
    %dma_start3A_1100 = arith.constant 2 : i32
    %dma_start3A_1101 = arith.constant 1 : i32
    %dma_start3A_1102 = arith.constant 2 : i32
    %dma_start3A_1103 = arith.constant 0 : i32
    %dma_start3A_1104 = arith.constant 0 : i32
    %dma_start3A_1105 = tpu.memref_slice %arg4[%dma_start3A_1099, %dma_start3A_1100, %dma_start3A_1103, %dma_start3A_1104] : memref<4x3x8x1024xf32, #tpu.memory_space<vmem>> -> memref<1x1x8x1024xf32, #tpu.memory_space<vmem>>
    %dma_start3A_1106 = tpu.memref_squeeze %dma_start3A_1105 : memref<1x1x8x1024xf32, #tpu.memory_space<vmem>> -> memref<8x1024xf32, #tpu.memory_space<vmem>>
    %dma_start3A_1107 = arith.constant 0 : i32
    %dma_start3A_1108 = tpu.memref_slice %arg3[%add3A_1098, %dma_start3A_1107] : memref<8192x1024xf32, #tpu.memory_space<hbm>> -> memref<8x1024xf32, #tpu.memory_space<hbm>>
    %dma_start3A_1109 = tpu.memref_slice %arg6[%dma_start3A_1101, %dma_start3A_1102] : memref<4x3x!tpu.dma_semaphore, #tpu.memory_space<semaphore_mem>> -> memref<1x1x!tpu.dma_semaphore, #tpu.memory_space<semaphore_mem>>
    %dma_start3A_1110 = tpu.memref_squeeze %dma_start3A_1109 : memref<1x1x!tpu.dma_semaphore, #tpu.memory_space<semaphore_mem>> -> memref<!tpu.dma_semaphore, #tpu.memory_space<semaphore_mem>>
    %dma_start3A_1111 = arith.constant 0 : i32
    %dma_start3A_1112 = tpu.memref_slice %arg3[%add3A_1098, %dma_start3A_1111] : memref<8192x1024xf32, #tpu.memory_space<hbm>> -> memref<8x1024xf32, #tpu.memory_space<hbm>>
    %dma_start3A_1113 = arith.constant 0 : i32
    %dma_start3A_1114 = arith.constant 0 : i32
    %dma_start3A_1115 = tpu.memref_slice %arg4[%dma_start3A_1099, %dma_start3A_1100, %dma_start3A_1113, %dma_start3A_1114] : memref<4x3x8x1024xf32, #tpu.memory_space<vmem>> -> memref<1x1x8x1024xf32, #tpu.memory_space<vmem>>
    %dma_start3A_1116 = tpu.memref_squeeze %dma_start3A_1115 : memref<1x1x8x1024xf32, #tpu.memory_space<vmem>> -> memref<8x1024xf32, #tpu.memory_space<vmem>>
    tpu.enqueue_dma source(%dma_start3A_1116 : memref<8x1024xf32, #tpu.memory_space<vmem>>) target(%dma_start3A_1112 : memref<8x1024xf32, #tpu.memory_space<hbm>>) target_semaphore(%dma_start3A_1110 : memref<!tpu.dma_semaphore, #tpu.memory_space<semaphore_mem>>)
    %add3A_1117 = arith.constant 4096 : i32
    %add3A_1118 = arith.addi %add3A_1117, %mul3A_2 : i32
    %add3A_1119 = arith.constant 128 : i32
    %add3A_1120 = arith.addi %add3A_1118, %add3A_1119 : i32
    %add3A_1121 = arith.constant 16 : i32
    %add3A_1122 = arith.addi %add3A_1120, %add3A_1121 : i32
    %dma_wait3A_1123 = arith.constant 2 : i32
    %dma_wait3A_1124 = arith.constant 2 : i32
    %dma_wait3A_1125 = arith.constant 2 : i32
    %dma_wait3A_1126 = arith.constant 2 : i32
    %dma_wait3A_1127 = arith.constant 0 : i32
    %dma_wait3A_1128 = arith.constant 0 : i32
    %dma_wait3A_1129 = tpu.memref_slice %arg4[%dma_wait3A_1123, %dma_wait3A_1124, %dma_wait3A_1127, %dma_wait3A_1128] : memref<4x3x8x1024xf32, #tpu.memory_space<vmem>> -> memref<1x1x8x1024xf32, #tpu.memory_space<vmem>>
    %dma_wait3A_1130 = tpu.memref_squeeze %dma_wait3A_1129 : memref<1x1x8x1024xf32, #tpu.memory_space<vmem>> -> memref<8x1024xf32, #tpu.memory_space<vmem>>
    %dma_wait3A_1131 = arith.constant 0 : i32
    %dma_wait3A_1132 = tpu.memref_slice %arg2[%add3A_1122, %dma_wait3A_1131] : memref<16384x1024xf32, #tpu.memory_space<hbm>> -> memref<8x1024xf32, #tpu.memory_space<hbm>>
    %dma_wait3A_1133 = tpu.memref_slice %arg5[%dma_wait3A_1125, %dma_wait3A_1126] : memref<4x3x!tpu.dma_semaphore, #tpu.memory_space<semaphore_mem>> -> memref<1x1x!tpu.dma_semaphore, #tpu.memory_space<semaphore_mem>>
    %dma_wait3A_1134 = tpu.memref_squeeze %dma_wait3A_1133 : memref<1x1x!tpu.dma_semaphore, #tpu.memory_space<semaphore_mem>> -> memref<!tpu.dma_semaphore, #tpu.memory_space<semaphore_mem>>
    %dma_wait3A_1135 = arith.constant 0 : i32
    %dma_wait3A_1136 = arith.constant 0 : i32
    %dma_wait3A_1137 = tpu.memref_slice %arg4[%dma_wait3A_1123, %dma_wait3A_1124, %dma_wait3A_1135, %dma_wait3A_1136] : memref<4x3x8x1024xf32, #tpu.memory_space<vmem>> -> memref<1x1x8x1024xf32, #tpu.memory_space<vmem>>
    %dma_wait3A_1138 = tpu.memref_squeeze %dma_wait3A_1137 : memref<1x1x8x1024xf32, #tpu.memory_space<vmem>> -> memref<8x1024xf32, #tpu.memory_space<vmem>>
    %dma_wait3A_1139 = arith.constant 0 : i32
    %dma_wait3A_1140 = tpu.memref_slice %arg2[%add3A_1122, %dma_wait3A_1139] : memref<16384x1024xf32, #tpu.memory_space<hbm>> -> memref<8x1024xf32, #tpu.memory_space<hbm>>
    tpu.wait_dma2 semaphore(%dma_wait3A_1134 : memref<!tpu.dma_semaphore, #tpu.memory_space<semaphore_mem>>) src(%dma_wait3A_1140 : memref<8x1024xf32, #tpu.memory_space<hbm>>) dst(%dma_wait3A_1138 : memref<8x1024xf32, #tpu.memory_space<vmem>>)
    %add3A_1141 = arith.constant 128 : i32
    %add3A_1142 = arith.addi %mul3A_2, %add3A_1141 : i32
    %add3A_1143 = arith.constant 16 : i32
    %add3A_1144 = arith.addi %add3A_1142, %add3A_1143 : i32
    %dma_start3A_1145 = arith.constant 2 : i32
    %dma_start3A_1146 = arith.constant 2 : i32
    %dma_start3A_1147 = arith.constant 2 : i32
    %dma_start3A_1148 = arith.constant 2 : i32
    %dma_start3A_1149 = arith.constant 0 : i32
    %dma_start3A_1150 = arith.constant 0 : i32
    %dma_start3A_1151 = tpu.memref_slice %arg4[%dma_start3A_1145, %dma_start3A_1146, %dma_start3A_1149, %dma_start3A_1150] : memref<4x3x8x1024xf32, #tpu.memory_space<vmem>> -> memref<1x1x8x1024xf32, #tpu.memory_space<vmem>>
    %dma_start3A_1152 = tpu.memref_squeeze %dma_start3A_1151 : memref<1x1x8x1024xf32, #tpu.memory_space<vmem>> -> memref<8x1024xf32, #tpu.memory_space<vmem>>
    %dma_start3A_1153 = arith.constant 0 : i32
    %dma_start3A_1154 = tpu.memref_slice %arg3[%add3A_1144, %dma_start3A_1153] : memref<8192x1024xf32, #tpu.memory_space<hbm>> -> memref<8x1024xf32, #tpu.memory_space<hbm>>
    %dma_start3A_1155 = tpu.memref_slice %arg6[%dma_start3A_1147, %dma_start3A_1148] : memref<4x3x!tpu.dma_semaphore, #tpu.memory_space<semaphore_mem>> -> memref<1x1x!tpu.dma_semaphore, #tpu.memory_space<semaphore_mem>>
    %dma_start3A_1156 = tpu.memref_squeeze %dma_start3A_1155 : memref<1x1x!tpu.dma_semaphore, #tpu.memory_space<semaphore_mem>> -> memref<!tpu.dma_semaphore, #tpu.memory_space<semaphore_mem>>
    %dma_start3A_1157 = arith.constant 0 : i32
    %dma_start3A_1158 = tpu.memref_slice %arg3[%add3A_1144, %dma_start3A_1157] : memref<8192x1024xf32, #tpu.memory_space<hbm>> -> memref<8x1024xf32, #tpu.memory_space<hbm>>
    %dma_start3A_1159 = arith.constant 0 : i32
    %dma_start3A_1160 = arith.constant 0 : i32
    %dma_start3A_1161 = tpu.memref_slice %arg4[%dma_start3A_1145, %dma_start3A_1146, %dma_start3A_1159, %dma_start3A_1160] : memref<4x3x8x1024xf32, #tpu.memory_space<vmem>> -> memref<1x1x8x1024xf32, #tpu.memory_space<vmem>>
    %dma_start3A_1162 = tpu.memref_squeeze %dma_start3A_1161 : memref<1x1x8x1024xf32, #tpu.memory_space<vmem>> -> memref<8x1024xf32, #tpu.memory_space<vmem>>
    tpu.enqueue_dma source(%dma_start3A_1162 : memref<8x1024xf32, #tpu.memory_space<vmem>>) target(%dma_start3A_1158 : memref<8x1024xf32, #tpu.memory_space<hbm>>) target_semaphore(%dma_start3A_1156 : memref<!tpu.dma_semaphore, #tpu.memory_space<semaphore_mem>>)
    %add3A_1163 = arith.constant 4096 : i32
    %add3A_1164 = arith.addi %add3A_1163, %mul3A_2 : i32
    %add3A_1165 = arith.constant 192 : i32
    %add3A_1166 = arith.addi %add3A_1164, %add3A_1165 : i32
    %add3A_1167 = arith.constant 16 : i32
    %add3A_1168 = arith.addi %add3A_1166, %add3A_1167 : i32
    %dma_wait3A_1169 = arith.constant 3 : i32
    %dma_wait3A_1170 = arith.constant 2 : i32
    %dma_wait3A_1171 = arith.constant 3 : i32
    %dma_wait3A_1172 = arith.constant 2 : i32
    %dma_wait3A_1173 = arith.constant 0 : i32
    %dma_wait3A_1174 = arith.constant 0 : i32
    %dma_wait3A_1175 = tpu.memref_slice %arg4[%dma_wait3A_1169, %dma_wait3A_1170, %dma_wait3A_1173, %dma_wait3A_1174] : memref<4x3x8x1024xf32, #tpu.memory_space<vmem>> -> memref<1x1x8x1024xf32, #tpu.memory_space<vmem>>
    %dma_wait3A_1176 = tpu.memref_squeeze %dma_wait3A_1175 : memref<1x1x8x1024xf32, #tpu.memory_space<vmem>> -> memref<8x1024xf32, #tpu.memory_space<vmem>>
    %dma_wait3A_1177 = arith.constant 0 : i32
    %dma_wait3A_1178 = tpu.memref_slice %arg2[%add3A_1168, %dma_wait3A_1177] : memref<16384x1024xf32, #tpu.memory_space<hbm>> -> memref<8x1024xf32, #tpu.memory_space<hbm>>
    %dma_wait3A_1179 = tpu.memref_slice %arg5[%dma_wait3A_1171, %dma_wait3A_1172] : memref<4x3x!tpu.dma_semaphore, #tpu.memory_space<semaphore_mem>> -> memref<1x1x!tpu.dma_semaphore, #tpu.memory_space<semaphore_mem>>
    %dma_wait3A_1180 = tpu.memref_squeeze %dma_wait3A_1179 : memref<1x1x!tpu.dma_semaphore, #tpu.memory_space<semaphore_mem>> -> memref<!tpu.dma_semaphore, #tpu.memory_space<semaphore_mem>>
    %dma_wait3A_1181 = arith.constant 0 : i32
    %dma_wait3A_1182 = arith.constant 0 : i32
    %dma_wait3A_1183 = tpu.memref_slice %arg4[%dma_wait3A_1169, %dma_wait3A_1170, %dma_wait3A_1181, %dma_wait3A_1182] : memref<4x3x8x1024xf32, #tpu.memory_space<vmem>> -> memref<1x1x8x1024xf32, #tpu.memory_space<vmem>>
    %dma_wait3A_1184 = tpu.memref_squeeze %dma_wait3A_1183 : memref<1x1x8x1024xf32, #tpu.memory_space<vmem>> -> memref<8x1024xf32, #tpu.memory_space<vmem>>
    %dma_wait3A_1185 = arith.constant 0 : i32
    %dma_wait3A_1186 = tpu.memref_slice %arg2[%add3A_1168, %dma_wait3A_1185] : memref<16384x1024xf32, #tpu.memory_space<hbm>> -> memref<8x1024xf32, #tpu.memory_space<hbm>>
    tpu.wait_dma2 semaphore(%dma_wait3A_1180 : memref<!tpu.dma_semaphore, #tpu.memory_space<semaphore_mem>>) src(%dma_wait3A_1186 : memref<8x1024xf32, #tpu.memory_space<hbm>>) dst(%dma_wait3A_1184 : memref<8x1024xf32, #tpu.memory_space<vmem>>)
    %add3A_1187 = arith.constant 192 : i32
    %add3A_1188 = arith.addi %mul3A_2, %add3A_1187 : i32
    %add3A_1189 = arith.constant 16 : i32
    %add3A_1190 = arith.addi %add3A_1188, %add3A_1189 : i32
    %dma_start3A_1191 = arith.constant 3 : i32
    %dma_start3A_1192 = arith.constant 2 : i32
    %dma_start3A_1193 = arith.constant 3 : i32
    %dma_start3A_1194 = arith.constant 2 : i32
    %dma_start3A_1195 = arith.constant 0 : i32
    %dma_start3A_1196 = arith.constant 0 : i32
    %dma_start3A_1197 = tpu.memref_slice %arg4[%dma_start3A_1191, %dma_start3A_1192, %dma_start3A_1195, %dma_start3A_1196] : memref<4x3x8x1024xf32, #tpu.memory_space<vmem>> -> memref<1x1x8x1024xf32, #tpu.memory_space<vmem>>
    %dma_start3A_1198 = tpu.memref_squeeze %dma_start3A_1197 : memref<1x1x8x1024xf32, #tpu.memory_space<vmem>> -> memref<8x1024xf32, #tpu.memory_space<vmem>>
    %dma_start3A_1199 = arith.constant 0 : i32
    %dma_start3A_1200 = tpu.memref_slice %arg3[%add3A_1190, %dma_start3A_1199] : memref<8192x1024xf32, #tpu.memory_space<hbm>> -> memref<8x1024xf32, #tpu.memory_space<hbm>>
    %dma_start3A_1201 = tpu.memref_slice %arg6[%dma_start3A_1193, %dma_start3A_1194] : memref<4x3x!tpu.dma_semaphore, #tpu.memory_space<semaphore_mem>> -> memref<1x1x!tpu.dma_semaphore, #tpu.memory_space<semaphore_mem>>
    %dma_start3A_1202 = tpu.memref_squeeze %dma_start3A_1201 : memref<1x1x!tpu.dma_semaphore, #tpu.memory_space<semaphore_mem>> -> memref<!tpu.dma_semaphore, #tpu.memory_space<semaphore_mem>>
    %dma_start3A_1203 = arith.constant 0 : i32
    %dma_start3A_1204 = tpu.memref_slice %arg3[%add3A_1190, %dma_start3A_1203] : memref<8192x1024xf32, #tpu.memory_space<hbm>> -> memref<8x1024xf32, #tpu.memory_space<hbm>>
    %dma_start3A_1205 = arith.constant 0 : i32
    %dma_start3A_1206 = arith.constant 0 : i32
    %dma_start3A_1207 = tpu.memref_slice %arg4[%dma_start3A_1191, %dma_start3A_1192, %dma_start3A_1205, %dma_start3A_1206] : memref<4x3x8x1024xf32, #tpu.memory_space<vmem>> -> memref<1x1x8x1024xf32, #tpu.memory_space<vmem>>
    %dma_start3A_1208 = tpu.memref_squeeze %dma_start3A_1207 : memref<1x1x8x1024xf32, #tpu.memory_space<vmem>> -> memref<8x1024xf32, #tpu.memory_space<vmem>>
    tpu.enqueue_dma source(%dma_start3A_1208 : memref<8x1024xf32, #tpu.memory_space<vmem>>) target(%dma_start3A_1204 : memref<8x1024xf32, #tpu.memory_space<hbm>>) target_semaphore(%dma_start3A_1202 : memref<!tpu.dma_semaphore, #tpu.memory_space<semaphore_mem>>)
    %add3A_1209 = arith.constant 0 : i32
    %add3A_1210 = arith.addi %mul3A_2, %add3A_1209 : i32
    %add3A_1211 = arith.constant 16 : i32
    %add3A_1212 = arith.addi %add3A_1210, %add3A_1211 : i32
    %dma_wait3A_1213 = arith.constant 0 : i32
    %dma_wait3A_1214 = arith.constant 2 : i32
    %dma_wait3A_1215 = arith.constant 0 : i32
    %dma_wait3A_1216 = arith.constant 2 : i32
    %dma_wait3A_1217 = arith.constant 0 : i32
    %dma_wait3A_1218 = arith.constant 0 : i32
    %dma_wait3A_1219 = tpu.memref_slice %arg4[%dma_wait3A_1213, %dma_wait3A_1214, %dma_wait3A_1217, %dma_wait3A_1218] : memref<4x3x8x1024xf32, #tpu.memory_space<vmem>> -> memref<1x1x8x1024xf32, #tpu.memory_space<vmem>>
    %dma_wait3A_1220 = tpu.memref_squeeze %dma_wait3A_1219 : memref<1x1x8x1024xf32, #tpu.memory_space<vmem>> -> memref<8x1024xf32, #tpu.memory_space<vmem>>
    %dma_wait3A_1221 = arith.constant 0 : i32
    %dma_wait3A_1222 = tpu.memref_slice %arg3[%add3A_1212, %dma_wait3A_1221] : memref<8192x1024xf32, #tpu.memory_space<hbm>> -> memref<8x1024xf32, #tpu.memory_space<hbm>>
    %dma_wait3A_1223 = tpu.memref_slice %arg6[%dma_wait3A_1215, %dma_wait3A_1216] : memref<4x3x!tpu.dma_semaphore, #tpu.memory_space<semaphore_mem>> -> memref<1x1x!tpu.dma_semaphore, #tpu.memory_space<semaphore_mem>>
    %dma_wait3A_1224 = tpu.memref_squeeze %dma_wait3A_1223 : memref<1x1x!tpu.dma_semaphore, #tpu.memory_space<semaphore_mem>> -> memref<!tpu.dma_semaphore, #tpu.memory_space<semaphore_mem>>
    %dma_wait3A_1225 = arith.constant 0 : i32
    %dma_wait3A_1226 = tpu.memref_slice %arg3[%add3A_1212, %dma_wait3A_1225] : memref<8192x1024xf32, #tpu.memory_space<hbm>> -> memref<8x1024xf32, #tpu.memory_space<hbm>>
    %dma_wait3A_1227 = arith.constant 0 : i32
    %dma_wait3A_1228 = arith.constant 0 : i32
    %dma_wait3A_1229 = tpu.memref_slice %arg4[%dma_wait3A_1213, %dma_wait3A_1214, %dma_wait3A_1227, %dma_wait3A_1228] : memref<4x3x8x1024xf32, #tpu.memory_space<vmem>> -> memref<1x1x8x1024xf32, #tpu.memory_space<vmem>>
    %dma_wait3A_1230 = tpu.memref_squeeze %dma_wait3A_1229 : memref<1x1x8x1024xf32, #tpu.memory_space<vmem>> -> memref<8x1024xf32, #tpu.memory_space<vmem>>
    tpu.wait_dma2 semaphore(%dma_wait3A_1224 : memref<!tpu.dma_semaphore, #tpu.memory_space<semaphore_mem>>) src(%dma_wait3A_1230 : memref<8x1024xf32, #tpu.memory_space<vmem>>) dst(%dma_wait3A_1226 : memref<8x1024xf32, #tpu.memory_space<hbm>>)
    %add3A_1231 = arith.constant 4096 : i32
    %add3A_1232 = arith.addi %add3A_1231, %mul3A_2 : i32
    %add3A_1233 = arith.constant 0 : i32
    %add3A_1234 = arith.addi %add3A_1232, %add3A_1233 : i32
    %add3A_1235 = arith.constant 40 : i32
    %add3A_1236 = arith.addi %add3A_1234, %add3A_1235 : i32
    %dma_start3A_1237 = arith.constant 0 : i32
    %dma_start3A_1238 = arith.constant 2 : i32
    %dma_start3A_1239 = arith.constant 0 : i32
    %dma_start3A_1240 = arith.constant 2 : i32
    %dma_start3A_1241 = arith.constant 0 : i32
    %dma_start3A_1242 = arith.constant 0 : i32
    %dma_start3A_1243 = tpu.memref_slice %arg4[%dma_start3A_1237, %dma_start3A_1238, %dma_start3A_1241, %dma_start3A_1242] : memref<4x3x8x1024xf32, #tpu.memory_space<vmem>> -> memref<1x1x8x1024xf32, #tpu.memory_space<vmem>>
    %dma_start3A_1244 = tpu.memref_squeeze %dma_start3A_1243 : memref<1x1x8x1024xf32, #tpu.memory_space<vmem>> -> memref<8x1024xf32, #tpu.memory_space<vmem>>
    %dma_start3A_1245 = arith.constant 0 : i32
    %dma_start3A_1246 = tpu.memref_slice %arg2[%add3A_1236, %dma_start3A_1245] : memref<16384x1024xf32, #tpu.memory_space<hbm>> -> memref<8x1024xf32, #tpu.memory_space<hbm>>
    %dma_start3A_1247 = tpu.memref_slice %arg5[%dma_start3A_1239, %dma_start3A_1240] : memref<4x3x!tpu.dma_semaphore, #tpu.memory_space<semaphore_mem>> -> memref<1x1x!tpu.dma_semaphore, #tpu.memory_space<semaphore_mem>>
    %dma_start3A_1248 = tpu.memref_squeeze %dma_start3A_1247 : memref<1x1x!tpu.dma_semaphore, #tpu.memory_space<semaphore_mem>> -> memref<!tpu.dma_semaphore, #tpu.memory_space<semaphore_mem>>
    %dma_start3A_1249 = arith.constant 0 : i32
    %dma_start3A_1250 = arith.constant 0 : i32
    %dma_start3A_1251 = tpu.memref_slice %arg4[%dma_start3A_1237, %dma_start3A_1238, %dma_start3A_1249, %dma_start3A_1250] : memref<4x3x8x1024xf32, #tpu.memory_space<vmem>> -> memref<1x1x8x1024xf32, #tpu.memory_space<vmem>>
    %dma_start3A_1252 = tpu.memref_squeeze %dma_start3A_1251 : memref<1x1x8x1024xf32, #tpu.memory_space<vmem>> -> memref<8x1024xf32, #tpu.memory_space<vmem>>
    %dma_start3A_1253 = arith.constant 0 : i32
    %dma_start3A_1254 = tpu.memref_slice %arg2[%add3A_1236, %dma_start3A_1253] : memref<16384x1024xf32, #tpu.memory_space<hbm>> -> memref<8x1024xf32, #tpu.memory_space<hbm>>
    tpu.enqueue_dma source(%dma_start3A_1254 : memref<8x1024xf32, #tpu.memory_space<hbm>>) target(%dma_start3A_1252 : memref<8x1024xf32, #tpu.memory_space<vmem>>) target_semaphore(%dma_start3A_1248 : memref<!tpu.dma_semaphore, #tpu.memory_space<semaphore_mem>>)
    %add3A_1255 = arith.constant 64 : i32
    %add3A_1256 = arith.addi %mul3A_2, %add3A_1255 : i32
    %add3A_1257 = arith.constant 16 : i32
    %add3A_1258 = arith.addi %add3A_1256, %add3A_1257 : i32
    %dma_wait3A_1259 = arith.constant 1 : i32
    %dma_wait3A_1260 = arith.constant 2 : i32
    %dma_wait3A_1261 = arith.constant 1 : i32
    %dma_wait3A_1262 = arith.constant 2 : i32
    %dma_wait3A_1263 = arith.constant 0 : i32
    %dma_wait3A_1264 = arith.constant 0 : i32
    %dma_wait3A_1265 = tpu.memref_slice %arg4[%dma_wait3A_1259, %dma_wait3A_1260, %dma_wait3A_1263, %dma_wait3A_1264] : memref<4x3x8x1024xf32, #tpu.memory_space<vmem>> -> memref<1x1x8x1024xf32, #tpu.memory_space<vmem>>
    %dma_wait3A_1266 = tpu.memref_squeeze %dma_wait3A_1265 : memref<1x1x8x1024xf32, #tpu.memory_space<vmem>> -> memref<8x1024xf32, #tpu.memory_space<vmem>>
    %dma_wait3A_1267 = arith.constant 0 : i32
    %dma_wait3A_1268 = tpu.memref_slice %arg3[%add3A_1258, %dma_wait3A_1267] : memref<8192x1024xf32, #tpu.memory_space<hbm>> -> memref<8x1024xf32, #tpu.memory_space<hbm>>
    %dma_wait3A_1269 = tpu.memref_slice %arg6[%dma_wait3A_1261, %dma_wait3A_1262] : memref<4x3x!tpu.dma_semaphore, #tpu.memory_space<semaphore_mem>> -> memref<1x1x!tpu.dma_semaphore, #tpu.memory_space<semaphore_mem>>
    %dma_wait3A_1270 = tpu.memref_squeeze %dma_wait3A_1269 : memref<1x1x!tpu.dma_semaphore, #tpu.memory_space<semaphore_mem>> -> memref<!tpu.dma_semaphore, #tpu.memory_space<semaphore_mem>>
    %dma_wait3A_1271 = arith.constant 0 : i32
    %dma_wait3A_1272 = tpu.memref_slice %arg3[%add3A_1258, %dma_wait3A_1271] : memref<8192x1024xf32, #tpu.memory_space<hbm>> -> memref<8x1024xf32, #tpu.memory_space<hbm>>
    %dma_wait3A_1273 = arith.constant 0 : i32
    %dma_wait3A_1274 = arith.constant 0 : i32
    %dma_wait3A_1275 = tpu.memref_slice %arg4[%dma_wait3A_1259, %dma_wait3A_1260, %dma_wait3A_1273, %dma_wait3A_1274] : memref<4x3x8x1024xf32, #tpu.memory_space<vmem>> -> memref<1x1x8x1024xf32, #tpu.memory_space<vmem>>
    %dma_wait3A_1276 = tpu.memref_squeeze %dma_wait3A_1275 : memref<1x1x8x1024xf32, #tpu.memory_space<vmem>> -> memref<8x1024xf32, #tpu.memory_space<vmem>>
    tpu.wait_dma2 semaphore(%dma_wait3A_1270 : memref<!tpu.dma_semaphore, #tpu.memory_space<semaphore_mem>>) src(%dma_wait3A_1276 : memref<8x1024xf32, #tpu.memory_space<vmem>>) dst(%dma_wait3A_1272 : memref<8x1024xf32, #tpu.memory_space<hbm>>)
    %add3A_1277 = arith.constant 4096 : i32
    %add3A_1278 = arith.addi %add3A_1277, %mul3A_2 : i32
    %add3A_1279 = arith.constant 64 : i32
    %add3A_1280 = arith.addi %add3A_1278, %add3A_1279 : i32
    %add3A_1281 = arith.constant 40 : i32
    %add3A_1282 = arith.addi %add3A_1280, %add3A_1281 : i32
    %dma_start3A_1283 = arith.constant 1 : i32
    %dma_start3A_1284 = arith.constant 2 : i32
    %dma_start3A_1285 = arith.constant 1 : i32
    %dma_start3A_1286 = arith.constant 2 : i32
    %dma_start3A_1287 = arith.constant 0 : i32
    %dma_start3A_1288 = arith.constant 0 : i32
    %dma_start3A_1289 = tpu.memref_slice %arg4[%dma_start3A_1283, %dma_start3A_1284, %dma_start3A_1287, %dma_start3A_1288] : memref<4x3x8x1024xf32, #tpu.memory_space<vmem>> -> memref<1x1x8x1024xf32, #tpu.memory_space<vmem>>
    %dma_start3A_1290 = tpu.memref_squeeze %dma_start3A_1289 : memref<1x1x8x1024xf32, #tpu.memory_space<vmem>> -> memref<8x1024xf32, #tpu.memory_space<vmem>>
    %dma_start3A_1291 = arith.constant 0 : i32
    %dma_start3A_1292 = tpu.memref_slice %arg2[%add3A_1282, %dma_start3A_1291] : memref<16384x1024xf32, #tpu.memory_space<hbm>> -> memref<8x1024xf32, #tpu.memory_space<hbm>>
    %dma_start3A_1293 = tpu.memref_slice %arg5[%dma_start3A_1285, %dma_start3A_1286] : memref<4x3x!tpu.dma_semaphore, #tpu.memory_space<semaphore_mem>> -> memref<1x1x!tpu.dma_semaphore, #tpu.memory_space<semaphore_mem>>
    %dma_start3A_1294 = tpu.memref_squeeze %dma_start3A_1293 : memref<1x1x!tpu.dma_semaphore, #tpu.memory_space<semaphore_mem>> -> memref<!tpu.dma_semaphore, #tpu.memory_space<semaphore_mem>>
    %dma_start3A_1295 = arith.constant 0 : i32
    %dma_start3A_1296 = arith.constant 0 : i32
    %dma_start3A_1297 = tpu.memref_slice %arg4[%dma_start3A_1283, %dma_start3A_1284, %dma_start3A_1295, %dma_start3A_1296] : memref<4x3x8x1024xf32, #tpu.memory_space<vmem>> -> memref<1x1x8x1024xf32, #tpu.memory_space<vmem>>
    %dma_start3A_1298 = tpu.memref_squeeze %dma_start3A_1297 : memref<1x1x8x1024xf32, #tpu.memory_space<vmem>> -> memref<8x1024xf32, #tpu.memory_space<vmem>>
    %dma_start3A_1299 = arith.constant 0 : i32
    %dma_start3A_1300 = tpu.memref_slice %arg2[%add3A_1282, %dma_start3A_1299] : memref<16384x1024xf32, #tpu.memory_space<hbm>> -> memref<8x1024xf32, #tpu.memory_space<hbm>>
    tpu.enqueue_dma source(%dma_start3A_1300 : memref<8x1024xf32, #tpu.memory_space<hbm>>) target(%dma_start3A_1298 : memref<8x1024xf32, #tpu.memory_space<vmem>>) target_semaphore(%dma_start3A_1294 : memref<!tpu.dma_semaphore, #tpu.memory_space<semaphore_mem>>)
    %add3A_1301 = arith.constant 128 : i32
    %add3A_1302 = arith.addi %mul3A_2, %add3A_1301 : i32
    %add3A_1303 = arith.constant 16 : i32
    %add3A_1304 = arith.addi %add3A_1302, %add3A_1303 : i32
    %dma_wait3A_1305 = arith.constant 2 : i32
    %dma_wait3A_1306 = arith.constant 2 : i32
    %dma_wait3A_1307 = arith.constant 2 : i32
    %dma_wait3A_1308 = arith.constant 2 : i32
    %dma_wait3A_1309 = arith.constant 0 : i32
    %dma_wait3A_1310 = arith.constant 0 : i32
    %dma_wait3A_1311 = tpu.memref_slice %arg4[%dma_wait3A_1305, %dma_wait3A_1306, %dma_wait3A_1309, %dma_wait3A_1310] : memref<4x3x8x1024xf32, #tpu.memory_space<vmem>> -> memref<1x1x8x1024xf32, #tpu.memory_space<vmem>>
    %dma_wait3A_1312 = tpu.memref_squeeze %dma_wait3A_1311 : memref<1x1x8x1024xf32, #tpu.memory_space<vmem>> -> memref<8x1024xf32, #tpu.memory_space<vmem>>
    %dma_wait3A_1313 = arith.constant 0 : i32
    %dma_wait3A_1314 = tpu.memref_slice %arg3[%add3A_1304, %dma_wait3A_1313] : memref<8192x1024xf32, #tpu.memory_space<hbm>> -> memref<8x1024xf32, #tpu.memory_space<hbm>>
    %dma_wait3A_1315 = tpu.memref_slice %arg6[%dma_wait3A_1307, %dma_wait3A_1308] : memref<4x3x!tpu.dma_semaphore, #tpu.memory_space<semaphore_mem>> -> memref<1x1x!tpu.dma_semaphore, #tpu.memory_space<semaphore_mem>>
    %dma_wait3A_1316 = tpu.memref_squeeze %dma_wait3A_1315 : memref<1x1x!tpu.dma_semaphore, #tpu.memory_space<semaphore_mem>> -> memref<!tpu.dma_semaphore, #tpu.memory_space<semaphore_mem>>
    %dma_wait3A_1317 = arith.constant 0 : i32
    %dma_wait3A_1318 = tpu.memref_slice %arg3[%add3A_1304, %dma_wait3A_1317] : memref<8192x1024xf32, #tpu.memory_space<hbm>> -> memref<8x1024xf32, #tpu.memory_space<hbm>>
    %dma_wait3A_1319 = arith.constant 0 : i32
    %dma_wait3A_1320 = arith.constant 0 : i32
    %dma_wait3A_1321 = tpu.memref_slice %arg4[%dma_wait3A_1305, %dma_wait3A_1306, %dma_wait3A_1319, %dma_wait3A_1320] : memref<4x3x8x1024xf32, #tpu.memory_space<vmem>> -> memref<1x1x8x1024xf32, #tpu.memory_space<vmem>>
    %dma_wait3A_1322 = tpu.memref_squeeze %dma_wait3A_1321 : memref<1x1x8x1024xf32, #tpu.memory_space<vmem>> -> memref<8x1024xf32, #tpu.memory_space<vmem>>
    tpu.wait_dma2 semaphore(%dma_wait3A_1316 : memref<!tpu.dma_semaphore, #tpu.memory_space<semaphore_mem>>) src(%dma_wait3A_1322 : memref<8x1024xf32, #tpu.memory_space<vmem>>) dst(%dma_wait3A_1318 : memref<8x1024xf32, #tpu.memory_space<hbm>>)
    %add3A_1323 = arith.constant 4096 : i32
    %add3A_1324 = arith.addi %add3A_1323, %mul3A_2 : i32
    %add3A_1325 = arith.constant 128 : i32
    %add3A_1326 = arith.addi %add3A_1324, %add3A_1325 : i32
    %add3A_1327 = arith.constant 40 : i32
    %add3A_1328 = arith.addi %add3A_1326, %add3A_1327 : i32
    %dma_start3A_1329 = arith.constant 2 : i32
    %dma_start3A_1330 = arith.constant 2 : i32
    %dma_start3A_1331 = arith.constant 2 : i32
    %dma_start3A_1332 = arith.constant 2 : i32
    %dma_start3A_1333 = arith.constant 0 : i32
    %dma_start3A_1334 = arith.constant 0 : i32
    %dma_start3A_1335 = tpu.memref_slice %arg4[%dma_start3A_1329, %dma_start3A_1330, %dma_start3A_1333, %dma_start3A_1334] : memref<4x3x8x1024xf32, #tpu.memory_space<vmem>> -> memref<1x1x8x1024xf32, #tpu.memory_space<vmem>>
    %dma_start3A_1336 = tpu.memref_squeeze %dma_start3A_1335 : memref<1x1x8x1024xf32, #tpu.memory_space<vmem>> -> memref<8x1024xf32, #tpu.memory_space<vmem>>
    %dma_start3A_1337 = arith.constant 0 : i32
    %dma_start3A_1338 = tpu.memref_slice %arg2[%add3A_1328, %dma_start3A_1337] : memref<16384x1024xf32, #tpu.memory_space<hbm>> -> memref<8x1024xf32, #tpu.memory_space<hbm>>
    %dma_start3A_1339 = tpu.memref_slice %arg5[%dma_start3A_1331, %dma_start3A_1332] : memref<4x3x!tpu.dma_semaphore, #tpu.memory_space<semaphore_mem>> -> memref<1x1x!tpu.dma_semaphore, #tpu.memory_space<semaphore_mem>>
    %dma_start3A_1340 = tpu.memref_squeeze %dma_start3A_1339 : memref<1x1x!tpu.dma_semaphore, #tpu.memory_space<semaphore_mem>> -> memref<!tpu.dma_semaphore, #tpu.memory_space<semaphore_mem>>
    %dma_start3A_1341 = arith.constant 0 : i32
    %dma_start3A_1342 = arith.constant 0 : i32
    %dma_start3A_1343 = tpu.memref_slice %arg4[%dma_start3A_1329, %dma_start3A_1330, %dma_start3A_1341, %dma_start3A_1342] : memref<4x3x8x1024xf32, #tpu.memory_space<vmem>> -> memref<1x1x8x1024xf32, #tpu.memory_space<vmem>>
    %dma_start3A_1344 = tpu.memref_squeeze %dma_start3A_1343 : memref<1x1x8x1024xf32, #tpu.memory_space<vmem>> -> memref<8x1024xf32, #tpu.memory_space<vmem>>
    %dma_start3A_1345 = arith.constant 0 : i32
    %dma_start3A_1346 = tpu.memref_slice %arg2[%add3A_1328, %dma_start3A_1345] : memref<16384x1024xf32, #tpu.memory_space<hbm>> -> memref<8x1024xf32, #tpu.memory_space<hbm>>
    tpu.enqueue_dma source(%dma_start3A_1346 : memref<8x1024xf32, #tpu.memory_space<hbm>>) target(%dma_start3A_1344 : memref<8x1024xf32, #tpu.memory_space<vmem>>) target_semaphore(%dma_start3A_1340 : memref<!tpu.dma_semaphore, #tpu.memory_space<semaphore_mem>>)
    %add3A_1347 = arith.constant 192 : i32
    %add3A_1348 = arith.addi %mul3A_2, %add3A_1347 : i32
    %add3A_1349 = arith.constant 16 : i32
    %add3A_1350 = arith.addi %add3A_1348, %add3A_1349 : i32
    %dma_wait3A_1351 = arith.constant 3 : i32
    %dma_wait3A_1352 = arith.constant 2 : i32
    %dma_wait3A_1353 = arith.constant 3 : i32
    %dma_wait3A_1354 = arith.constant 2 : i32
    %dma_wait3A_1355 = arith.constant 0 : i32
    %dma_wait3A_1356 = arith.constant 0 : i32
    %dma_wait3A_1357 = tpu.memref_slice %arg4[%dma_wait3A_1351, %dma_wait3A_1352, %dma_wait3A_1355, %dma_wait3A_1356] : memref<4x3x8x1024xf32, #tpu.memory_space<vmem>> -> memref<1x1x8x1024xf32, #tpu.memory_space<vmem>>
    %dma_wait3A_1358 = tpu.memref_squeeze %dma_wait3A_1357 : memref<1x1x8x1024xf32, #tpu.memory_space<vmem>> -> memref<8x1024xf32, #tpu.memory_space<vmem>>
    %dma_wait3A_1359 = arith.constant 0 : i32
    %dma_wait3A_1360 = tpu.memref_slice %arg3[%add3A_1350, %dma_wait3A_1359] : memref<8192x1024xf32, #tpu.memory_space<hbm>> -> memref<8x1024xf32, #tpu.memory_space<hbm>>
    %dma_wait3A_1361 = tpu.memref_slice %arg6[%dma_wait3A_1353, %dma_wait3A_1354] : memref<4x3x!tpu.dma_semaphore, #tpu.memory_space<semaphore_mem>> -> memref<1x1x!tpu.dma_semaphore, #tpu.memory_space<semaphore_mem>>
    %dma_wait3A_1362 = tpu.memref_squeeze %dma_wait3A_1361 : memref<1x1x!tpu.dma_semaphore, #tpu.memory_space<semaphore_mem>> -> memref<!tpu.dma_semaphore, #tpu.memory_space<semaphore_mem>>
    %dma_wait3A_1363 = arith.constant 0 : i32
    %dma_wait3A_1364 = tpu.memref_slice %arg3[%add3A_1350, %dma_wait3A_1363] : memref<8192x1024xf32, #tpu.memory_space<hbm>> -> memref<8x1024xf32, #tpu.memory_space<hbm>>
    %dma_wait3A_1365 = arith.constant 0 : i32
    %dma_wait3A_1366 = arith.constant 0 : i32
    %dma_wait3A_1367 = tpu.memref_slice %arg4[%dma_wait3A_1351, %dma_wait3A_1352, %dma_wait3A_1365, %dma_wait3A_1366] : memref<4x3x8x1024xf32, #tpu.memory_space<vmem>> -> memref<1x1x8x1024xf32, #tpu.memory_space<vmem>>
    %dma_wait3A_1368 = tpu.memref_squeeze %dma_wait3A_1367 : memref<1x1x8x1024xf32, #tpu.memory_space<vmem>> -> memref<8x1024xf32, #tpu.memory_space<vmem>>
    tpu.wait_dma2 semaphore(%dma_wait3A_1362 : memref<!tpu.dma_semaphore, #tpu.memory_space<semaphore_mem>>) src(%dma_wait3A_1368 : memref<8x1024xf32, #tpu.memory_space<vmem>>) dst(%dma_wait3A_1364 : memref<8x1024xf32, #tpu.memory_space<hbm>>)
    %add3A_1369 = arith.constant 4096 : i32
    %add3A_1370 = arith.addi %add3A_1369, %mul3A_2 : i32
    %add3A_1371 = arith.constant 192 : i32
    %add3A_1372 = arith.addi %add3A_1370, %add3A_1371 : i32
    %add3A_1373 = arith.constant 40 : i32
    %add3A_1374 = arith.addi %add3A_1372, %add3A_1373 : i32
    %dma_start3A_1375 = arith.constant 3 : i32
    %dma_start3A_1376 = arith.constant 2 : i32
    %dma_start3A_1377 = arith.constant 3 : i32
    %dma_start3A_1378 = arith.constant 2 : i32
    %dma_start3A_1379 = arith.constant 0 : i32
    %dma_start3A_1380 = arith.constant 0 : i32
    %dma_start3A_1381 = tpu.memref_slice %arg4[%dma_start3A_1375, %dma_start3A_1376, %dma_start3A_1379, %dma_start3A_1380] : memref<4x3x8x1024xf32, #tpu.memory_space<vmem>> -> memref<1x1x8x1024xf32, #tpu.memory_space<vmem>>
    %dma_start3A_1382 = tpu.memref_squeeze %dma_start3A_1381 : memref<1x1x8x1024xf32, #tpu.memory_space<vmem>> -> memref<8x1024xf32, #tpu.memory_space<vmem>>
    %dma_start3A_1383 = arith.constant 0 : i32
    %dma_start3A_1384 = tpu.memref_slice %arg2[%add3A_1374, %dma_start3A_1383] : memref<16384x1024xf32, #tpu.memory_space<hbm>> -> memref<8x1024xf32, #tpu.memory_space<hbm>>
    %dma_start3A_1385 = tpu.memref_slice %arg5[%dma_start3A_1377, %dma_start3A_1378] : memref<4x3x!tpu.dma_semaphore, #tpu.memory_space<semaphore_mem>> -> memref<1x1x!tpu.dma_semaphore, #tpu.memory_space<semaphore_mem>>
    %dma_start3A_1386 = tpu.memref_squeeze %dma_start3A_1385 : memref<1x1x!tpu.dma_semaphore, #tpu.memory_space<semaphore_mem>> -> memref<!tpu.dma_semaphore, #tpu.memory_space<semaphore_mem>>
    %dma_start3A_1387 = arith.constant 0 : i32
    %dma_start3A_1388 = arith.constant 0 : i32
    %dma_start3A_1389 = tpu.memref_slice %arg4[%dma_start3A_1375, %dma_start3A_1376, %dma_start3A_1387, %dma_start3A_1388] : memref<4x3x8x1024xf32, #tpu.memory_space<vmem>> -> memref<1x1x8x1024xf32, #tpu.memory_space<vmem>>
    %dma_start3A_1390 = tpu.memref_squeeze %dma_start3A_1389 : memref<1x1x8x1024xf32, #tpu.memory_space<vmem>> -> memref<8x1024xf32, #tpu.memory_space<vmem>>
    %dma_start3A_1391 = arith.constant 0 : i32
    %dma_start3A_1392 = tpu.memref_slice %arg2[%add3A_1374, %dma_start3A_1391] : memref<16384x1024xf32, #tpu.memory_space<hbm>> -> memref<8x1024xf32, #tpu.memory_space<hbm>>
    tpu.enqueue_dma source(%dma_start3A_1392 : memref<8x1024xf32, #tpu.memory_space<hbm>>) target(%dma_start3A_1390 : memref<8x1024xf32, #tpu.memory_space<vmem>>) target_semaphore(%dma_start3A_1386 : memref<!tpu.dma_semaphore, #tpu.memory_space<semaphore_mem>>)
    %add3A_1393 = arith.constant 4096 : i32
    %add3A_1394 = arith.addi %add3A_1393, %mul3A_2 : i32
    %add3A_1395 = arith.constant 0 : i32
    %add3A_1396 = arith.addi %add3A_1394, %add3A_1395 : i32
    %add3A_1397 = arith.constant 24 : i32
    %add3A_1398 = arith.addi %add3A_1396, %add3A_1397 : i32
    %dma_wait3A_1399 = arith.constant 0 : i32
    %dma_wait3A_1400 = arith.constant 0 : i32
    %dma_wait3A_1401 = arith.constant 0 : i32
    %dma_wait3A_1402 = arith.constant 0 : i32
    %dma_wait3A_1403 = arith.constant 0 : i32
    %dma_wait3A_1404 = arith.constant 0 : i32
    %dma_wait3A_1405 = tpu.memref_slice %arg4[%dma_wait3A_1399, %dma_wait3A_1400, %dma_wait3A_1403, %dma_wait3A_1404] : memref<4x3x8x1024xf32, #tpu.memory_space<vmem>> -> memref<1x1x8x1024xf32, #tpu.memory_space<vmem>>
    %dma_wait3A_1406 = tpu.memref_squeeze %dma_wait3A_1405 : memref<1x1x8x1024xf32, #tpu.memory_space<vmem>> -> memref<8x1024xf32, #tpu.memory_space<vmem>>
    %dma_wait3A_1407 = arith.constant 0 : i32
    %dma_wait3A_1408 = tpu.memref_slice %arg2[%add3A_1398, %dma_wait3A_1407] : memref<16384x1024xf32, #tpu.memory_space<hbm>> -> memref<8x1024xf32, #tpu.memory_space<hbm>>
    %dma_wait3A_1409 = tpu.memref_slice %arg5[%dma_wait3A_1401, %dma_wait3A_1402] : memref<4x3x!tpu.dma_semaphore, #tpu.memory_space<semaphore_mem>> -> memref<1x1x!tpu.dma_semaphore, #tpu.memory_space<semaphore_mem>>
    %dma_wait3A_1410 = tpu.memref_squeeze %dma_wait3A_1409 : memref<1x1x!tpu.dma_semaphore, #tpu.memory_space<semaphore_mem>> -> memref<!tpu.dma_semaphore, #tpu.memory_space<semaphore_mem>>
    %dma_wait3A_1411 = arith.constant 0 : i32
    %dma_wait3A_1412 = arith.constant 0 : i32
    %dma_wait3A_1413 = tpu.memref_slice %arg4[%dma_wait3A_1399, %dma_wait3A_1400, %dma_wait3A_1411, %dma_wait3A_1412] : memref<4x3x8x1024xf32, #tpu.memory_space<vmem>> -> memref<1x1x8x1024xf32, #tpu.memory_space<vmem>>
    %dma_wait3A_1414 = tpu.memref_squeeze %dma_wait3A_1413 : memref<1x1x8x1024xf32, #tpu.memory_space<vmem>> -> memref<8x1024xf32, #tpu.memory_space<vmem>>
    %dma_wait3A_1415 = arith.constant 0 : i32
    %dma_wait3A_1416 = tpu.memref_slice %arg2[%add3A_1398, %dma_wait3A_1415] : memref<16384x1024xf32, #tpu.memory_space<hbm>> -> memref<8x1024xf32, #tpu.memory_space<hbm>>
    tpu.wait_dma2 semaphore(%dma_wait3A_1410 : memref<!tpu.dma_semaphore, #tpu.memory_space<semaphore_mem>>) src(%dma_wait3A_1416 : memref<8x1024xf32, #tpu.memory_space<hbm>>) dst(%dma_wait3A_1414 : memref<8x1024xf32, #tpu.memory_space<vmem>>)
    %add3A_1417 = arith.constant 0 : i32
    %add3A_1418 = arith.addi %mul3A_2, %add3A_1417 : i32
    %add3A_1419 = arith.constant 24 : i32
    %add3A_1420 = arith.addi %add3A_1418, %add3A_1419 : i32
    %dma_start3A_1421 = arith.constant 0 : i32
    %dma_start3A_1422 = arith.constant 0 : i32
    %dma_start3A_1423 = arith.constant 0 : i32
    %dma_start3A_1424 = arith.constant 0 : i32
    %dma_start3A_1425 = arith.constant 0 : i32
    %dma_start3A_1426 = arith.constant 0 : i32
    %dma_start3A_1427 = tpu.memref_slice %arg4[%dma_start3A_1421, %dma_start3A_1422, %dma_start3A_1425, %dma_start3A_1426] : memref<4x3x8x1024xf32, #tpu.memory_space<vmem>> -> memref<1x1x8x1024xf32, #tpu.memory_space<vmem>>
    %dma_start3A_1428 = tpu.memref_squeeze %dma_start3A_1427 : memref<1x1x8x1024xf32, #tpu.memory_space<vmem>> -> memref<8x1024xf32, #tpu.memory_space<vmem>>
    %dma_start3A_1429 = arith.constant 0 : i32
    %dma_start3A_1430 = tpu.memref_slice %arg3[%add3A_1420, %dma_start3A_1429] : memref<8192x1024xf32, #tpu.memory_space<hbm>> -> memref<8x1024xf32, #tpu.memory_space<hbm>>
    %dma_start3A_1431 = tpu.memref_slice %arg6[%dma_start3A_1423, %dma_start3A_1424] : memref<4x3x!tpu.dma_semaphore, #tpu.memory_space<semaphore_mem>> -> memref<1x1x!tpu.dma_semaphore, #tpu.memory_space<semaphore_mem>>
    %dma_start3A_1432 = tpu.memref_squeeze %dma_start3A_1431 : memref<1x1x!tpu.dma_semaphore, #tpu.memory_space<semaphore_mem>> -> memref<!tpu.dma_semaphore, #tpu.memory_space<semaphore_mem>>
    %dma_start3A_1433 = arith.constant 0 : i32
    %dma_start3A_1434 = tpu.memref_slice %arg3[%add3A_1420, %dma_start3A_1433] : memref<8192x1024xf32, #tpu.memory_space<hbm>> -> memref<8x1024xf32, #tpu.memory_space<hbm>>
    %dma_start3A_1435 = arith.constant 0 : i32
    %dma_start3A_1436 = arith.constant 0 : i32
    %dma_start3A_1437 = tpu.memref_slice %arg4[%dma_start3A_1421, %dma_start3A_1422, %dma_start3A_1435, %dma_start3A_1436] : memref<4x3x8x1024xf32, #tpu.memory_space<vmem>> -> memref<1x1x8x1024xf32, #tpu.memory_space<vmem>>
    %dma_start3A_1438 = tpu.memref_squeeze %dma_start3A_1437 : memref<1x1x8x1024xf32, #tpu.memory_space<vmem>> -> memref<8x1024xf32, #tpu.memory_space<vmem>>
    tpu.enqueue_dma source(%dma_start3A_1438 : memref<8x1024xf32, #tpu.memory_space<vmem>>) target(%dma_start3A_1434 : memref<8x1024xf32, #tpu.memory_space<hbm>>) target_semaphore(%dma_start3A_1432 : memref<!tpu.dma_semaphore, #tpu.memory_space<semaphore_mem>>)
    %add3A_1439 = arith.constant 4096 : i32
    %add3A_1440 = arith.addi %add3A_1439, %mul3A_2 : i32
    %add3A_1441 = arith.constant 64 : i32
    %add3A_1442 = arith.addi %add3A_1440, %add3A_1441 : i32
    %add3A_1443 = arith.constant 24 : i32
    %add3A_1444 = arith.addi %add3A_1442, %add3A_1443 : i32
    %dma_wait3A_1445 = arith.constant 1 : i32
    %dma_wait3A_1446 = arith.constant 0 : i32
    %dma_wait3A_1447 = arith.constant 1 : i32
    %dma_wait3A_1448 = arith.constant 0 : i32
    %dma_wait3A_1449 = arith.constant 0 : i32
    %dma_wait3A_1450 = arith.constant 0 : i32
    %dma_wait3A_1451 = tpu.memref_slice %arg4[%dma_wait3A_1445, %dma_wait3A_1446, %dma_wait3A_1449, %dma_wait3A_1450] : memref<4x3x8x1024xf32, #tpu.memory_space<vmem>> -> memref<1x1x8x1024xf32, #tpu.memory_space<vmem>>
    %dma_wait3A_1452 = tpu.memref_squeeze %dma_wait3A_1451 : memref<1x1x8x1024xf32, #tpu.memory_space<vmem>> -> memref<8x1024xf32, #tpu.memory_space<vmem>>
    %dma_wait3A_1453 = arith.constant 0 : i32
    %dma_wait3A_1454 = tpu.memref_slice %arg2[%add3A_1444, %dma_wait3A_1453] : memref<16384x1024xf32, #tpu.memory_space<hbm>> -> memref<8x1024xf32, #tpu.memory_space<hbm>>
    %dma_wait3A_1455 = tpu.memref_slice %arg5[%dma_wait3A_1447, %dma_wait3A_1448] : memref<4x3x!tpu.dma_semaphore, #tpu.memory_space<semaphore_mem>> -> memref<1x1x!tpu.dma_semaphore, #tpu.memory_space<semaphore_mem>>
    %dma_wait3A_1456 = tpu.memref_squeeze %dma_wait3A_1455 : memref<1x1x!tpu.dma_semaphore, #tpu.memory_space<semaphore_mem>> -> memref<!tpu.dma_semaphore, #tpu.memory_space<semaphore_mem>>
    %dma_wait3A_1457 = arith.constant 0 : i32
    %dma_wait3A_1458 = arith.constant 0 : i32
    %dma_wait3A_1459 = tpu.memref_slice %arg4[%dma_wait3A_1445, %dma_wait3A_1446, %dma_wait3A_1457, %dma_wait3A_1458] : memref<4x3x8x1024xf32, #tpu.memory_space<vmem>> -> memref<1x1x8x1024xf32, #tpu.memory_space<vmem>>
    %dma_wait3A_1460 = tpu.memref_squeeze %dma_wait3A_1459 : memref<1x1x8x1024xf32, #tpu.memory_space<vmem>> -> memref<8x1024xf32, #tpu.memory_space<vmem>>
    %dma_wait3A_1461 = arith.constant 0 : i32
    %dma_wait3A_1462 = tpu.memref_slice %arg2[%add3A_1444, %dma_wait3A_1461] : memref<16384x1024xf32, #tpu.memory_space<hbm>> -> memref<8x1024xf32, #tpu.memory_space<hbm>>
    tpu.wait_dma2 semaphore(%dma_wait3A_1456 : memref<!tpu.dma_semaphore, #tpu.memory_space<semaphore_mem>>) src(%dma_wait3A_1462 : memref<8x1024xf32, #tpu.memory_space<hbm>>) dst(%dma_wait3A_1460 : memref<8x1024xf32, #tpu.memory_space<vmem>>)
    %add3A_1463 = arith.constant 64 : i32
    %add3A_1464 = arith.addi %mul3A_2, %add3A_1463 : i32
    %add3A_1465 = arith.constant 24 : i32
    %add3A_1466 = arith.addi %add3A_1464, %add3A_1465 : i32
    %dma_start3A_1467 = arith.constant 1 : i32
    %dma_start3A_1468 = arith.constant 0 : i32
    %dma_start3A_1469 = arith.constant 1 : i32
    %dma_start3A_1470 = arith.constant 0 : i32
    %dma_start3A_1471 = arith.constant 0 : i32
    %dma_start3A_1472 = arith.constant 0 : i32
    %dma_start3A_1473 = tpu.memref_slice %arg4[%dma_start3A_1467, %dma_start3A_1468, %dma_start3A_1471, %dma_start3A_1472] : memref<4x3x8x1024xf32, #tpu.memory_space<vmem>> -> memref<1x1x8x1024xf32, #tpu.memory_space<vmem>>
    %dma_start3A_1474 = tpu.memref_squeeze %dma_start3A_1473 : memref<1x1x8x1024xf32, #tpu.memory_space<vmem>> -> memref<8x1024xf32, #tpu.memory_space<vmem>>
    %dma_start3A_1475 = arith.constant 0 : i32
    %dma_start3A_1476 = tpu.memref_slice %arg3[%add3A_1466, %dma_start3A_1475] : memref<8192x1024xf32, #tpu.memory_space<hbm>> -> memref<8x1024xf32, #tpu.memory_space<hbm>>
    %dma_start3A_1477 = tpu.memref_slice %arg6[%dma_start3A_1469, %dma_start3A_1470] : memref<4x3x!tpu.dma_semaphore, #tpu.memory_space<semaphore_mem>> -> memref<1x1x!tpu.dma_semaphore, #tpu.memory_space<semaphore_mem>>
    %dma_start3A_1478 = tpu.memref_squeeze %dma_start3A_1477 : memref<1x1x!tpu.dma_semaphore, #tpu.memory_space<semaphore_mem>> -> memref<!tpu.dma_semaphore, #tpu.memory_space<semaphore_mem>>
    %dma_start3A_1479 = arith.constant 0 : i32
    %dma_start3A_1480 = tpu.memref_slice %arg3[%add3A_1466, %dma_start3A_1479] : memref<8192x1024xf32, #tpu.memory_space<hbm>> -> memref<8x1024xf32, #tpu.memory_space<hbm>>
    %dma_start3A_1481 = arith.constant 0 : i32
    %dma_start3A_1482 = arith.constant 0 : i32
    %dma_start3A_1483 = tpu.memref_slice %arg4[%dma_start3A_1467, %dma_start3A_1468, %dma_start3A_1481, %dma_start3A_1482] : memref<4x3x8x1024xf32, #tpu.memory_space<vmem>> -> memref<1x1x8x1024xf32, #tpu.memory_space<vmem>>
    %dma_start3A_1484 = tpu.memref_squeeze %dma_start3A_1483 : memref<1x1x8x1024xf32, #tpu.memory_space<vmem>> -> memref<8x1024xf32, #tpu.memory_space<vmem>>
    tpu.enqueue_dma source(%dma_start3A_1484 : memref<8x1024xf32, #tpu.memory_space<vmem>>) target(%dma_start3A_1480 : memref<8x1024xf32, #tpu.memory_space<hbm>>) target_semaphore(%dma_start3A_1478 : memref<!tpu.dma_semaphore, #tpu.memory_space<semaphore_mem>>)
    %add3A_1485 = arith.constant 4096 : i32
    %add3A_1486 = arith.addi %add3A_1485, %mul3A_2 : i32
    %add3A_1487 = arith.constant 128 : i32
    %add3A_1488 = arith.addi %add3A_1486, %add3A_1487 : i32
    %add3A_1489 = arith.constant 24 : i32
    %add3A_1490 = arith.addi %add3A_1488, %add3A_1489 : i32
    %dma_wait3A_1491 = arith.constant 2 : i32
    %dma_wait3A_1492 = arith.constant 0 : i32
    %dma_wait3A_1493 = arith.constant 2 : i32
    %dma_wait3A_1494 = arith.constant 0 : i32
    %dma_wait3A_1495 = arith.constant 0 : i32
    %dma_wait3A_1496 = arith.constant 0 : i32
    %dma_wait3A_1497 = tpu.memref_slice %arg4[%dma_wait3A_1491, %dma_wait3A_1492, %dma_wait3A_1495, %dma_wait3A_1496] : memref<4x3x8x1024xf32, #tpu.memory_space<vmem>> -> memref<1x1x8x1024xf32, #tpu.memory_space<vmem>>
    %dma_wait3A_1498 = tpu.memref_squeeze %dma_wait3A_1497 : memref<1x1x8x1024xf32, #tpu.memory_space<vmem>> -> memref<8x1024xf32, #tpu.memory_space<vmem>>
    %dma_wait3A_1499 = arith.constant 0 : i32
    %dma_wait3A_1500 = tpu.memref_slice %arg2[%add3A_1490, %dma_wait3A_1499] : memref<16384x1024xf32, #tpu.memory_space<hbm>> -> memref<8x1024xf32, #tpu.memory_space<hbm>>
    %dma_wait3A_1501 = tpu.memref_slice %arg5[%dma_wait3A_1493, %dma_wait3A_1494] : memref<4x3x!tpu.dma_semaphore, #tpu.memory_space<semaphore_mem>> -> memref<1x1x!tpu.dma_semaphore, #tpu.memory_space<semaphore_mem>>
    %dma_wait3A_1502 = tpu.memref_squeeze %dma_wait3A_1501 : memref<1x1x!tpu.dma_semaphore, #tpu.memory_space<semaphore_mem>> -> memref<!tpu.dma_semaphore, #tpu.memory_space<semaphore_mem>>
    %dma_wait3A_1503 = arith.constant 0 : i32
    %dma_wait3A_1504 = arith.constant 0 : i32
    %dma_wait3A_1505 = tpu.memref_slice %arg4[%dma_wait3A_1491, %dma_wait3A_1492, %dma_wait3A_1503, %dma_wait3A_1504] : memref<4x3x8x1024xf32, #tpu.memory_space<vmem>> -> memref<1x1x8x1024xf32, #tpu.memory_space<vmem>>
    %dma_wait3A_1506 = tpu.memref_squeeze %dma_wait3A_1505 : memref<1x1x8x1024xf32, #tpu.memory_space<vmem>> -> memref<8x1024xf32, #tpu.memory_space<vmem>>
    %dma_wait3A_1507 = arith.constant 0 : i32
    %dma_wait3A_1508 = tpu.memref_slice %arg2[%add3A_1490, %dma_wait3A_1507] : memref<16384x1024xf32, #tpu.memory_space<hbm>> -> memref<8x1024xf32, #tpu.memory_space<hbm>>
    tpu.wait_dma2 semaphore(%dma_wait3A_1502 : memref<!tpu.dma_semaphore, #tpu.memory_space<semaphore_mem>>) src(%dma_wait3A_1508 : memref<8x1024xf32, #tpu.memory_space<hbm>>) dst(%dma_wait3A_1506 : memref<8x1024xf32, #tpu.memory_space<vmem>>)
    %add3A_1509 = arith.constant 128 : i32
    %add3A_1510 = arith.addi %mul3A_2, %add3A_1509 : i32
    %add3A_1511 = arith.constant 24 : i32
    %add3A_1512 = arith.addi %add3A_1510, %add3A_1511 : i32
    %dma_start3A_1513 = arith.constant 2 : i32
    %dma_start3A_1514 = arith.constant 0 : i32
    %dma_start3A_1515 = arith.constant 2 : i32
    %dma_start3A_1516 = arith.constant 0 : i32
    %dma_start3A_1517 = arith.constant 0 : i32
    %dma_start3A_1518 = arith.constant 0 : i32
    %dma_start3A_1519 = tpu.memref_slice %arg4[%dma_start3A_1513, %dma_start3A_1514, %dma_start3A_1517, %dma_start3A_1518] : memref<4x3x8x1024xf32, #tpu.memory_space<vmem>> -> memref<1x1x8x1024xf32, #tpu.memory_space<vmem>>
    %dma_start3A_1520 = tpu.memref_squeeze %dma_start3A_1519 : memref<1x1x8x1024xf32, #tpu.memory_space<vmem>> -> memref<8x1024xf32, #tpu.memory_space<vmem>>
    %dma_start3A_1521 = arith.constant 0 : i32
    %dma_start3A_1522 = tpu.memref_slice %arg3[%add3A_1512, %dma_start3A_1521] : memref<8192x1024xf32, #tpu.memory_space<hbm>> -> memref<8x1024xf32, #tpu.memory_space<hbm>>
    %dma_start3A_1523 = tpu.memref_slice %arg6[%dma_start3A_1515, %dma_start3A_1516] : memref<4x3x!tpu.dma_semaphore, #tpu.memory_space<semaphore_mem>> -> memref<1x1x!tpu.dma_semaphore, #tpu.memory_space<semaphore_mem>>
    %dma_start3A_1524 = tpu.memref_squeeze %dma_start3A_1523 : memref<1x1x!tpu.dma_semaphore, #tpu.memory_space<semaphore_mem>> -> memref<!tpu.dma_semaphore, #tpu.memory_space<semaphore_mem>>
    %dma_start3A_1525 = arith.constant 0 : i32
    %dma_start3A_1526 = tpu.memref_slice %arg3[%add3A_1512, %dma_start3A_1525] : memref<8192x1024xf32, #tpu.memory_space<hbm>> -> memref<8x1024xf32, #tpu.memory_space<hbm>>
    %dma_start3A_1527 = arith.constant 0 : i32
    %dma_start3A_1528 = arith.constant 0 : i32
    %dma_start3A_1529 = tpu.memref_slice %arg4[%dma_start3A_1513, %dma_start3A_1514, %dma_start3A_1527, %dma_start3A_1528] : memref<4x3x8x1024xf32, #tpu.memory_space<vmem>> -> memref<1x1x8x1024xf32, #tpu.memory_space<vmem>>
    %dma_start3A_1530 = tpu.memref_squeeze %dma_start3A_1529 : memref<1x1x8x1024xf32, #tpu.memory_space<vmem>> -> memref<8x1024xf32, #tpu.memory_space<vmem>>
    tpu.enqueue_dma source(%dma_start3A_1530 : memref<8x1024xf32, #tpu.memory_space<vmem>>) target(%dma_start3A_1526 : memref<8x1024xf32, #tpu.memory_space<hbm>>) target_semaphore(%dma_start3A_1524 : memref<!tpu.dma_semaphore, #tpu.memory_space<semaphore_mem>>)
    %add3A_1531 = arith.constant 4096 : i32
    %add3A_1532 = arith.addi %add3A_1531, %mul3A_2 : i32
    %add3A_1533 = arith.constant 192 : i32
    %add3A_1534 = arith.addi %add3A_1532, %add3A_1533 : i32
    %add3A_1535 = arith.constant 24 : i32
    %add3A_1536 = arith.addi %add3A_1534, %add3A_1535 : i32
    %dma_wait3A_1537 = arith.constant 3 : i32
    %dma_wait3A_1538 = arith.constant 0 : i32
    %dma_wait3A_1539 = arith.constant 3 : i32
    %dma_wait3A_1540 = arith.constant 0 : i32
    %dma_wait3A_1541 = arith.constant 0 : i32
    %dma_wait3A_1542 = arith.constant 0 : i32
    %dma_wait3A_1543 = tpu.memref_slice %arg4[%dma_wait3A_1537, %dma_wait3A_1538, %dma_wait3A_1541, %dma_wait3A_1542] : memref<4x3x8x1024xf32, #tpu.memory_space<vmem>> -> memref<1x1x8x1024xf32, #tpu.memory_space<vmem>>
    %dma_wait3A_1544 = tpu.memref_squeeze %dma_wait3A_1543 : memref<1x1x8x1024xf32, #tpu.memory_space<vmem>> -> memref<8x1024xf32, #tpu.memory_space<vmem>>
    %dma_wait3A_1545 = arith.constant 0 : i32
    %dma_wait3A_1546 = tpu.memref_slice %arg2[%add3A_1536, %dma_wait3A_1545] : memref<16384x1024xf32, #tpu.memory_space<hbm>> -> memref<8x1024xf32, #tpu.memory_space<hbm>>
    %dma_wait3A_1547 = tpu.memref_slice %arg5[%dma_wait3A_1539, %dma_wait3A_1540] : memref<4x3x!tpu.dma_semaphore, #tpu.memory_space<semaphore_mem>> -> memref<1x1x!tpu.dma_semaphore, #tpu.memory_space<semaphore_mem>>
    %dma_wait3A_1548 = tpu.memref_squeeze %dma_wait3A_1547 : memref<1x1x!tpu.dma_semaphore, #tpu.memory_space<semaphore_mem>> -> memref<!tpu.dma_semaphore, #tpu.memory_space<semaphore_mem>>
    %dma_wait3A_1549 = arith.constant 0 : i32
    %dma_wait3A_1550 = arith.constant 0 : i32
    %dma_wait3A_1551 = tpu.memref_slice %arg4[%dma_wait3A_1537, %dma_wait3A_1538, %dma_wait3A_1549, %dma_wait3A_1550] : memref<4x3x8x1024xf32, #tpu.memory_space<vmem>> -> memref<1x1x8x1024xf32, #tpu.memory_space<vmem>>
    %dma_wait3A_1552 = tpu.memref_squeeze %dma_wait3A_1551 : memref<1x1x8x1024xf32, #tpu.memory_space<vmem>> -> memref<8x1024xf32, #tpu.memory_space<vmem>>
    %dma_wait3A_1553 = arith.constant 0 : i32
    %dma_wait3A_1554 = tpu.memref_slice %arg2[%add3A_1536, %dma_wait3A_1553] : memref<16384x1024xf32, #tpu.memory_space<hbm>> -> memref<8x1024xf32, #tpu.memory_space<hbm>>
    tpu.wait_dma2 semaphore(%dma_wait3A_1548 : memref<!tpu.dma_semaphore, #tpu.memory_space<semaphore_mem>>) src(%dma_wait3A_1554 : memref<8x1024xf32, #tpu.memory_space<hbm>>) dst(%dma_wait3A_1552 : memref<8x1024xf32, #tpu.memory_space<vmem>>)
    %add3A_1555 = arith.constant 192 : i32
    %add3A_1556 = arith.addi %mul3A_2, %add3A_1555 : i32
    %add3A_1557 = arith.constant 24 : i32
    %add3A_1558 = arith.addi %add3A_1556, %add3A_1557 : i32
    %dma_start3A_1559 = arith.constant 3 : i32
    %dma_start3A_1560 = arith.constant 0 : i32
    %dma_start3A_1561 = arith.constant 3 : i32
    %dma_start3A_1562 = arith.constant 0 : i32
    %dma_start3A_1563 = arith.constant 0 : i32
    %dma_start3A_1564 = arith.constant 0 : i32
    %dma_start3A_1565 = tpu.memref_slice %arg4[%dma_start3A_1559, %dma_start3A_1560, %dma_start3A_1563, %dma_start3A_1564] : memref<4x3x8x1024xf32, #tpu.memory_space<vmem>> -> memref<1x1x8x1024xf32, #tpu.memory_space<vmem>>
    %dma_start3A_1566 = tpu.memref_squeeze %dma_start3A_1565 : memref<1x1x8x1024xf32, #tpu.memory_space<vmem>> -> memref<8x1024xf32, #tpu.memory_space<vmem>>
    %dma_start3A_1567 = arith.constant 0 : i32
    %dma_start3A_1568 = tpu.memref_slice %arg3[%add3A_1558, %dma_start3A_1567] : memref<8192x1024xf32, #tpu.memory_space<hbm>> -> memref<8x1024xf32, #tpu.memory_space<hbm>>
    %dma_start3A_1569 = tpu.memref_slice %arg6[%dma_start3A_1561, %dma_start3A_1562] : memref<4x3x!tpu.dma_semaphore, #tpu.memory_space<semaphore_mem>> -> memref<1x1x!tpu.dma_semaphore, #tpu.memory_space<semaphore_mem>>
    %dma_start3A_1570 = tpu.memref_squeeze %dma_start3A_1569 : memref<1x1x!tpu.dma_semaphore, #tpu.memory_space<semaphore_mem>> -> memref<!tpu.dma_semaphore, #tpu.memory_space<semaphore_mem>>
    %dma_start3A_1571 = arith.constant 0 : i32
    %dma_start3A_1572 = tpu.memref_slice %arg3[%add3A_1558, %dma_start3A_1571] : memref<8192x1024xf32, #tpu.memory_space<hbm>> -> memref<8x1024xf32, #tpu.memory_space<hbm>>
    %dma_start3A_1573 = arith.constant 0 : i32
    %dma_start3A_1574 = arith.constant 0 : i32
    %dma_start3A_1575 = tpu.memref_slice %arg4[%dma_start3A_1559, %dma_start3A_1560, %dma_start3A_1573, %dma_start3A_1574] : memref<4x3x8x1024xf32, #tpu.memory_space<vmem>> -> memref<1x1x8x1024xf32, #tpu.memory_space<vmem>>
    %dma_start3A_1576 = tpu.memref_squeeze %dma_start3A_1575 : memref<1x1x8x1024xf32, #tpu.memory_space<vmem>> -> memref<8x1024xf32, #tpu.memory_space<vmem>>
    tpu.enqueue_dma source(%dma_start3A_1576 : memref<8x1024xf32, #tpu.memory_space<vmem>>) target(%dma_start3A_1572 : memref<8x1024xf32, #tpu.memory_space<hbm>>) target_semaphore(%dma_start3A_1570 : memref<!tpu.dma_semaphore, #tpu.memory_space<semaphore_mem>>)
    %add3A_1577 = arith.constant 0 : i32
    %add3A_1578 = arith.addi %mul3A_2, %add3A_1577 : i32
    %add3A_1579 = arith.constant 24 : i32
    %add3A_1580 = arith.addi %add3A_1578, %add3A_1579 : i32
    %dma_wait3A_1581 = arith.constant 0 : i32
    %dma_wait3A_1582 = arith.constant 0 : i32
    %dma_wait3A_1583 = arith.constant 0 : i32
    %dma_wait3A_1584 = arith.constant 0 : i32
    %dma_wait3A_1585 = arith.constant 0 : i32
    %dma_wait3A_1586 = arith.constant 0 : i32
    %dma_wait3A_1587 = tpu.memref_slice %arg4[%dma_wait3A_1581, %dma_wait3A_1582, %dma_wait3A_1585, %dma_wait3A_1586] : memref<4x3x8x1024xf32, #tpu.memory_space<vmem>> -> memref<1x1x8x1024xf32, #tpu.memory_space<vmem>>
    %dma_wait3A_1588 = tpu.memref_squeeze %dma_wait3A_1587 : memref<1x1x8x1024xf32, #tpu.memory_space<vmem>> -> memref<8x1024xf32, #tpu.memory_space<vmem>>
    %dma_wait3A_1589 = arith.constant 0 : i32
    %dma_wait3A_1590 = tpu.memref_slice %arg3[%add3A_1580, %dma_wait3A_1589] : memref<8192x1024xf32, #tpu.memory_space<hbm>> -> memref<8x1024xf32, #tpu.memory_space<hbm>>
    %dma_wait3A_1591 = tpu.memref_slice %arg6[%dma_wait3A_1583, %dma_wait3A_1584] : memref<4x3x!tpu.dma_semaphore, #tpu.memory_space<semaphore_mem>> -> memref<1x1x!tpu.dma_semaphore, #tpu.memory_space<semaphore_mem>>
    %dma_wait3A_1592 = tpu.memref_squeeze %dma_wait3A_1591 : memref<1x1x!tpu.dma_semaphore, #tpu.memory_space<semaphore_mem>> -> memref<!tpu.dma_semaphore, #tpu.memory_space<semaphore_mem>>
    %dma_wait3A_1593 = arith.constant 0 : i32
    %dma_wait3A_1594 = tpu.memref_slice %arg3[%add3A_1580, %dma_wait3A_1593] : memref<8192x1024xf32, #tpu.memory_space<hbm>> -> memref<8x1024xf32, #tpu.memory_space<hbm>>
    %dma_wait3A_1595 = arith.constant 0 : i32
    %dma_wait3A_1596 = arith.constant 0 : i32
    %dma_wait3A_1597 = tpu.memref_slice %arg4[%dma_wait3A_1581, %dma_wait3A_1582, %dma_wait3A_1595, %dma_wait3A_1596] : memref<4x3x8x1024xf32, #tpu.memory_space<vmem>> -> memref<1x1x8x1024xf32, #tpu.memory_space<vmem>>
    %dma_wait3A_1598 = tpu.memref_squeeze %dma_wait3A_1597 : memref<1x1x8x1024xf32, #tpu.memory_space<vmem>> -> memref<8x1024xf32, #tpu.memory_space<vmem>>
    tpu.wait_dma2 semaphore(%dma_wait3A_1592 : memref<!tpu.dma_semaphore, #tpu.memory_space<semaphore_mem>>) src(%dma_wait3A_1598 : memref<8x1024xf32, #tpu.memory_space<vmem>>) dst(%dma_wait3A_1594 : memref<8x1024xf32, #tpu.memory_space<hbm>>)
    %add3A_1599 = arith.constant 4096 : i32
    %add3A_1600 = arith.addi %add3A_1599, %mul3A_2 : i32
    %add3A_1601 = arith.constant 0 : i32
    %add3A_1602 = arith.addi %add3A_1600, %add3A_1601 : i32
    %add3A_1603 = arith.constant 48 : i32
    %add3A_1604 = arith.addi %add3A_1602, %add3A_1603 : i32
    %dma_start3A_1605 = arith.constant 0 : i32
    %dma_start3A_1606 = arith.constant 0 : i32
    %dma_start3A_1607 = arith.constant 0 : i32
    %dma_start3A_1608 = arith.constant 0 : i32
    %dma_start3A_1609 = arith.constant 0 : i32
    %dma_start3A_1610 = arith.constant 0 : i32
    %dma_start3A_1611 = tpu.memref_slice %arg4[%dma_start3A_1605, %dma_start3A_1606, %dma_start3A_1609, %dma_start3A_1610] : memref<4x3x8x1024xf32, #tpu.memory_space<vmem>> -> memref<1x1x8x1024xf32, #tpu.memory_space<vmem>>
    %dma_start3A_1612 = tpu.memref_squeeze %dma_start3A_1611 : memref<1x1x8x1024xf32, #tpu.memory_space<vmem>> -> memref<8x1024xf32, #tpu.memory_space<vmem>>
    %dma_start3A_1613 = arith.constant 0 : i32
    %dma_start3A_1614 = tpu.memref_slice %arg2[%add3A_1604, %dma_start3A_1613] : memref<16384x1024xf32, #tpu.memory_space<hbm>> -> memref<8x1024xf32, #tpu.memory_space<hbm>>
    %dma_start3A_1615 = tpu.memref_slice %arg5[%dma_start3A_1607, %dma_start3A_1608] : memref<4x3x!tpu.dma_semaphore, #tpu.memory_space<semaphore_mem>> -> memref<1x1x!tpu.dma_semaphore, #tpu.memory_space<semaphore_mem>>
    %dma_start3A_1616 = tpu.memref_squeeze %dma_start3A_1615 : memref<1x1x!tpu.dma_semaphore, #tpu.memory_space<semaphore_mem>> -> memref<!tpu.dma_semaphore, #tpu.memory_space<semaphore_mem>>
    %dma_start3A_1617 = arith.constant 0 : i32
    %dma_start3A_1618 = arith.constant 0 : i32
    %dma_start3A_1619 = tpu.memref_slice %arg4[%dma_start3A_1605, %dma_start3A_1606, %dma_start3A_1617, %dma_start3A_1618] : memref<4x3x8x1024xf32, #tpu.memory_space<vmem>> -> memref<1x1x8x1024xf32, #tpu.memory_space<vmem>>
    %dma_start3A_1620 = tpu.memref_squeeze %dma_start3A_1619 : memref<1x1x8x1024xf32, #tpu.memory_space<vmem>> -> memref<8x1024xf32, #tpu.memory_space<vmem>>
    %dma_start3A_1621 = arith.constant 0 : i32
    %dma_start3A_1622 = tpu.memref_slice %arg2[%add3A_1604, %dma_start3A_1621] : memref<16384x1024xf32, #tpu.memory_space<hbm>> -> memref<8x1024xf32, #tpu.memory_space<hbm>>
    tpu.enqueue_dma source(%dma_start3A_1622 : memref<8x1024xf32, #tpu.memory_space<hbm>>) target(%dma_start3A_1620 : memref<8x1024xf32, #tpu.memory_space<vmem>>) target_semaphore(%dma_start3A_1616 : memref<!tpu.dma_semaphore, #tpu.memory_space<semaphore_mem>>)
    %add3A_1623 = arith.constant 64 : i32
    %add3A_1624 = arith.addi %mul3A_2, %add3A_1623 : i32
    %add3A_1625 = arith.constant 24 : i32
    %add3A_1626 = arith.addi %add3A_1624, %add3A_1625 : i32
    %dma_wait3A_1627 = arith.constant 1 : i32
    %dma_wait3A_1628 = arith.constant 0 : i32
    %dma_wait3A_1629 = arith.constant 1 : i32
    %dma_wait3A_1630 = arith.constant 0 : i32
    %dma_wait3A_1631 = arith.constant 0 : i32
    %dma_wait3A_1632 = arith.constant 0 : i32
    %dma_wait3A_1633 = tpu.memref_slice %arg4[%dma_wait3A_1627, %dma_wait3A_1628, %dma_wait3A_1631, %dma_wait3A_1632] : memref<4x3x8x1024xf32, #tpu.memory_space<vmem>> -> memref<1x1x8x1024xf32, #tpu.memory_space<vmem>>
    %dma_wait3A_1634 = tpu.memref_squeeze %dma_wait3A_1633 : memref<1x1x8x1024xf32, #tpu.memory_space<vmem>> -> memref<8x1024xf32, #tpu.memory_space<vmem>>
    %dma_wait3A_1635 = arith.constant 0 : i32
    %dma_wait3A_1636 = tpu.memref_slice %arg3[%add3A_1626, %dma_wait3A_1635] : memref<8192x1024xf32, #tpu.memory_space<hbm>> -> memref<8x1024xf32, #tpu.memory_space<hbm>>
    %dma_wait3A_1637 = tpu.memref_slice %arg6[%dma_wait3A_1629, %dma_wait3A_1630] : memref<4x3x!tpu.dma_semaphore, #tpu.memory_space<semaphore_mem>> -> memref<1x1x!tpu.dma_semaphore, #tpu.memory_space<semaphore_mem>>
    %dma_wait3A_1638 = tpu.memref_squeeze %dma_wait3A_1637 : memref<1x1x!tpu.dma_semaphore, #tpu.memory_space<semaphore_mem>> -> memref<!tpu.dma_semaphore, #tpu.memory_space<semaphore_mem>>
    %dma_wait3A_1639 = arith.constant 0 : i32
    %dma_wait3A_1640 = tpu.memref_slice %arg3[%add3A_1626, %dma_wait3A_1639] : memref<8192x1024xf32, #tpu.memory_space<hbm>> -> memref<8x1024xf32, #tpu.memory_space<hbm>>
    %dma_wait3A_1641 = arith.constant 0 : i32
    %dma_wait3A_1642 = arith.constant 0 : i32
    %dma_wait3A_1643 = tpu.memref_slice %arg4[%dma_wait3A_1627, %dma_wait3A_1628, %dma_wait3A_1641, %dma_wait3A_1642] : memref<4x3x8x1024xf32, #tpu.memory_space<vmem>> -> memref<1x1x8x1024xf32, #tpu.memory_space<vmem>>
    %dma_wait3A_1644 = tpu.memref_squeeze %dma_wait3A_1643 : memref<1x1x8x1024xf32, #tpu.memory_space<vmem>> -> memref<8x1024xf32, #tpu.memory_space<vmem>>
    tpu.wait_dma2 semaphore(%dma_wait3A_1638 : memref<!tpu.dma_semaphore, #tpu.memory_space<semaphore_mem>>) src(%dma_wait3A_1644 : memref<8x1024xf32, #tpu.memory_space<vmem>>) dst(%dma_wait3A_1640 : memref<8x1024xf32, #tpu.memory_space<hbm>>)
    %add3A_1645 = arith.constant 4096 : i32
    %add3A_1646 = arith.addi %add3A_1645, %mul3A_2 : i32
    %add3A_1647 = arith.constant 64 : i32
    %add3A_1648 = arith.addi %add3A_1646, %add3A_1647 : i32
    %add3A_1649 = arith.constant 48 : i32
    %add3A_1650 = arith.addi %add3A_1648, %add3A_1649 : i32
    %dma_start3A_1651 = arith.constant 1 : i32
    %dma_start3A_1652 = arith.constant 0 : i32
    %dma_start3A_1653 = arith.constant 1 : i32
    %dma_start3A_1654 = arith.constant 0 : i32
    %dma_start3A_1655 = arith.constant 0 : i32
    %dma_start3A_1656 = arith.constant 0 : i32
    %dma_start3A_1657 = tpu.memref_slice %arg4[%dma_start3A_1651, %dma_start3A_1652, %dma_start3A_1655, %dma_start3A_1656] : memref<4x3x8x1024xf32, #tpu.memory_space<vmem>> -> memref<1x1x8x1024xf32, #tpu.memory_space<vmem>>
    %dma_start3A_1658 = tpu.memref_squeeze %dma_start3A_1657 : memref<1x1x8x1024xf32, #tpu.memory_space<vmem>> -> memref<8x1024xf32, #tpu.memory_space<vmem>>
    %dma_start3A_1659 = arith.constant 0 : i32
    %dma_start3A_1660 = tpu.memref_slice %arg2[%add3A_1650, %dma_start3A_1659] : memref<16384x1024xf32, #tpu.memory_space<hbm>> -> memref<8x1024xf32, #tpu.memory_space<hbm>>
    %dma_start3A_1661 = tpu.memref_slice %arg5[%dma_start3A_1653, %dma_start3A_1654] : memref<4x3x!tpu.dma_semaphore, #tpu.memory_space<semaphore_mem>> -> memref<1x1x!tpu.dma_semaphore, #tpu.memory_space<semaphore_mem>>
    %dma_start3A_1662 = tpu.memref_squeeze %dma_start3A_1661 : memref<1x1x!tpu.dma_semaphore, #tpu.memory_space<semaphore_mem>> -> memref<!tpu.dma_semaphore, #tpu.memory_space<semaphore_mem>>
    %dma_start3A_1663 = arith.constant 0 : i32
    %dma_start3A_1664 = arith.constant 0 : i32
    %dma_start3A_1665 = tpu.memref_slice %arg4[%dma_start3A_1651, %dma_start3A_1652, %dma_start3A_1663, %dma_start3A_1664] : memref<4x3x8x1024xf32, #tpu.memory_space<vmem>> -> memref<1x1x8x1024xf32, #tpu.memory_space<vmem>>
    %dma_start3A_1666 = tpu.memref_squeeze %dma_start3A_1665 : memref<1x1x8x1024xf32, #tpu.memory_space<vmem>> -> memref<8x1024xf32, #tpu.memory_space<vmem>>
    %dma_start3A_1667 = arith.constant 0 : i32
    %dma_start3A_1668 = tpu.memref_slice %arg2[%add3A_1650, %dma_start3A_1667] : memref<16384x1024xf32, #tpu.memory_space<hbm>> -> memref<8x1024xf32, #tpu.memory_space<hbm>>
    tpu.enqueue_dma source(%dma_start3A_1668 : memref<8x1024xf32, #tpu.memory_space<hbm>>) target(%dma_start3A_1666 : memref<8x1024xf32, #tpu.memory_space<vmem>>) target_semaphore(%dma_start3A_1662 : memref<!tpu.dma_semaphore, #tpu.memory_space<semaphore_mem>>)
    %add3A_1669 = arith.constant 128 : i32
    %add3A_1670 = arith.addi %mul3A_2, %add3A_1669 : i32
    %add3A_1671 = arith.constant 24 : i32
    %add3A_1672 = arith.addi %add3A_1670, %add3A_1671 : i32
    %dma_wait3A_1673 = arith.constant 2 : i32
    %dma_wait3A_1674 = arith.constant 0 : i32
    %dma_wait3A_1675 = arith.constant 2 : i32
    %dma_wait3A_1676 = arith.constant 0 : i32
    %dma_wait3A_1677 = arith.constant 0 : i32
    %dma_wait3A_1678 = arith.constant 0 : i32
    %dma_wait3A_1679 = tpu.memref_slice %arg4[%dma_wait3A_1673, %dma_wait3A_1674, %dma_wait3A_1677, %dma_wait3A_1678] : memref<4x3x8x1024xf32, #tpu.memory_space<vmem>> -> memref<1x1x8x1024xf32, #tpu.memory_space<vmem>>
    %dma_wait3A_1680 = tpu.memref_squeeze %dma_wait3A_1679 : memref<1x1x8x1024xf32, #tpu.memory_space<vmem>> -> memref<8x1024xf32, #tpu.memory_space<vmem>>
    %dma_wait3A_1681 = arith.constant 0 : i32
    %dma_wait3A_1682 = tpu.memref_slice %arg3[%add3A_1672, %dma_wait3A_1681] : memref<8192x1024xf32, #tpu.memory_space<hbm>> -> memref<8x1024xf32, #tpu.memory_space<hbm>>
    %dma_wait3A_1683 = tpu.memref_slice %arg6[%dma_wait3A_1675, %dma_wait3A_1676] : memref<4x3x!tpu.dma_semaphore, #tpu.memory_space<semaphore_mem>> -> memref<1x1x!tpu.dma_semaphore, #tpu.memory_space<semaphore_mem>>
    %dma_wait3A_1684 = tpu.memref_squeeze %dma_wait3A_1683 : memref<1x1x!tpu.dma_semaphore, #tpu.memory_space<semaphore_mem>> -> memref<!tpu.dma_semaphore, #tpu.memory_space<semaphore_mem>>
    %dma_wait3A_1685 = arith.constant 0 : i32
    %dma_wait3A_1686 = tpu.memref_slice %arg3[%add3A_1672, %dma_wait3A_1685] : memref<8192x1024xf32, #tpu.memory_space<hbm>> -> memref<8x1024xf32, #tpu.memory_space<hbm>>
    %dma_wait3A_1687 = arith.constant 0 : i32
    %dma_wait3A_1688 = arith.constant 0 : i32
    %dma_wait3A_1689 = tpu.memref_slice %arg4[%dma_wait3A_1673, %dma_wait3A_1674, %dma_wait3A_1687, %dma_wait3A_1688] : memref<4x3x8x1024xf32, #tpu.memory_space<vmem>> -> memref<1x1x8x1024xf32, #tpu.memory_space<vmem>>
    %dma_wait3A_1690 = tpu.memref_squeeze %dma_wait3A_1689 : memref<1x1x8x1024xf32, #tpu.memory_space<vmem>> -> memref<8x1024xf32, #tpu.memory_space<vmem>>
    tpu.wait_dma2 semaphore(%dma_wait3A_1684 : memref<!tpu.dma_semaphore, #tpu.memory_space<semaphore_mem>>) src(%dma_wait3A_1690 : memref<8x1024xf32, #tpu.memory_space<vmem>>) dst(%dma_wait3A_1686 : memref<8x1024xf32, #tpu.memory_space<hbm>>)
    %add3A_1691 = arith.constant 4096 : i32
    %add3A_1692 = arith.addi %add3A_1691, %mul3A_2 : i32
    %add3A_1693 = arith.constant 128 : i32
    %add3A_1694 = arith.addi %add3A_1692, %add3A_1693 : i32
    %add3A_1695 = arith.constant 48 : i32
    %add3A_1696 = arith.addi %add3A_1694, %add3A_1695 : i32
    %dma_start3A_1697 = arith.constant 2 : i32
    %dma_start3A_1698 = arith.constant 0 : i32
    %dma_start3A_1699 = arith.constant 2 : i32
    %dma_start3A_1700 = arith.constant 0 : i32
    %dma_start3A_1701 = arith.constant 0 : i32
    %dma_start3A_1702 = arith.constant 0 : i32
    %dma_start3A_1703 = tpu.memref_slice %arg4[%dma_start3A_1697, %dma_start3A_1698, %dma_start3A_1701, %dma_start3A_1702] : memref<4x3x8x1024xf32, #tpu.memory_space<vmem>> -> memref<1x1x8x1024xf32, #tpu.memory_space<vmem>>
    %dma_start3A_1704 = tpu.memref_squeeze %dma_start3A_1703 : memref<1x1x8x1024xf32, #tpu.memory_space<vmem>> -> memref<8x1024xf32, #tpu.memory_space<vmem>>
    %dma_start3A_1705 = arith.constant 0 : i32
    %dma_start3A_1706 = tpu.memref_slice %arg2[%add3A_1696, %dma_start3A_1705] : memref<16384x1024xf32, #tpu.memory_space<hbm>> -> memref<8x1024xf32, #tpu.memory_space<hbm>>
    %dma_start3A_1707 = tpu.memref_slice %arg5[%dma_start3A_1699, %dma_start3A_1700] : memref<4x3x!tpu.dma_semaphore, #tpu.memory_space<semaphore_mem>> -> memref<1x1x!tpu.dma_semaphore, #tpu.memory_space<semaphore_mem>>
    %dma_start3A_1708 = tpu.memref_squeeze %dma_start3A_1707 : memref<1x1x!tpu.dma_semaphore, #tpu.memory_space<semaphore_mem>> -> memref<!tpu.dma_semaphore, #tpu.memory_space<semaphore_mem>>
    %dma_start3A_1709 = arith.constant 0 : i32
    %dma_start3A_1710 = arith.constant 0 : i32
    %dma_start3A_1711 = tpu.memref_slice %arg4[%dma_start3A_1697, %dma_start3A_1698, %dma_start3A_1709, %dma_start3A_1710] : memref<4x3x8x1024xf32, #tpu.memory_space<vmem>> -> memref<1x1x8x1024xf32, #tpu.memory_space<vmem>>
    %dma_start3A_1712 = tpu.memref_squeeze %dma_start3A_1711 : memref<1x1x8x1024xf32, #tpu.memory_space<vmem>> -> memref<8x1024xf32, #tpu.memory_space<vmem>>
    %dma_start3A_1713 = arith.constant 0 : i32
    %dma_start3A_1714 = tpu.memref_slice %arg2[%add3A_1696, %dma_start3A_1713] : memref<16384x1024xf32, #tpu.memory_space<hbm>> -> memref<8x1024xf32, #tpu.memory_space<hbm>>
    tpu.enqueue_dma source(%dma_start3A_1714 : memref<8x1024xf32, #tpu.memory_space<hbm>>) target(%dma_start3A_1712 : memref<8x1024xf32, #tpu.memory_space<vmem>>) target_semaphore(%dma_start3A_1708 : memref<!tpu.dma_semaphore, #tpu.memory_space<semaphore_mem>>)
    %add3A_1715 = arith.constant 192 : i32
    %add3A_1716 = arith.addi %mul3A_2, %add3A_1715 : i32
    %add3A_1717 = arith.constant 24 : i32
    %add3A_1718 = arith.addi %add3A_1716, %add3A_1717 : i32
    %dma_wait3A_1719 = arith.constant 3 : i32
    %dma_wait3A_1720 = arith.constant 0 : i32
    %dma_wait3A_1721 = arith.constant 3 : i32
    %dma_wait3A_1722 = arith.constant 0 : i32
    %dma_wait3A_1723 = arith.constant 0 : i32
    %dma_wait3A_1724 = arith.constant 0 : i32
    %dma_wait3A_1725 = tpu.memref_slice %arg4[%dma_wait3A_1719, %dma_wait3A_1720, %dma_wait3A_1723, %dma_wait3A_1724] : memref<4x3x8x1024xf32, #tpu.memory_space<vmem>> -> memref<1x1x8x1024xf32, #tpu.memory_space<vmem>>
    %dma_wait3A_1726 = tpu.memref_squeeze %dma_wait3A_1725 : memref<1x1x8x1024xf32, #tpu.memory_space<vmem>> -> memref<8x1024xf32, #tpu.memory_space<vmem>>
    %dma_wait3A_1727 = arith.constant 0 : i32
    %dma_wait3A_1728 = tpu.memref_slice %arg3[%add3A_1718, %dma_wait3A_1727] : memref<8192x1024xf32, #tpu.memory_space<hbm>> -> memref<8x1024xf32, #tpu.memory_space<hbm>>
    %dma_wait3A_1729 = tpu.memref_slice %arg6[%dma_wait3A_1721, %dma_wait3A_1722] : memref<4x3x!tpu.dma_semaphore, #tpu.memory_space<semaphore_mem>> -> memref<1x1x!tpu.dma_semaphore, #tpu.memory_space<semaphore_mem>>
    %dma_wait3A_1730 = tpu.memref_squeeze %dma_wait3A_1729 : memref<1x1x!tpu.dma_semaphore, #tpu.memory_space<semaphore_mem>> -> memref<!tpu.dma_semaphore, #tpu.memory_space<semaphore_mem>>
    %dma_wait3A_1731 = arith.constant 0 : i32
    %dma_wait3A_1732 = tpu.memref_slice %arg3[%add3A_1718, %dma_wait3A_1731] : memref<8192x1024xf32, #tpu.memory_space<hbm>> -> memref<8x1024xf32, #tpu.memory_space<hbm>>
    %dma_wait3A_1733 = arith.constant 0 : i32
    %dma_wait3A_1734 = arith.constant 0 : i32
    %dma_wait3A_1735 = tpu.memref_slice %arg4[%dma_wait3A_1719, %dma_wait3A_1720, %dma_wait3A_1733, %dma_wait3A_1734] : memref<4x3x8x1024xf32, #tpu.memory_space<vmem>> -> memref<1x1x8x1024xf32, #tpu.memory_space<vmem>>
    %dma_wait3A_1736 = tpu.memref_squeeze %dma_wait3A_1735 : memref<1x1x8x1024xf32, #tpu.memory_space<vmem>> -> memref<8x1024xf32, #tpu.memory_space<vmem>>
    tpu.wait_dma2 semaphore(%dma_wait3A_1730 : memref<!tpu.dma_semaphore, #tpu.memory_space<semaphore_mem>>) src(%dma_wait3A_1736 : memref<8x1024xf32, #tpu.memory_space<vmem>>) dst(%dma_wait3A_1732 : memref<8x1024xf32, #tpu.memory_space<hbm>>)
    %add3A_1737 = arith.constant 4096 : i32
    %add3A_1738 = arith.addi %add3A_1737, %mul3A_2 : i32
    %add3A_1739 = arith.constant 192 : i32
    %add3A_1740 = arith.addi %add3A_1738, %add3A_1739 : i32
    %add3A_1741 = arith.constant 48 : i32
    %add3A_1742 = arith.addi %add3A_1740, %add3A_1741 : i32
    %dma_start3A_1743 = arith.constant 3 : i32
    %dma_start3A_1744 = arith.constant 0 : i32
    %dma_start3A_1745 = arith.constant 3 : i32
    %dma_start3A_1746 = arith.constant 0 : i32
    %dma_start3A_1747 = arith.constant 0 : i32
    %dma_start3A_1748 = arith.constant 0 : i32
    %dma_start3A_1749 = tpu.memref_slice %arg4[%dma_start3A_1743, %dma_start3A_1744, %dma_start3A_1747, %dma_start3A_1748] : memref<4x3x8x1024xf32, #tpu.memory_space<vmem>> -> memref<1x1x8x1024xf32, #tpu.memory_space<vmem>>
    %dma_start3A_1750 = tpu.memref_squeeze %dma_start3A_1749 : memref<1x1x8x1024xf32, #tpu.memory_space<vmem>> -> memref<8x1024xf32, #tpu.memory_space<vmem>>
    %dma_start3A_1751 = arith.constant 0 : i32
    %dma_start3A_1752 = tpu.memref_slice %arg2[%add3A_1742, %dma_start3A_1751] : memref<16384x1024xf32, #tpu.memory_space<hbm>> -> memref<8x1024xf32, #tpu.memory_space<hbm>>
    %dma_start3A_1753 = tpu.memref_slice %arg5[%dma_start3A_1745, %dma_start3A_1746] : memref<4x3x!tpu.dma_semaphore, #tpu.memory_space<semaphore_mem>> -> memref<1x1x!tpu.dma_semaphore, #tpu.memory_space<semaphore_mem>>
    %dma_start3A_1754 = tpu.memref_squeeze %dma_start3A_1753 : memref<1x1x!tpu.dma_semaphore, #tpu.memory_space<semaphore_mem>> -> memref<!tpu.dma_semaphore, #tpu.memory_space<semaphore_mem>>
    %dma_start3A_1755 = arith.constant 0 : i32
    %dma_start3A_1756 = arith.constant 0 : i32
    %dma_start3A_1757 = tpu.memref_slice %arg4[%dma_start3A_1743, %dma_start3A_1744, %dma_start3A_1755, %dma_start3A_1756] : memref<4x3x8x1024xf32, #tpu.memory_space<vmem>> -> memref<1x1x8x1024xf32, #tpu.memory_space<vmem>>
    %dma_start3A_1758 = tpu.memref_squeeze %dma_start3A_1757 : memref<1x1x8x1024xf32, #tpu.memory_space<vmem>> -> memref<8x1024xf32, #tpu.memory_space<vmem>>
    %dma_start3A_1759 = arith.constant 0 : i32
    %dma_start3A_1760 = tpu.memref_slice %arg2[%add3A_1742, %dma_start3A_1759] : memref<16384x1024xf32, #tpu.memory_space<hbm>> -> memref<8x1024xf32, #tpu.memory_space<hbm>>
    tpu.enqueue_dma source(%dma_start3A_1760 : memref<8x1024xf32, #tpu.memory_space<hbm>>) target(%dma_start3A_1758 : memref<8x1024xf32, #tpu.memory_space<vmem>>) target_semaphore(%dma_start3A_1754 : memref<!tpu.dma_semaphore, #tpu.memory_space<semaphore_mem>>)
    %add3A_1761 = arith.constant 4096 : i32
    %add3A_1762 = arith.addi %add3A_1761, %mul3A_2 : i32
    %add3A_1763 = arith.constant 0 : i32
    %add3A_1764 = arith.addi %add3A_1762, %add3A_1763 : i32
    %add3A_1765 = arith.constant 32 : i32
    %add3A_1766 = arith.addi %add3A_1764, %add3A_1765 : i32
    %dma_wait3A_1767 = arith.constant 0 : i32
    %dma_wait3A_1768 = arith.constant 1 : i32
    %dma_wait3A_1769 = arith.constant 0 : i32
    %dma_wait3A_1770 = arith.constant 1 : i32
    %dma_wait3A_1771 = arith.constant 0 : i32
    %dma_wait3A_1772 = arith.constant 0 : i32
    %dma_wait3A_1773 = tpu.memref_slice %arg4[%dma_wait3A_1767, %dma_wait3A_1768, %dma_wait3A_1771, %dma_wait3A_1772] : memref<4x3x8x1024xf32, #tpu.memory_space<vmem>> -> memref<1x1x8x1024xf32, #tpu.memory_space<vmem>>
    %dma_wait3A_1774 = tpu.memref_squeeze %dma_wait3A_1773 : memref<1x1x8x1024xf32, #tpu.memory_space<vmem>> -> memref<8x1024xf32, #tpu.memory_space<vmem>>
    %dma_wait3A_1775 = arith.constant 0 : i32
    %dma_wait3A_1776 = tpu.memref_slice %arg2[%add3A_1766, %dma_wait3A_1775] : memref<16384x1024xf32, #tpu.memory_space<hbm>> -> memref<8x1024xf32, #tpu.memory_space<hbm>>
    %dma_wait3A_1777 = tpu.memref_slice %arg5[%dma_wait3A_1769, %dma_wait3A_1770] : memref<4x3x!tpu.dma_semaphore, #tpu.memory_space<semaphore_mem>> -> memref<1x1x!tpu.dma_semaphore, #tpu.memory_space<semaphore_mem>>
    %dma_wait3A_1778 = tpu.memref_squeeze %dma_wait3A_1777 : memref<1x1x!tpu.dma_semaphore, #tpu.memory_space<semaphore_mem>> -> memref<!tpu.dma_semaphore, #tpu.memory_space<semaphore_mem>>
    %dma_wait3A_1779 = arith.constant 0 : i32
    %dma_wait3A_1780 = arith.constant 0 : i32
    %dma_wait3A_1781 = tpu.memref_slice %arg4[%dma_wait3A_1767, %dma_wait3A_1768, %dma_wait3A_1779, %dma_wait3A_1780] : memref<4x3x8x1024xf32, #tpu.memory_space<vmem>> -> memref<1x1x8x1024xf32, #tpu.memory_space<vmem>>
    %dma_wait3A_1782 = tpu.memref_squeeze %dma_wait3A_1781 : memref<1x1x8x1024xf32, #tpu.memory_space<vmem>> -> memref<8x1024xf32, #tpu.memory_space<vmem>>
    %dma_wait3A_1783 = arith.constant 0 : i32
    %dma_wait3A_1784 = tpu.memref_slice %arg2[%add3A_1766, %dma_wait3A_1783] : memref<16384x1024xf32, #tpu.memory_space<hbm>> -> memref<8x1024xf32, #tpu.memory_space<hbm>>
    tpu.wait_dma2 semaphore(%dma_wait3A_1778 : memref<!tpu.dma_semaphore, #tpu.memory_space<semaphore_mem>>) src(%dma_wait3A_1784 : memref<8x1024xf32, #tpu.memory_space<hbm>>) dst(%dma_wait3A_1782 : memref<8x1024xf32, #tpu.memory_space<vmem>>)
    %add3A_1785 = arith.constant 0 : i32
    %add3A_1786 = arith.addi %mul3A_2, %add3A_1785 : i32
    %add3A_1787 = arith.constant 32 : i32
    %add3A_1788 = arith.addi %add3A_1786, %add3A_1787 : i32
    %dma_start3A_1789 = arith.constant 0 : i32
    %dma_start3A_1790 = arith.constant 1 : i32
    %dma_start3A_1791 = arith.constant 0 : i32
    %dma_start3A_1792 = arith.constant 1 : i32
    %dma_start3A_1793 = arith.constant 0 : i32
    %dma_start3A_1794 = arith.constant 0 : i32
    %dma_start3A_1795 = tpu.memref_slice %arg4[%dma_start3A_1789, %dma_start3A_1790, %dma_start3A_1793, %dma_start3A_1794] : memref<4x3x8x1024xf32, #tpu.memory_space<vmem>> -> memref<1x1x8x1024xf32, #tpu.memory_space<vmem>>
    %dma_start3A_1796 = tpu.memref_squeeze %dma_start3A_1795 : memref<1x1x8x1024xf32, #tpu.memory_space<vmem>> -> memref<8x1024xf32, #tpu.memory_space<vmem>>
    %dma_start3A_1797 = arith.constant 0 : i32
    %dma_start3A_1798 = tpu.memref_slice %arg3[%add3A_1788, %dma_start3A_1797] : memref<8192x1024xf32, #tpu.memory_space<hbm>> -> memref<8x1024xf32, #tpu.memory_space<hbm>>
    %dma_start3A_1799 = tpu.memref_slice %arg6[%dma_start3A_1791, %dma_start3A_1792] : memref<4x3x!tpu.dma_semaphore, #tpu.memory_space<semaphore_mem>> -> memref<1x1x!tpu.dma_semaphore, #tpu.memory_space<semaphore_mem>>
    %dma_start3A_1800 = tpu.memref_squeeze %dma_start3A_1799 : memref<1x1x!tpu.dma_semaphore, #tpu.memory_space<semaphore_mem>> -> memref<!tpu.dma_semaphore, #tpu.memory_space<semaphore_mem>>
    %dma_start3A_1801 = arith.constant 0 : i32
    %dma_start3A_1802 = tpu.memref_slice %arg3[%add3A_1788, %dma_start3A_1801] : memref<8192x1024xf32, #tpu.memory_space<hbm>> -> memref<8x1024xf32, #tpu.memory_space<hbm>>
    %dma_start3A_1803 = arith.constant 0 : i32
    %dma_start3A_1804 = arith.constant 0 : i32
    %dma_start3A_1805 = tpu.memref_slice %arg4[%dma_start3A_1789, %dma_start3A_1790, %dma_start3A_1803, %dma_start3A_1804] : memref<4x3x8x1024xf32, #tpu.memory_space<vmem>> -> memref<1x1x8x1024xf32, #tpu.memory_space<vmem>>
    %dma_start3A_1806 = tpu.memref_squeeze %dma_start3A_1805 : memref<1x1x8x1024xf32, #tpu.memory_space<vmem>> -> memref<8x1024xf32, #tpu.memory_space<vmem>>
    tpu.enqueue_dma source(%dma_start3A_1806 : memref<8x1024xf32, #tpu.memory_space<vmem>>) target(%dma_start3A_1802 : memref<8x1024xf32, #tpu.memory_space<hbm>>) target_semaphore(%dma_start3A_1800 : memref<!tpu.dma_semaphore, #tpu.memory_space<semaphore_mem>>)
    %add3A_1807 = arith.constant 4096 : i32
    %add3A_1808 = arith.addi %add3A_1807, %mul3A_2 : i32
    %add3A_1809 = arith.constant 64 : i32
    %add3A_1810 = arith.addi %add3A_1808, %add3A_1809 : i32
    %add3A_1811 = arith.constant 32 : i32
    %add3A_1812 = arith.addi %add3A_1810, %add3A_1811 : i32
    %dma_wait3A_1813 = arith.constant 1 : i32
    %dma_wait3A_1814 = arith.constant 1 : i32
    %dma_wait3A_1815 = arith.constant 1 : i32
    %dma_wait3A_1816 = arith.constant 1 : i32
    %dma_wait3A_1817 = arith.constant 0 : i32
    %dma_wait3A_1818 = arith.constant 0 : i32
    %dma_wait3A_1819 = tpu.memref_slice %arg4[%dma_wait3A_1813, %dma_wait3A_1814, %dma_wait3A_1817, %dma_wait3A_1818] : memref<4x3x8x1024xf32, #tpu.memory_space<vmem>> -> memref<1x1x8x1024xf32, #tpu.memory_space<vmem>>
    %dma_wait3A_1820 = tpu.memref_squeeze %dma_wait3A_1819 : memref<1x1x8x1024xf32, #tpu.memory_space<vmem>> -> memref<8x1024xf32, #tpu.memory_space<vmem>>
    %dma_wait3A_1821 = arith.constant 0 : i32
    %dma_wait3A_1822 = tpu.memref_slice %arg2[%add3A_1812, %dma_wait3A_1821] : memref<16384x1024xf32, #tpu.memory_space<hbm>> -> memref<8x1024xf32, #tpu.memory_space<hbm>>
    %dma_wait3A_1823 = tpu.memref_slice %arg5[%dma_wait3A_1815, %dma_wait3A_1816] : memref<4x3x!tpu.dma_semaphore, #tpu.memory_space<semaphore_mem>> -> memref<1x1x!tpu.dma_semaphore, #tpu.memory_space<semaphore_mem>>
    %dma_wait3A_1824 = tpu.memref_squeeze %dma_wait3A_1823 : memref<1x1x!tpu.dma_semaphore, #tpu.memory_space<semaphore_mem>> -> memref<!tpu.dma_semaphore, #tpu.memory_space<semaphore_mem>>
    %dma_wait3A_1825 = arith.constant 0 : i32
    %dma_wait3A_1826 = arith.constant 0 : i32
    %dma_wait3A_1827 = tpu.memref_slice %arg4[%dma_wait3A_1813, %dma_wait3A_1814, %dma_wait3A_1825, %dma_wait3A_1826] : memref<4x3x8x1024xf32, #tpu.memory_space<vmem>> -> memref<1x1x8x1024xf32, #tpu.memory_space<vmem>>
    %dma_wait3A_1828 = tpu.memref_squeeze %dma_wait3A_1827 : memref<1x1x8x1024xf32, #tpu.memory_space<vmem>> -> memref<8x1024xf32, #tpu.memory_space<vmem>>
    %dma_wait3A_1829 = arith.constant 0 : i32
    %dma_wait3A_1830 = tpu.memref_slice %arg2[%add3A_1812, %dma_wait3A_1829] : memref<16384x1024xf32, #tpu.memory_space<hbm>> -> memref<8x1024xf32, #tpu.memory_space<hbm>>
    tpu.wait_dma2 semaphore(%dma_wait3A_1824 : memref<!tpu.dma_semaphore, #tpu.memory_space<semaphore_mem>>) src(%dma_wait3A_1830 : memref<8x1024xf32, #tpu.memory_space<hbm>>) dst(%dma_wait3A_1828 : memref<8x1024xf32, #tpu.memory_space<vmem>>)
    %add3A_1831 = arith.constant 64 : i32
    %add3A_1832 = arith.addi %mul3A_2, %add3A_1831 : i32
    %add3A_1833 = arith.constant 32 : i32
    %add3A_1834 = arith.addi %add3A_1832, %add3A_1833 : i32
    %dma_start3A_1835 = arith.constant 1 : i32
    %dma_start3A_1836 = arith.constant 1 : i32
    %dma_start3A_1837 = arith.constant 1 : i32
    %dma_start3A_1838 = arith.constant 1 : i32
    %dma_start3A_1839 = arith.constant 0 : i32
    %dma_start3A_1840 = arith.constant 0 : i32
    %dma_start3A_1841 = tpu.memref_slice %arg4[%dma_start3A_1835, %dma_start3A_1836, %dma_start3A_1839, %dma_start3A_1840] : memref<4x3x8x1024xf32, #tpu.memory_space<vmem>> -> memref<1x1x8x1024xf32, #tpu.memory_space<vmem>>
    %dma_start3A_1842 = tpu.memref_squeeze %dma_start3A_1841 : memref<1x1x8x1024xf32, #tpu.memory_space<vmem>> -> memref<8x1024xf32, #tpu.memory_space<vmem>>
    %dma_start3A_1843 = arith.constant 0 : i32
    %dma_start3A_1844 = tpu.memref_slice %arg3[%add3A_1834, %dma_start3A_1843] : memref<8192x1024xf32, #tpu.memory_space<hbm>> -> memref<8x1024xf32, #tpu.memory_space<hbm>>
    %dma_start3A_1845 = tpu.memref_slice %arg6[%dma_start3A_1837, %dma_start3A_1838] : memref<4x3x!tpu.dma_semaphore, #tpu.memory_space<semaphore_mem>> -> memref<1x1x!tpu.dma_semaphore, #tpu.memory_space<semaphore_mem>>
    %dma_start3A_1846 = tpu.memref_squeeze %dma_start3A_1845 : memref<1x1x!tpu.dma_semaphore, #tpu.memory_space<semaphore_mem>> -> memref<!tpu.dma_semaphore, #tpu.memory_space<semaphore_mem>>
    %dma_start3A_1847 = arith.constant 0 : i32
    %dma_start3A_1848 = tpu.memref_slice %arg3[%add3A_1834, %dma_start3A_1847] : memref<8192x1024xf32, #tpu.memory_space<hbm>> -> memref<8x1024xf32, #tpu.memory_space<hbm>>
    %dma_start3A_1849 = arith.constant 0 : i32
    %dma_start3A_1850 = arith.constant 0 : i32
    %dma_start3A_1851 = tpu.memref_slice %arg4[%dma_start3A_1835, %dma_start3A_1836, %dma_start3A_1849, %dma_start3A_1850] : memref<4x3x8x1024xf32, #tpu.memory_space<vmem>> -> memref<1x1x8x1024xf32, #tpu.memory_space<vmem>>
    %dma_start3A_1852 = tpu.memref_squeeze %dma_start3A_1851 : memref<1x1x8x1024xf32, #tpu.memory_space<vmem>> -> memref<8x1024xf32, #tpu.memory_space<vmem>>
    tpu.enqueue_dma source(%dma_start3A_1852 : memref<8x1024xf32, #tpu.memory_space<vmem>>) target(%dma_start3A_1848 : memref<8x1024xf32, #tpu.memory_space<hbm>>) target_semaphore(%dma_start3A_1846 : memref<!tpu.dma_semaphore, #tpu.memory_space<semaphore_mem>>)
    %add3A_1853 = arith.constant 4096 : i32
    %add3A_1854 = arith.addi %add3A_1853, %mul3A_2 : i32
    %add3A_1855 = arith.constant 128 : i32
    %add3A_1856 = arith.addi %add3A_1854, %add3A_1855 : i32
    %add3A_1857 = arith.constant 32 : i32
    %add3A_1858 = arith.addi %add3A_1856, %add3A_1857 : i32
    %dma_wait3A_1859 = arith.constant 2 : i32
    %dma_wait3A_1860 = arith.constant 1 : i32
    %dma_wait3A_1861 = arith.constant 2 : i32
    %dma_wait3A_1862 = arith.constant 1 : i32
    %dma_wait3A_1863 = arith.constant 0 : i32
    %dma_wait3A_1864 = arith.constant 0 : i32
    %dma_wait3A_1865 = tpu.memref_slice %arg4[%dma_wait3A_1859, %dma_wait3A_1860, %dma_wait3A_1863, %dma_wait3A_1864] : memref<4x3x8x1024xf32, #tpu.memory_space<vmem>> -> memref<1x1x8x1024xf32, #tpu.memory_space<vmem>>
    %dma_wait3A_1866 = tpu.memref_squeeze %dma_wait3A_1865 : memref<1x1x8x1024xf32, #tpu.memory_space<vmem>> -> memref<8x1024xf32, #tpu.memory_space<vmem>>
    %dma_wait3A_1867 = arith.constant 0 : i32
    %dma_wait3A_1868 = tpu.memref_slice %arg2[%add3A_1858, %dma_wait3A_1867] : memref<16384x1024xf32, #tpu.memory_space<hbm>> -> memref<8x1024xf32, #tpu.memory_space<hbm>>
    %dma_wait3A_1869 = tpu.memref_slice %arg5[%dma_wait3A_1861, %dma_wait3A_1862] : memref<4x3x!tpu.dma_semaphore, #tpu.memory_space<semaphore_mem>> -> memref<1x1x!tpu.dma_semaphore, #tpu.memory_space<semaphore_mem>>
    %dma_wait3A_1870 = tpu.memref_squeeze %dma_wait3A_1869 : memref<1x1x!tpu.dma_semaphore, #tpu.memory_space<semaphore_mem>> -> memref<!tpu.dma_semaphore, #tpu.memory_space<semaphore_mem>>
    %dma_wait3A_1871 = arith.constant 0 : i32
    %dma_wait3A_1872 = arith.constant 0 : i32
    %dma_wait3A_1873 = tpu.memref_slice %arg4[%dma_wait3A_1859, %dma_wait3A_1860, %dma_wait3A_1871, %dma_wait3A_1872] : memref<4x3x8x1024xf32, #tpu.memory_space<vmem>> -> memref<1x1x8x1024xf32, #tpu.memory_space<vmem>>
    %dma_wait3A_1874 = tpu.memref_squeeze %dma_wait3A_1873 : memref<1x1x8x1024xf32, #tpu.memory_space<vmem>> -> memref<8x1024xf32, #tpu.memory_space<vmem>>
    %dma_wait3A_1875 = arith.constant 0 : i32
    %dma_wait3A_1876 = tpu.memref_slice %arg2[%add3A_1858, %dma_wait3A_1875] : memref<16384x1024xf32, #tpu.memory_space<hbm>> -> memref<8x1024xf32, #tpu.memory_space<hbm>>
    tpu.wait_dma2 semaphore(%dma_wait3A_1870 : memref<!tpu.dma_semaphore, #tpu.memory_space<semaphore_mem>>) src(%dma_wait3A_1876 : memref<8x1024xf32, #tpu.memory_space<hbm>>) dst(%dma_wait3A_1874 : memref<8x1024xf32, #tpu.memory_space<vmem>>)
    %add3A_1877 = arith.constant 128 : i32
    %add3A_1878 = arith.addi %mul3A_2, %add3A_1877 : i32
    %add3A_1879 = arith.constant 32 : i32
    %add3A_1880 = arith.addi %add3A_1878, %add3A_1879 : i32
    %dma_start3A_1881 = arith.constant 2 : i32
    %dma_start3A_1882 = arith.constant 1 : i32
    %dma_start3A_1883 = arith.constant 2 : i32
    %dma_start3A_1884 = arith.constant 1 : i32
    %dma_start3A_1885 = arith.constant 0 : i32
    %dma_start3A_1886 = arith.constant 0 : i32
    %dma_start3A_1887 = tpu.memref_slice %arg4[%dma_start3A_1881, %dma_start3A_1882, %dma_start3A_1885, %dma_start3A_1886] : memref<4x3x8x1024xf32, #tpu.memory_space<vmem>> -> memref<1x1x8x1024xf32, #tpu.memory_space<vmem>>
    %dma_start3A_1888 = tpu.memref_squeeze %dma_start3A_1887 : memref<1x1x8x1024xf32, #tpu.memory_space<vmem>> -> memref<8x1024xf32, #tpu.memory_space<vmem>>
    %dma_start3A_1889 = arith.constant 0 : i32
    %dma_start3A_1890 = tpu.memref_slice %arg3[%add3A_1880, %dma_start3A_1889] : memref<8192x1024xf32, #tpu.memory_space<hbm>> -> memref<8x1024xf32, #tpu.memory_space<hbm>>
    %dma_start3A_1891 = tpu.memref_slice %arg6[%dma_start3A_1883, %dma_start3A_1884] : memref<4x3x!tpu.dma_semaphore, #tpu.memory_space<semaphore_mem>> -> memref<1x1x!tpu.dma_semaphore, #tpu.memory_space<semaphore_mem>>
    %dma_start3A_1892 = tpu.memref_squeeze %dma_start3A_1891 : memref<1x1x!tpu.dma_semaphore, #tpu.memory_space<semaphore_mem>> -> memref<!tpu.dma_semaphore, #tpu.memory_space<semaphore_mem>>
    %dma_start3A_1893 = arith.constant 0 : i32
    %dma_start3A_1894 = tpu.memref_slice %arg3[%add3A_1880, %dma_start3A_1893] : memref<8192x1024xf32, #tpu.memory_space<hbm>> -> memref<8x1024xf32, #tpu.memory_space<hbm>>
    %dma_start3A_1895 = arith.constant 0 : i32
    %dma_start3A_1896 = arith.constant 0 : i32
    %dma_start3A_1897 = tpu.memref_slice %arg4[%dma_start3A_1881, %dma_start3A_1882, %dma_start3A_1895, %dma_start3A_1896] : memref<4x3x8x1024xf32, #tpu.memory_space<vmem>> -> memref<1x1x8x1024xf32, #tpu.memory_space<vmem>>
    %dma_start3A_1898 = tpu.memref_squeeze %dma_start3A_1897 : memref<1x1x8x1024xf32, #tpu.memory_space<vmem>> -> memref<8x1024xf32, #tpu.memory_space<vmem>>
    tpu.enqueue_dma source(%dma_start3A_1898 : memref<8x1024xf32, #tpu.memory_space<vmem>>) target(%dma_start3A_1894 : memref<8x1024xf32, #tpu.memory_space<hbm>>) target_semaphore(%dma_start3A_1892 : memref<!tpu.dma_semaphore, #tpu.memory_space<semaphore_mem>>)
    %add3A_1899 = arith.constant 4096 : i32
    %add3A_1900 = arith.addi %add3A_1899, %mul3A_2 : i32
    %add3A_1901 = arith.constant 192 : i32
    %add3A_1902 = arith.addi %add3A_1900, %add3A_1901 : i32
    %add3A_1903 = arith.constant 32 : i32
    %add3A_1904 = arith.addi %add3A_1902, %add3A_1903 : i32
    %dma_wait3A_1905 = arith.constant 3 : i32
    %dma_wait3A_1906 = arith.constant 1 : i32
    %dma_wait3A_1907 = arith.constant 3 : i32
    %dma_wait3A_1908 = arith.constant 1 : i32
    %dma_wait3A_1909 = arith.constant 0 : i32
    %dma_wait3A_1910 = arith.constant 0 : i32
    %dma_wait3A_1911 = tpu.memref_slice %arg4[%dma_wait3A_1905, %dma_wait3A_1906, %dma_wait3A_1909, %dma_wait3A_1910] : memref<4x3x8x1024xf32, #tpu.memory_space<vmem>> -> memref<1x1x8x1024xf32, #tpu.memory_space<vmem>>
    %dma_wait3A_1912 = tpu.memref_squeeze %dma_wait3A_1911 : memref<1x1x8x1024xf32, #tpu.memory_space<vmem>> -> memref<8x1024xf32, #tpu.memory_space<vmem>>
    %dma_wait3A_1913 = arith.constant 0 : i32
    %dma_wait3A_1914 = tpu.memref_slice %arg2[%add3A_1904, %dma_wait3A_1913] : memref<16384x1024xf32, #tpu.memory_space<hbm>> -> memref<8x1024xf32, #tpu.memory_space<hbm>>
    %dma_wait3A_1915 = tpu.memref_slice %arg5[%dma_wait3A_1907, %dma_wait3A_1908] : memref<4x3x!tpu.dma_semaphore, #tpu.memory_space<semaphore_mem>> -> memref<1x1x!tpu.dma_semaphore, #tpu.memory_space<semaphore_mem>>
    %dma_wait3A_1916 = tpu.memref_squeeze %dma_wait3A_1915 : memref<1x1x!tpu.dma_semaphore, #tpu.memory_space<semaphore_mem>> -> memref<!tpu.dma_semaphore, #tpu.memory_space<semaphore_mem>>
    %dma_wait3A_1917 = arith.constant 0 : i32
    %dma_wait3A_1918 = arith.constant 0 : i32
    %dma_wait3A_1919 = tpu.memref_slice %arg4[%dma_wait3A_1905, %dma_wait3A_1906, %dma_wait3A_1917, %dma_wait3A_1918] : memref<4x3x8x1024xf32, #tpu.memory_space<vmem>> -> memref<1x1x8x1024xf32, #tpu.memory_space<vmem>>
    %dma_wait3A_1920 = tpu.memref_squeeze %dma_wait3A_1919 : memref<1x1x8x1024xf32, #tpu.memory_space<vmem>> -> memref<8x1024xf32, #tpu.memory_space<vmem>>
    %dma_wait3A_1921 = arith.constant 0 : i32
    %dma_wait3A_1922 = tpu.memref_slice %arg2[%add3A_1904, %dma_wait3A_1921] : memref<16384x1024xf32, #tpu.memory_space<hbm>> -> memref<8x1024xf32, #tpu.memory_space<hbm>>
    tpu.wait_dma2 semaphore(%dma_wait3A_1916 : memref<!tpu.dma_semaphore, #tpu.memory_space<semaphore_mem>>) src(%dma_wait3A_1922 : memref<8x1024xf32, #tpu.memory_space<hbm>>) dst(%dma_wait3A_1920 : memref<8x1024xf32, #tpu.memory_space<vmem>>)
    %add3A_1923 = arith.constant 192 : i32
    %add3A_1924 = arith.addi %mul3A_2, %add3A_1923 : i32
    %add3A_1925 = arith.constant 32 : i32
    %add3A_1926 = arith.addi %add3A_1924, %add3A_1925 : i32
    %dma_start3A_1927 = arith.constant 3 : i32
    %dma_start3A_1928 = arith.constant 1 : i32
    %dma_start3A_1929 = arith.constant 3 : i32
    %dma_start3A_1930 = arith.constant 1 : i32
    %dma_start3A_1931 = arith.constant 0 : i32
    %dma_start3A_1932 = arith.constant 0 : i32
    %dma_start3A_1933 = tpu.memref_slice %arg4[%dma_start3A_1927, %dma_start3A_1928, %dma_start3A_1931, %dma_start3A_1932] : memref<4x3x8x1024xf32, #tpu.memory_space<vmem>> -> memref<1x1x8x1024xf32, #tpu.memory_space<vmem>>
    %dma_start3A_1934 = tpu.memref_squeeze %dma_start3A_1933 : memref<1x1x8x1024xf32, #tpu.memory_space<vmem>> -> memref<8x1024xf32, #tpu.memory_space<vmem>>
    %dma_start3A_1935 = arith.constant 0 : i32
    %dma_start3A_1936 = tpu.memref_slice %arg3[%add3A_1926, %dma_start3A_1935] : memref<8192x1024xf32, #tpu.memory_space<hbm>> -> memref<8x1024xf32, #tpu.memory_space<hbm>>
    %dma_start3A_1937 = tpu.memref_slice %arg6[%dma_start3A_1929, %dma_start3A_1930] : memref<4x3x!tpu.dma_semaphore, #tpu.memory_space<semaphore_mem>> -> memref<1x1x!tpu.dma_semaphore, #tpu.memory_space<semaphore_mem>>
    %dma_start3A_1938 = tpu.memref_squeeze %dma_start3A_1937 : memref<1x1x!tpu.dma_semaphore, #tpu.memory_space<semaphore_mem>> -> memref<!tpu.dma_semaphore, #tpu.memory_space<semaphore_mem>>
    %dma_start3A_1939 = arith.constant 0 : i32
    %dma_start3A_1940 = tpu.memref_slice %arg3[%add3A_1926, %dma_start3A_1939] : memref<8192x1024xf32, #tpu.memory_space<hbm>> -> memref<8x1024xf32, #tpu.memory_space<hbm>>
    %dma_start3A_1941 = arith.constant 0 : i32
    %dma_start3A_1942 = arith.constant 0 : i32
    %dma_start3A_1943 = tpu.memref_slice %arg4[%dma_start3A_1927, %dma_start3A_1928, %dma_start3A_1941, %dma_start3A_1942] : memref<4x3x8x1024xf32, #tpu.memory_space<vmem>> -> memref<1x1x8x1024xf32, #tpu.memory_space<vmem>>
    %dma_start3A_1944 = tpu.memref_squeeze %dma_start3A_1943 : memref<1x1x8x1024xf32, #tpu.memory_space<vmem>> -> memref<8x1024xf32, #tpu.memory_space<vmem>>
    tpu.enqueue_dma source(%dma_start3A_1944 : memref<8x1024xf32, #tpu.memory_space<vmem>>) target(%dma_start3A_1940 : memref<8x1024xf32, #tpu.memory_space<hbm>>) target_semaphore(%dma_start3A_1938 : memref<!tpu.dma_semaphore, #tpu.memory_space<semaphore_mem>>)
    %add3A_1945 = arith.constant 0 : i32
    %add3A_1946 = arith.addi %mul3A_2, %add3A_1945 : i32
    %add3A_1947 = arith.constant 32 : i32
    %add3A_1948 = arith.addi %add3A_1946, %add3A_1947 : i32
    %dma_wait3A_1949 = arith.constant 0 : i32
    %dma_wait3A_1950 = arith.constant 1 : i32
    %dma_wait3A_1951 = arith.constant 0 : i32
    %dma_wait3A_1952 = arith.constant 1 : i32
    %dma_wait3A_1953 = arith.constant 0 : i32
    %dma_wait3A_1954 = arith.constant 0 : i32
    %dma_wait3A_1955 = tpu.memref_slice %arg4[%dma_wait3A_1949, %dma_wait3A_1950, %dma_wait3A_1953, %dma_wait3A_1954] : memref<4x3x8x1024xf32, #tpu.memory_space<vmem>> -> memref<1x1x8x1024xf32, #tpu.memory_space<vmem>>
    %dma_wait3A_1956 = tpu.memref_squeeze %dma_wait3A_1955 : memref<1x1x8x1024xf32, #tpu.memory_space<vmem>> -> memref<8x1024xf32, #tpu.memory_space<vmem>>
    %dma_wait3A_1957 = arith.constant 0 : i32
    %dma_wait3A_1958 = tpu.memref_slice %arg3[%add3A_1948, %dma_wait3A_1957] : memref<8192x1024xf32, #tpu.memory_space<hbm>> -> memref<8x1024xf32, #tpu.memory_space<hbm>>
    %dma_wait3A_1959 = tpu.memref_slice %arg6[%dma_wait3A_1951, %dma_wait3A_1952] : memref<4x3x!tpu.dma_semaphore, #tpu.memory_space<semaphore_mem>> -> memref<1x1x!tpu.dma_semaphore, #tpu.memory_space<semaphore_mem>>
    %dma_wait3A_1960 = tpu.memref_squeeze %dma_wait3A_1959 : memref<1x1x!tpu.dma_semaphore, #tpu.memory_space<semaphore_mem>> -> memref<!tpu.dma_semaphore, #tpu.memory_space<semaphore_mem>>
    %dma_wait3A_1961 = arith.constant 0 : i32
    %dma_wait3A_1962 = tpu.memref_slice %arg3[%add3A_1948, %dma_wait3A_1961] : memref<8192x1024xf32, #tpu.memory_space<hbm>> -> memref<8x1024xf32, #tpu.memory_space<hbm>>
    %dma_wait3A_1963 = arith.constant 0 : i32
    %dma_wait3A_1964 = arith.constant 0 : i32
    %dma_wait3A_1965 = tpu.memref_slice %arg4[%dma_wait3A_1949, %dma_wait3A_1950, %dma_wait3A_1963, %dma_wait3A_1964] : memref<4x3x8x1024xf32, #tpu.memory_space<vmem>> -> memref<1x1x8x1024xf32, #tpu.memory_space<vmem>>
    %dma_wait3A_1966 = tpu.memref_squeeze %dma_wait3A_1965 : memref<1x1x8x1024xf32, #tpu.memory_space<vmem>> -> memref<8x1024xf32, #tpu.memory_space<vmem>>
    tpu.wait_dma2 semaphore(%dma_wait3A_1960 : memref<!tpu.dma_semaphore, #tpu.memory_space<semaphore_mem>>) src(%dma_wait3A_1966 : memref<8x1024xf32, #tpu.memory_space<vmem>>) dst(%dma_wait3A_1962 : memref<8x1024xf32, #tpu.memory_space<hbm>>)
    %add3A_1967 = arith.constant 4096 : i32
    %add3A_1968 = arith.addi %add3A_1967, %mul3A_2 : i32
    %add3A_1969 = arith.constant 0 : i32
    %add3A_1970 = arith.addi %add3A_1968, %add3A_1969 : i32
    %add3A_1971 = arith.constant 56 : i32
    %add3A_1972 = arith.addi %add3A_1970, %add3A_1971 : i32
    %dma_start3A_1973 = arith.constant 0 : i32
    %dma_start3A_1974 = arith.constant 1 : i32
    %dma_start3A_1975 = arith.constant 0 : i32
    %dma_start3A_1976 = arith.constant 1 : i32
    %dma_start3A_1977 = arith.constant 0 : i32
    %dma_start3A_1978 = arith.constant 0 : i32
    %dma_start3A_1979 = tpu.memref_slice %arg4[%dma_start3A_1973, %dma_start3A_1974, %dma_start3A_1977, %dma_start3A_1978] : memref<4x3x8x1024xf32, #tpu.memory_space<vmem>> -> memref<1x1x8x1024xf32, #tpu.memory_space<vmem>>
    %dma_start3A_1980 = tpu.memref_squeeze %dma_start3A_1979 : memref<1x1x8x1024xf32, #tpu.memory_space<vmem>> -> memref<8x1024xf32, #tpu.memory_space<vmem>>
    %dma_start3A_1981 = arith.constant 0 : i32
    %dma_start3A_1982 = tpu.memref_slice %arg2[%add3A_1972, %dma_start3A_1981] : memref<16384x1024xf32, #tpu.memory_space<hbm>> -> memref<8x1024xf32, #tpu.memory_space<hbm>>
    %dma_start3A_1983 = tpu.memref_slice %arg5[%dma_start3A_1975, %dma_start3A_1976] : memref<4x3x!tpu.dma_semaphore, #tpu.memory_space<semaphore_mem>> -> memref<1x1x!tpu.dma_semaphore, #tpu.memory_space<semaphore_mem>>
    %dma_start3A_1984 = tpu.memref_squeeze %dma_start3A_1983 : memref<1x1x!tpu.dma_semaphore, #tpu.memory_space<semaphore_mem>> -> memref<!tpu.dma_semaphore, #tpu.memory_space<semaphore_mem>>
    %dma_start3A_1985 = arith.constant 0 : i32
    %dma_start3A_1986 = arith.constant 0 : i32
    %dma_start3A_1987 = tpu.memref_slice %arg4[%dma_start3A_1973, %dma_start3A_1974, %dma_start3A_1985, %dma_start3A_1986] : memref<4x3x8x1024xf32, #tpu.memory_space<vmem>> -> memref<1x1x8x1024xf32, #tpu.memory_space<vmem>>
    %dma_start3A_1988 = tpu.memref_squeeze %dma_start3A_1987 : memref<1x1x8x1024xf32, #tpu.memory_space<vmem>> -> memref<8x1024xf32, #tpu.memory_space<vmem>>
    %dma_start3A_1989 = arith.constant 0 : i32
    %dma_start3A_1990 = tpu.memref_slice %arg2[%add3A_1972, %dma_start3A_1989] : memref<16384x1024xf32, #tpu.memory_space<hbm>> -> memref<8x1024xf32, #tpu.memory_space<hbm>>
    tpu.enqueue_dma source(%dma_start3A_1990 : memref<8x1024xf32, #tpu.memory_space<hbm>>) target(%dma_start3A_1988 : memref<8x1024xf32, #tpu.memory_space<vmem>>) target_semaphore(%dma_start3A_1984 : memref<!tpu.dma_semaphore, #tpu.memory_space<semaphore_mem>>)
    %add3A_1991 = arith.constant 64 : i32
    %add3A_1992 = arith.addi %mul3A_2, %add3A_1991 : i32
    %add3A_1993 = arith.constant 32 : i32
    %add3A_1994 = arith.addi %add3A_1992, %add3A_1993 : i32
    %dma_wait3A_1995 = arith.constant 1 : i32
    %dma_wait3A_1996 = arith.constant 1 : i32
    %dma_wait3A_1997 = arith.constant 1 : i32
    %dma_wait3A_1998 = arith.constant 1 : i32
    %dma_wait3A_1999 = arith.constant 0 : i32
    %dma_wait3A_2000 = arith.constant 0 : i32
    %dma_wait3A_2001 = tpu.memref_slice %arg4[%dma_wait3A_1995, %dma_wait3A_1996, %dma_wait3A_1999, %dma_wait3A_2000] : memref<4x3x8x1024xf32, #tpu.memory_space<vmem>> -> memref<1x1x8x1024xf32, #tpu.memory_space<vmem>>
    %dma_wait3A_2002 = tpu.memref_squeeze %dma_wait3A_2001 : memref<1x1x8x1024xf32, #tpu.memory_space<vmem>> -> memref<8x1024xf32, #tpu.memory_space<vmem>>
    %dma_wait3A_2003 = arith.constant 0 : i32
    %dma_wait3A_2004 = tpu.memref_slice %arg3[%add3A_1994, %dma_wait3A_2003] : memref<8192x1024xf32, #tpu.memory_space<hbm>> -> memref<8x1024xf32, #tpu.memory_space<hbm>>
    %dma_wait3A_2005 = tpu.memref_slice %arg6[%dma_wait3A_1997, %dma_wait3A_1998] : memref<4x3x!tpu.dma_semaphore, #tpu.memory_space<semaphore_mem>> -> memref<1x1x!tpu.dma_semaphore, #tpu.memory_space<semaphore_mem>>
    %dma_wait3A_2006 = tpu.memref_squeeze %dma_wait3A_2005 : memref<1x1x!tpu.dma_semaphore, #tpu.memory_space<semaphore_mem>> -> memref<!tpu.dma_semaphore, #tpu.memory_space<semaphore_mem>>
    %dma_wait3A_2007 = arith.constant 0 : i32
    %dma_wait3A_2008 = tpu.memref_slice %arg3[%add3A_1994, %dma_wait3A_2007] : memref<8192x1024xf32, #tpu.memory_space<hbm>> -> memref<8x1024xf32, #tpu.memory_space<hbm>>
    %dma_wait3A_2009 = arith.constant 0 : i32
    %dma_wait3A_2010 = arith.constant 0 : i32
    %dma_wait3A_2011 = tpu.memref_slice %arg4[%dma_wait3A_1995, %dma_wait3A_1996, %dma_wait3A_2009, %dma_wait3A_2010] : memref<4x3x8x1024xf32, #tpu.memory_space<vmem>> -> memref<1x1x8x1024xf32, #tpu.memory_space<vmem>>
    %dma_wait3A_2012 = tpu.memref_squeeze %dma_wait3A_2011 : memref<1x1x8x1024xf32, #tpu.memory_space<vmem>> -> memref<8x1024xf32, #tpu.memory_space<vmem>>
    tpu.wait_dma2 semaphore(%dma_wait3A_2006 : memref<!tpu.dma_semaphore, #tpu.memory_space<semaphore_mem>>) src(%dma_wait3A_2012 : memref<8x1024xf32, #tpu.memory_space<vmem>>) dst(%dma_wait3A_2008 : memref<8x1024xf32, #tpu.memory_space<hbm>>)
    %add3A_2013 = arith.constant 4096 : i32
    %add3A_2014 = arith.addi %add3A_2013, %mul3A_2 : i32
    %add3A_2015 = arith.constant 64 : i32
    %add3A_2016 = arith.addi %add3A_2014, %add3A_2015 : i32
    %add3A_2017 = arith.constant 56 : i32
    %add3A_2018 = arith.addi %add3A_2016, %add3A_2017 : i32
    %dma_start3A_2019 = arith.constant 1 : i32
    %dma_start3A_2020 = arith.constant 1 : i32
    %dma_start3A_2021 = arith.constant 1 : i32
    %dma_start3A_2022 = arith.constant 1 : i32
    %dma_start3A_2023 = arith.constant 0 : i32
    %dma_start3A_2024 = arith.constant 0 : i32
    %dma_start3A_2025 = tpu.memref_slice %arg4[%dma_start3A_2019, %dma_start3A_2020, %dma_start3A_2023, %dma_start3A_2024] : memref<4x3x8x1024xf32, #tpu.memory_space<vmem>> -> memref<1x1x8x1024xf32, #tpu.memory_space<vmem>>
    %dma_start3A_2026 = tpu.memref_squeeze %dma_start3A_2025 : memref<1x1x8x1024xf32, #tpu.memory_space<vmem>> -> memref<8x1024xf32, #tpu.memory_space<vmem>>
    %dma_start3A_2027 = arith.constant 0 : i32
    %dma_start3A_2028 = tpu.memref_slice %arg2[%add3A_2018, %dma_start3A_2027] : memref<16384x1024xf32, #tpu.memory_space<hbm>> -> memref<8x1024xf32, #tpu.memory_space<hbm>>
    %dma_start3A_2029 = tpu.memref_slice %arg5[%dma_start3A_2021, %dma_start3A_2022] : memref<4x3x!tpu.dma_semaphore, #tpu.memory_space<semaphore_mem>> -> memref<1x1x!tpu.dma_semaphore, #tpu.memory_space<semaphore_mem>>
    %dma_start3A_2030 = tpu.memref_squeeze %dma_start3A_2029 : memref<1x1x!tpu.dma_semaphore, #tpu.memory_space<semaphore_mem>> -> memref<!tpu.dma_semaphore, #tpu.memory_space<semaphore_mem>>
    %dma_start3A_2031 = arith.constant 0 : i32
    %dma_start3A_2032 = arith.constant 0 : i32
    %dma_start3A_2033 = tpu.memref_slice %arg4[%dma_start3A_2019, %dma_start3A_2020, %dma_start3A_2031, %dma_start3A_2032] : memref<4x3x8x1024xf32, #tpu.memory_space<vmem>> -> memref<1x1x8x1024xf32, #tpu.memory_space<vmem>>
    %dma_start3A_2034 = tpu.memref_squeeze %dma_start3A_2033 : memref<1x1x8x1024xf32, #tpu.memory_space<vmem>> -> memref<8x1024xf32, #tpu.memory_space<vmem>>
    %dma_start3A_2035 = arith.constant 0 : i32
    %dma_start3A_2036 = tpu.memref_slice %arg2[%add3A_2018, %dma_start3A_2035] : memref<16384x1024xf32, #tpu.memory_space<hbm>> -> memref<8x1024xf32, #tpu.memory_space<hbm>>
    tpu.enqueue_dma source(%dma_start3A_2036 : memref<8x1024xf32, #tpu.memory_space<hbm>>) target(%dma_start3A_2034 : memref<8x1024xf32, #tpu.memory_space<vmem>>) target_semaphore(%dma_start3A_2030 : memref<!tpu.dma_semaphore, #tpu.memory_space<semaphore_mem>>)
    %add3A_2037 = arith.constant 128 : i32
    %add3A_2038 = arith.addi %mul3A_2, %add3A_2037 : i32
    %add3A_2039 = arith.constant 32 : i32
    %add3A_2040 = arith.addi %add3A_2038, %add3A_2039 : i32
    %dma_wait3A_2041 = arith.constant 2 : i32
    %dma_wait3A_2042 = arith.constant 1 : i32
    %dma_wait3A_2043 = arith.constant 2 : i32
    %dma_wait3A_2044 = arith.constant 1 : i32
    %dma_wait3A_2045 = arith.constant 0 : i32
    %dma_wait3A_2046 = arith.constant 0 : i32
    %dma_wait3A_2047 = tpu.memref_slice %arg4[%dma_wait3A_2041, %dma_wait3A_2042, %dma_wait3A_2045, %dma_wait3A_2046] : memref<4x3x8x1024xf32, #tpu.memory_space<vmem>> -> memref<1x1x8x1024xf32, #tpu.memory_space<vmem>>
    %dma_wait3A_2048 = tpu.memref_squeeze %dma_wait3A_2047 : memref<1x1x8x1024xf32, #tpu.memory_space<vmem>> -> memref<8x1024xf32, #tpu.memory_space<vmem>>
    %dma_wait3A_2049 = arith.constant 0 : i32
    %dma_wait3A_2050 = tpu.memref_slice %arg3[%add3A_2040, %dma_wait3A_2049] : memref<8192x1024xf32, #tpu.memory_space<hbm>> -> memref<8x1024xf32, #tpu.memory_space<hbm>>
    %dma_wait3A_2051 = tpu.memref_slice %arg6[%dma_wait3A_2043, %dma_wait3A_2044] : memref<4x3x!tpu.dma_semaphore, #tpu.memory_space<semaphore_mem>> -> memref<1x1x!tpu.dma_semaphore, #tpu.memory_space<semaphore_mem>>
    %dma_wait3A_2052 = tpu.memref_squeeze %dma_wait3A_2051 : memref<1x1x!tpu.dma_semaphore, #tpu.memory_space<semaphore_mem>> -> memref<!tpu.dma_semaphore, #tpu.memory_space<semaphore_mem>>
    %dma_wait3A_2053 = arith.constant 0 : i32
    %dma_wait3A_2054 = tpu.memref_slice %arg3[%add3A_2040, %dma_wait3A_2053] : memref<8192x1024xf32, #tpu.memory_space<hbm>> -> memref<8x1024xf32, #tpu.memory_space<hbm>>
    %dma_wait3A_2055 = arith.constant 0 : i32
    %dma_wait3A_2056 = arith.constant 0 : i32
    %dma_wait3A_2057 = tpu.memref_slice %arg4[%dma_wait3A_2041, %dma_wait3A_2042, %dma_wait3A_2055, %dma_wait3A_2056] : memref<4x3x8x1024xf32, #tpu.memory_space<vmem>> -> memref<1x1x8x1024xf32, #tpu.memory_space<vmem>>
    %dma_wait3A_2058 = tpu.memref_squeeze %dma_wait3A_2057 : memref<1x1x8x1024xf32, #tpu.memory_space<vmem>> -> memref<8x1024xf32, #tpu.memory_space<vmem>>
    tpu.wait_dma2 semaphore(%dma_wait3A_2052 : memref<!tpu.dma_semaphore, #tpu.memory_space<semaphore_mem>>) src(%dma_wait3A_2058 : memref<8x1024xf32, #tpu.memory_space<vmem>>) dst(%dma_wait3A_2054 : memref<8x1024xf32, #tpu.memory_space<hbm>>)
    %add3A_2059 = arith.constant 4096 : i32
    %add3A_2060 = arith.addi %add3A_2059, %mul3A_2 : i32
    %add3A_2061 = arith.constant 128 : i32
    %add3A_2062 = arith.addi %add3A_2060, %add3A_2061 : i32
    %add3A_2063 = arith.constant 56 : i32
    %add3A_2064 = arith.addi %add3A_2062, %add3A_2063 : i32
    %dma_start3A_2065 = arith.constant 2 : i32
    %dma_start3A_2066 = arith.constant 1 : i32
    %dma_start3A_2067 = arith.constant 2 : i32
    %dma_start3A_2068 = arith.constant 1 : i32
    %dma_start3A_2069 = arith.constant 0 : i32
    %dma_start3A_2070 = arith.constant 0 : i32
    %dma_start3A_2071 = tpu.memref_slice %arg4[%dma_start3A_2065, %dma_start3A_2066, %dma_start3A_2069, %dma_start3A_2070] : memref<4x3x8x1024xf32, #tpu.memory_space<vmem>> -> memref<1x1x8x1024xf32, #tpu.memory_space<vmem>>
    %dma_start3A_2072 = tpu.memref_squeeze %dma_start3A_2071 : memref<1x1x8x1024xf32, #tpu.memory_space<vmem>> -> memref<8x1024xf32, #tpu.memory_space<vmem>>
    %dma_start3A_2073 = arith.constant 0 : i32
    %dma_start3A_2074 = tpu.memref_slice %arg2[%add3A_2064, %dma_start3A_2073] : memref<16384x1024xf32, #tpu.memory_space<hbm>> -> memref<8x1024xf32, #tpu.memory_space<hbm>>
    %dma_start3A_2075 = tpu.memref_slice %arg5[%dma_start3A_2067, %dma_start3A_2068] : memref<4x3x!tpu.dma_semaphore, #tpu.memory_space<semaphore_mem>> -> memref<1x1x!tpu.dma_semaphore, #tpu.memory_space<semaphore_mem>>
    %dma_start3A_2076 = tpu.memref_squeeze %dma_start3A_2075 : memref<1x1x!tpu.dma_semaphore, #tpu.memory_space<semaphore_mem>> -> memref<!tpu.dma_semaphore, #tpu.memory_space<semaphore_mem>>
    %dma_start3A_2077 = arith.constant 0 : i32
    %dma_start3A_2078 = arith.constant 0 : i32
    %dma_start3A_2079 = tpu.memref_slice %arg4[%dma_start3A_2065, %dma_start3A_2066, %dma_start3A_2077, %dma_start3A_2078] : memref<4x3x8x1024xf32, #tpu.memory_space<vmem>> -> memref<1x1x8x1024xf32, #tpu.memory_space<vmem>>
    %dma_start3A_2080 = tpu.memref_squeeze %dma_start3A_2079 : memref<1x1x8x1024xf32, #tpu.memory_space<vmem>> -> memref<8x1024xf32, #tpu.memory_space<vmem>>
    %dma_start3A_2081 = arith.constant 0 : i32
    %dma_start3A_2082 = tpu.memref_slice %arg2[%add3A_2064, %dma_start3A_2081] : memref<16384x1024xf32, #tpu.memory_space<hbm>> -> memref<8x1024xf32, #tpu.memory_space<hbm>>
    tpu.enqueue_dma source(%dma_start3A_2082 : memref<8x1024xf32, #tpu.memory_space<hbm>>) target(%dma_start3A_2080 : memref<8x1024xf32, #tpu.memory_space<vmem>>) target_semaphore(%dma_start3A_2076 : memref<!tpu.dma_semaphore, #tpu.memory_space<semaphore_mem>>)
    %add3A_2083 = arith.constant 192 : i32
    %add3A_2084 = arith.addi %mul3A_2, %add3A_2083 : i32
    %add3A_2085 = arith.constant 32 : i32
    %add3A_2086 = arith.addi %add3A_2084, %add3A_2085 : i32
    %dma_wait3A_2087 = arith.constant 3 : i32
    %dma_wait3A_2088 = arith.constant 1 : i32
    %dma_wait3A_2089 = arith.constant 3 : i32
    %dma_wait3A_2090 = arith.constant 1 : i32
    %dma_wait3A_2091 = arith.constant 0 : i32
    %dma_wait3A_2092 = arith.constant 0 : i32
    %dma_wait3A_2093 = tpu.memref_slice %arg4[%dma_wait3A_2087, %dma_wait3A_2088, %dma_wait3A_2091, %dma_wait3A_2092] : memref<4x3x8x1024xf32, #tpu.memory_space<vmem>> -> memref<1x1x8x1024xf32, #tpu.memory_space<vmem>>
    %dma_wait3A_2094 = tpu.memref_squeeze %dma_wait3A_2093 : memref<1x1x8x1024xf32, #tpu.memory_space<vmem>> -> memref<8x1024xf32, #tpu.memory_space<vmem>>
    %dma_wait3A_2095 = arith.constant 0 : i32
    %dma_wait3A_2096 = tpu.memref_slice %arg3[%add3A_2086, %dma_wait3A_2095] : memref<8192x1024xf32, #tpu.memory_space<hbm>> -> memref<8x1024xf32, #tpu.memory_space<hbm>>
    %dma_wait3A_2097 = tpu.memref_slice %arg6[%dma_wait3A_2089, %dma_wait3A_2090] : memref<4x3x!tpu.dma_semaphore, #tpu.memory_space<semaphore_mem>> -> memref<1x1x!tpu.dma_semaphore, #tpu.memory_space<semaphore_mem>>
    %dma_wait3A_2098 = tpu.memref_squeeze %dma_wait3A_2097 : memref<1x1x!tpu.dma_semaphore, #tpu.memory_space<semaphore_mem>> -> memref<!tpu.dma_semaphore, #tpu.memory_space<semaphore_mem>>
    %dma_wait3A_2099 = arith.constant 0 : i32
    %dma_wait3A_2100 = tpu.memref_slice %arg3[%add3A_2086, %dma_wait3A_2099] : memref<8192x1024xf32, #tpu.memory_space<hbm>> -> memref<8x1024xf32, #tpu.memory_space<hbm>>
    %dma_wait3A_2101 = arith.constant 0 : i32
    %dma_wait3A_2102 = arith.constant 0 : i32
    %dma_wait3A_2103 = tpu.memref_slice %arg4[%dma_wait3A_2087, %dma_wait3A_2088, %dma_wait3A_2101, %dma_wait3A_2102] : memref<4x3x8x1024xf32, #tpu.memory_space<vmem>> -> memref<1x1x8x1024xf32, #tpu.memory_space<vmem>>
    %dma_wait3A_2104 = tpu.memref_squeeze %dma_wait3A_2103 : memref<1x1x8x1024xf32, #tpu.memory_space<vmem>> -> memref<8x1024xf32, #tpu.memory_space<vmem>>
    tpu.wait_dma2 semaphore(%dma_wait3A_2098 : memref<!tpu.dma_semaphore, #tpu.memory_space<semaphore_mem>>) src(%dma_wait3A_2104 : memref<8x1024xf32, #tpu.memory_space<vmem>>) dst(%dma_wait3A_2100 : memref<8x1024xf32, #tpu.memory_space<hbm>>)
    %add3A_2105 = arith.constant 4096 : i32
    %add3A_2106 = arith.addi %add3A_2105, %mul3A_2 : i32
    %add3A_2107 = arith.constant 192 : i32
    %add3A_2108 = arith.addi %add3A_2106, %add3A_2107 : i32
    %add3A_2109 = arith.constant 56 : i32
    %add3A_2110 = arith.addi %add3A_2108, %add3A_2109 : i32
    %dma_start3A_2111 = arith.constant 3 : i32
    %dma_start3A_2112 = arith.constant 1 : i32
    %dma_start3A_2113 = arith.constant 3 : i32
    %dma_start3A_2114 = arith.constant 1 : i32
    %dma_start3A_2115 = arith.constant 0 : i32
    %dma_start3A_2116 = arith.constant 0 : i32
    %dma_start3A_2117 = tpu.memref_slice %arg4[%dma_start3A_2111, %dma_start3A_2112, %dma_start3A_2115, %dma_start3A_2116] : memref<4x3x8x1024xf32, #tpu.memory_space<vmem>> -> memref<1x1x8x1024xf32, #tpu.memory_space<vmem>>
    %dma_start3A_2118 = tpu.memref_squeeze %dma_start3A_2117 : memref<1x1x8x1024xf32, #tpu.memory_space<vmem>> -> memref<8x1024xf32, #tpu.memory_space<vmem>>
    %dma_start3A_2119 = arith.constant 0 : i32
    %dma_start3A_2120 = tpu.memref_slice %arg2[%add3A_2110, %dma_start3A_2119] : memref<16384x1024xf32, #tpu.memory_space<hbm>> -> memref<8x1024xf32, #tpu.memory_space<hbm>>
    %dma_start3A_2121 = tpu.memref_slice %arg5[%dma_start3A_2113, %dma_start3A_2114] : memref<4x3x!tpu.dma_semaphore, #tpu.memory_space<semaphore_mem>> -> memref<1x1x!tpu.dma_semaphore, #tpu.memory_space<semaphore_mem>>
    %dma_start3A_2122 = tpu.memref_squeeze %dma_start3A_2121 : memref<1x1x!tpu.dma_semaphore, #tpu.memory_space<semaphore_mem>> -> memref<!tpu.dma_semaphore, #tpu.memory_space<semaphore_mem>>
    %dma_start3A_2123 = arith.constant 0 : i32
    %dma_start3A_2124 = arith.constant 0 : i32
    %dma_start3A_2125 = tpu.memref_slice %arg4[%dma_start3A_2111, %dma_start3A_2112, %dma_start3A_2123, %dma_start3A_2124] : memref<4x3x8x1024xf32, #tpu.memory_space<vmem>> -> memref<1x1x8x1024xf32, #tpu.memory_space<vmem>>
    %dma_start3A_2126 = tpu.memref_squeeze %dma_start3A_2125 : memref<1x1x8x1024xf32, #tpu.memory_space<vmem>> -> memref<8x1024xf32, #tpu.memory_space<vmem>>
    %dma_start3A_2127 = arith.constant 0 : i32
    %dma_start3A_2128 = tpu.memref_slice %arg2[%add3A_2110, %dma_start3A_2127] : memref<16384x1024xf32, #tpu.memory_space<hbm>> -> memref<8x1024xf32, #tpu.memory_space<hbm>>
    tpu.enqueue_dma source(%dma_start3A_2128 : memref<8x1024xf32, #tpu.memory_space<hbm>>) target(%dma_start3A_2126 : memref<8x1024xf32, #tpu.memory_space<vmem>>) target_semaphore(%dma_start3A_2122 : memref<!tpu.dma_semaphore, #tpu.memory_space<semaphore_mem>>)
    %add3A_2129 = arith.constant 4096 : i32
    %add3A_2130 = arith.addi %add3A_2129, %mul3A_2 : i32
    %add3A_2131 = arith.constant 0 : i32
    %add3A_2132 = arith.addi %add3A_2130, %add3A_2131 : i32
    %add3A_2133 = arith.constant 40 : i32
    %add3A_2134 = arith.addi %add3A_2132, %add3A_2133 : i32
    %dma_wait3A_2135 = arith.constant 0 : i32
    %dma_wait3A_2136 = arith.constant 2 : i32
    %dma_wait3A_2137 = arith.constant 0 : i32
    %dma_wait3A_2138 = arith.constant 2 : i32
    %dma_wait3A_2139 = arith.constant 0 : i32
    %dma_wait3A_2140 = arith.constant 0 : i32
    %dma_wait3A_2141 = tpu.memref_slice %arg4[%dma_wait3A_2135, %dma_wait3A_2136, %dma_wait3A_2139, %dma_wait3A_2140] : memref<4x3x8x1024xf32, #tpu.memory_space<vmem>> -> memref<1x1x8x1024xf32, #tpu.memory_space<vmem>>
    %dma_wait3A_2142 = tpu.memref_squeeze %dma_wait3A_2141 : memref<1x1x8x1024xf32, #tpu.memory_space<vmem>> -> memref<8x1024xf32, #tpu.memory_space<vmem>>
    %dma_wait3A_2143 = arith.constant 0 : i32
    %dma_wait3A_2144 = tpu.memref_slice %arg2[%add3A_2134, %dma_wait3A_2143] : memref<16384x1024xf32, #tpu.memory_space<hbm>> -> memref<8x1024xf32, #tpu.memory_space<hbm>>
    %dma_wait3A_2145 = tpu.memref_slice %arg5[%dma_wait3A_2137, %dma_wait3A_2138] : memref<4x3x!tpu.dma_semaphore, #tpu.memory_space<semaphore_mem>> -> memref<1x1x!tpu.dma_semaphore, #tpu.memory_space<semaphore_mem>>
    %dma_wait3A_2146 = tpu.memref_squeeze %dma_wait3A_2145 : memref<1x1x!tpu.dma_semaphore, #tpu.memory_space<semaphore_mem>> -> memref<!tpu.dma_semaphore, #tpu.memory_space<semaphore_mem>>
    %dma_wait3A_2147 = arith.constant 0 : i32
    %dma_wait3A_2148 = arith.constant 0 : i32
    %dma_wait3A_2149 = tpu.memref_slice %arg4[%dma_wait3A_2135, %dma_wait3A_2136, %dma_wait3A_2147, %dma_wait3A_2148] : memref<4x3x8x1024xf32, #tpu.memory_space<vmem>> -> memref<1x1x8x1024xf32, #tpu.memory_space<vmem>>
    %dma_wait3A_2150 = tpu.memref_squeeze %dma_wait3A_2149 : memref<1x1x8x1024xf32, #tpu.memory_space<vmem>> -> memref<8x1024xf32, #tpu.memory_space<vmem>>
    %dma_wait3A_2151 = arith.constant 0 : i32
    %dma_wait3A_2152 = tpu.memref_slice %arg2[%add3A_2134, %dma_wait3A_2151] : memref<16384x1024xf32, #tpu.memory_space<hbm>> -> memref<8x1024xf32, #tpu.memory_space<hbm>>
    tpu.wait_dma2 semaphore(%dma_wait3A_2146 : memref<!tpu.dma_semaphore, #tpu.memory_space<semaphore_mem>>) src(%dma_wait3A_2152 : memref<8x1024xf32, #tpu.memory_space<hbm>>) dst(%dma_wait3A_2150 : memref<8x1024xf32, #tpu.memory_space<vmem>>)
    %add3A_2153 = arith.constant 0 : i32
    %add3A_2154 = arith.addi %mul3A_2, %add3A_2153 : i32
    %add3A_2155 = arith.constant 40 : i32
    %add3A_2156 = arith.addi %add3A_2154, %add3A_2155 : i32
    %dma_start3A_2157 = arith.constant 0 : i32
    %dma_start3A_2158 = arith.constant 2 : i32
    %dma_start3A_2159 = arith.constant 0 : i32
    %dma_start3A_2160 = arith.constant 2 : i32
    %dma_start3A_2161 = arith.constant 0 : i32
    %dma_start3A_2162 = arith.constant 0 : i32
    %dma_start3A_2163 = tpu.memref_slice %arg4[%dma_start3A_2157, %dma_start3A_2158, %dma_start3A_2161, %dma_start3A_2162] : memref<4x3x8x1024xf32, #tpu.memory_space<vmem>> -> memref<1x1x8x1024xf32, #tpu.memory_space<vmem>>
    %dma_start3A_2164 = tpu.memref_squeeze %dma_start3A_2163 : memref<1x1x8x1024xf32, #tpu.memory_space<vmem>> -> memref<8x1024xf32, #tpu.memory_space<vmem>>
    %dma_start3A_2165 = arith.constant 0 : i32
    %dma_start3A_2166 = tpu.memref_slice %arg3[%add3A_2156, %dma_start3A_2165] : memref<8192x1024xf32, #tpu.memory_space<hbm>> -> memref<8x1024xf32, #tpu.memory_space<hbm>>
    %dma_start3A_2167 = tpu.memref_slice %arg6[%dma_start3A_2159, %dma_start3A_2160] : memref<4x3x!tpu.dma_semaphore, #tpu.memory_space<semaphore_mem>> -> memref<1x1x!tpu.dma_semaphore, #tpu.memory_space<semaphore_mem>>
    %dma_start3A_2168 = tpu.memref_squeeze %dma_start3A_2167 : memref<1x1x!tpu.dma_semaphore, #tpu.memory_space<semaphore_mem>> -> memref<!tpu.dma_semaphore, #tpu.memory_space<semaphore_mem>>
    %dma_start3A_2169 = arith.constant 0 : i32
    %dma_start3A_2170 = tpu.memref_slice %arg3[%add3A_2156, %dma_start3A_2169] : memref<8192x1024xf32, #tpu.memory_space<hbm>> -> memref<8x1024xf32, #tpu.memory_space<hbm>>
    %dma_start3A_2171 = arith.constant 0 : i32
    %dma_start3A_2172 = arith.constant 0 : i32
    %dma_start3A_2173 = tpu.memref_slice %arg4[%dma_start3A_2157, %dma_start3A_2158, %dma_start3A_2171, %dma_start3A_2172] : memref<4x3x8x1024xf32, #tpu.memory_space<vmem>> -> memref<1x1x8x1024xf32, #tpu.memory_space<vmem>>
    %dma_start3A_2174 = tpu.memref_squeeze %dma_start3A_2173 : memref<1x1x8x1024xf32, #tpu.memory_space<vmem>> -> memref<8x1024xf32, #tpu.memory_space<vmem>>
    tpu.enqueue_dma source(%dma_start3A_2174 : memref<8x1024xf32, #tpu.memory_space<vmem>>) target(%dma_start3A_2170 : memref<8x1024xf32, #tpu.memory_space<hbm>>) target_semaphore(%dma_start3A_2168 : memref<!tpu.dma_semaphore, #tpu.memory_space<semaphore_mem>>)
    %add3A_2175 = arith.constant 4096 : i32
    %add3A_2176 = arith.addi %add3A_2175, %mul3A_2 : i32
    %add3A_2177 = arith.constant 64 : i32
    %add3A_2178 = arith.addi %add3A_2176, %add3A_2177 : i32
    %add3A_2179 = arith.constant 40 : i32
    %add3A_2180 = arith.addi %add3A_2178, %add3A_2179 : i32
    %dma_wait3A_2181 = arith.constant 1 : i32
    %dma_wait3A_2182 = arith.constant 2 : i32
    %dma_wait3A_2183 = arith.constant 1 : i32
    %dma_wait3A_2184 = arith.constant 2 : i32
    %dma_wait3A_2185 = arith.constant 0 : i32
    %dma_wait3A_2186 = arith.constant 0 : i32
    %dma_wait3A_2187 = tpu.memref_slice %arg4[%dma_wait3A_2181, %dma_wait3A_2182, %dma_wait3A_2185, %dma_wait3A_2186] : memref<4x3x8x1024xf32, #tpu.memory_space<vmem>> -> memref<1x1x8x1024xf32, #tpu.memory_space<vmem>>
    %dma_wait3A_2188 = tpu.memref_squeeze %dma_wait3A_2187 : memref<1x1x8x1024xf32, #tpu.memory_space<vmem>> -> memref<8x1024xf32, #tpu.memory_space<vmem>>
    %dma_wait3A_2189 = arith.constant 0 : i32
    %dma_wait3A_2190 = tpu.memref_slice %arg2[%add3A_2180, %dma_wait3A_2189] : memref<16384x1024xf32, #tpu.memory_space<hbm>> -> memref<8x1024xf32, #tpu.memory_space<hbm>>
    %dma_wait3A_2191 = tpu.memref_slice %arg5[%dma_wait3A_2183, %dma_wait3A_2184] : memref<4x3x!tpu.dma_semaphore, #tpu.memory_space<semaphore_mem>> -> memref<1x1x!tpu.dma_semaphore, #tpu.memory_space<semaphore_mem>>
    %dma_wait3A_2192 = tpu.memref_squeeze %dma_wait3A_2191 : memref<1x1x!tpu.dma_semaphore, #tpu.memory_space<semaphore_mem>> -> memref<!tpu.dma_semaphore, #tpu.memory_space<semaphore_mem>>
    %dma_wait3A_2193 = arith.constant 0 : i32
    %dma_wait3A_2194 = arith.constant 0 : i32
    %dma_wait3A_2195 = tpu.memref_slice %arg4[%dma_wait3A_2181, %dma_wait3A_2182, %dma_wait3A_2193, %dma_wait3A_2194] : memref<4x3x8x1024xf32, #tpu.memory_space<vmem>> -> memref<1x1x8x1024xf32, #tpu.memory_space<vmem>>
    %dma_wait3A_2196 = tpu.memref_squeeze %dma_wait3A_2195 : memref<1x1x8x1024xf32, #tpu.memory_space<vmem>> -> memref<8x1024xf32, #tpu.memory_space<vmem>>
    %dma_wait3A_2197 = arith.constant 0 : i32
    %dma_wait3A_2198 = tpu.memref_slice %arg2[%add3A_2180, %dma_wait3A_2197] : memref<16384x1024xf32, #tpu.memory_space<hbm>> -> memref<8x1024xf32, #tpu.memory_space<hbm>>
    tpu.wait_dma2 semaphore(%dma_wait3A_2192 : memref<!tpu.dma_semaphore, #tpu.memory_space<semaphore_mem>>) src(%dma_wait3A_2198 : memref<8x1024xf32, #tpu.memory_space<hbm>>) dst(%dma_wait3A_2196 : memref<8x1024xf32, #tpu.memory_space<vmem>>)
    %add3A_2199 = arith.constant 64 : i32
    %add3A_2200 = arith.addi %mul3A_2, %add3A_2199 : i32
    %add3A_2201 = arith.constant 40 : i32
    %add3A_2202 = arith.addi %add3A_2200, %add3A_2201 : i32
    %dma_start3A_2203 = arith.constant 1 : i32
    %dma_start3A_2204 = arith.constant 2 : i32
    %dma_start3A_2205 = arith.constant 1 : i32
    %dma_start3A_2206 = arith.constant 2 : i32
    %dma_start3A_2207 = arith.constant 0 : i32
    %dma_start3A_2208 = arith.constant 0 : i32
    %dma_start3A_2209 = tpu.memref_slice %arg4[%dma_start3A_2203, %dma_start3A_2204, %dma_start3A_2207, %dma_start3A_2208] : memref<4x3x8x1024xf32, #tpu.memory_space<vmem>> -> memref<1x1x8x1024xf32, #tpu.memory_space<vmem>>
    %dma_start3A_2210 = tpu.memref_squeeze %dma_start3A_2209 : memref<1x1x8x1024xf32, #tpu.memory_space<vmem>> -> memref<8x1024xf32, #tpu.memory_space<vmem>>
    %dma_start3A_2211 = arith.constant 0 : i32
    %dma_start3A_2212 = tpu.memref_slice %arg3[%add3A_2202, %dma_start3A_2211] : memref<8192x1024xf32, #tpu.memory_space<hbm>> -> memref<8x1024xf32, #tpu.memory_space<hbm>>
    %dma_start3A_2213 = tpu.memref_slice %arg6[%dma_start3A_2205, %dma_start3A_2206] : memref<4x3x!tpu.dma_semaphore, #tpu.memory_space<semaphore_mem>> -> memref<1x1x!tpu.dma_semaphore, #tpu.memory_space<semaphore_mem>>
    %dma_start3A_2214 = tpu.memref_squeeze %dma_start3A_2213 : memref<1x1x!tpu.dma_semaphore, #tpu.memory_space<semaphore_mem>> -> memref<!tpu.dma_semaphore, #tpu.memory_space<semaphore_mem>>
    %dma_start3A_2215 = arith.constant 0 : i32
    %dma_start3A_2216 = tpu.memref_slice %arg3[%add3A_2202, %dma_start3A_2215] : memref<8192x1024xf32, #tpu.memory_space<hbm>> -> memref<8x1024xf32, #tpu.memory_space<hbm>>
    %dma_start3A_2217 = arith.constant 0 : i32
    %dma_start3A_2218 = arith.constant 0 : i32
    %dma_start3A_2219 = tpu.memref_slice %arg4[%dma_start3A_2203, %dma_start3A_2204, %dma_start3A_2217, %dma_start3A_2218] : memref<4x3x8x1024xf32, #tpu.memory_space<vmem>> -> memref<1x1x8x1024xf32, #tpu.memory_space<vmem>>
    %dma_start3A_2220 = tpu.memref_squeeze %dma_start3A_2219 : memref<1x1x8x1024xf32, #tpu.memory_space<vmem>> -> memref<8x1024xf32, #tpu.memory_space<vmem>>
    tpu.enqueue_dma source(%dma_start3A_2220 : memref<8x1024xf32, #tpu.memory_space<vmem>>) target(%dma_start3A_2216 : memref<8x1024xf32, #tpu.memory_space<hbm>>) target_semaphore(%dma_start3A_2214 : memref<!tpu.dma_semaphore, #tpu.memory_space<semaphore_mem>>)
    %add3A_2221 = arith.constant 4096 : i32
    %add3A_2222 = arith.addi %add3A_2221, %mul3A_2 : i32
    %add3A_2223 = arith.constant 128 : i32
    %add3A_2224 = arith.addi %add3A_2222, %add3A_2223 : i32
    %add3A_2225 = arith.constant 40 : i32
    %add3A_2226 = arith.addi %add3A_2224, %add3A_2225 : i32
    %dma_wait3A_2227 = arith.constant 2 : i32
    %dma_wait3A_2228 = arith.constant 2 : i32
    %dma_wait3A_2229 = arith.constant 2 : i32
    %dma_wait3A_2230 = arith.constant 2 : i32
    %dma_wait3A_2231 = arith.constant 0 : i32
    %dma_wait3A_2232 = arith.constant 0 : i32
    %dma_wait3A_2233 = tpu.memref_slice %arg4[%dma_wait3A_2227, %dma_wait3A_2228, %dma_wait3A_2231, %dma_wait3A_2232] : memref<4x3x8x1024xf32, #tpu.memory_space<vmem>> -> memref<1x1x8x1024xf32, #tpu.memory_space<vmem>>
    %dma_wait3A_2234 = tpu.memref_squeeze %dma_wait3A_2233 : memref<1x1x8x1024xf32, #tpu.memory_space<vmem>> -> memref<8x1024xf32, #tpu.memory_space<vmem>>
    %dma_wait3A_2235 = arith.constant 0 : i32
    %dma_wait3A_2236 = tpu.memref_slice %arg2[%add3A_2226, %dma_wait3A_2235] : memref<16384x1024xf32, #tpu.memory_space<hbm>> -> memref<8x1024xf32, #tpu.memory_space<hbm>>
    %dma_wait3A_2237 = tpu.memref_slice %arg5[%dma_wait3A_2229, %dma_wait3A_2230] : memref<4x3x!tpu.dma_semaphore, #tpu.memory_space<semaphore_mem>> -> memref<1x1x!tpu.dma_semaphore, #tpu.memory_space<semaphore_mem>>
    %dma_wait3A_2238 = tpu.memref_squeeze %dma_wait3A_2237 : memref<1x1x!tpu.dma_semaphore, #tpu.memory_space<semaphore_mem>> -> memref<!tpu.dma_semaphore, #tpu.memory_space<semaphore_mem>>
    %dma_wait3A_2239 = arith.constant 0 : i32
    %dma_wait3A_2240 = arith.constant 0 : i32
    %dma_wait3A_2241 = tpu.memref_slice %arg4[%dma_wait3A_2227, %dma_wait3A_2228, %dma_wait3A_2239, %dma_wait3A_2240] : memref<4x3x8x1024xf32, #tpu.memory_space<vmem>> -> memref<1x1x8x1024xf32, #tpu.memory_space<vmem>>
    %dma_wait3A_2242 = tpu.memref_squeeze %dma_wait3A_2241 : memref<1x1x8x1024xf32, #tpu.memory_space<vmem>> -> memref<8x1024xf32, #tpu.memory_space<vmem>>
    %dma_wait3A_2243 = arith.constant 0 : i32
    %dma_wait3A_2244 = tpu.memref_slice %arg2[%add3A_2226, %dma_wait3A_2243] : memref<16384x1024xf32, #tpu.memory_space<hbm>> -> memref<8x1024xf32, #tpu.memory_space<hbm>>
    tpu.wait_dma2 semaphore(%dma_wait3A_2238 : memref<!tpu.dma_semaphore, #tpu.memory_space<semaphore_mem>>) src(%dma_wait3A_2244 : memref<8x1024xf32, #tpu.memory_space<hbm>>) dst(%dma_wait3A_2242 : memref<8x1024xf32, #tpu.memory_space<vmem>>)
    %add3A_2245 = arith.constant 128 : i32
    %add3A_2246 = arith.addi %mul3A_2, %add3A_2245 : i32
    %add3A_2247 = arith.constant 40 : i32
    %add3A_2248 = arith.addi %add3A_2246, %add3A_2247 : i32
    %dma_start3A_2249 = arith.constant 2 : i32
    %dma_start3A_2250 = arith.constant 2 : i32
    %dma_start3A_2251 = arith.constant 2 : i32
    %dma_start3A_2252 = arith.constant 2 : i32
    %dma_start3A_2253 = arith.constant 0 : i32
    %dma_start3A_2254 = arith.constant 0 : i32
    %dma_start3A_2255 = tpu.memref_slice %arg4[%dma_start3A_2249, %dma_start3A_2250, %dma_start3A_2253, %dma_start3A_2254] : memref<4x3x8x1024xf32, #tpu.memory_space<vmem>> -> memref<1x1x8x1024xf32, #tpu.memory_space<vmem>>
    %dma_start3A_2256 = tpu.memref_squeeze %dma_start3A_2255 : memref<1x1x8x1024xf32, #tpu.memory_space<vmem>> -> memref<8x1024xf32, #tpu.memory_space<vmem>>
    %dma_start3A_2257 = arith.constant 0 : i32
    %dma_start3A_2258 = tpu.memref_slice %arg3[%add3A_2248, %dma_start3A_2257] : memref<8192x1024xf32, #tpu.memory_space<hbm>> -> memref<8x1024xf32, #tpu.memory_space<hbm>>
    %dma_start3A_2259 = tpu.memref_slice %arg6[%dma_start3A_2251, %dma_start3A_2252] : memref<4x3x!tpu.dma_semaphore, #tpu.memory_space<semaphore_mem>> -> memref<1x1x!tpu.dma_semaphore, #tpu.memory_space<semaphore_mem>>
    %dma_start3A_2260 = tpu.memref_squeeze %dma_start3A_2259 : memref<1x1x!tpu.dma_semaphore, #tpu.memory_space<semaphore_mem>> -> memref<!tpu.dma_semaphore, #tpu.memory_space<semaphore_mem>>
    %dma_start3A_2261 = arith.constant 0 : i32
    %dma_start3A_2262 = tpu.memref_slice %arg3[%add3A_2248, %dma_start3A_2261] : memref<8192x1024xf32, #tpu.memory_space<hbm>> -> memref<8x1024xf32, #tpu.memory_space<hbm>>
    %dma_start3A_2263 = arith.constant 0 : i32
    %dma_start3A_2264 = arith.constant 0 : i32
    %dma_start3A_2265 = tpu.memref_slice %arg4[%dma_start3A_2249, %dma_start3A_2250, %dma_start3A_2263, %dma_start3A_2264] : memref<4x3x8x1024xf32, #tpu.memory_space<vmem>> -> memref<1x1x8x1024xf32, #tpu.memory_space<vmem>>
    %dma_start3A_2266 = tpu.memref_squeeze %dma_start3A_2265 : memref<1x1x8x1024xf32, #tpu.memory_space<vmem>> -> memref<8x1024xf32, #tpu.memory_space<vmem>>
    tpu.enqueue_dma source(%dma_start3A_2266 : memref<8x1024xf32, #tpu.memory_space<vmem>>) target(%dma_start3A_2262 : memref<8x1024xf32, #tpu.memory_space<hbm>>) target_semaphore(%dma_start3A_2260 : memref<!tpu.dma_semaphore, #tpu.memory_space<semaphore_mem>>)
    %add3A_2267 = arith.constant 4096 : i32
    %add3A_2268 = arith.addi %add3A_2267, %mul3A_2 : i32
    %add3A_2269 = arith.constant 192 : i32
    %add3A_2270 = arith.addi %add3A_2268, %add3A_2269 : i32
    %add3A_2271 = arith.constant 40 : i32
    %add3A_2272 = arith.addi %add3A_2270, %add3A_2271 : i32
    %dma_wait3A_2273 = arith.constant 3 : i32
    %dma_wait3A_2274 = arith.constant 2 : i32
    %dma_wait3A_2275 = arith.constant 3 : i32
    %dma_wait3A_2276 = arith.constant 2 : i32
    %dma_wait3A_2277 = arith.constant 0 : i32
    %dma_wait3A_2278 = arith.constant 0 : i32
    %dma_wait3A_2279 = tpu.memref_slice %arg4[%dma_wait3A_2273, %dma_wait3A_2274, %dma_wait3A_2277, %dma_wait3A_2278] : memref<4x3x8x1024xf32, #tpu.memory_space<vmem>> -> memref<1x1x8x1024xf32, #tpu.memory_space<vmem>>
    %dma_wait3A_2280 = tpu.memref_squeeze %dma_wait3A_2279 : memref<1x1x8x1024xf32, #tpu.memory_space<vmem>> -> memref<8x1024xf32, #tpu.memory_space<vmem>>
    %dma_wait3A_2281 = arith.constant 0 : i32
    %dma_wait3A_2282 = tpu.memref_slice %arg2[%add3A_2272, %dma_wait3A_2281] : memref<16384x1024xf32, #tpu.memory_space<hbm>> -> memref<8x1024xf32, #tpu.memory_space<hbm>>
    %dma_wait3A_2283 = tpu.memref_slice %arg5[%dma_wait3A_2275, %dma_wait3A_2276] : memref<4x3x!tpu.dma_semaphore, #tpu.memory_space<semaphore_mem>> -> memref<1x1x!tpu.dma_semaphore, #tpu.memory_space<semaphore_mem>>
    %dma_wait3A_2284 = tpu.memref_squeeze %dma_wait3A_2283 : memref<1x1x!tpu.dma_semaphore, #tpu.memory_space<semaphore_mem>> -> memref<!tpu.dma_semaphore, #tpu.memory_space<semaphore_mem>>
    %dma_wait3A_2285 = arith.constant 0 : i32
    %dma_wait3A_2286 = arith.constant 0 : i32
    %dma_wait3A_2287 = tpu.memref_slice %arg4[%dma_wait3A_2273, %dma_wait3A_2274, %dma_wait3A_2285, %dma_wait3A_2286] : memref<4x3x8x1024xf32, #tpu.memory_space<vmem>> -> memref<1x1x8x1024xf32, #tpu.memory_space<vmem>>
    %dma_wait3A_2288 = tpu.memref_squeeze %dma_wait3A_2287 : memref<1x1x8x1024xf32, #tpu.memory_space<vmem>> -> memref<8x1024xf32, #tpu.memory_space<vmem>>
    %dma_wait3A_2289 = arith.constant 0 : i32
    %dma_wait3A_2290 = tpu.memref_slice %arg2[%add3A_2272, %dma_wait3A_2289] : memref<16384x1024xf32, #tpu.memory_space<hbm>> -> memref<8x1024xf32, #tpu.memory_space<hbm>>
    tpu.wait_dma2 semaphore(%dma_wait3A_2284 : memref<!tpu.dma_semaphore, #tpu.memory_space<semaphore_mem>>) src(%dma_wait3A_2290 : memref<8x1024xf32, #tpu.memory_space<hbm>>) dst(%dma_wait3A_2288 : memref<8x1024xf32, #tpu.memory_space<vmem>>)
    %add3A_2291 = arith.constant 192 : i32
    %add3A_2292 = arith.addi %mul3A_2, %add3A_2291 : i32
    %add3A_2293 = arith.constant 40 : i32
    %add3A_2294 = arith.addi %add3A_2292, %add3A_2293 : i32
    %dma_start3A_2295 = arith.constant 3 : i32
    %dma_start3A_2296 = arith.constant 2 : i32
    %dma_start3A_2297 = arith.constant 3 : i32
    %dma_start3A_2298 = arith.constant 2 : i32
    %dma_start3A_2299 = arith.constant 0 : i32
    %dma_start3A_2300 = arith.constant 0 : i32
    %dma_start3A_2301 = tpu.memref_slice %arg4[%dma_start3A_2295, %dma_start3A_2296, %dma_start3A_2299, %dma_start3A_2300] : memref<4x3x8x1024xf32, #tpu.memory_space<vmem>> -> memref<1x1x8x1024xf32, #tpu.memory_space<vmem>>
    %dma_start3A_2302 = tpu.memref_squeeze %dma_start3A_2301 : memref<1x1x8x1024xf32, #tpu.memory_space<vmem>> -> memref<8x1024xf32, #tpu.memory_space<vmem>>
    %dma_start3A_2303 = arith.constant 0 : i32
    %dma_start3A_2304 = tpu.memref_slice %arg3[%add3A_2294, %dma_start3A_2303] : memref<8192x1024xf32, #tpu.memory_space<hbm>> -> memref<8x1024xf32, #tpu.memory_space<hbm>>
    %dma_start3A_2305 = tpu.memref_slice %arg6[%dma_start3A_2297, %dma_start3A_2298] : memref<4x3x!tpu.dma_semaphore, #tpu.memory_space<semaphore_mem>> -> memref<1x1x!tpu.dma_semaphore, #tpu.memory_space<semaphore_mem>>
    %dma_start3A_2306 = tpu.memref_squeeze %dma_start3A_2305 : memref<1x1x!tpu.dma_semaphore, #tpu.memory_space<semaphore_mem>> -> memref<!tpu.dma_semaphore, #tpu.memory_space<semaphore_mem>>
    %dma_start3A_2307 = arith.constant 0 : i32
    %dma_start3A_2308 = tpu.memref_slice %arg3[%add3A_2294, %dma_start3A_2307] : memref<8192x1024xf32, #tpu.memory_space<hbm>> -> memref<8x1024xf32, #tpu.memory_space<hbm>>
    %dma_start3A_2309 = arith.constant 0 : i32
    %dma_start3A_2310 = arith.constant 0 : i32
    %dma_start3A_2311 = tpu.memref_slice %arg4[%dma_start3A_2295, %dma_start3A_2296, %dma_start3A_2309, %dma_start3A_2310] : memref<4x3x8x1024xf32, #tpu.memory_space<vmem>> -> memref<1x1x8x1024xf32, #tpu.memory_space<vmem>>
    %dma_start3A_2312 = tpu.memref_squeeze %dma_start3A_2311 : memref<1x1x8x1024xf32, #tpu.memory_space<vmem>> -> memref<8x1024xf32, #tpu.memory_space<vmem>>
    tpu.enqueue_dma source(%dma_start3A_2312 : memref<8x1024xf32, #tpu.memory_space<vmem>>) target(%dma_start3A_2308 : memref<8x1024xf32, #tpu.memory_space<hbm>>) target_semaphore(%dma_start3A_2306 : memref<!tpu.dma_semaphore, #tpu.memory_space<semaphore_mem>>)
    %add3A_2313 = arith.constant 4096 : i32
    %add3A_2314 = arith.addi %add3A_2313, %mul3A_2 : i32
    %add3A_2315 = arith.constant 0 : i32
    %add3A_2316 = arith.addi %add3A_2314, %add3A_2315 : i32
    %add3A_2317 = arith.constant 48 : i32
    %add3A_2318 = arith.addi %add3A_2316, %add3A_2317 : i32
    %dma_wait3A_2319 = arith.constant 0 : i32
    %dma_wait3A_2320 = arith.constant 0 : i32
    %dma_wait3A_2321 = arith.constant 0 : i32
    %dma_wait3A_2322 = arith.constant 0 : i32
    %dma_wait3A_2323 = arith.constant 0 : i32
    %dma_wait3A_2324 = arith.constant 0 : i32
    %dma_wait3A_2325 = tpu.memref_slice %arg4[%dma_wait3A_2319, %dma_wait3A_2320, %dma_wait3A_2323, %dma_wait3A_2324] : memref<4x3x8x1024xf32, #tpu.memory_space<vmem>> -> memref<1x1x8x1024xf32, #tpu.memory_space<vmem>>
    %dma_wait3A_2326 = tpu.memref_squeeze %dma_wait3A_2325 : memref<1x1x8x1024xf32, #tpu.memory_space<vmem>> -> memref<8x1024xf32, #tpu.memory_space<vmem>>
    %dma_wait3A_2327 = arith.constant 0 : i32
    %dma_wait3A_2328 = tpu.memref_slice %arg2[%add3A_2318, %dma_wait3A_2327] : memref<16384x1024xf32, #tpu.memory_space<hbm>> -> memref<8x1024xf32, #tpu.memory_space<hbm>>
    %dma_wait3A_2329 = tpu.memref_slice %arg5[%dma_wait3A_2321, %dma_wait3A_2322] : memref<4x3x!tpu.dma_semaphore, #tpu.memory_space<semaphore_mem>> -> memref<1x1x!tpu.dma_semaphore, #tpu.memory_space<semaphore_mem>>
    %dma_wait3A_2330 = tpu.memref_squeeze %dma_wait3A_2329 : memref<1x1x!tpu.dma_semaphore, #tpu.memory_space<semaphore_mem>> -> memref<!tpu.dma_semaphore, #tpu.memory_space<semaphore_mem>>
    %dma_wait3A_2331 = arith.constant 0 : i32
    %dma_wait3A_2332 = arith.constant 0 : i32
    %dma_wait3A_2333 = tpu.memref_slice %arg4[%dma_wait3A_2319, %dma_wait3A_2320, %dma_wait3A_2331, %dma_wait3A_2332] : memref<4x3x8x1024xf32, #tpu.memory_space<vmem>> -> memref<1x1x8x1024xf32, #tpu.memory_space<vmem>>
    %dma_wait3A_2334 = tpu.memref_squeeze %dma_wait3A_2333 : memref<1x1x8x1024xf32, #tpu.memory_space<vmem>> -> memref<8x1024xf32, #tpu.memory_space<vmem>>
    %dma_wait3A_2335 = arith.constant 0 : i32
    %dma_wait3A_2336 = tpu.memref_slice %arg2[%add3A_2318, %dma_wait3A_2335] : memref<16384x1024xf32, #tpu.memory_space<hbm>> -> memref<8x1024xf32, #tpu.memory_space<hbm>>
    tpu.wait_dma2 semaphore(%dma_wait3A_2330 : memref<!tpu.dma_semaphore, #tpu.memory_space<semaphore_mem>>) src(%dma_wait3A_2336 : memref<8x1024xf32, #tpu.memory_space<hbm>>) dst(%dma_wait3A_2334 : memref<8x1024xf32, #tpu.memory_space<vmem>>)
    %add3A_2337 = arith.constant 0 : i32
    %add3A_2338 = arith.addi %mul3A_2, %add3A_2337 : i32
    %add3A_2339 = arith.constant 48 : i32
    %add3A_2340 = arith.addi %add3A_2338, %add3A_2339 : i32
    %dma_start3A_2341 = arith.constant 0 : i32
    %dma_start3A_2342 = arith.constant 0 : i32
    %dma_start3A_2343 = arith.constant 0 : i32
    %dma_start3A_2344 = arith.constant 0 : i32
    %dma_start3A_2345 = arith.constant 0 : i32
    %dma_start3A_2346 = arith.constant 0 : i32
    %dma_start3A_2347 = tpu.memref_slice %arg4[%dma_start3A_2341, %dma_start3A_2342, %dma_start3A_2345, %dma_start3A_2346] : memref<4x3x8x1024xf32, #tpu.memory_space<vmem>> -> memref<1x1x8x1024xf32, #tpu.memory_space<vmem>>
    %dma_start3A_2348 = tpu.memref_squeeze %dma_start3A_2347 : memref<1x1x8x1024xf32, #tpu.memory_space<vmem>> -> memref<8x1024xf32, #tpu.memory_space<vmem>>
    %dma_start3A_2349 = arith.constant 0 : i32
    %dma_start3A_2350 = tpu.memref_slice %arg3[%add3A_2340, %dma_start3A_2349] : memref<8192x1024xf32, #tpu.memory_space<hbm>> -> memref<8x1024xf32, #tpu.memory_space<hbm>>
    %dma_start3A_2351 = tpu.memref_slice %arg6[%dma_start3A_2343, %dma_start3A_2344] : memref<4x3x!tpu.dma_semaphore, #tpu.memory_space<semaphore_mem>> -> memref<1x1x!tpu.dma_semaphore, #tpu.memory_space<semaphore_mem>>
    %dma_start3A_2352 = tpu.memref_squeeze %dma_start3A_2351 : memref<1x1x!tpu.dma_semaphore, #tpu.memory_space<semaphore_mem>> -> memref<!tpu.dma_semaphore, #tpu.memory_space<semaphore_mem>>
    %dma_start3A_2353 = arith.constant 0 : i32
    %dma_start3A_2354 = tpu.memref_slice %arg3[%add3A_2340, %dma_start3A_2353] : memref<8192x1024xf32, #tpu.memory_space<hbm>> -> memref<8x1024xf32, #tpu.memory_space<hbm>>
    %dma_start3A_2355 = arith.constant 0 : i32
    %dma_start3A_2356 = arith.constant 0 : i32
    %dma_start3A_2357 = tpu.memref_slice %arg4[%dma_start3A_2341, %dma_start3A_2342, %dma_start3A_2355, %dma_start3A_2356] : memref<4x3x8x1024xf32, #tpu.memory_space<vmem>> -> memref<1x1x8x1024xf32, #tpu.memory_space<vmem>>
    %dma_start3A_2358 = tpu.memref_squeeze %dma_start3A_2357 : memref<1x1x8x1024xf32, #tpu.memory_space<vmem>> -> memref<8x1024xf32, #tpu.memory_space<vmem>>
    tpu.enqueue_dma source(%dma_start3A_2358 : memref<8x1024xf32, #tpu.memory_space<vmem>>) target(%dma_start3A_2354 : memref<8x1024xf32, #tpu.memory_space<hbm>>) target_semaphore(%dma_start3A_2352 : memref<!tpu.dma_semaphore, #tpu.memory_space<semaphore_mem>>)
    %add3A_2359 = arith.constant 4096 : i32
    %add3A_2360 = arith.addi %add3A_2359, %mul3A_2 : i32
    %add3A_2361 = arith.constant 64 : i32
    %add3A_2362 = arith.addi %add3A_2360, %add3A_2361 : i32
    %add3A_2363 = arith.constant 48 : i32
    %add3A_2364 = arith.addi %add3A_2362, %add3A_2363 : i32
    %dma_wait3A_2365 = arith.constant 1 : i32
    %dma_wait3A_2366 = arith.constant 0 : i32
    %dma_wait3A_2367 = arith.constant 1 : i32
    %dma_wait3A_2368 = arith.constant 0 : i32
    %dma_wait3A_2369 = arith.constant 0 : i32
    %dma_wait3A_2370 = arith.constant 0 : i32
    %dma_wait3A_2371 = tpu.memref_slice %arg4[%dma_wait3A_2365, %dma_wait3A_2366, %dma_wait3A_2369, %dma_wait3A_2370] : memref<4x3x8x1024xf32, #tpu.memory_space<vmem>> -> memref<1x1x8x1024xf32, #tpu.memory_space<vmem>>
    %dma_wait3A_2372 = tpu.memref_squeeze %dma_wait3A_2371 : memref<1x1x8x1024xf32, #tpu.memory_space<vmem>> -> memref<8x1024xf32, #tpu.memory_space<vmem>>
    %dma_wait3A_2373 = arith.constant 0 : i32
    %dma_wait3A_2374 = tpu.memref_slice %arg2[%add3A_2364, %dma_wait3A_2373] : memref<16384x1024xf32, #tpu.memory_space<hbm>> -> memref<8x1024xf32, #tpu.memory_space<hbm>>
    %dma_wait3A_2375 = tpu.memref_slice %arg5[%dma_wait3A_2367, %dma_wait3A_2368] : memref<4x3x!tpu.dma_semaphore, #tpu.memory_space<semaphore_mem>> -> memref<1x1x!tpu.dma_semaphore, #tpu.memory_space<semaphore_mem>>
    %dma_wait3A_2376 = tpu.memref_squeeze %dma_wait3A_2375 : memref<1x1x!tpu.dma_semaphore, #tpu.memory_space<semaphore_mem>> -> memref<!tpu.dma_semaphore, #tpu.memory_space<semaphore_mem>>
    %dma_wait3A_2377 = arith.constant 0 : i32
    %dma_wait3A_2378 = arith.constant 0 : i32
    %dma_wait3A_2379 = tpu.memref_slice %arg4[%dma_wait3A_2365, %dma_wait3A_2366, %dma_wait3A_2377, %dma_wait3A_2378] : memref<4x3x8x1024xf32, #tpu.memory_space<vmem>> -> memref<1x1x8x1024xf32, #tpu.memory_space<vmem>>
    %dma_wait3A_2380 = tpu.memref_squeeze %dma_wait3A_2379 : memref<1x1x8x1024xf32, #tpu.memory_space<vmem>> -> memref<8x1024xf32, #tpu.memory_space<vmem>>
    %dma_wait3A_2381 = arith.constant 0 : i32
    %dma_wait3A_2382 = tpu.memref_slice %arg2[%add3A_2364, %dma_wait3A_2381] : memref<16384x1024xf32, #tpu.memory_space<hbm>> -> memref<8x1024xf32, #tpu.memory_space<hbm>>
    tpu.wait_dma2 semaphore(%dma_wait3A_2376 : memref<!tpu.dma_semaphore, #tpu.memory_space<semaphore_mem>>) src(%dma_wait3A_2382 : memref<8x1024xf32, #tpu.memory_space<hbm>>) dst(%dma_wait3A_2380 : memref<8x1024xf32, #tpu.memory_space<vmem>>)
    %add3A_2383 = arith.constant 64 : i32
    %add3A_2384 = arith.addi %mul3A_2, %add3A_2383 : i32
    %add3A_2385 = arith.constant 48 : i32
    %add3A_2386 = arith.addi %add3A_2384, %add3A_2385 : i32
    %dma_start3A_2387 = arith.constant 1 : i32
    %dma_start3A_2388 = arith.constant 0 : i32
    %dma_start3A_2389 = arith.constant 1 : i32
    %dma_start3A_2390 = arith.constant 0 : i32
    %dma_start3A_2391 = arith.constant 0 : i32
    %dma_start3A_2392 = arith.constant 0 : i32
    %dma_start3A_2393 = tpu.memref_slice %arg4[%dma_start3A_2387, %dma_start3A_2388, %dma_start3A_2391, %dma_start3A_2392] : memref<4x3x8x1024xf32, #tpu.memory_space<vmem>> -> memref<1x1x8x1024xf32, #tpu.memory_space<vmem>>
    %dma_start3A_2394 = tpu.memref_squeeze %dma_start3A_2393 : memref<1x1x8x1024xf32, #tpu.memory_space<vmem>> -> memref<8x1024xf32, #tpu.memory_space<vmem>>
    %dma_start3A_2395 = arith.constant 0 : i32
    %dma_start3A_2396 = tpu.memref_slice %arg3[%add3A_2386, %dma_start3A_2395] : memref<8192x1024xf32, #tpu.memory_space<hbm>> -> memref<8x1024xf32, #tpu.memory_space<hbm>>
    %dma_start3A_2397 = tpu.memref_slice %arg6[%dma_start3A_2389, %dma_start3A_2390] : memref<4x3x!tpu.dma_semaphore, #tpu.memory_space<semaphore_mem>> -> memref<1x1x!tpu.dma_semaphore, #tpu.memory_space<semaphore_mem>>
    %dma_start3A_2398 = tpu.memref_squeeze %dma_start3A_2397 : memref<1x1x!tpu.dma_semaphore, #tpu.memory_space<semaphore_mem>> -> memref<!tpu.dma_semaphore, #tpu.memory_space<semaphore_mem>>
    %dma_start3A_2399 = arith.constant 0 : i32
    %dma_start3A_2400 = tpu.memref_slice %arg3[%add3A_2386, %dma_start3A_2399] : memref<8192x1024xf32, #tpu.memory_space<hbm>> -> memref<8x1024xf32, #tpu.memory_space<hbm>>
    %dma_start3A_2401 = arith.constant 0 : i32
    %dma_start3A_2402 = arith.constant 0 : i32
    %dma_start3A_2403 = tpu.memref_slice %arg4[%dma_start3A_2387, %dma_start3A_2388, %dma_start3A_2401, %dma_start3A_2402] : memref<4x3x8x1024xf32, #tpu.memory_space<vmem>> -> memref<1x1x8x1024xf32, #tpu.memory_space<vmem>>
    %dma_start3A_2404 = tpu.memref_squeeze %dma_start3A_2403 : memref<1x1x8x1024xf32, #tpu.memory_space<vmem>> -> memref<8x1024xf32, #tpu.memory_space<vmem>>
    tpu.enqueue_dma source(%dma_start3A_2404 : memref<8x1024xf32, #tpu.memory_space<vmem>>) target(%dma_start3A_2400 : memref<8x1024xf32, #tpu.memory_space<hbm>>) target_semaphore(%dma_start3A_2398 : memref<!tpu.dma_semaphore, #tpu.memory_space<semaphore_mem>>)
    %add3A_2405 = arith.constant 4096 : i32
    %add3A_2406 = arith.addi %add3A_2405, %mul3A_2 : i32
    %add3A_2407 = arith.constant 128 : i32
    %add3A_2408 = arith.addi %add3A_2406, %add3A_2407 : i32
    %add3A_2409 = arith.constant 48 : i32
    %add3A_2410 = arith.addi %add3A_2408, %add3A_2409 : i32
    %dma_wait3A_2411 = arith.constant 2 : i32
    %dma_wait3A_2412 = arith.constant 0 : i32
    %dma_wait3A_2413 = arith.constant 2 : i32
    %dma_wait3A_2414 = arith.constant 0 : i32
    %dma_wait3A_2415 = arith.constant 0 : i32
    %dma_wait3A_2416 = arith.constant 0 : i32
    %dma_wait3A_2417 = tpu.memref_slice %arg4[%dma_wait3A_2411, %dma_wait3A_2412, %dma_wait3A_2415, %dma_wait3A_2416] : memref<4x3x8x1024xf32, #tpu.memory_space<vmem>> -> memref<1x1x8x1024xf32, #tpu.memory_space<vmem>>
    %dma_wait3A_2418 = tpu.memref_squeeze %dma_wait3A_2417 : memref<1x1x8x1024xf32, #tpu.memory_space<vmem>> -> memref<8x1024xf32, #tpu.memory_space<vmem>>
    %dma_wait3A_2419 = arith.constant 0 : i32
    %dma_wait3A_2420 = tpu.memref_slice %arg2[%add3A_2410, %dma_wait3A_2419] : memref<16384x1024xf32, #tpu.memory_space<hbm>> -> memref<8x1024xf32, #tpu.memory_space<hbm>>
    %dma_wait3A_2421 = tpu.memref_slice %arg5[%dma_wait3A_2413, %dma_wait3A_2414] : memref<4x3x!tpu.dma_semaphore, #tpu.memory_space<semaphore_mem>> -> memref<1x1x!tpu.dma_semaphore, #tpu.memory_space<semaphore_mem>>
    %dma_wait3A_2422 = tpu.memref_squeeze %dma_wait3A_2421 : memref<1x1x!tpu.dma_semaphore, #tpu.memory_space<semaphore_mem>> -> memref<!tpu.dma_semaphore, #tpu.memory_space<semaphore_mem>>
    %dma_wait3A_2423 = arith.constant 0 : i32
    %dma_wait3A_2424 = arith.constant 0 : i32
    %dma_wait3A_2425 = tpu.memref_slice %arg4[%dma_wait3A_2411, %dma_wait3A_2412, %dma_wait3A_2423, %dma_wait3A_2424] : memref<4x3x8x1024xf32, #tpu.memory_space<vmem>> -> memref<1x1x8x1024xf32, #tpu.memory_space<vmem>>
    %dma_wait3A_2426 = tpu.memref_squeeze %dma_wait3A_2425 : memref<1x1x8x1024xf32, #tpu.memory_space<vmem>> -> memref<8x1024xf32, #tpu.memory_space<vmem>>
    %dma_wait3A_2427 = arith.constant 0 : i32
    %dma_wait3A_2428 = tpu.memref_slice %arg2[%add3A_2410, %dma_wait3A_2427] : memref<16384x1024xf32, #tpu.memory_space<hbm>> -> memref<8x1024xf32, #tpu.memory_space<hbm>>
    tpu.wait_dma2 semaphore(%dma_wait3A_2422 : memref<!tpu.dma_semaphore, #tpu.memory_space<semaphore_mem>>) src(%dma_wait3A_2428 : memref<8x1024xf32, #tpu.memory_space<hbm>>) dst(%dma_wait3A_2426 : memref<8x1024xf32, #tpu.memory_space<vmem>>)
    %add3A_2429 = arith.constant 128 : i32
    %add3A_2430 = arith.addi %mul3A_2, %add3A_2429 : i32
    %add3A_2431 = arith.constant 48 : i32
    %add3A_2432 = arith.addi %add3A_2430, %add3A_2431 : i32
    %dma_start3A_2433 = arith.constant 2 : i32
    %dma_start3A_2434 = arith.constant 0 : i32
    %dma_start3A_2435 = arith.constant 2 : i32
    %dma_start3A_2436 = arith.constant 0 : i32
    %dma_start3A_2437 = arith.constant 0 : i32
    %dma_start3A_2438 = arith.constant 0 : i32
    %dma_start3A_2439 = tpu.memref_slice %arg4[%dma_start3A_2433, %dma_start3A_2434, %dma_start3A_2437, %dma_start3A_2438] : memref<4x3x8x1024xf32, #tpu.memory_space<vmem>> -> memref<1x1x8x1024xf32, #tpu.memory_space<vmem>>
    %dma_start3A_2440 = tpu.memref_squeeze %dma_start3A_2439 : memref<1x1x8x1024xf32, #tpu.memory_space<vmem>> -> memref<8x1024xf32, #tpu.memory_space<vmem>>
    %dma_start3A_2441 = arith.constant 0 : i32
    %dma_start3A_2442 = tpu.memref_slice %arg3[%add3A_2432, %dma_start3A_2441] : memref<8192x1024xf32, #tpu.memory_space<hbm>> -> memref<8x1024xf32, #tpu.memory_space<hbm>>
    %dma_start3A_2443 = tpu.memref_slice %arg6[%dma_start3A_2435, %dma_start3A_2436] : memref<4x3x!tpu.dma_semaphore, #tpu.memory_space<semaphore_mem>> -> memref<1x1x!tpu.dma_semaphore, #tpu.memory_space<semaphore_mem>>
    %dma_start3A_2444 = tpu.memref_squeeze %dma_start3A_2443 : memref<1x1x!tpu.dma_semaphore, #tpu.memory_space<semaphore_mem>> -> memref<!tpu.dma_semaphore, #tpu.memory_space<semaphore_mem>>
    %dma_start3A_2445 = arith.constant 0 : i32
    %dma_start3A_2446 = tpu.memref_slice %arg3[%add3A_2432, %dma_start3A_2445] : memref<8192x1024xf32, #tpu.memory_space<hbm>> -> memref<8x1024xf32, #tpu.memory_space<hbm>>
    %dma_start3A_2447 = arith.constant 0 : i32
    %dma_start3A_2448 = arith.constant 0 : i32
    %dma_start3A_2449 = tpu.memref_slice %arg4[%dma_start3A_2433, %dma_start3A_2434, %dma_start3A_2447, %dma_start3A_2448] : memref<4x3x8x1024xf32, #tpu.memory_space<vmem>> -> memref<1x1x8x1024xf32, #tpu.memory_space<vmem>>
    %dma_start3A_2450 = tpu.memref_squeeze %dma_start3A_2449 : memref<1x1x8x1024xf32, #tpu.memory_space<vmem>> -> memref<8x1024xf32, #tpu.memory_space<vmem>>
    tpu.enqueue_dma source(%dma_start3A_2450 : memref<8x1024xf32, #tpu.memory_space<vmem>>) target(%dma_start3A_2446 : memref<8x1024xf32, #tpu.memory_space<hbm>>) target_semaphore(%dma_start3A_2444 : memref<!tpu.dma_semaphore, #tpu.memory_space<semaphore_mem>>)
    %add3A_2451 = arith.constant 4096 : i32
    %add3A_2452 = arith.addi %add3A_2451, %mul3A_2 : i32
    %add3A_2453 = arith.constant 192 : i32
    %add3A_2454 = arith.addi %add3A_2452, %add3A_2453 : i32
    %add3A_2455 = arith.constant 48 : i32
    %add3A_2456 = arith.addi %add3A_2454, %add3A_2455 : i32
    %dma_wait3A_2457 = arith.constant 3 : i32
    %dma_wait3A_2458 = arith.constant 0 : i32
    %dma_wait3A_2459 = arith.constant 3 : i32
    %dma_wait3A_2460 = arith.constant 0 : i32
    %dma_wait3A_2461 = arith.constant 0 : i32
    %dma_wait3A_2462 = arith.constant 0 : i32
    %dma_wait3A_2463 = tpu.memref_slice %arg4[%dma_wait3A_2457, %dma_wait3A_2458, %dma_wait3A_2461, %dma_wait3A_2462] : memref<4x3x8x1024xf32, #tpu.memory_space<vmem>> -> memref<1x1x8x1024xf32, #tpu.memory_space<vmem>>
    %dma_wait3A_2464 = tpu.memref_squeeze %dma_wait3A_2463 : memref<1x1x8x1024xf32, #tpu.memory_space<vmem>> -> memref<8x1024xf32, #tpu.memory_space<vmem>>
    %dma_wait3A_2465 = arith.constant 0 : i32
    %dma_wait3A_2466 = tpu.memref_slice %arg2[%add3A_2456, %dma_wait3A_2465] : memref<16384x1024xf32, #tpu.memory_space<hbm>> -> memref<8x1024xf32, #tpu.memory_space<hbm>>
    %dma_wait3A_2467 = tpu.memref_slice %arg5[%dma_wait3A_2459, %dma_wait3A_2460] : memref<4x3x!tpu.dma_semaphore, #tpu.memory_space<semaphore_mem>> -> memref<1x1x!tpu.dma_semaphore, #tpu.memory_space<semaphore_mem>>
    %dma_wait3A_2468 = tpu.memref_squeeze %dma_wait3A_2467 : memref<1x1x!tpu.dma_semaphore, #tpu.memory_space<semaphore_mem>> -> memref<!tpu.dma_semaphore, #tpu.memory_space<semaphore_mem>>
    %dma_wait3A_2469 = arith.constant 0 : i32
    %dma_wait3A_2470 = arith.constant 0 : i32
    %dma_wait3A_2471 = tpu.memref_slice %arg4[%dma_wait3A_2457, %dma_wait3A_2458, %dma_wait3A_2469, %dma_wait3A_2470] : memref<4x3x8x1024xf32, #tpu.memory_space<vmem>> -> memref<1x1x8x1024xf32, #tpu.memory_space<vmem>>
    %dma_wait3A_2472 = tpu.memref_squeeze %dma_wait3A_2471 : memref<1x1x8x1024xf32, #tpu.memory_space<vmem>> -> memref<8x1024xf32, #tpu.memory_space<vmem>>
    %dma_wait3A_2473 = arith.constant 0 : i32
    %dma_wait3A_2474 = tpu.memref_slice %arg2[%add3A_2456, %dma_wait3A_2473] : memref<16384x1024xf32, #tpu.memory_space<hbm>> -> memref<8x1024xf32, #tpu.memory_space<hbm>>
    tpu.wait_dma2 semaphore(%dma_wait3A_2468 : memref<!tpu.dma_semaphore, #tpu.memory_space<semaphore_mem>>) src(%dma_wait3A_2474 : memref<8x1024xf32, #tpu.memory_space<hbm>>) dst(%dma_wait3A_2472 : memref<8x1024xf32, #tpu.memory_space<vmem>>)
    %add3A_2475 = arith.constant 192 : i32
    %add3A_2476 = arith.addi %mul3A_2, %add3A_2475 : i32
    %add3A_2477 = arith.constant 48 : i32
    %add3A_2478 = arith.addi %add3A_2476, %add3A_2477 : i32
    %dma_start3A_2479 = arith.constant 3 : i32
    %dma_start3A_2480 = arith.constant 0 : i32
    %dma_start3A_2481 = arith.constant 3 : i32
    %dma_start3A_2482 = arith.constant 0 : i32
    %dma_start3A_2483 = arith.constant 0 : i32
    %dma_start3A_2484 = arith.constant 0 : i32
    %dma_start3A_2485 = tpu.memref_slice %arg4[%dma_start3A_2479, %dma_start3A_2480, %dma_start3A_2483, %dma_start3A_2484] : memref<4x3x8x1024xf32, #tpu.memory_space<vmem>> -> memref<1x1x8x1024xf32, #tpu.memory_space<vmem>>
    %dma_start3A_2486 = tpu.memref_squeeze %dma_start3A_2485 : memref<1x1x8x1024xf32, #tpu.memory_space<vmem>> -> memref<8x1024xf32, #tpu.memory_space<vmem>>
    %dma_start3A_2487 = arith.constant 0 : i32
    %dma_start3A_2488 = tpu.memref_slice %arg3[%add3A_2478, %dma_start3A_2487] : memref<8192x1024xf32, #tpu.memory_space<hbm>> -> memref<8x1024xf32, #tpu.memory_space<hbm>>
    %dma_start3A_2489 = tpu.memref_slice %arg6[%dma_start3A_2481, %dma_start3A_2482] : memref<4x3x!tpu.dma_semaphore, #tpu.memory_space<semaphore_mem>> -> memref<1x1x!tpu.dma_semaphore, #tpu.memory_space<semaphore_mem>>
    %dma_start3A_2490 = tpu.memref_squeeze %dma_start3A_2489 : memref<1x1x!tpu.dma_semaphore, #tpu.memory_space<semaphore_mem>> -> memref<!tpu.dma_semaphore, #tpu.memory_space<semaphore_mem>>
    %dma_start3A_2491 = arith.constant 0 : i32
    %dma_start3A_2492 = tpu.memref_slice %arg3[%add3A_2478, %dma_start3A_2491] : memref<8192x1024xf32, #tpu.memory_space<hbm>> -> memref<8x1024xf32, #tpu.memory_space<hbm>>
    %dma_start3A_2493 = arith.constant 0 : i32
    %dma_start3A_2494 = arith.constant 0 : i32
    %dma_start3A_2495 = tpu.memref_slice %arg4[%dma_start3A_2479, %dma_start3A_2480, %dma_start3A_2493, %dma_start3A_2494] : memref<4x3x8x1024xf32, #tpu.memory_space<vmem>> -> memref<1x1x8x1024xf32, #tpu.memory_space<vmem>>
    %dma_start3A_2496 = tpu.memref_squeeze %dma_start3A_2495 : memref<1x1x8x1024xf32, #tpu.memory_space<vmem>> -> memref<8x1024xf32, #tpu.memory_space<vmem>>
    tpu.enqueue_dma source(%dma_start3A_2496 : memref<8x1024xf32, #tpu.memory_space<vmem>>) target(%dma_start3A_2492 : memref<8x1024xf32, #tpu.memory_space<hbm>>) target_semaphore(%dma_start3A_2490 : memref<!tpu.dma_semaphore, #tpu.memory_space<semaphore_mem>>)
    %add3A_2497 = arith.constant 4096 : i32
    %add3A_2498 = arith.addi %add3A_2497, %mul3A_2 : i32
    %add3A_2499 = arith.constant 0 : i32
    %add3A_2500 = arith.addi %add3A_2498, %add3A_2499 : i32
    %add3A_2501 = arith.constant 56 : i32
    %add3A_2502 = arith.addi %add3A_2500, %add3A_2501 : i32
    %dma_wait3A_2503 = arith.constant 0 : i32
    %dma_wait3A_2504 = arith.constant 1 : i32
    %dma_wait3A_2505 = arith.constant 0 : i32
    %dma_wait3A_2506 = arith.constant 1 : i32
    %dma_wait3A_2507 = arith.constant 0 : i32
    %dma_wait3A_2508 = arith.constant 0 : i32
    %dma_wait3A_2509 = tpu.memref_slice %arg4[%dma_wait3A_2503, %dma_wait3A_2504, %dma_wait3A_2507, %dma_wait3A_2508] : memref<4x3x8x1024xf32, #tpu.memory_space<vmem>> -> memref<1x1x8x1024xf32, #tpu.memory_space<vmem>>
    %dma_wait3A_2510 = tpu.memref_squeeze %dma_wait3A_2509 : memref<1x1x8x1024xf32, #tpu.memory_space<vmem>> -> memref<8x1024xf32, #tpu.memory_space<vmem>>
    %dma_wait3A_2511 = arith.constant 0 : i32
    %dma_wait3A_2512 = tpu.memref_slice %arg2[%add3A_2502, %dma_wait3A_2511] : memref<16384x1024xf32, #tpu.memory_space<hbm>> -> memref<8x1024xf32, #tpu.memory_space<hbm>>
    %dma_wait3A_2513 = tpu.memref_slice %arg5[%dma_wait3A_2505, %dma_wait3A_2506] : memref<4x3x!tpu.dma_semaphore, #tpu.memory_space<semaphore_mem>> -> memref<1x1x!tpu.dma_semaphore, #tpu.memory_space<semaphore_mem>>
    %dma_wait3A_2514 = tpu.memref_squeeze %dma_wait3A_2513 : memref<1x1x!tpu.dma_semaphore, #tpu.memory_space<semaphore_mem>> -> memref<!tpu.dma_semaphore, #tpu.memory_space<semaphore_mem>>
    %dma_wait3A_2515 = arith.constant 0 : i32
    %dma_wait3A_2516 = arith.constant 0 : i32
    %dma_wait3A_2517 = tpu.memref_slice %arg4[%dma_wait3A_2503, %dma_wait3A_2504, %dma_wait3A_2515, %dma_wait3A_2516] : memref<4x3x8x1024xf32, #tpu.memory_space<vmem>> -> memref<1x1x8x1024xf32, #tpu.memory_space<vmem>>
    %dma_wait3A_2518 = tpu.memref_squeeze %dma_wait3A_2517 : memref<1x1x8x1024xf32, #tpu.memory_space<vmem>> -> memref<8x1024xf32, #tpu.memory_space<vmem>>
    %dma_wait3A_2519 = arith.constant 0 : i32
    %dma_wait3A_2520 = tpu.memref_slice %arg2[%add3A_2502, %dma_wait3A_2519] : memref<16384x1024xf32, #tpu.memory_space<hbm>> -> memref<8x1024xf32, #tpu.memory_space<hbm>>
    tpu.wait_dma2 semaphore(%dma_wait3A_2514 : memref<!tpu.dma_semaphore, #tpu.memory_space<semaphore_mem>>) src(%dma_wait3A_2520 : memref<8x1024xf32, #tpu.memory_space<hbm>>) dst(%dma_wait3A_2518 : memref<8x1024xf32, #tpu.memory_space<vmem>>)
    %add3A_2521 = arith.constant 0 : i32
    %add3A_2522 = arith.addi %mul3A_2, %add3A_2521 : i32
    %add3A_2523 = arith.constant 56 : i32
    %add3A_2524 = arith.addi %add3A_2522, %add3A_2523 : i32
    %dma_start3A_2525 = arith.constant 0 : i32
    %dma_start3A_2526 = arith.constant 1 : i32
    %dma_start3A_2527 = arith.constant 0 : i32
    %dma_start3A_2528 = arith.constant 1 : i32
    %dma_start3A_2529 = arith.constant 0 : i32
    %dma_start3A_2530 = arith.constant 0 : i32
    %dma_start3A_2531 = tpu.memref_slice %arg4[%dma_start3A_2525, %dma_start3A_2526, %dma_start3A_2529, %dma_start3A_2530] : memref<4x3x8x1024xf32, #tpu.memory_space<vmem>> -> memref<1x1x8x1024xf32, #tpu.memory_space<vmem>>
    %dma_start3A_2532 = tpu.memref_squeeze %dma_start3A_2531 : memref<1x1x8x1024xf32, #tpu.memory_space<vmem>> -> memref<8x1024xf32, #tpu.memory_space<vmem>>
    %dma_start3A_2533 = arith.constant 0 : i32
    %dma_start3A_2534 = tpu.memref_slice %arg3[%add3A_2524, %dma_start3A_2533] : memref<8192x1024xf32, #tpu.memory_space<hbm>> -> memref<8x1024xf32, #tpu.memory_space<hbm>>
    %dma_start3A_2535 = tpu.memref_slice %arg6[%dma_start3A_2527, %dma_start3A_2528] : memref<4x3x!tpu.dma_semaphore, #tpu.memory_space<semaphore_mem>> -> memref<1x1x!tpu.dma_semaphore, #tpu.memory_space<semaphore_mem>>
    %dma_start3A_2536 = tpu.memref_squeeze %dma_start3A_2535 : memref<1x1x!tpu.dma_semaphore, #tpu.memory_space<semaphore_mem>> -> memref<!tpu.dma_semaphore, #tpu.memory_space<semaphore_mem>>
    %dma_start3A_2537 = arith.constant 0 : i32
    %dma_start3A_2538 = tpu.memref_slice %arg3[%add3A_2524, %dma_start3A_2537] : memref<8192x1024xf32, #tpu.memory_space<hbm>> -> memref<8x1024xf32, #tpu.memory_space<hbm>>
    %dma_start3A_2539 = arith.constant 0 : i32
    %dma_start3A_2540 = arith.constant 0 : i32
    %dma_start3A_2541 = tpu.memref_slice %arg4[%dma_start3A_2525, %dma_start3A_2526, %dma_start3A_2539, %dma_start3A_2540] : memref<4x3x8x1024xf32, #tpu.memory_space<vmem>> -> memref<1x1x8x1024xf32, #tpu.memory_space<vmem>>
    %dma_start3A_2542 = tpu.memref_squeeze %dma_start3A_2541 : memref<1x1x8x1024xf32, #tpu.memory_space<vmem>> -> memref<8x1024xf32, #tpu.memory_space<vmem>>
    tpu.enqueue_dma source(%dma_start3A_2542 : memref<8x1024xf32, #tpu.memory_space<vmem>>) target(%dma_start3A_2538 : memref<8x1024xf32, #tpu.memory_space<hbm>>) target_semaphore(%dma_start3A_2536 : memref<!tpu.dma_semaphore, #tpu.memory_space<semaphore_mem>>)
    %add3A_2543 = arith.constant 4096 : i32
    %add3A_2544 = arith.addi %add3A_2543, %mul3A_2 : i32
    %add3A_2545 = arith.constant 64 : i32
    %add3A_2546 = arith.addi %add3A_2544, %add3A_2545 : i32
    %add3A_2547 = arith.constant 56 : i32
    %add3A_2548 = arith.addi %add3A_2546, %add3A_2547 : i32
    %dma_wait3A_2549 = arith.constant 1 : i32
    %dma_wait3A_2550 = arith.constant 1 : i32
    %dma_wait3A_2551 = arith.constant 1 : i32
    %dma_wait3A_2552 = arith.constant 1 : i32
    %dma_wait3A_2553 = arith.constant 0 : i32
    %dma_wait3A_2554 = arith.constant 0 : i32
    %dma_wait3A_2555 = tpu.memref_slice %arg4[%dma_wait3A_2549, %dma_wait3A_2550, %dma_wait3A_2553, %dma_wait3A_2554] : memref<4x3x8x1024xf32, #tpu.memory_space<vmem>> -> memref<1x1x8x1024xf32, #tpu.memory_space<vmem>>
    %dma_wait3A_2556 = tpu.memref_squeeze %dma_wait3A_2555 : memref<1x1x8x1024xf32, #tpu.memory_space<vmem>> -> memref<8x1024xf32, #tpu.memory_space<vmem>>
    %dma_wait3A_2557 = arith.constant 0 : i32
    %dma_wait3A_2558 = tpu.memref_slice %arg2[%add3A_2548, %dma_wait3A_2557] : memref<16384x1024xf32, #tpu.memory_space<hbm>> -> memref<8x1024xf32, #tpu.memory_space<hbm>>
    %dma_wait3A_2559 = tpu.memref_slice %arg5[%dma_wait3A_2551, %dma_wait3A_2552] : memref<4x3x!tpu.dma_semaphore, #tpu.memory_space<semaphore_mem>> -> memref<1x1x!tpu.dma_semaphore, #tpu.memory_space<semaphore_mem>>
    %dma_wait3A_2560 = tpu.memref_squeeze %dma_wait3A_2559 : memref<1x1x!tpu.dma_semaphore, #tpu.memory_space<semaphore_mem>> -> memref<!tpu.dma_semaphore, #tpu.memory_space<semaphore_mem>>
    %dma_wait3A_2561 = arith.constant 0 : i32
    %dma_wait3A_2562 = arith.constant 0 : i32
    %dma_wait3A_2563 = tpu.memref_slice %arg4[%dma_wait3A_2549, %dma_wait3A_2550, %dma_wait3A_2561, %dma_wait3A_2562] : memref<4x3x8x1024xf32, #tpu.memory_space<vmem>> -> memref<1x1x8x1024xf32, #tpu.memory_space<vmem>>
    %dma_wait3A_2564 = tpu.memref_squeeze %dma_wait3A_2563 : memref<1x1x8x1024xf32, #tpu.memory_space<vmem>> -> memref<8x1024xf32, #tpu.memory_space<vmem>>
    %dma_wait3A_2565 = arith.constant 0 : i32
    %dma_wait3A_2566 = tpu.memref_slice %arg2[%add3A_2548, %dma_wait3A_2565] : memref<16384x1024xf32, #tpu.memory_space<hbm>> -> memref<8x1024xf32, #tpu.memory_space<hbm>>
    tpu.wait_dma2 semaphore(%dma_wait3A_2560 : memref<!tpu.dma_semaphore, #tpu.memory_space<semaphore_mem>>) src(%dma_wait3A_2566 : memref<8x1024xf32, #tpu.memory_space<hbm>>) dst(%dma_wait3A_2564 : memref<8x1024xf32, #tpu.memory_space<vmem>>)
    %add3A_2567 = arith.constant 64 : i32
    %add3A_2568 = arith.addi %mul3A_2, %add3A_2567 : i32
    %add3A_2569 = arith.constant 56 : i32
    %add3A_2570 = arith.addi %add3A_2568, %add3A_2569 : i32
    %dma_start3A_2571 = arith.constant 1 : i32
    %dma_start3A_2572 = arith.constant 1 : i32
    %dma_start3A_2573 = arith.constant 1 : i32
    %dma_start3A_2574 = arith.constant 1 : i32
    %dma_start3A_2575 = arith.constant 0 : i32
    %dma_start3A_2576 = arith.constant 0 : i32
    %dma_start3A_2577 = tpu.memref_slice %arg4[%dma_start3A_2571, %dma_start3A_2572, %dma_start3A_2575, %dma_start3A_2576] : memref<4x3x8x1024xf32, #tpu.memory_space<vmem>> -> memref<1x1x8x1024xf32, #tpu.memory_space<vmem>>
    %dma_start3A_2578 = tpu.memref_squeeze %dma_start3A_2577 : memref<1x1x8x1024xf32, #tpu.memory_space<vmem>> -> memref<8x1024xf32, #tpu.memory_space<vmem>>
    %dma_start3A_2579 = arith.constant 0 : i32
    %dma_start3A_2580 = tpu.memref_slice %arg3[%add3A_2570, %dma_start3A_2579] : memref<8192x1024xf32, #tpu.memory_space<hbm>> -> memref<8x1024xf32, #tpu.memory_space<hbm>>
    %dma_start3A_2581 = tpu.memref_slice %arg6[%dma_start3A_2573, %dma_start3A_2574] : memref<4x3x!tpu.dma_semaphore, #tpu.memory_space<semaphore_mem>> -> memref<1x1x!tpu.dma_semaphore, #tpu.memory_space<semaphore_mem>>
    %dma_start3A_2582 = tpu.memref_squeeze %dma_start3A_2581 : memref<1x1x!tpu.dma_semaphore, #tpu.memory_space<semaphore_mem>> -> memref<!tpu.dma_semaphore, #tpu.memory_space<semaphore_mem>>
    %dma_start3A_2583 = arith.constant 0 : i32
    %dma_start3A_2584 = tpu.memref_slice %arg3[%add3A_2570, %dma_start3A_2583] : memref<8192x1024xf32, #tpu.memory_space<hbm>> -> memref<8x1024xf32, #tpu.memory_space<hbm>>
    %dma_start3A_2585 = arith.constant 0 : i32
    %dma_start3A_2586 = arith.constant 0 : i32
    %dma_start3A_2587 = tpu.memref_slice %arg4[%dma_start3A_2571, %dma_start3A_2572, %dma_start3A_2585, %dma_start3A_2586] : memref<4x3x8x1024xf32, #tpu.memory_space<vmem>> -> memref<1x1x8x1024xf32, #tpu.memory_space<vmem>>
    %dma_start3A_2588 = tpu.memref_squeeze %dma_start3A_2587 : memref<1x1x8x1024xf32, #tpu.memory_space<vmem>> -> memref<8x1024xf32, #tpu.memory_space<vmem>>
    tpu.enqueue_dma source(%dma_start3A_2588 : memref<8x1024xf32, #tpu.memory_space<vmem>>) target(%dma_start3A_2584 : memref<8x1024xf32, #tpu.memory_space<hbm>>) target_semaphore(%dma_start3A_2582 : memref<!tpu.dma_semaphore, #tpu.memory_space<semaphore_mem>>)
    %add3A_2589 = arith.constant 4096 : i32
    %add3A_2590 = arith.addi %add3A_2589, %mul3A_2 : i32
    %add3A_2591 = arith.constant 128 : i32
    %add3A_2592 = arith.addi %add3A_2590, %add3A_2591 : i32
    %add3A_2593 = arith.constant 56 : i32
    %add3A_2594 = arith.addi %add3A_2592, %add3A_2593 : i32
    %dma_wait3A_2595 = arith.constant 2 : i32
    %dma_wait3A_2596 = arith.constant 1 : i32
    %dma_wait3A_2597 = arith.constant 2 : i32
    %dma_wait3A_2598 = arith.constant 1 : i32
    %dma_wait3A_2599 = arith.constant 0 : i32
    %dma_wait3A_2600 = arith.constant 0 : i32
    %dma_wait3A_2601 = tpu.memref_slice %arg4[%dma_wait3A_2595, %dma_wait3A_2596, %dma_wait3A_2599, %dma_wait3A_2600] : memref<4x3x8x1024xf32, #tpu.memory_space<vmem>> -> memref<1x1x8x1024xf32, #tpu.memory_space<vmem>>
    %dma_wait3A_2602 = tpu.memref_squeeze %dma_wait3A_2601 : memref<1x1x8x1024xf32, #tpu.memory_space<vmem>> -> memref<8x1024xf32, #tpu.memory_space<vmem>>
    %dma_wait3A_2603 = arith.constant 0 : i32
    %dma_wait3A_2604 = tpu.memref_slice %arg2[%add3A_2594, %dma_wait3A_2603] : memref<16384x1024xf32, #tpu.memory_space<hbm>> -> memref<8x1024xf32, #tpu.memory_space<hbm>>
    %dma_wait3A_2605 = tpu.memref_slice %arg5[%dma_wait3A_2597, %dma_wait3A_2598] : memref<4x3x!tpu.dma_semaphore, #tpu.memory_space<semaphore_mem>> -> memref<1x1x!tpu.dma_semaphore, #tpu.memory_space<semaphore_mem>>
    %dma_wait3A_2606 = tpu.memref_squeeze %dma_wait3A_2605 : memref<1x1x!tpu.dma_semaphore, #tpu.memory_space<semaphore_mem>> -> memref<!tpu.dma_semaphore, #tpu.memory_space<semaphore_mem>>
    %dma_wait3A_2607 = arith.constant 0 : i32
    %dma_wait3A_2608 = arith.constant 0 : i32
    %dma_wait3A_2609 = tpu.memref_slice %arg4[%dma_wait3A_2595, %dma_wait3A_2596, %dma_wait3A_2607, %dma_wait3A_2608] : memref<4x3x8x1024xf32, #tpu.memory_space<vmem>> -> memref<1x1x8x1024xf32, #tpu.memory_space<vmem>>
    %dma_wait3A_2610 = tpu.memref_squeeze %dma_wait3A_2609 : memref<1x1x8x1024xf32, #tpu.memory_space<vmem>> -> memref<8x1024xf32, #tpu.memory_space<vmem>>
    %dma_wait3A_2611 = arith.constant 0 : i32
    %dma_wait3A_2612 = tpu.memref_slice %arg2[%add3A_2594, %dma_wait3A_2611] : memref<16384x1024xf32, #tpu.memory_space<hbm>> -> memref<8x1024xf32, #tpu.memory_space<hbm>>
    tpu.wait_dma2 semaphore(%dma_wait3A_2606 : memref<!tpu.dma_semaphore, #tpu.memory_space<semaphore_mem>>) src(%dma_wait3A_2612 : memref<8x1024xf32, #tpu.memory_space<hbm>>) dst(%dma_wait3A_2610 : memref<8x1024xf32, #tpu.memory_space<vmem>>)
    %add3A_2613 = arith.constant 128 : i32
    %add3A_2614 = arith.addi %mul3A_2, %add3A_2613 : i32
    %add3A_2615 = arith.constant 56 : i32
    %add3A_2616 = arith.addi %add3A_2614, %add3A_2615 : i32
    %dma_start3A_2617 = arith.constant 2 : i32
    %dma_start3A_2618 = arith.constant 1 : i32
    %dma_start3A_2619 = arith.constant 2 : i32
    %dma_start3A_2620 = arith.constant 1 : i32
    %dma_start3A_2621 = arith.constant 0 : i32
    %dma_start3A_2622 = arith.constant 0 : i32
    %dma_start3A_2623 = tpu.memref_slice %arg4[%dma_start3A_2617, %dma_start3A_2618, %dma_start3A_2621, %dma_start3A_2622] : memref<4x3x8x1024xf32, #tpu.memory_space<vmem>> -> memref<1x1x8x1024xf32, #tpu.memory_space<vmem>>
    %dma_start3A_2624 = tpu.memref_squeeze %dma_start3A_2623 : memref<1x1x8x1024xf32, #tpu.memory_space<vmem>> -> memref<8x1024xf32, #tpu.memory_space<vmem>>
    %dma_start3A_2625 = arith.constant 0 : i32
    %dma_start3A_2626 = tpu.memref_slice %arg3[%add3A_2616, %dma_start3A_2625] : memref<8192x1024xf32, #tpu.memory_space<hbm>> -> memref<8x1024xf32, #tpu.memory_space<hbm>>
    %dma_start3A_2627 = tpu.memref_slice %arg6[%dma_start3A_2619, %dma_start3A_2620] : memref<4x3x!tpu.dma_semaphore, #tpu.memory_space<semaphore_mem>> -> memref<1x1x!tpu.dma_semaphore, #tpu.memory_space<semaphore_mem>>
    %dma_start3A_2628 = tpu.memref_squeeze %dma_start3A_2627 : memref<1x1x!tpu.dma_semaphore, #tpu.memory_space<semaphore_mem>> -> memref<!tpu.dma_semaphore, #tpu.memory_space<semaphore_mem>>
    %dma_start3A_2629 = arith.constant 0 : i32
    %dma_start3A_2630 = tpu.memref_slice %arg3[%add3A_2616, %dma_start3A_2629] : memref<8192x1024xf32, #tpu.memory_space<hbm>> -> memref<8x1024xf32, #tpu.memory_space<hbm>>
    %dma_start3A_2631 = arith.constant 0 : i32
    %dma_start3A_2632 = arith.constant 0 : i32
    %dma_start3A_2633 = tpu.memref_slice %arg4[%dma_start3A_2617, %dma_start3A_2618, %dma_start3A_2631, %dma_start3A_2632] : memref<4x3x8x1024xf32, #tpu.memory_space<vmem>> -> memref<1x1x8x1024xf32, #tpu.memory_space<vmem>>
    %dma_start3A_2634 = tpu.memref_squeeze %dma_start3A_2633 : memref<1x1x8x1024xf32, #tpu.memory_space<vmem>> -> memref<8x1024xf32, #tpu.memory_space<vmem>>
    tpu.enqueue_dma source(%dma_start3A_2634 : memref<8x1024xf32, #tpu.memory_space<vmem>>) target(%dma_start3A_2630 : memref<8x1024xf32, #tpu.memory_space<hbm>>) target_semaphore(%dma_start3A_2628 : memref<!tpu.dma_semaphore, #tpu.memory_space<semaphore_mem>>)
    %add3A_2635 = arith.constant 4096 : i32
    %add3A_2636 = arith.addi %add3A_2635, %mul3A_2 : i32
    %add3A_2637 = arith.constant 192 : i32
    %add3A_2638 = arith.addi %add3A_2636, %add3A_2637 : i32
    %add3A_2639 = arith.constant 56 : i32
    %add3A_2640 = arith.addi %add3A_2638, %add3A_2639 : i32
    %dma_wait3A_2641 = arith.constant 3 : i32
    %dma_wait3A_2642 = arith.constant 1 : i32
    %dma_wait3A_2643 = arith.constant 3 : i32
    %dma_wait3A_2644 = arith.constant 1 : i32
    %dma_wait3A_2645 = arith.constant 0 : i32
    %dma_wait3A_2646 = arith.constant 0 : i32
    %dma_wait3A_2647 = tpu.memref_slice %arg4[%dma_wait3A_2641, %dma_wait3A_2642, %dma_wait3A_2645, %dma_wait3A_2646] : memref<4x3x8x1024xf32, #tpu.memory_space<vmem>> -> memref<1x1x8x1024xf32, #tpu.memory_space<vmem>>
    %dma_wait3A_2648 = tpu.memref_squeeze %dma_wait3A_2647 : memref<1x1x8x1024xf32, #tpu.memory_space<vmem>> -> memref<8x1024xf32, #tpu.memory_space<vmem>>
    %dma_wait3A_2649 = arith.constant 0 : i32
    %dma_wait3A_2650 = tpu.memref_slice %arg2[%add3A_2640, %dma_wait3A_2649] : memref<16384x1024xf32, #tpu.memory_space<hbm>> -> memref<8x1024xf32, #tpu.memory_space<hbm>>
    %dma_wait3A_2651 = tpu.memref_slice %arg5[%dma_wait3A_2643, %dma_wait3A_2644] : memref<4x3x!tpu.dma_semaphore, #tpu.memory_space<semaphore_mem>> -> memref<1x1x!tpu.dma_semaphore, #tpu.memory_space<semaphore_mem>>
    %dma_wait3A_2652 = tpu.memref_squeeze %dma_wait3A_2651 : memref<1x1x!tpu.dma_semaphore, #tpu.memory_space<semaphore_mem>> -> memref<!tpu.dma_semaphore, #tpu.memory_space<semaphore_mem>>
    %dma_wait3A_2653 = arith.constant 0 : i32
    %dma_wait3A_2654 = arith.constant 0 : i32
    %dma_wait3A_2655 = tpu.memref_slice %arg4[%dma_wait3A_2641, %dma_wait3A_2642, %dma_wait3A_2653, %dma_wait3A_2654] : memref<4x3x8x1024xf32, #tpu.memory_space<vmem>> -> memref<1x1x8x1024xf32, #tpu.memory_space<vmem>>
    %dma_wait3A_2656 = tpu.memref_squeeze %dma_wait3A_2655 : memref<1x1x8x1024xf32, #tpu.memory_space<vmem>> -> memref<8x1024xf32, #tpu.memory_space<vmem>>
    %dma_wait3A_2657 = arith.constant 0 : i32
    %dma_wait3A_2658 = tpu.memref_slice %arg2[%add3A_2640, %dma_wait3A_2657] : memref<16384x1024xf32, #tpu.memory_space<hbm>> -> memref<8x1024xf32, #tpu.memory_space<hbm>>
    tpu.wait_dma2 semaphore(%dma_wait3A_2652 : memref<!tpu.dma_semaphore, #tpu.memory_space<semaphore_mem>>) src(%dma_wait3A_2658 : memref<8x1024xf32, #tpu.memory_space<hbm>>) dst(%dma_wait3A_2656 : memref<8x1024xf32, #tpu.memory_space<vmem>>)
    %add3A_2659 = arith.constant 192 : i32
    %add3A_2660 = arith.addi %mul3A_2, %add3A_2659 : i32
    %add3A_2661 = arith.constant 56 : i32
    %add3A_2662 = arith.addi %add3A_2660, %add3A_2661 : i32
    %dma_start3A_2663 = arith.constant 3 : i32
    %dma_start3A_2664 = arith.constant 1 : i32
    %dma_start3A_2665 = arith.constant 3 : i32
    %dma_start3A_2666 = arith.constant 1 : i32
    %dma_start3A_2667 = arith.constant 0 : i32
    %dma_start3A_2668 = arith.constant 0 : i32
    %dma_start3A_2669 = tpu.memref_slice %arg4[%dma_start3A_2663, %dma_start3A_2664, %dma_start3A_2667, %dma_start3A_2668] : memref<4x3x8x1024xf32, #tpu.memory_space<vmem>> -> memref<1x1x8x1024xf32, #tpu.memory_space<vmem>>
    %dma_start3A_2670 = tpu.memref_squeeze %dma_start3A_2669 : memref<1x1x8x1024xf32, #tpu.memory_space<vmem>> -> memref<8x1024xf32, #tpu.memory_space<vmem>>
    %dma_start3A_2671 = arith.constant 0 : i32
    %dma_start3A_2672 = tpu.memref_slice %arg3[%add3A_2662, %dma_start3A_2671] : memref<8192x1024xf32, #tpu.memory_space<hbm>> -> memref<8x1024xf32, #tpu.memory_space<hbm>>
    %dma_start3A_2673 = tpu.memref_slice %arg6[%dma_start3A_2665, %dma_start3A_2666] : memref<4x3x!tpu.dma_semaphore, #tpu.memory_space<semaphore_mem>> -> memref<1x1x!tpu.dma_semaphore, #tpu.memory_space<semaphore_mem>>
    %dma_start3A_2674 = tpu.memref_squeeze %dma_start3A_2673 : memref<1x1x!tpu.dma_semaphore, #tpu.memory_space<semaphore_mem>> -> memref<!tpu.dma_semaphore, #tpu.memory_space<semaphore_mem>>
    %dma_start3A_2675 = arith.constant 0 : i32
    %dma_start3A_2676 = tpu.memref_slice %arg3[%add3A_2662, %dma_start3A_2675] : memref<8192x1024xf32, #tpu.memory_space<hbm>> -> memref<8x1024xf32, #tpu.memory_space<hbm>>
    %dma_start3A_2677 = arith.constant 0 : i32
    %dma_start3A_2678 = arith.constant 0 : i32
    %dma_start3A_2679 = tpu.memref_slice %arg4[%dma_start3A_2663, %dma_start3A_2664, %dma_start3A_2677, %dma_start3A_2678] : memref<4x3x8x1024xf32, #tpu.memory_space<vmem>> -> memref<1x1x8x1024xf32, #tpu.memory_space<vmem>>
    %dma_start3A_2680 = tpu.memref_squeeze %dma_start3A_2679 : memref<1x1x8x1024xf32, #tpu.memory_space<vmem>> -> memref<8x1024xf32, #tpu.memory_space<vmem>>
    tpu.enqueue_dma source(%dma_start3A_2680 : memref<8x1024xf32, #tpu.memory_space<vmem>>) target(%dma_start3A_2676 : memref<8x1024xf32, #tpu.memory_space<hbm>>) target_semaphore(%dma_start3A_2674 : memref<!tpu.dma_semaphore, #tpu.memory_space<semaphore_mem>>)
    %add3A_2681 = arith.constant 0 : i32
    %add3A_2682 = arith.addi %mul3A_2, %add3A_2681 : i32
    %add3A_2683 = arith.constant 40 : i32
    %add3A_2684 = arith.addi %add3A_2682, %add3A_2683 : i32
    %dma_wait3A_2685 = arith.constant 0 : i32
    %dma_wait3A_2686 = arith.constant 2 : i32
    %dma_wait3A_2687 = arith.constant 0 : i32
    %dma_wait3A_2688 = arith.constant 2 : i32
    %dma_wait3A_2689 = arith.constant 0 : i32
    %dma_wait3A_2690 = arith.constant 0 : i32
    %dma_wait3A_2691 = tpu.memref_slice %arg4[%dma_wait3A_2685, %dma_wait3A_2686, %dma_wait3A_2689, %dma_wait3A_2690] : memref<4x3x8x1024xf32, #tpu.memory_space<vmem>> -> memref<1x1x8x1024xf32, #tpu.memory_space<vmem>>
    %dma_wait3A_2692 = tpu.memref_squeeze %dma_wait3A_2691 : memref<1x1x8x1024xf32, #tpu.memory_space<vmem>> -> memref<8x1024xf32, #tpu.memory_space<vmem>>
    %dma_wait3A_2693 = arith.constant 0 : i32
    %dma_wait3A_2694 = tpu.memref_slice %arg3[%add3A_2684, %dma_wait3A_2693] : memref<8192x1024xf32, #tpu.memory_space<hbm>> -> memref<8x1024xf32, #tpu.memory_space<hbm>>
    %dma_wait3A_2695 = tpu.memref_slice %arg6[%dma_wait3A_2687, %dma_wait3A_2688] : memref<4x3x!tpu.dma_semaphore, #tpu.memory_space<semaphore_mem>> -> memref<1x1x!tpu.dma_semaphore, #tpu.memory_space<semaphore_mem>>
    %dma_wait3A_2696 = tpu.memref_squeeze %dma_wait3A_2695 : memref<1x1x!tpu.dma_semaphore, #tpu.memory_space<semaphore_mem>> -> memref<!tpu.dma_semaphore, #tpu.memory_space<semaphore_mem>>
    %dma_wait3A_2697 = arith.constant 0 : i32
    %dma_wait3A_2698 = tpu.memref_slice %arg3[%add3A_2684, %dma_wait3A_2697] : memref<8192x1024xf32, #tpu.memory_space<hbm>> -> memref<8x1024xf32, #tpu.memory_space<hbm>>
    %dma_wait3A_2699 = arith.constant 0 : i32
    %dma_wait3A_2700 = arith.constant 0 : i32
    %dma_wait3A_2701 = tpu.memref_slice %arg4[%dma_wait3A_2685, %dma_wait3A_2686, %dma_wait3A_2699, %dma_wait3A_2700] : memref<4x3x8x1024xf32, #tpu.memory_space<vmem>> -> memref<1x1x8x1024xf32, #tpu.memory_space<vmem>>
    %dma_wait3A_2702 = tpu.memref_squeeze %dma_wait3A_2701 : memref<1x1x8x1024xf32, #tpu.memory_space<vmem>> -> memref<8x1024xf32, #tpu.memory_space<vmem>>
    tpu.wait_dma2 semaphore(%dma_wait3A_2696 : memref<!tpu.dma_semaphore, #tpu.memory_space<semaphore_mem>>) src(%dma_wait3A_2702 : memref<8x1024xf32, #tpu.memory_space<vmem>>) dst(%dma_wait3A_2698 : memref<8x1024xf32, #tpu.memory_space<hbm>>)
    %add3A_2703 = arith.constant 64 : i32
    %add3A_2704 = arith.addi %mul3A_2, %add3A_2703 : i32
    %add3A_2705 = arith.constant 40 : i32
    %add3A_2706 = arith.addi %add3A_2704, %add3A_2705 : i32
    %dma_wait3A_2707 = arith.constant 1 : i32
    %dma_wait3A_2708 = arith.constant 2 : i32
    %dma_wait3A_2709 = arith.constant 1 : i32
    %dma_wait3A_2710 = arith.constant 2 : i32
    %dma_wait3A_2711 = arith.constant 0 : i32
    %dma_wait3A_2712 = arith.constant 0 : i32
    %dma_wait3A_2713 = tpu.memref_slice %arg4[%dma_wait3A_2707, %dma_wait3A_2708, %dma_wait3A_2711, %dma_wait3A_2712] : memref<4x3x8x1024xf32, #tpu.memory_space<vmem>> -> memref<1x1x8x1024xf32, #tpu.memory_space<vmem>>
    %dma_wait3A_2714 = tpu.memref_squeeze %dma_wait3A_2713 : memref<1x1x8x1024xf32, #tpu.memory_space<vmem>> -> memref<8x1024xf32, #tpu.memory_space<vmem>>
    %dma_wait3A_2715 = arith.constant 0 : i32
    %dma_wait3A_2716 = tpu.memref_slice %arg3[%add3A_2706, %dma_wait3A_2715] : memref<8192x1024xf32, #tpu.memory_space<hbm>> -> memref<8x1024xf32, #tpu.memory_space<hbm>>
    %dma_wait3A_2717 = tpu.memref_slice %arg6[%dma_wait3A_2709, %dma_wait3A_2710] : memref<4x3x!tpu.dma_semaphore, #tpu.memory_space<semaphore_mem>> -> memref<1x1x!tpu.dma_semaphore, #tpu.memory_space<semaphore_mem>>
    %dma_wait3A_2718 = tpu.memref_squeeze %dma_wait3A_2717 : memref<1x1x!tpu.dma_semaphore, #tpu.memory_space<semaphore_mem>> -> memref<!tpu.dma_semaphore, #tpu.memory_space<semaphore_mem>>
    %dma_wait3A_2719 = arith.constant 0 : i32
    %dma_wait3A_2720 = tpu.memref_slice %arg3[%add3A_2706, %dma_wait3A_2719] : memref<8192x1024xf32, #tpu.memory_space<hbm>> -> memref<8x1024xf32, #tpu.memory_space<hbm>>
    %dma_wait3A_2721 = arith.constant 0 : i32
    %dma_wait3A_2722 = arith.constant 0 : i32
    %dma_wait3A_2723 = tpu.memref_slice %arg4[%dma_wait3A_2707, %dma_wait3A_2708, %dma_wait3A_2721, %dma_wait3A_2722] : memref<4x3x8x1024xf32, #tpu.memory_space<vmem>> -> memref<1x1x8x1024xf32, #tpu.memory_space<vmem>>
    %dma_wait3A_2724 = tpu.memref_squeeze %dma_wait3A_2723 : memref<1x1x8x1024xf32, #tpu.memory_space<vmem>> -> memref<8x1024xf32, #tpu.memory_space<vmem>>
    tpu.wait_dma2 semaphore(%dma_wait3A_2718 : memref<!tpu.dma_semaphore, #tpu.memory_space<semaphore_mem>>) src(%dma_wait3A_2724 : memref<8x1024xf32, #tpu.memory_space<vmem>>) dst(%dma_wait3A_2720 : memref<8x1024xf32, #tpu.memory_space<hbm>>)
    %add3A_2725 = arith.constant 128 : i32
    %add3A_2726 = arith.addi %mul3A_2, %add3A_2725 : i32
    %add3A_2727 = arith.constant 40 : i32
    %add3A_2728 = arith.addi %add3A_2726, %add3A_2727 : i32
    %dma_wait3A_2729 = arith.constant 2 : i32
    %dma_wait3A_2730 = arith.constant 2 : i32
    %dma_wait3A_2731 = arith.constant 2 : i32
    %dma_wait3A_2732 = arith.constant 2 : i32
    %dma_wait3A_2733 = arith.constant 0 : i32
    %dma_wait3A_2734 = arith.constant 0 : i32
    %dma_wait3A_2735 = tpu.memref_slice %arg4[%dma_wait3A_2729, %dma_wait3A_2730, %dma_wait3A_2733, %dma_wait3A_2734] : memref<4x3x8x1024xf32, #tpu.memory_space<vmem>> -> memref<1x1x8x1024xf32, #tpu.memory_space<vmem>>
    %dma_wait3A_2736 = tpu.memref_squeeze %dma_wait3A_2735 : memref<1x1x8x1024xf32, #tpu.memory_space<vmem>> -> memref<8x1024xf32, #tpu.memory_space<vmem>>
    %dma_wait3A_2737 = arith.constant 0 : i32
    %dma_wait3A_2738 = tpu.memref_slice %arg3[%add3A_2728, %dma_wait3A_2737] : memref<8192x1024xf32, #tpu.memory_space<hbm>> -> memref<8x1024xf32, #tpu.memory_space<hbm>>
    %dma_wait3A_2739 = tpu.memref_slice %arg6[%dma_wait3A_2731, %dma_wait3A_2732] : memref<4x3x!tpu.dma_semaphore, #tpu.memory_space<semaphore_mem>> -> memref<1x1x!tpu.dma_semaphore, #tpu.memory_space<semaphore_mem>>
    %dma_wait3A_2740 = tpu.memref_squeeze %dma_wait3A_2739 : memref<1x1x!tpu.dma_semaphore, #tpu.memory_space<semaphore_mem>> -> memref<!tpu.dma_semaphore, #tpu.memory_space<semaphore_mem>>
    %dma_wait3A_2741 = arith.constant 0 : i32
    %dma_wait3A_2742 = tpu.memref_slice %arg3[%add3A_2728, %dma_wait3A_2741] : memref<8192x1024xf32, #tpu.memory_space<hbm>> -> memref<8x1024xf32, #tpu.memory_space<hbm>>
    %dma_wait3A_2743 = arith.constant 0 : i32
    %dma_wait3A_2744 = arith.constant 0 : i32
    %dma_wait3A_2745 = tpu.memref_slice %arg4[%dma_wait3A_2729, %dma_wait3A_2730, %dma_wait3A_2743, %dma_wait3A_2744] : memref<4x3x8x1024xf32, #tpu.memory_space<vmem>> -> memref<1x1x8x1024xf32, #tpu.memory_space<vmem>>
    %dma_wait3A_2746 = tpu.memref_squeeze %dma_wait3A_2745 : memref<1x1x8x1024xf32, #tpu.memory_space<vmem>> -> memref<8x1024xf32, #tpu.memory_space<vmem>>
    tpu.wait_dma2 semaphore(%dma_wait3A_2740 : memref<!tpu.dma_semaphore, #tpu.memory_space<semaphore_mem>>) src(%dma_wait3A_2746 : memref<8x1024xf32, #tpu.memory_space<vmem>>) dst(%dma_wait3A_2742 : memref<8x1024xf32, #tpu.memory_space<hbm>>)
    %add3A_2747 = arith.constant 192 : i32
    %add3A_2748 = arith.addi %mul3A_2, %add3A_2747 : i32
    %add3A_2749 = arith.constant 40 : i32
    %add3A_2750 = arith.addi %add3A_2748, %add3A_2749 : i32
    %dma_wait3A_2751 = arith.constant 3 : i32
    %dma_wait3A_2752 = arith.constant 2 : i32
    %dma_wait3A_2753 = arith.constant 3 : i32
    %dma_wait3A_2754 = arith.constant 2 : i32
    %dma_wait3A_2755 = arith.constant 0 : i32
    %dma_wait3A_2756 = arith.constant 0 : i32
    %dma_wait3A_2757 = tpu.memref_slice %arg4[%dma_wait3A_2751, %dma_wait3A_2752, %dma_wait3A_2755, %dma_wait3A_2756] : memref<4x3x8x1024xf32, #tpu.memory_space<vmem>> -> memref<1x1x8x1024xf32, #tpu.memory_space<vmem>>
    %dma_wait3A_2758 = tpu.memref_squeeze %dma_wait3A_2757 : memref<1x1x8x1024xf32, #tpu.memory_space<vmem>> -> memref<8x1024xf32, #tpu.memory_space<vmem>>
    %dma_wait3A_2759 = arith.constant 0 : i32
    %dma_wait3A_2760 = tpu.memref_slice %arg3[%add3A_2750, %dma_wait3A_2759] : memref<8192x1024xf32, #tpu.memory_space<hbm>> -> memref<8x1024xf32, #tpu.memory_space<hbm>>
    %dma_wait3A_2761 = tpu.memref_slice %arg6[%dma_wait3A_2753, %dma_wait3A_2754] : memref<4x3x!tpu.dma_semaphore, #tpu.memory_space<semaphore_mem>> -> memref<1x1x!tpu.dma_semaphore, #tpu.memory_space<semaphore_mem>>
    %dma_wait3A_2762 = tpu.memref_squeeze %dma_wait3A_2761 : memref<1x1x!tpu.dma_semaphore, #tpu.memory_space<semaphore_mem>> -> memref<!tpu.dma_semaphore, #tpu.memory_space<semaphore_mem>>
    %dma_wait3A_2763 = arith.constant 0 : i32
    %dma_wait3A_2764 = tpu.memref_slice %arg3[%add3A_2750, %dma_wait3A_2763] : memref<8192x1024xf32, #tpu.memory_space<hbm>> -> memref<8x1024xf32, #tpu.memory_space<hbm>>
    %dma_wait3A_2765 = arith.constant 0 : i32
    %dma_wait3A_2766 = arith.constant 0 : i32
    %dma_wait3A_2767 = tpu.memref_slice %arg4[%dma_wait3A_2751, %dma_wait3A_2752, %dma_wait3A_2765, %dma_wait3A_2766] : memref<4x3x8x1024xf32, #tpu.memory_space<vmem>> -> memref<1x1x8x1024xf32, #tpu.memory_space<vmem>>
    %dma_wait3A_2768 = tpu.memref_squeeze %dma_wait3A_2767 : memref<1x1x8x1024xf32, #tpu.memory_space<vmem>> -> memref<8x1024xf32, #tpu.memory_space<vmem>>
    tpu.wait_dma2 semaphore(%dma_wait3A_2762 : memref<!tpu.dma_semaphore, #tpu.memory_space<semaphore_mem>>) src(%dma_wait3A_2768 : memref<8x1024xf32, #tpu.memory_space<vmem>>) dst(%dma_wait3A_2764 : memref<8x1024xf32, #tpu.memory_space<hbm>>)
    %add3A_2769 = arith.constant 0 : i32
    %add3A_2770 = arith.addi %mul3A_2, %add3A_2769 : i32
    %add3A_2771 = arith.constant 48 : i32
    %add3A_2772 = arith.addi %add3A_2770, %add3A_2771 : i32
    %dma_wait3A_2773 = arith.constant 0 : i32
    %dma_wait3A_2774 = arith.constant 0 : i32
    %dma_wait3A_2775 = arith.constant 0 : i32
    %dma_wait3A_2776 = arith.constant 0 : i32
    %dma_wait3A_2777 = arith.constant 0 : i32
    %dma_wait3A_2778 = arith.constant 0 : i32
    %dma_wait3A_2779 = tpu.memref_slice %arg4[%dma_wait3A_2773, %dma_wait3A_2774, %dma_wait3A_2777, %dma_wait3A_2778] : memref<4x3x8x1024xf32, #tpu.memory_space<vmem>> -> memref<1x1x8x1024xf32, #tpu.memory_space<vmem>>
    %dma_wait3A_2780 = tpu.memref_squeeze %dma_wait3A_2779 : memref<1x1x8x1024xf32, #tpu.memory_space<vmem>> -> memref<8x1024xf32, #tpu.memory_space<vmem>>
    %dma_wait3A_2781 = arith.constant 0 : i32
    %dma_wait3A_2782 = tpu.memref_slice %arg3[%add3A_2772, %dma_wait3A_2781] : memref<8192x1024xf32, #tpu.memory_space<hbm>> -> memref<8x1024xf32, #tpu.memory_space<hbm>>
    %dma_wait3A_2783 = tpu.memref_slice %arg6[%dma_wait3A_2775, %dma_wait3A_2776] : memref<4x3x!tpu.dma_semaphore, #tpu.memory_space<semaphore_mem>> -> memref<1x1x!tpu.dma_semaphore, #tpu.memory_space<semaphore_mem>>
    %dma_wait3A_2784 = tpu.memref_squeeze %dma_wait3A_2783 : memref<1x1x!tpu.dma_semaphore, #tpu.memory_space<semaphore_mem>> -> memref<!tpu.dma_semaphore, #tpu.memory_space<semaphore_mem>>
    %dma_wait3A_2785 = arith.constant 0 : i32
    %dma_wait3A_2786 = tpu.memref_slice %arg3[%add3A_2772, %dma_wait3A_2785] : memref<8192x1024xf32, #tpu.memory_space<hbm>> -> memref<8x1024xf32, #tpu.memory_space<hbm>>
    %dma_wait3A_2787 = arith.constant 0 : i32
    %dma_wait3A_2788 = arith.constant 0 : i32
    %dma_wait3A_2789 = tpu.memref_slice %arg4[%dma_wait3A_2773, %dma_wait3A_2774, %dma_wait3A_2787, %dma_wait3A_2788] : memref<4x3x8x1024xf32, #tpu.memory_space<vmem>> -> memref<1x1x8x1024xf32, #tpu.memory_space<vmem>>
    %dma_wait3A_2790 = tpu.memref_squeeze %dma_wait3A_2789 : memref<1x1x8x1024xf32, #tpu.memory_space<vmem>> -> memref<8x1024xf32, #tpu.memory_space<vmem>>
    tpu.wait_dma2 semaphore(%dma_wait3A_2784 : memref<!tpu.dma_semaphore, #tpu.memory_space<semaphore_mem>>) src(%dma_wait3A_2790 : memref<8x1024xf32, #tpu.memory_space<vmem>>) dst(%dma_wait3A_2786 : memref<8x1024xf32, #tpu.memory_space<hbm>>)
    %add3A_2791 = arith.constant 64 : i32
    %add3A_2792 = arith.addi %mul3A_2, %add3A_2791 : i32
    %add3A_2793 = arith.constant 48 : i32
    %add3A_2794 = arith.addi %add3A_2792, %add3A_2793 : i32
    %dma_wait3A_2795 = arith.constant 1 : i32
    %dma_wait3A_2796 = arith.constant 0 : i32
    %dma_wait3A_2797 = arith.constant 1 : i32
    %dma_wait3A_2798 = arith.constant 0 : i32
    %dma_wait3A_2799 = arith.constant 0 : i32
    %dma_wait3A_2800 = arith.constant 0 : i32
    %dma_wait3A_2801 = tpu.memref_slice %arg4[%dma_wait3A_2795, %dma_wait3A_2796, %dma_wait3A_2799, %dma_wait3A_2800] : memref<4x3x8x1024xf32, #tpu.memory_space<vmem>> -> memref<1x1x8x1024xf32, #tpu.memory_space<vmem>>
    %dma_wait3A_2802 = tpu.memref_squeeze %dma_wait3A_2801 : memref<1x1x8x1024xf32, #tpu.memory_space<vmem>> -> memref<8x1024xf32, #tpu.memory_space<vmem>>
    %dma_wait3A_2803 = arith.constant 0 : i32
    %dma_wait3A_2804 = tpu.memref_slice %arg3[%add3A_2794, %dma_wait3A_2803] : memref<8192x1024xf32, #tpu.memory_space<hbm>> -> memref<8x1024xf32, #tpu.memory_space<hbm>>
    %dma_wait3A_2805 = tpu.memref_slice %arg6[%dma_wait3A_2797, %dma_wait3A_2798] : memref<4x3x!tpu.dma_semaphore, #tpu.memory_space<semaphore_mem>> -> memref<1x1x!tpu.dma_semaphore, #tpu.memory_space<semaphore_mem>>
    %dma_wait3A_2806 = tpu.memref_squeeze %dma_wait3A_2805 : memref<1x1x!tpu.dma_semaphore, #tpu.memory_space<semaphore_mem>> -> memref<!tpu.dma_semaphore, #tpu.memory_space<semaphore_mem>>
    %dma_wait3A_2807 = arith.constant 0 : i32
    %dma_wait3A_2808 = tpu.memref_slice %arg3[%add3A_2794, %dma_wait3A_2807] : memref<8192x1024xf32, #tpu.memory_space<hbm>> -> memref<8x1024xf32, #tpu.memory_space<hbm>>
    %dma_wait3A_2809 = arith.constant 0 : i32
    %dma_wait3A_2810 = arith.constant 0 : i32
    %dma_wait3A_2811 = tpu.memref_slice %arg4[%dma_wait3A_2795, %dma_wait3A_2796, %dma_wait3A_2809, %dma_wait3A_2810] : memref<4x3x8x1024xf32, #tpu.memory_space<vmem>> -> memref<1x1x8x1024xf32, #tpu.memory_space<vmem>>
    %dma_wait3A_2812 = tpu.memref_squeeze %dma_wait3A_2811 : memref<1x1x8x1024xf32, #tpu.memory_space<vmem>> -> memref<8x1024xf32, #tpu.memory_space<vmem>>
    tpu.wait_dma2 semaphore(%dma_wait3A_2806 : memref<!tpu.dma_semaphore, #tpu.memory_space<semaphore_mem>>) src(%dma_wait3A_2812 : memref<8x1024xf32, #tpu.memory_space<vmem>>) dst(%dma_wait3A_2808 : memref<8x1024xf32, #tpu.memory_space<hbm>>)
    %add3A_2813 = arith.constant 128 : i32
    %add3A_2814 = arith.addi %mul3A_2, %add3A_2813 : i32
    %add3A_2815 = arith.constant 48 : i32
    %add3A_2816 = arith.addi %add3A_2814, %add3A_2815 : i32
    %dma_wait3A_2817 = arith.constant 2 : i32
    %dma_wait3A_2818 = arith.constant 0 : i32
    %dma_wait3A_2819 = arith.constant 2 : i32
    %dma_wait3A_2820 = arith.constant 0 : i32
    %dma_wait3A_2821 = arith.constant 0 : i32
    %dma_wait3A_2822 = arith.constant 0 : i32
    %dma_wait3A_2823 = tpu.memref_slice %arg4[%dma_wait3A_2817, %dma_wait3A_2818, %dma_wait3A_2821, %dma_wait3A_2822] : memref<4x3x8x1024xf32, #tpu.memory_space<vmem>> -> memref<1x1x8x1024xf32, #tpu.memory_space<vmem>>
    %dma_wait3A_2824 = tpu.memref_squeeze %dma_wait3A_2823 : memref<1x1x8x1024xf32, #tpu.memory_space<vmem>> -> memref<8x1024xf32, #tpu.memory_space<vmem>>
    %dma_wait3A_2825 = arith.constant 0 : i32
    %dma_wait3A_2826 = tpu.memref_slice %arg3[%add3A_2816, %dma_wait3A_2825] : memref<8192x1024xf32, #tpu.memory_space<hbm>> -> memref<8x1024xf32, #tpu.memory_space<hbm>>
    %dma_wait3A_2827 = tpu.memref_slice %arg6[%dma_wait3A_2819, %dma_wait3A_2820] : memref<4x3x!tpu.dma_semaphore, #tpu.memory_space<semaphore_mem>> -> memref<1x1x!tpu.dma_semaphore, #tpu.memory_space<semaphore_mem>>
    %dma_wait3A_2828 = tpu.memref_squeeze %dma_wait3A_2827 : memref<1x1x!tpu.dma_semaphore, #tpu.memory_space<semaphore_mem>> -> memref<!tpu.dma_semaphore, #tpu.memory_space<semaphore_mem>>
    %dma_wait3A_2829 = arith.constant 0 : i32
    %dma_wait3A_2830 = tpu.memref_slice %arg3[%add3A_2816, %dma_wait3A_2829] : memref<8192x1024xf32, #tpu.memory_space<hbm>> -> memref<8x1024xf32, #tpu.memory_space<hbm>>
    %dma_wait3A_2831 = arith.constant 0 : i32
    %dma_wait3A_2832 = arith.constant 0 : i32
    %dma_wait3A_2833 = tpu.memref_slice %arg4[%dma_wait3A_2817, %dma_wait3A_2818, %dma_wait3A_2831, %dma_wait3A_2832] : memref<4x3x8x1024xf32, #tpu.memory_space<vmem>> -> memref<1x1x8x1024xf32, #tpu.memory_space<vmem>>
    %dma_wait3A_2834 = tpu.memref_squeeze %dma_wait3A_2833 : memref<1x1x8x1024xf32, #tpu.memory_space<vmem>> -> memref<8x1024xf32, #tpu.memory_space<vmem>>
    tpu.wait_dma2 semaphore(%dma_wait3A_2828 : memref<!tpu.dma_semaphore, #tpu.memory_space<semaphore_mem>>) src(%dma_wait3A_2834 : memref<8x1024xf32, #tpu.memory_space<vmem>>) dst(%dma_wait3A_2830 : memref<8x1024xf32, #tpu.memory_space<hbm>>)
    %add3A_2835 = arith.constant 192 : i32
    %add3A_2836 = arith.addi %mul3A_2, %add3A_2835 : i32
    %add3A_2837 = arith.constant 48 : i32
    %add3A_2838 = arith.addi %add3A_2836, %add3A_2837 : i32
    %dma_wait3A_2839 = arith.constant 3 : i32
    %dma_wait3A_2840 = arith.constant 0 : i32
    %dma_wait3A_2841 = arith.constant 3 : i32
    %dma_wait3A_2842 = arith.constant 0 : i32
    %dma_wait3A_2843 = arith.constant 0 : i32
    %dma_wait3A_2844 = arith.constant 0 : i32
    %dma_wait3A_2845 = tpu.memref_slice %arg4[%dma_wait3A_2839, %dma_wait3A_2840, %dma_wait3A_2843, %dma_wait3A_2844] : memref<4x3x8x1024xf32, #tpu.memory_space<vmem>> -> memref<1x1x8x1024xf32, #tpu.memory_space<vmem>>
    %dma_wait3A_2846 = tpu.memref_squeeze %dma_wait3A_2845 : memref<1x1x8x1024xf32, #tpu.memory_space<vmem>> -> memref<8x1024xf32, #tpu.memory_space<vmem>>
    %dma_wait3A_2847 = arith.constant 0 : i32
    %dma_wait3A_2848 = tpu.memref_slice %arg3[%add3A_2838, %dma_wait3A_2847] : memref<8192x1024xf32, #tpu.memory_space<hbm>> -> memref<8x1024xf32, #tpu.memory_space<hbm>>
    %dma_wait3A_2849 = tpu.memref_slice %arg6[%dma_wait3A_2841, %dma_wait3A_2842] : memref<4x3x!tpu.dma_semaphore, #tpu.memory_space<semaphore_mem>> -> memref<1x1x!tpu.dma_semaphore, #tpu.memory_space<semaphore_mem>>
    %dma_wait3A_2850 = tpu.memref_squeeze %dma_wait3A_2849 : memref<1x1x!tpu.dma_semaphore, #tpu.memory_space<semaphore_mem>> -> memref<!tpu.dma_semaphore, #tpu.memory_space<semaphore_mem>>
    %dma_wait3A_2851 = arith.constant 0 : i32
    %dma_wait3A_2852 = tpu.memref_slice %arg3[%add3A_2838, %dma_wait3A_2851] : memref<8192x1024xf32, #tpu.memory_space<hbm>> -> memref<8x1024xf32, #tpu.memory_space<hbm>>
    %dma_wait3A_2853 = arith.constant 0 : i32
    %dma_wait3A_2854 = arith.constant 0 : i32
    %dma_wait3A_2855 = tpu.memref_slice %arg4[%dma_wait3A_2839, %dma_wait3A_2840, %dma_wait3A_2853, %dma_wait3A_2854] : memref<4x3x8x1024xf32, #tpu.memory_space<vmem>> -> memref<1x1x8x1024xf32, #tpu.memory_space<vmem>>
    %dma_wait3A_2856 = tpu.memref_squeeze %dma_wait3A_2855 : memref<1x1x8x1024xf32, #tpu.memory_space<vmem>> -> memref<8x1024xf32, #tpu.memory_space<vmem>>
    tpu.wait_dma2 semaphore(%dma_wait3A_2850 : memref<!tpu.dma_semaphore, #tpu.memory_space<semaphore_mem>>) src(%dma_wait3A_2856 : memref<8x1024xf32, #tpu.memory_space<vmem>>) dst(%dma_wait3A_2852 : memref<8x1024xf32, #tpu.memory_space<hbm>>)
    %add3A_2857 = arith.constant 0 : i32
    %add3A_2858 = arith.addi %mul3A_2, %add3A_2857 : i32
    %add3A_2859 = arith.constant 56 : i32
    %add3A_2860 = arith.addi %add3A_2858, %add3A_2859 : i32
    %dma_wait3A_2861 = arith.constant 0 : i32
    %dma_wait3A_2862 = arith.constant 1 : i32
    %dma_wait3A_2863 = arith.constant 0 : i32
    %dma_wait3A_2864 = arith.constant 1 : i32
    %dma_wait3A_2865 = arith.constant 0 : i32
    %dma_wait3A_2866 = arith.constant 0 : i32
    %dma_wait3A_2867 = tpu.memref_slice %arg4[%dma_wait3A_2861, %dma_wait3A_2862, %dma_wait3A_2865, %dma_wait3A_2866] : memref<4x3x8x1024xf32, #tpu.memory_space<vmem>> -> memref<1x1x8x1024xf32, #tpu.memory_space<vmem>>
    %dma_wait3A_2868 = tpu.memref_squeeze %dma_wait3A_2867 : memref<1x1x8x1024xf32, #tpu.memory_space<vmem>> -> memref<8x1024xf32, #tpu.memory_space<vmem>>
    %dma_wait3A_2869 = arith.constant 0 : i32
    %dma_wait3A_2870 = tpu.memref_slice %arg3[%add3A_2860, %dma_wait3A_2869] : memref<8192x1024xf32, #tpu.memory_space<hbm>> -> memref<8x1024xf32, #tpu.memory_space<hbm>>
    %dma_wait3A_2871 = tpu.memref_slice %arg6[%dma_wait3A_2863, %dma_wait3A_2864] : memref<4x3x!tpu.dma_semaphore, #tpu.memory_space<semaphore_mem>> -> memref<1x1x!tpu.dma_semaphore, #tpu.memory_space<semaphore_mem>>
    %dma_wait3A_2872 = tpu.memref_squeeze %dma_wait3A_2871 : memref<1x1x!tpu.dma_semaphore, #tpu.memory_space<semaphore_mem>> -> memref<!tpu.dma_semaphore, #tpu.memory_space<semaphore_mem>>
    %dma_wait3A_2873 = arith.constant 0 : i32
    %dma_wait3A_2874 = tpu.memref_slice %arg3[%add3A_2860, %dma_wait3A_2873] : memref<8192x1024xf32, #tpu.memory_space<hbm>> -> memref<8x1024xf32, #tpu.memory_space<hbm>>
    %dma_wait3A_2875 = arith.constant 0 : i32
    %dma_wait3A_2876 = arith.constant 0 : i32
    %dma_wait3A_2877 = tpu.memref_slice %arg4[%dma_wait3A_2861, %dma_wait3A_2862, %dma_wait3A_2875, %dma_wait3A_2876] : memref<4x3x8x1024xf32, #tpu.memory_space<vmem>> -> memref<1x1x8x1024xf32, #tpu.memory_space<vmem>>
    %dma_wait3A_2878 = tpu.memref_squeeze %dma_wait3A_2877 : memref<1x1x8x1024xf32, #tpu.memory_space<vmem>> -> memref<8x1024xf32, #tpu.memory_space<vmem>>
    tpu.wait_dma2 semaphore(%dma_wait3A_2872 : memref<!tpu.dma_semaphore, #tpu.memory_space<semaphore_mem>>) src(%dma_wait3A_2878 : memref<8x1024xf32, #tpu.memory_space<vmem>>) dst(%dma_wait3A_2874 : memref<8x1024xf32, #tpu.memory_space<hbm>>)
    %add3A_2879 = arith.constant 64 : i32
    %add3A_2880 = arith.addi %mul3A_2, %add3A_2879 : i32
    %add3A_2881 = arith.constant 56 : i32
    %add3A_2882 = arith.addi %add3A_2880, %add3A_2881 : i32
    %dma_wait3A_2883 = arith.constant 1 : i32
    %dma_wait3A_2884 = arith.constant 1 : i32
    %dma_wait3A_2885 = arith.constant 1 : i32
    %dma_wait3A_2886 = arith.constant 1 : i32
    %dma_wait3A_2887 = arith.constant 0 : i32
    %dma_wait3A_2888 = arith.constant 0 : i32
    %dma_wait3A_2889 = tpu.memref_slice %arg4[%dma_wait3A_2883, %dma_wait3A_2884, %dma_wait3A_2887, %dma_wait3A_2888] : memref<4x3x8x1024xf32, #tpu.memory_space<vmem>> -> memref<1x1x8x1024xf32, #tpu.memory_space<vmem>>
    %dma_wait3A_2890 = tpu.memref_squeeze %dma_wait3A_2889 : memref<1x1x8x1024xf32, #tpu.memory_space<vmem>> -> memref<8x1024xf32, #tpu.memory_space<vmem>>
    %dma_wait3A_2891 = arith.constant 0 : i32
    %dma_wait3A_2892 = tpu.memref_slice %arg3[%add3A_2882, %dma_wait3A_2891] : memref<8192x1024xf32, #tpu.memory_space<hbm>> -> memref<8x1024xf32, #tpu.memory_space<hbm>>
    %dma_wait3A_2893 = tpu.memref_slice %arg6[%dma_wait3A_2885, %dma_wait3A_2886] : memref<4x3x!tpu.dma_semaphore, #tpu.memory_space<semaphore_mem>> -> memref<1x1x!tpu.dma_semaphore, #tpu.memory_space<semaphore_mem>>
    %dma_wait3A_2894 = tpu.memref_squeeze %dma_wait3A_2893 : memref<1x1x!tpu.dma_semaphore, #tpu.memory_space<semaphore_mem>> -> memref<!tpu.dma_semaphore, #tpu.memory_space<semaphore_mem>>
    %dma_wait3A_2895 = arith.constant 0 : i32
    %dma_wait3A_2896 = tpu.memref_slice %arg3[%add3A_2882, %dma_wait3A_2895] : memref<8192x1024xf32, #tpu.memory_space<hbm>> -> memref<8x1024xf32, #tpu.memory_space<hbm>>
    %dma_wait3A_2897 = arith.constant 0 : i32
    %dma_wait3A_2898 = arith.constant 0 : i32
    %dma_wait3A_2899 = tpu.memref_slice %arg4[%dma_wait3A_2883, %dma_wait3A_2884, %dma_wait3A_2897, %dma_wait3A_2898] : memref<4x3x8x1024xf32, #tpu.memory_space<vmem>> -> memref<1x1x8x1024xf32, #tpu.memory_space<vmem>>
    %dma_wait3A_2900 = tpu.memref_squeeze %dma_wait3A_2899 : memref<1x1x8x1024xf32, #tpu.memory_space<vmem>> -> memref<8x1024xf32, #tpu.memory_space<vmem>>
    tpu.wait_dma2 semaphore(%dma_wait3A_2894 : memref<!tpu.dma_semaphore, #tpu.memory_space<semaphore_mem>>) src(%dma_wait3A_2900 : memref<8x1024xf32, #tpu.memory_space<vmem>>) dst(%dma_wait3A_2896 : memref<8x1024xf32, #tpu.memory_space<hbm>>)
    %add3A_2901 = arith.constant 128 : i32
    %add3A_2902 = arith.addi %mul3A_2, %add3A_2901 : i32
    %add3A_2903 = arith.constant 56 : i32
    %add3A_2904 = arith.addi %add3A_2902, %add3A_2903 : i32
    %dma_wait3A_2905 = arith.constant 2 : i32
    %dma_wait3A_2906 = arith.constant 1 : i32
    %dma_wait3A_2907 = arith.constant 2 : i32
    %dma_wait3A_2908 = arith.constant 1 : i32
    %dma_wait3A_2909 = arith.constant 0 : i32
    %dma_wait3A_2910 = arith.constant 0 : i32
    %dma_wait3A_2911 = tpu.memref_slice %arg4[%dma_wait3A_2905, %dma_wait3A_2906, %dma_wait3A_2909, %dma_wait3A_2910] : memref<4x3x8x1024xf32, #tpu.memory_space<vmem>> -> memref<1x1x8x1024xf32, #tpu.memory_space<vmem>>
    %dma_wait3A_2912 = tpu.memref_squeeze %dma_wait3A_2911 : memref<1x1x8x1024xf32, #tpu.memory_space<vmem>> -> memref<8x1024xf32, #tpu.memory_space<vmem>>
    %dma_wait3A_2913 = arith.constant 0 : i32
    %dma_wait3A_2914 = tpu.memref_slice %arg3[%add3A_2904, %dma_wait3A_2913] : memref<8192x1024xf32, #tpu.memory_space<hbm>> -> memref<8x1024xf32, #tpu.memory_space<hbm>>
    %dma_wait3A_2915 = tpu.memref_slice %arg6[%dma_wait3A_2907, %dma_wait3A_2908] : memref<4x3x!tpu.dma_semaphore, #tpu.memory_space<semaphore_mem>> -> memref<1x1x!tpu.dma_semaphore, #tpu.memory_space<semaphore_mem>>
    %dma_wait3A_2916 = tpu.memref_squeeze %dma_wait3A_2915 : memref<1x1x!tpu.dma_semaphore, #tpu.memory_space<semaphore_mem>> -> memref<!tpu.dma_semaphore, #tpu.memory_space<semaphore_mem>>
    %dma_wait3A_2917 = arith.constant 0 : i32
    %dma_wait3A_2918 = tpu.memref_slice %arg3[%add3A_2904, %dma_wait3A_2917] : memref<8192x1024xf32, #tpu.memory_space<hbm>> -> memref<8x1024xf32, #tpu.memory_space<hbm>>
    %dma_wait3A_2919 = arith.constant 0 : i32
    %dma_wait3A_2920 = arith.constant 0 : i32
    %dma_wait3A_2921 = tpu.memref_slice %arg4[%dma_wait3A_2905, %dma_wait3A_2906, %dma_wait3A_2919, %dma_wait3A_2920] : memref<4x3x8x1024xf32, #tpu.memory_space<vmem>> -> memref<1x1x8x1024xf32, #tpu.memory_space<vmem>>
    %dma_wait3A_2922 = tpu.memref_squeeze %dma_wait3A_2921 : memref<1x1x8x1024xf32, #tpu.memory_space<vmem>> -> memref<8x1024xf32, #tpu.memory_space<vmem>>
    tpu.wait_dma2 semaphore(%dma_wait3A_2916 : memref<!tpu.dma_semaphore, #tpu.memory_space<semaphore_mem>>) src(%dma_wait3A_2922 : memref<8x1024xf32, #tpu.memory_space<vmem>>) dst(%dma_wait3A_2918 : memref<8x1024xf32, #tpu.memory_space<hbm>>)
    %add3A_2923 = arith.constant 192 : i32
    %add3A_2924 = arith.addi %mul3A_2, %add3A_2923 : i32
    %add3A_2925 = arith.constant 56 : i32
    %add3A_2926 = arith.addi %add3A_2924, %add3A_2925 : i32
    %dma_wait3A_2927 = arith.constant 3 : i32
    %dma_wait3A_2928 = arith.constant 1 : i32
    %dma_wait3A_2929 = arith.constant 3 : i32
    %dma_wait3A_2930 = arith.constant 1 : i32
    %dma_wait3A_2931 = arith.constant 0 : i32
    %dma_wait3A_2932 = arith.constant 0 : i32
    %dma_wait3A_2933 = tpu.memref_slice %arg4[%dma_wait3A_2927, %dma_wait3A_2928, %dma_wait3A_2931, %dma_wait3A_2932] : memref<4x3x8x1024xf32, #tpu.memory_space<vmem>> -> memref<1x1x8x1024xf32, #tpu.memory_space<vmem>>
    %dma_wait3A_2934 = tpu.memref_squeeze %dma_wait3A_2933 : memref<1x1x8x1024xf32, #tpu.memory_space<vmem>> -> memref<8x1024xf32, #tpu.memory_space<vmem>>
    %dma_wait3A_2935 = arith.constant 0 : i32
    %dma_wait3A_2936 = tpu.memref_slice %arg3[%add3A_2926, %dma_wait3A_2935] : memref<8192x1024xf32, #tpu.memory_space<hbm>> -> memref<8x1024xf32, #tpu.memory_space<hbm>>
    %dma_wait3A_2937 = tpu.memref_slice %arg6[%dma_wait3A_2929, %dma_wait3A_2930] : memref<4x3x!tpu.dma_semaphore, #tpu.memory_space<semaphore_mem>> -> memref<1x1x!tpu.dma_semaphore, #tpu.memory_space<semaphore_mem>>
    %dma_wait3A_2938 = tpu.memref_squeeze %dma_wait3A_2937 : memref<1x1x!tpu.dma_semaphore, #tpu.memory_space<semaphore_mem>> -> memref<!tpu.dma_semaphore, #tpu.memory_space<semaphore_mem>>
    %dma_wait3A_2939 = arith.constant 0 : i32
    %dma_wait3A_2940 = tpu.memref_slice %arg3[%add3A_2926, %dma_wait3A_2939] : memref<8192x1024xf32, #tpu.memory_space<hbm>> -> memref<8x1024xf32, #tpu.memory_space<hbm>>
    %dma_wait3A_2941 = arith.constant 0 : i32
    %dma_wait3A_2942 = arith.constant 0 : i32
    %dma_wait3A_2943 = tpu.memref_slice %arg4[%dma_wait3A_2927, %dma_wait3A_2928, %dma_wait3A_2941, %dma_wait3A_2942] : memref<4x3x8x1024xf32, #tpu.memory_space<vmem>> -> memref<1x1x8x1024xf32, #tpu.memory_space<vmem>>
    %dma_wait3A_2944 = tpu.memref_squeeze %dma_wait3A_2943 : memref<1x1x8x1024xf32, #tpu.memory_space<vmem>> -> memref<8x1024xf32, #tpu.memory_space<vmem>>
    tpu.wait_dma2 semaphore(%dma_wait3A_2938 : memref<!tpu.dma_semaphore, #tpu.memory_space<semaphore_mem>>) src(%dma_wait3A_2944 : memref<8x1024xf32, #tpu.memory_space<vmem>>) dst(%dma_wait3A_2940 : memref<8x1024xf32, #tpu.memory_space<hbm>>)
    return
  }
}

</mosaic_0001>

<sc_bundles>
// kernel: kernel.3.cloned.1.call-start
scs
__scs_entry_jumppad:
0x0: {  	(pc) =	sbr.rel $0x88, $3  }
0x1: {  	(tag) =	ssettag $0x0;
	lr =	simm.s32 $0x1  }
0x2: {  	[smem:$0x3FA0] =	sst lr;
	_ =	strace $0xD0000000  }
0x3: {  	_ = 	snop  }
0x4: {  	_ = 	snop  }
0x5: {  	_ = 	snop  }
0x6: {  	_ = 	snop  }
0x7: {  	_ = 	snop  }
__scs_overlays_trampoline_lowered:
0x8: {  	[smem:$0x3FAF] =	sst s0  }
0x9: {  	[smem:$0x3FB0] =	sst s1  }
0xa: {  	[smem:$0x3FB1] =	sst s2  }
0xb: {  	[smem:$0x3FB2] =	sst s3  }
0xc: {  	[smem:$0x3FB3] =	sst s4  }
0xd: {  	[smem:$0x3FB4] =	sst s5  }
0xe: {  	[smem:$0x3FB5] =	sst s6  }
0xf: {  	[smem:$0x3FB6] =	sst s7  }
0x10: {  	[smem:$0x3FB7] =	sst s8  }
0x11: {  	[smem:$0x3FB8] =	sst s9;
	s0 =	simm.s32 @!p0 $0x0  }
0x12: {  	s1 =	sld [smem:$0x3F9E];
	s0 =	simm.s32 @p0 $0x1  }
0x13: {  	[smem:$0x3FB9] =	sst s0;
	s0 =	simm.s32 @!p1 $0x0  }
0x14: {  	s2 =	sld [smem:$0x3F9D];
	s0 =	simm.s32 @p1 $0x1  }
0x15: {  	[smem:$0x3FBA] =	sst s0;
	s0 =	simm.s32 @!p2 $0x0  }
0x16: {  	s3 =	sld [smem:$0x3FDB];
	s0 =	simm.s32 @p2 $0x1  }
0x17: {  	s4 =	simm.s32 $0x1BF5;
	[smem:$0x3FBC] =	sst s0  }
0x18: {  	s0 =	sld [smem:$0x3F9F];
	_ =	swait.ge [sflag:s4], $0x0  }
0x19: {  	s7 =	sld [smem:$0x3FA0]  }
0x1a: {  	s8 =	sadd.s32 $0xFFFFE003, lr  }
0x1b: {  	s9 =	sadd.s32 $0xFFFFFEF7, lr;
	s5 =	simm.s32 $0xFFFFFFFF;
	p2 =	slt.u32 s8, $0xFFFFF086  }
0x1c: {  	p1 =	slt.u32 s9, $0xF7A;
	s5 =	simm.s32 @!p2 $0x0  }
0x1d: {  	s5 =	simm.s32 @p1 $0x1;
	p0 =	seq.s32 s7, s2  }
0x1e: {  	s7 =	smul.u32 @!p0 $0xF7A, s2;
	p2 =	seq.s32 @!p0 s5, $0x0  }
0x1f: {  	s9 =	smul.u32 $0xF7A, s1;
	s8 =	simm.s32 @!p0 $0x1BF5;
	p2 =	por !p2, p0  }
0x20: {  	[sflag:s8] =	ssyncset.s32 @!p0 $0xFFFFF086;
	s6 =	sadd.s32 @!p0 s3, s7;
	s7 =	simm.s32 @!p0 $0x108  }
0x21: {  	s3 =	sadd.s32 s3, s9;
	s6 =	sadd.s32 @!p0 $0x88, s6;
	s7 =	simm.s32 @p2 $0x1082  }
0x22: {  	[simem:s7], [sflag:s8] =	dma.local @!p0 [hbm:s6], $0xF7A  }
0x23: {  	s9 =	sor.u32 $0xD0000000, s2;
	s6 =	simm.s32 $0x108;
	_ =	swait.ge @!p0 [sflag:s8], $0x0  }
0x24: {  	s3 =	sadd.s32 $0x88, s3;
	s6 =	simm.s32 @!p1 $0x1082;
	[sflag:s4] =	ssyncset.s32 $0xFFFFF086  }
0x25: {  	[simem:s6], [sflag:s4] =	dma.local [hbm:s3], $0xF7A  }
0x26: {  	[smem:$0x3FA0] =	sst s1;
	(tag) =	ssettag s2;
	_ =	strace s9  }
0x27: {  	s1 =	sld [smem:$0x3FB0]  }
0x28: {  	s2 =	sld [smem:$0x3FB1]  }
0x29: {  	s4 =	sld [smem:$0x3FB3]  }
0x2a: {  	p0 =	seq.s32 s5, $0x0;
	s5 =	sld [smem:$0x3FB4]  }
0x2b: {  	s6 =	sld [smem:$0x3FB5]  }
0x2c: {  	s7 =	sld [smem:$0x3FB6]  }
0x2d: {  	s3 =	simm.s32 $0x108;
	s8 =	sld [smem:$0x3FB7]  }
0x2e: {  	s3 =	simm.s32 @!p0 $0x1082;
	s9 =	sld [smem:$0x3FB8]  }
0x2f: {  	lr =	sadd.s32 s0, s3;
	s0 =	sld [smem:$0x3FAF]  }
0x30: {  	s3 =	sld [smem:$0x3FB2]  }
0x31: {  	[smem:$0x3FBB] =	sst s10  }
0x32: {  	s10 =	sld [smem:$0x3FB9];
	_ =	sdelay $0x3  }
0x33: {  	p0 =	seq.s32 s10, $0x1;
	s10 =	sld [smem:$0x3FBB];
	_ =	sdelay $0x3  }
0x34: {  	[smem:$0x3FBB] =	sst s10  }
0x35: {  	s10 =	sld [smem:$0x3FBA];
	_ =	sdelay $0x3  }
0x36: {  	p1 =	seq.s32 s10, $0x1;
	s10 =	sld [smem:$0x3FBB];
	_ =	sdelay $0x3  }
0x37: {  	[smem:$0x3FBB] =	sst s10  }
0x38: {  	s10 =	sld [smem:$0x3FBC]  }
0x39: {  	_ = 	snop;
	(pc) =	sbr.ind lr, $3  }
0x3a: {  	_ = 	snop  }
0x3b: {  	_ = 	snop  }
0x3c: {  	p2 =	seq.s32 s10, $0x1;
	s10 =	sld [smem:$0x3FBB]  }
0x3d: {  	_ =	shalt  }
0x3e: {  	_ =	shalt  }
0x3f: {  	_ =	shalt  }
0x40: {  	_ =	shalt  }
0x41: {  	_ =	shalt  }
0x42: {  	_ =	shalt  }
0x43: {  	_ =	shalt  }
0x44: {  	_ =	shalt  }
0x45: {  	_ =	shalt  }
0x46: {  	_ =	shalt  }
0x47: {  	_ =	shalt  }
0x48: {  	_ =	shalt  }
0x49: {  	_ =	shalt  }
0x4a: {  	_ =	shalt  }
0x4b: {  	_ =	shalt  }
0x4c: {  	_ =	shalt  }
0x4d: {  	_ =	shalt  }
0x4e: {  	_ =	shalt  }
0x4f: {  	_ =	shalt  }
0x50: {  	_ =	shalt  }
0x51: {  	_ =	shalt  }
0x52: {  	_ =	shalt  }
0x53: {  	_ =	shalt  }
0x54: {  	_ =	shalt  }
0x55: {  	_ =	shalt  }
0x56: {  	_ =	shalt  }
0x57: {  	_ =	shalt  }
0x58: {  	_ =	shalt  }
0x59: {  	_ =	shalt  }
0x5a: {  	_ =	shalt  }
0x5b: {  	_ =	shalt  }
0x5c: {  	_ =	shalt  }
0x5d: {  	_ =	shalt  }
0x5e: {  	_ =	shalt  }
0x5f: {  	_ =	shalt  }
0x60: {  	_ =	shalt  }
0x61: {  	_ =	shalt  }
0x62: {  	_ =	shalt  }
0x63: {  	_ =	shalt  }
0x64: {  	_ =	shalt  }
0x65: {  	_ =	shalt  }
0x66: {  	_ =	shalt  }
0x67: {  	_ =	shalt  }
0x68: {  	_ =	shalt  }
0x69: {  	_ =	shalt  }
0x6a: {  	_ =	shalt  }
0x6b: {  	_ =	shalt  }
0x6c: {  	_ =	shalt  }
0x6d: {  	_ =	shalt  }
0x6e: {  	_ =	shalt  }
0x6f: {  	_ =	shalt  }
0x70: {  	_ =	shalt  }
0x71: {  	_ =	shalt  }
0x72: {  	_ =	shalt  }
0x73: {  	_ =	shalt  }
0x74: {  	_ =	shalt  }
0x75: {  	_ =	shalt  }
0x76: {  	_ =	shalt  }
0x77: {  	_ =	shalt  }
0x78: {  	_ =	shalt  }
0x79: {  	_ =	shalt  }
0x7a: {  	_ =	shalt  }
0x7b: {  	_ =	shalt  }
0x7c: {  	_ =	shalt  }
0x7d: {  	_ =	shalt  }
0x7e: {  	_ =	shalt  }
0x7f: {  	_ =	shalt  }
0x80: {  	_ =	shalt  }
0x81: {  	_ =	shalt  }
0x82: {  	_ =	shalt  }
0x83: {  	_ =	shalt  }
0x84: {  	_ =	shalt  }
0x85: {  	_ =	shalt  }
0x86: {  	_ =	shalt  }
0x87: {  	_ =	shalt  }
.Lfunc_end0:
.L_simem_size_0:
called_computation_lowered:
.L_overlay_start_0:
0x88: {  	s2 =	sld [smem:$0x3FD9]  }
0x89: {  	s3 =	sld [smem:$0x3FFE];
	_ =	sdelay $0x1  }
0x8a: {  	s1 =	srdreg.scid  }
0x8b: {  	s0 =	sand.u32 $0x1, s1  }
0x8c: {  	s18 =	sshll.u32 s0, $0xA;
	s2 =	sadd.s32 s3, s2  }
0x8d: {  	s2 =	sadd.s32 s2, s18  }
0x8e: {  	[smem:$0x3FC7] =	sst s2  }
0x8f: {  	_ = 	snop  }
0x90: {  	s2 =	sld [smem:$0x3FC9]  }
0x91: {  	s19 =	sld [smem:$0x3FD0];
	(tm) =	ssettm $0x1  }
0x92: {  	s4 =	sld [smem:$0x3FFB];
	_ =	sdelay $0x3  }
0x93: {  	_ =	strace s4  }
0x94: {  	s4 =	sld [smem:$0x3FFC];
	_ =	sdelay $0x3  }
0x95: {  	_ =	strace s4  }
0x96: {  	s4 =	sld [smem:$0x3FFD];
	_ =	sdelay $0x3  }
0x97: {  	_ =	strace s4  }
0x98: {  	_ =	strace $0x8FFFFFFF  }
0x99: {  	s20 =	sld [smem:$0x3FDB];
	_ =	sdelay $0x1  }
0x9a: {  	s5 =	simm.s32 $_scs_section_size  }
0x9b: {  	s6 =	simm.s32 $_size__tile_overlayer_lowered;
	s7 =	simm.s32 $_tile_overlayer_lowered  }
0x9c: {  	s23 =	simm.s32 $0x1BFF;
	s22 =	sshll.u32 s7, $0x1;
	s4 =	sadd.s32 s5, s20  }
0x9d: {  	s8 =	simm.s32 $0x0;
	s21 =	sshll.u32 s6, $0x1;
	s6 =	sadd.s32 s22, s4  }
0x9e: {  	[timem:s8], [sflag:s23] =	dma.local [hbm:s6], s21  }
0x9f: {  	_ =	swait.ge [sflag:s23], s21  }
0xa0: {  	s5 =	ssub.s32 $0x0, s21;
	[sflag:s23] =	ssyncset.done $0x0  }
0xa1: {  	[sflag:s23] =	ssyncadd.s32 s5;
	_ =	sdelay $0x1  }
0xa2: {  	s24 =	simm.s32 $0x1B8B  }
0xa3: {  	_ =	swait.ge [sflag:s24], $0x1  }
0xa4: {  	[sflag:s24] =	ssyncset.done $0x0  }
0xa5: {  	s25 =	simm.s32 $0x1B8E;
	[sflag:s24] =	ssyncadd.s32 $0xFFFFFFFF  }
0xa6: {  	s26 =	simm.s32 $execute0_lowered;
	[smem:$0x3FD2] =	sst s25  }
0xa7: {  	s5 =	sshll.u32 s26, $0x1;
	_ =	strace $0x80000046;
	[dreg:$0x1] =	wrdreg $0xFFFFFFFF  }
0xa8: {  	s28 =	simm.s32 $_size_execute0_lowered;
	s4 =	sadd.s32 s4, s5;
	[dreg:$0x0] =	wrdreg $0x0  }
0xa9: {  	s5 =	sshll.u32 s28, $0x1;
	[dreg:$0x2] =	wrdreg s4  }
0xaa: {  	[dreg:$0x3] =	wrdreg s5  }
0xab: {  	[dreg:$0x4] =	wrdreg $0xC0  }
0xac: {  	_ =	task [dreg:s8], $0x5FFFF  }
0xad: {  	[dreg:$0x1] =	wrdreg $0xFFFFFFFF  }
0xae: {  	[dreg:$0x0] =	wrdreg $0x60  }
0xaf: {  	[dreg:$0x2] =	wrdreg s2  }
0xb0: {  	[dreg:$0x3] =	wrdreg s19  }
0xb1: {  	[dreg:$0x4] =	wrdreg $0x9  }
0xb2: {  	_ =	task.clear_ibuf [dreg:s8], $0x5FFFF;
	_ =	strace $0x90000046  }
0xb3: {  	s29 =	simm.s32 $0x9;
	_ =	strace $0x80000048  }
0xb4: {  	_ =	swait.ge [sflag:s29], $0x1  }
0xb5: {  	[sflag:s29] =	ssyncadd.s32 $0xFFFFFFFF  }
0xb6: {  	_ =	strace $0x90000048  }
0xb7: {  	_ =	sfence  }
0xb8: {  	s30 =	sld [smem:$0x0];
	_ =	sdelay $0x2  }
0xb9: {  	s31 =	sshll.u32 s1, $0xD;
	s1 =	sshrl.u32 s1, $0x2  }
0xba: {  	s3 =	sand.u32 $0x4000, s31;
	s1 =	sadd.s32 s1, s30  }
0xbb: {  	s0 =	sor.u32 s3, s0;
	s1 =	sshll.u32 s1, $0x11  }
0xbc: {  	s0 =	sor.u32 s1, s0  }
0xbd: {  	s0 =	sadd.s32 $0x8F2B, s0  }
0xbe: {  	[sflag:s0] =	ssyncadd.remote.s32 $0x1  }
0xbf: {  	_ =	sfence.sel $0xFFFF  }
0xc0: {  	[dreg:$0x0] =	wrdreg $0xFFFFFFFF;
	(pc) =	sbr.abs _section_cstart, $3  }
0xc1: {  	[dreg:$0x1] =	wrdreg $0xFFFFFFFF  }
0xc2: {  	_ =	task.clear_ibuf [dreg:s8], $0x2FFFF;
	_ =	strace $0x9FFFFFFF  }
0xc3: {  	(tm) =	ssettm $0x7FFFFFFF  }
tec
execute0_lowered:
.L_overlay_start_1:
0x0: {  	(tag) =	ssettag $0x1  }
0x1: {  	s0 =	srdreg.scid  }
0x2: {  	s2 =	stileid.u32;
	s0 =	sand.u32 $0x1, s0  }
0x3: {  	s1 =	rddreg [dreg:$0x0];
	s4 =	sshll.u32 s2, $0x10;
	s5 =	sshll.u32 s0, $0xF  }
0x4: {  	s3 =	rddreg [dreg:$0x1];
	s2 =	simm.s32 $0x0;
	s4 =	sor.u32 s5, s4  }
0x5: {  	[smem:$0x7FF] =	sst s2;
	s1 =	sadd.s32 s1, s4;
	s4 =	sadd.s32 s3, s4  }
0x6: {  	_ =	strace $0x80000047;
	s12 =	sadd.s32 $0x80000, s1;
	[smem:$0x7FC] =	sst s4  }
0x7: {  	s13 =	sadd.s32 $0x82000, s1;
	[dreg:$0x3] =	wrdreg s12  }
0x8: {  	s14 =	sadd.s32 $0x84000, s1;
	[dreg:$0x4] =	wrdreg s13  }
0x9: {  	s15 =	sadd.s32 $0x86000, s1;
	[dreg:$0x5] =	wrdreg s14  }
0xa: {  	s16 =	sadd.s32 $0x80400, s1;
	[dreg:$0x6] =	wrdreg s15  }
0xb: {  	s17 =	sadd.s32 $0x82400, s1;
	[dreg:$0x7] =	wrdreg s16  }
0xc: {  	s18 =	sadd.s32 $0x84400, s1;
	[dreg:$0x8] =	wrdreg s17  }
0xd: {  	s19 =	sadd.s32 $0x86400, s1;
	[dreg:$0x9] =	wrdreg s18  }
0xe: {  	s20 =	sadd.s32 $0x80800, s1;
	[dreg:$0xa] =	wrdreg s19  }
0xf: {  	s21 =	sadd.s32 $0x82800, s1;
	[dreg:$0xb] =	wrdreg s20  }
0x10: {  	s22 =	sadd.s32 $0x84800, s1;
	[dreg:$0xc] =	wrdreg s21  }
0x11: {  	s23 =	sadd.s32 $0x86800, s1;
	[dreg:$0xd] =	wrdreg s22  }
0x12: {  	s3 =	sadd.s32 $0x2000, s4;
	[dreg:$0xe] =	wrdreg s23  }
0x13: {  	s24 =	sadd.s32 $0x4000, s4;
	[dreg:$0xf] =	wrdreg s3  }
0x14: {  	s25 =	sadd.s32 $0x6000, s4;
	[dreg:$0x10] =	wrdreg s24  }
0x15: {  	s26 =	sadd.s32 $0x80C00, s1;
	[dreg:$0x11] =	wrdreg s25  }
0x16: {  	s31 =	sadd.s32 $0x82C00, s1;
	[dreg:$0x12] =	wrdreg s26  }
0x17: {  	s5 =	sadd.s32 $0x84C00, s1;
	[dreg:$0x13] =	wrdreg s31  }
0x18: {  	s6 =	sadd.s32 $0x86C00, s1;
	[dreg:$0x14] =	wrdreg s5  }
0x19: {  	s7 =	sadd.s32 $0x400, s4;
	[dreg:$0x15] =	wrdreg s6  }
0x1a: {  	s8 =	sadd.s32 $0x2400, s4;
	[dreg:$0x16] =	wrdreg s7  }
0x1b: {  	s9 =	sadd.s32 $0x4400, s4;
	[dreg:$0x17] =	wrdreg s8  }
0x1c: {  	s10 =	sadd.s32 $0x6400, s4;
	[dreg:$0x18] =	wrdreg s9  }
0x1d: {  	s11 =	sadd.s32 $0x81000, s1;
	[dreg:$0x19] =	wrdreg s10  }
0x1e: {  	[dreg:$0x1a] =	wrdreg s11;
	s12 =	sadd.s32 $0x83000, s1  }
0x1f: {  	s13 =	sadd.s32 $0x85000, s1;
	[dreg:$0x1b] =	wrdreg s12  }
0x20: {  	s14 =	sadd.s32 $0x87000, s1;
	[dreg:$0x1c] =	wrdreg s13  }
0x21: {  	s15 =	sadd.s32 $0x800, s4;
	[dreg:$0x1d] =	wrdreg s14  }
0x22: {  	s16 =	sadd.s32 $0x2800, s4;
	[dreg:$0x1e] =	wrdreg s15  }
0x23: {  	s17 =	sadd.s32 $0x4800, s4;
	[dreg:$0x1f] =	wrdreg s16  }
0x24: {  	s18 =	sadd.s32 $0x6800, s4;
	[smem:$0x7DB] =	sst s17  }
0x25: {  	s19 =	sadd.s32 $0x81400, s1;
	[smem:$0x7DC] =	sst s18  }
0x26: {  	s20 =	sadd.s32 $0x83400, s1;
	[smem:$0x7DD] =	sst s19  }
0x27: {  	s21 =	sadd.s32 $0x85400, s1;
	[smem:$0x7DE] =	sst s20  }
0x28: {  	s22 =	sadd.s32 $0x87400, s1;
	[smem:$0x7DF] =	sst s21  }
0x29: {  	s23 =	sadd.s32 $0xC00, s4;
	[smem:$0x7E0] =	sst s22  }
0x2a: {  	s24 =	sadd.s32 $0x2C00, s4;
	[smem:$0x7E1] =	sst s23  }
0x2b: {  	s25 =	sadd.s32 $0x4C00, s4;
	[smem:$0x7E2] =	sst s24  }
0x2c: {  	s26 =	sadd.s32 $0x6C00, s4;
	[smem:$0x7E3] =	sst s25  }
0x2d: {  	s31 =	sadd.s32 $0x81800, s1;
	[smem:$0x7E4] =	sst s26  }
0x2e: {  	s5 =	sadd.s32 $0x83800, s1;
	[smem:$0x7E5] =	sst s31  }
0x2f: {  	s6 =	sadd.s32 $0x85800, s1;
	[smem:$0x7E6] =	sst s5  }
0x30: {  	s7 =	sadd.s32 $0x87800, s1;
	[smem:$0x7E7] =	sst s6  }
0x31: {  	s8 =	sadd.s32 $0x1000, s4;
	[smem:$0x7E8] =	sst s7  }
0x32: {  	s9 =	sadd.s32 $0x3000, s4;
	[smem:$0x7E9] =	sst s8  }
0x33: {  	s10 =	sadd.s32 $0x5000, s4;
	[smem:$0x7EA] =	sst s9  }
0x34: {  	s11 =	sadd.s32 $0x7000, s4;
	[smem:$0x7EB] =	sst s10  }
0x35: {  	s30 =	simm.s32 $0x1;
	[smem:$0x7EC] =	sst s11;
	s12 =	sadd.s32 $0x81C00, s1  }
0x36: {  	s29 =	simm.s32 $0x4;
	s13 =	sadd.s32 $0x83C00, s1;
	[smem:$0x7ED] =	sst s12  }
0x37: {  	s28 =	simm.s32 $0x7;
	s14 =	sadd.s32 $0x85C00, s1;
	[smem:$0x7EE] =	sst s13  }
0x38: {  	p0 =	por $0x0, $0x0;
	s1 =	sadd.s32 $0x87C00, s1;
	[smem:$0x7EF] =	sst s14  }
0x39: {  	s0 =	ssub.s32 $0x2, s0;
	s15 =	sadd.s32 $0x1400, s4;
	[smem:$0x7F0] =	sst s1  }
0x3a: {  	s3 =	simm.s32 $0x17;
	s16 =	sadd.s32 $0x3400, s4;
	[smem:$0x7F1] =	sst s15  }
0x3b: {  	s17 =	sadd.s32 $0x5400, s4;
	s18 =	sadd.s32 $0x7400, s4;
	[smem:$0x7F2] =	sst s16  }
0x3c: {  	s19 =	sadd.s32 $0x1800, s4;
	s20 =	sadd.s32 $0x3800, s4;
	[smem:$0x7F3] =	sst s17  }
0x3d: {  	s21 =	sadd.s32 $0x5800, s4;
	s22 =	sadd.s32 $0x7800, s4;
	[smem:$0x7F4] =	sst s18  }
0x3e: {  	s23 =	sadd.s32 $0x1C00, s4;
	s24 =	sadd.s32 $0x3C00, s4;
	[smem:$0x7F5] =	sst s19  }
0x3f: {  	s25 =	sshrl.u32 s0, $0x1;
	s26 =	sadd.s32 $0x5C00, s4;
	[smem:$0x7F6] =	sst s20  }
0x40: {  	s31 =	sadd.s32 $0x7C00, s4;
	s10 =	simm.s32 $0xD;
	[smem:$0x7F7] =	sst s21  }
0x41: {  	s8 =	simm.s32 $0x10;
	[smem:$0x7F8] =	sst s22;
	s0 =	ssub.s32 s0, s25  }
0x42: {  	s6 =	simm.s32 $0x13;
	[smem:$0x7F9] =	sst s23;
	s0 =	smax.u32 s0, $0x1  }
0x43: {  	s4 =	simm.s32 $0x16;
	[smem:$0x7FA] =	sst s24;
	p1 =	sne.s32 s0, $0x1  }
.Ltmp0:
0x44: {  	s9 =	simm.s32 $0xE;
	[smem:$0x7FB] =	sst s26;
	(pc) =	sbr.rel @!p1 .LBB2_1-.Ltmp0, $4  }
0x45: {  	s7 =	simm.s32 $0x11;
	s5 =	simm.s32 $0x14;
	[smem:$0x7FD] =	sst s31  }
0x46: {  	s22 =	simm.s32 $0x10000;
	s25 =	simm.s32 $0xA;
	s26 =	simm.s32 $0x2  }
0x47: {  	s23 =	simm.s32 $0x5;
	s1 =	simm.s32 $0x8;
	s18 =	simm.s32 $0xB  }
0x48: {  	s16 =	simm.s32 $0xC;
	s13 =	rddreg [dreg:$0x3];
	s0 =	sadd.s32 $0xFFFFFFFF, s0  }
0x49: {  	s12 =	rddreg [dreg:$0x4]  }
0x4a: {  	[tilespmem:s2], [sflag:$0x1] =	stream.linear.gather [hbm4b:s13+s2], $0x2000, $0x38;
	[tilespmem:$0x18000] =	vst v63  }
0x4b: {  	s24 =	rddreg [dreg:$0x5];
	s15 =	simm.s32 $0x6000  }
0x4c: {  	[tilespmem:s15], [sflag:$0x4] =	stream.linear.gather [hbm4b:s12+s2], $0x2000, $0x38;
	[tilespmem:$0x18000] =	vst v63  }
0x4d: {  	s28 =	rddreg [dreg:$0x6];
	s11 =	simm.s32 $0xC000  }
0x4e: {  	[tilespmem:s11], [sflag:$0x7] =	stream.linear.gather [hbm4b:s24+s2], $0x2000, $0x38;
	[tilespmem:$0x18000] =	vst v63  }
0x4f: {  	s29 =	rddreg [dreg:$0x7];
	s1 =	simm.s32 $0x12000  }
0x50: {  	[tilespmem:s1], [sflag:$0xA] =	stream.linear.gather [hbm4b:s28+s2], $0x2000, $0x38;
	[tilespmem:$0x18000] =	vst v63  }
0x51: {  	[smem:$0x7DA] =	sst s0;
	s0 =	simm.s32 $0x2000  }
0x52: {  	[tilespmem:s0], [sflag:$0x2] =	stream.linear.gather [hbm4b:s29+s2], $0x2000, $0x38;
	[tilespmem:$0x18000] =	vst v63  }
0x53: {  	s30 =	rddreg [dreg:$0x8];
	s21 =	simm.s32 $0x8000  }
0x54: {  	[tilespmem:s21], [sflag:$0x5] =	stream.linear.gather [hbm4b:s30+s2], $0x2000, $0x38;
	[tilespmem:$0x18000] =	vst v63  }
0x55: {  	s31 =	rddreg [dreg:$0x9];
	s24 =	simm.s32 $0xE000  }
0x56: {  	[tilespmem:s24], [sflag:$0x8] =	stream.linear.gather [hbm4b:s31+s2], $0x2000, $0x38;
	[tilespmem:$0x18000] =	vst v63  }
0x57: {  	s12 =	rddreg [dreg:$0xa];
	s31 =	simm.s32 $0x14000  }
0x58: {  	[tilespmem:s31], [sflag:$0xB] =	stream.linear.gather [hbm4b:s12+s2], $0x2000, $0x38;
	[tilespmem:$0x18000] =	vst v63  }
0x59: {  	s26 =	simm.s32 $0x4000;
	s20 =	rddreg [dreg:$0xb]  }
0x5a: {  	[tilespmem:s26], [sflag:$0x3] =	stream.linear.gather [hbm4b:s20+s2], $0x2000, $0x38;
	[tilespmem:$0x18000] =	vst v63  }
0x5b: {  	s25 =	simm.s32 $0xA000;
	s12 =	rddreg [dreg:$0xc]  }
0x5c: {  	[tilespmem:s25], [sflag:$0x6] =	stream.linear.gather [hbm4b:s12+s2], $0x2000, $0x38;
	[tilespmem:$0x18000] =	vst v63  }
0x5d: {  	s20 =	rddreg [dreg:$0xd]  }
0x5e: {  	[tilespmem:s22], [sflag:$0x9] =	stream.linear.gather [hbm4b:s20+s2], $0x2000, $0x38;
	[tilespmem:$0x18000] =	vst v63  }
0x5f: {  	s14 =	simm.s32 $0x1;
	s25 =	rddreg [dreg:$0xe];
	s20 =	simm.s32 $0x16000  }
0x60: {  	[tilespmem:s20], [sflag:$0xC] =	stream.linear.gather [hbm4b:s25+s2], $0x2000, $0x38;
	[tilespmem:$0x18000] =	vst v63  }
0x61: {  	_ =	swait.ge [sflag:s14], $0x2000  }
0x62: {  	s26 =	sld [smem:$0x7FC]  }
0x63: {  	[sflag:s14] =	ssyncset.done $0x0  }
0x64: {  	s23 =	simm.s32 $0x4;
	[sflag:s14] =	ssyncadd.s32 $0xFFFFE000  }
0x65: {  	[hbm4b:s26+s2] =	stream.linear.scatter [tilespmem:s2], [sflag:$0xD], $0x2000, $0x38;
	[tilespmem:$0x18000] =	vst v63  }
0x66: {  	_ =	swait.ge [sflag:s23], $0x2000  }
0x67: {  	[sflag:s23] =	ssyncset.done $0x0  }
0x68: {  	s30 =	simm.s32 $0x7;
	s13 =	rddreg [dreg:$0xf];
	[sflag:s23] =	ssyncadd.s32 $0xFFFFE000  }
0x69: {  	[hbm4b:s13+s2] =	stream.linear.scatter [tilespmem:s15], [sflag:$0x10], $0x2000, $0x38;
	[tilespmem:$0x18000] =	vst v63  }
0x6a: {  	_ =	swait.ge [sflag:s30], $0x2000  }
0x6b: {  	[sflag:s30] =	ssyncset.done $0x0  }
0x6c: {  	s28 =	simm.s32 $0xA;
	s25 =	rddreg [dreg:$0x10];
	[sflag:s30] =	ssyncadd.s32 $0xFFFFE000  }
0x6d: {  	[hbm4b:s25+s2] =	stream.linear.scatter [tilespmem:s11], [sflag:$0x13], $0x2000, $0x38;
	[tilespmem:$0x18000] =	vst v63  }
0x6e: {  	_ =	swait.ge [sflag:s28], $0x2000  }
0x6f: {  	[sflag:s28] =	ssyncset.done $0x0  }
0x70: {  	s26 =	rddreg [dreg:$0x11];
	[sflag:s28] =	ssyncadd.s32 $0xFFFFE000  }
0x71: {  	[hbm4b:s26+s2] =	stream.linear.scatter [tilespmem:s1], [sflag:$0x16], $0x2000, $0x38;
	[tilespmem:$0x18000] =	vst v63  }
0x72: {  	_ =	swait.ge [sflag:s10], $0x2000  }
0x73: {  	[sflag:s10] =	ssyncset.done $0x0  }
0x74: {  	s13 =	rddreg [dreg:$0x12];
	[sflag:s10] =	ssyncadd.s32 $0xFFFFE000  }
0x75: {  	[tilespmem:s2], [sflag:$0x1] =	stream.linear.gather [hbm4b:s13+s2], $0x2000, $0x38;
	[tilespmem:$0x18000] =	vst v63  }
0x76: {  	_ =	swait.ge [sflag:s8], $0x2000  }
0x77: {  	[sflag:s8] =	ssyncset.done $0x0  }
0x78: {  	s25 =	rddreg [dreg:$0x13];
	[sflag:s8] =	ssyncadd.s32 $0xFFFFE000  }
0x79: {  	[tilespmem:s15], [sflag:$0x4] =	stream.linear.gather [hbm4b:s25+s2], $0x2000, $0x38;
	[tilespmem:$0x18000] =	vst v63  }
0x7a: {  	_ =	swait.ge [sflag:s6], $0x2000  }
0x7b: {  	[sflag:s6] =	ssyncset.done $0x0  }
0x7c: {  	s26 =	rddreg [dreg:$0x14];
	[sflag:s6] =	ssyncadd.s32 $0xFFFFE000  }
0x7d: {  	[tilespmem:s11], [sflag:$0x7] =	stream.linear.gather [hbm4b:s26+s2], $0x2000, $0x38;
	[tilespmem:$0x18000] =	vst v63  }
0x7e: {  	_ =	swait.ge [sflag:s4], $0x2000  }
0x7f: {  	[sflag:s4] =	ssyncset.done $0x0  }
0x80: {  	s29 =	simm.s32 $0x2;
	s6 =	rddreg [dreg:$0x15];
	[sflag:s4] =	ssyncadd.s32 $0xFFFFE000  }
0x81: {  	[tilespmem:s1], [sflag:$0xA] =	stream.linear.gather [hbm4b:s6+s2], $0x2000, $0x38;
	[tilespmem:$0x18000] =	vst v63  }
0x82: {  	_ =	swait.ge [sflag:s29], $0x2000  }
0x83: {  	[sflag:s29] =	ssyncset.done $0x0  }
0x84: {  	s17 =	simm.s32 $0x5;
	s8 =	rddreg [dreg:$0x16];
	[sflag:s29] =	ssyncadd.s32 $0xFFFFE000  }
0x85: {  	[hbm4b:s8+s2] =	stream.linear.scatter [tilespmem:s0], [sflag:$0xE], $0x2000, $0x38;
	[tilespmem:$0x18000] =	vst v63  }
0x86: {  	_ =	swait.ge [sflag:s17], $0x2000  }
0x87: {  	[sflag:s17] =	ssyncset.done $0x0  }
0x88: {  	s19 =	simm.s32 $0x8;
	s10 =	rddreg [dreg:$0x17];
	[sflag:s17] =	ssyncadd.s32 $0xFFFFE000  }
0x89: {  	[hbm4b:s10+s2] =	stream.linear.scatter [tilespmem:s21], [sflag:$0x11], $0x2000, $0x38;
	[tilespmem:$0x18000] =	vst v63  }
0x8a: {  	_ =	swait.ge [sflag:s19], $0x2000  }
0x8b: {  	[sflag:s19] =	ssyncset.done $0x0  }
0x8c: {  	s13 =	rddreg [dreg:$0x18];
	[sflag:s19] =	ssyncadd.s32 $0xFFFFE000  }
0x8d: {  	[hbm4b:s13+s2] =	stream.linear.scatter [tilespmem:s24], [sflag:$0x14], $0x2000, $0x38;
	[tilespmem:$0x18000] =	vst v63  }
0x8e: {  	_ =	swait.ge [sflag:s18], $0x2000  }
0x8f: {  	[sflag:s18] =	ssyncset.done $0x0  }
0x90: {  	s25 =	rddreg [dreg:$0x19];
	[sflag:s18] =	ssyncadd.s32 $0xFFFFE000  }
0x91: {  	[hbm4b:s25+s2] =	stream.linear.scatter [tilespmem:s31], [sflag:$0x17], $0x2000, $0x38;
	[tilespmem:$0x18000] =	vst v63  }
0x92: {  	_ =	swait.ge [sflag:s9], $0x2000  }
0x93: {  	[sflag:s9] =	ssyncset.done $0x0  }
0x94: {  	s26 =	rddreg [dreg:$0x1a];
	[sflag:s9] =	ssyncadd.s32 $0xFFFFE000  }
0x95: {  	[tilespmem:s0], [sflag:$0x2] =	stream.linear.gather [hbm4b:s26+s2], $0x2000, $0x38;
	[tilespmem:$0x18000] =	vst v63  }
0x96: {  	_ =	swait.ge [sflag:s7], $0x2000  }
0x97: {  	[sflag:s7] =	ssyncset.done $0x0  }
0x98: {  	s4 =	rddreg [dreg:$0x1b];
	[sflag:s7] =	ssyncadd.s32 $0xFFFFE000  }
0x99: {  	[tilespmem:s21], [sflag:$0x5] =	stream.linear.gather [hbm4b:s4+s2], $0x2000, $0x38;
	[tilespmem:$0x18000] =	vst v63  }
0x9a: {  	_ =	swait.ge [sflag:s5], $0x2000  }
0x9b: {  	[sflag:s5] =	ssyncset.done $0x0  }
0x9c: {  	s6 =	rddreg [dreg:$0x1c];
	[sflag:s5] =	ssyncadd.s32 $0xFFFFE000  }
0x9d: {  	[tilespmem:s24], [sflag:$0x8] =	stream.linear.gather [hbm4b:s6+s2], $0x2000, $0x38;
	[tilespmem:$0x18000] =	vst v63  }
0x9e: {  	_ =	swait.ge [sflag:s3], $0x2000  }
0x9f: {  	[sflag:s3] =	ssyncset.done $0x0  }
0xa0: {  	s7 =	rddreg [dreg:$0x1d];
	[sflag:s3] =	ssyncadd.s32 $0xFFFFE000;
	s3 =	simm.s32 $0x3  }
0xa1: {  	[tilespmem:s31], [sflag:$0xB] =	stream.linear.gather [hbm4b:s7+s2], $0x2000, $0x38;
	[tilespmem:$0x18000] =	vst v63  }
0xa2: {  	_ =	swait.ge [sflag:s3], $0x2000  }
0xa3: {  	s26 =	simm.s32 $0x4000;
	[sflag:s3] =	ssyncset.done $0x0  }
0xa4: {  	s6 =	simm.s32 $0x6;
	s8 =	rddreg [dreg:$0x1e];
	[sflag:s3] =	ssyncadd.s32 $0xFFFFE000  }
0xa5: {  	[hbm4b:s8+s2] =	stream.linear.scatter [tilespmem:s26], [sflag:$0xF], $0x2000, $0x38;
	[tilespmem:$0x18000] =	vst v63  }
0xa6: {  	_ =	swait.ge [sflag:s6], $0x2000  }
0xa7: {  	s25 =	simm.s32 $0xA000;
	[sflag:s6] =	ssyncset.done $0x0  }
0xa8: {  	s8 =	simm.s32 $0x9;
	s9 =	rddreg [dreg:$0x1f];
	[sflag:s6] =	ssyncadd.s32 $0xFFFFE000  }
0xa9: {  	[hbm4b:s9+s2] =	stream.linear.scatter [tilespmem:s25], [sflag:$0x12], $0x2000, $0x38;
	[tilespmem:$0x18000] =	vst v63  }
0xaa: {  	_ =	swait.ge [sflag:s8], $0x2000  }
0xab: {  	s10 =	sld [smem:$0x7DB]  }
0xac: {  	[sflag:s8] =	ssyncset.done $0x0  }
0xad: {  	[sflag:s8] =	ssyncadd.s32 $0xFFFFE000  }
0xae: {  	[hbm4b:s10+s2] =	stream.linear.scatter [tilespmem:s22], [sflag:$0x15], $0x2000, $0x38;
	[tilespmem:$0x18000] =	vst v63  }
0xaf: {  	_ =	swait.ge [sflag:s16], $0x2000  }
0xb0: {  	s13 =	sld [smem:$0x7DC]  }
0xb1: {  	[sflag:s16] =	ssyncset.done $0x0  }
0xb2: {  	s10 =	simm.s32 $0xF;
	[sflag:s16] =	ssyncadd.s32 $0xFFFFE000  }
0xb3: {  	[hbm4b:s13+s2] =	stream.linear.scatter [tilespmem:s20], [sflag:$0x18], $0x2000, $0x38;
	[tilespmem:$0x18000] =	vst v63  }
0xb4: {  	_ =	swait.ge [sflag:s10], $0x2000  }
0xb5: {  	s22 =	sld [smem:$0x7DD]  }
0xb6: {  	[sflag:s10] =	ssyncset.done $0x0  }
0xb7: {  	[sflag:s10] =	ssyncadd.s32 $0xFFFFE000  }
0xb8: {  	[tilespmem:s26], [sflag:$0x3] =	stream.linear.gather [hbm4b:s22+s2], $0x2000, $0x38;
	[tilespmem:$0x18000] =	vst v63  }
0xb9: {  	s22 =	simm.s32 $0x12  }
0xba: {  	_ =	swait.ge [sflag:s22], $0x2000  }
0xbb: {  	s12 =	sld [smem:$0x7DE]  }
0xbc: {  	[sflag:s22] =	ssyncset.done $0x0  }
0xbd: {  	[sflag:s22] =	ssyncadd.s32 $0xFFFFE000  }
0xbe: {  	[tilespmem:s25], [sflag:$0x6] =	stream.linear.gather [hbm4b:s12+s2], $0x2000, $0x38;
	[tilespmem:$0x18000] =	vst v63  }
0xbf: {  	s25 =	simm.s32 $0x15  }
0xc0: {  	_ =	swait.ge [sflag:s25], $0x2000  }
0xc1: {  	s12 =	sld [smem:$0x7DF]  }
0xc2: {  	[sflag:s25] =	ssyncset.done $0x0  }
0xc3: {  	s26 =	simm.s32 $0x10000;
	[sflag:s25] =	ssyncadd.s32 $0xFFFFE000  }
0xc4: {  	[tilespmem:s26], [sflag:$0x9] =	stream.linear.gather [hbm4b:s12+s2], $0x2000, $0x38;
	[tilespmem:$0x18000] =	vst v63  }
0xc5: {  	s26 =	simm.s32 $0x18  }
0xc6: {  	_ =	swait.ge [sflag:s26], $0x2000  }
0xc7: {  	s12 =	sld [smem:$0x7E0]  }
0xc8: {  	[sflag:s26] =	ssyncset.done $0x0  }
0xc9: {  	[sflag:s26] =	ssyncadd.s32 $0xFFFFE000  }
0xca: {  	[tilespmem:s20], [sflag:$0xC] =	stream.linear.gather [hbm4b:s12+s2], $0x2000, $0x38;
	[tilespmem:$0x18000] =	vst v63  }
0xcb: {  	_ =	swait.ge [sflag:s14], $0x2000  }
0xcc: {  	s12 =	sld [smem:$0x7E1]  }
0xcd: {  	[sflag:s14] =	ssyncset.done $0x0  }
0xce: {  	[sflag:s14] =	ssyncadd.s32 $0xFFFFE000  }
0xcf: {  	[hbm4b:s12+s2] =	stream.linear.scatter [tilespmem:s2], [sflag:$0xD], $0x2000, $0x38;
	[tilespmem:$0x18000] =	vst v63  }
0xd0: {  	_ =	swait.ge [sflag:s23], $0x2000  }
0xd1: {  	s12 =	sld [smem:$0x7E2]  }
0xd2: {  	[sflag:s23] =	ssyncset.done $0x0  }
0xd3: {  	[sflag:s23] =	ssyncadd.s32 $0xFFFFE000  }
0xd4: {  	[hbm4b:s12+s2] =	stream.linear.scatter [tilespmem:s15], [sflag:$0x10], $0x2000, $0x38;
	[tilespmem:$0x18000] =	vst v63  }
0xd5: {  	_ =	swait.ge [sflag:s30], $0x2000  }
0xd6: {  	s12 =	sld [smem:$0x7E3]  }
0xd7: {  	[sflag:s30] =	ssyncset.done $0x0  }
0xd8: {  	[sflag:s30] =	ssyncadd.s32 $0xFFFFE000  }
0xd9: {  	[hbm4b:s12+s2] =	stream.linear.scatter [tilespmem:s11], [sflag:$0x13], $0x2000, $0x38;
	[tilespmem:$0x18000] =	vst v63  }
0xda: {  	_ =	swait.ge [sflag:s28], $0x2000  }
0xdb: {  	s12 =	sld [smem:$0x7E4]  }
0xdc: {  	[sflag:s28] =	ssyncset.done $0x0  }
0xdd: {  	s13 =	simm.s32 $0xD;
	[sflag:s28] =	ssyncadd.s32 $0xFFFFE000  }
0xde: {  	[hbm4b:s12+s2] =	stream.linear.scatter [tilespmem:s1], [sflag:$0x16], $0x2000, $0x38;
	[tilespmem:$0x18000] =	vst v63  }
0xdf: {  	_ =	swait.ge [sflag:s13], $0x2000  }
0xe0: {  	s12 =	sld [smem:$0x7E5]  }
0xe1: {  	[sflag:s13] =	ssyncset.done $0x0  }
0xe2: {  	s9 =	simm.s32 $0x10;
	[sflag:s13] =	ssyncadd.s32 $0xFFFFE000  }
0xe3: {  	[tilespmem:s2], [sflag:$0x1] =	stream.linear.gather [hbm4b:s12+s2], $0x2000, $0x38;
	[tilespmem:$0x18000] =	vst v63  }
0xe4: {  	_ =	swait.ge [sflag:s9], $0x2000  }
0xe5: {  	s13 =	sld [smem:$0x7E6]  }
0xe6: {  	[sflag:s9] =	ssyncset.done $0x0  }
0xe7: {  	s7 =	simm.s32 $0x13;
	[sflag:s9] =	ssyncadd.s32 $0xFFFFE000  }
0xe8: {  	[tilespmem:s15], [sflag:$0x4] =	stream.linear.gather [hbm4b:s13+s2], $0x2000, $0x38;
	[tilespmem:$0x18000] =	vst v63  }
0xe9: {  	_ =	swait.ge [sflag:s7], $0x2000  }
0xea: {  	s13 =	sld [smem:$0x7E7]  }
0xeb: {  	[sflag:s7] =	ssyncset.done $0x0  }
0xec: {  	s5 =	simm.s32 $0x16;
	[sflag:s7] =	ssyncadd.s32 $0xFFFFE000  }
0xed: {  	[tilespmem:s11], [sflag:$0x7] =	stream.linear.gather [hbm4b:s13+s2], $0x2000, $0x38;
	[tilespmem:$0x18000] =	vst v63  }
0xee: {  	_ =	swait.ge [sflag:s5], $0x2000  }
0xef: {  	s13 =	sld [smem:$0x7E8]  }
0xf0: {  	[sflag:s5] =	ssyncset.done $0x0  }
0xf1: {  	[sflag:s5] =	ssyncadd.s32 $0xFFFFE000  }
0xf2: {  	[tilespmem:s1], [sflag:$0xA] =	stream.linear.gather [hbm4b:s13+s2], $0x2000, $0x38;
	[tilespmem:$0x18000] =	vst v63  }
0xf3: {  	_ =	swait.ge [sflag:s29], $0x2000  }
0xf4: {  	s13 =	sld [smem:$0x7E9]  }
0xf5: {  	[sflag:s29] =	ssyncset.done $0x0  }
0xf6: {  	[sflag:s29] =	ssyncadd.s32 $0xFFFFE000  }
0xf7: {  	[hbm4b:s13+s2] =	stream.linear.scatter [tilespmem:s0], [sflag:$0xE], $0x2000, $0x38;
	[tilespmem:$0x18000] =	vst v63  }
0xf8: {  	_ =	swait.ge [sflag:s17], $0x2000  }
0xf9: {  	s13 =	sld [smem:$0x7EA]  }
0xfa: {  	[sflag:s17] =	ssyncset.done $0x0  }
0xfb: {  	[sflag:s17] =	ssyncadd.s32 $0xFFFFE000  }
0xfc: {  	[hbm4b:s13+s2] =	stream.linear.scatter [tilespmem:s21], [sflag:$0x11], $0x2000, $0x38;
	[tilespmem:$0x18000] =	vst v63  }
0xfd: {  	_ =	swait.ge [sflag:s19], $0x2000  }
0xfe: {  	s13 =	sld [smem:$0x7EB]  }
0xff: {  	[sflag:s19] =	ssyncset.done $0x0  }
0x100: {  	[sflag:s19] =	ssyncadd.s32 $0xFFFFE000  }
0x101: {  	[hbm4b:s13+s2] =	stream.linear.scatter [tilespmem:s24], [sflag:$0x14], $0x2000, $0x38;
	[tilespmem:$0x18000] =	vst v63  }
0x102: {  	_ =	swait.ge [sflag:s18], $0x2000  }
0x103: {  	s13 =	sld [smem:$0x7EC]  }
0x104: {  	[sflag:s18] =	ssyncset.done $0x0  }
0x105: {  	s9 =	simm.s32 $0xE;
	[sflag:s18] =	ssyncadd.s32 $0xFFFFE000  }
0x106: {  	[hbm4b:s13+s2] =	stream.linear.scatter [tilespmem:s31], [sflag:$0x17], $0x2000, $0x38;
	[tilespmem:$0x18000] =	vst v63  }
0x107: {  	_ =	swait.ge [sflag:s9], $0x2000  }
0x108: {  	s13 =	sld [smem:$0x7ED]  }
0x109: {  	[sflag:s9] =	ssyncset.done $0x0  }
0x10a: {  	s7 =	simm.s32 $0x11;
	[sflag:s9] =	ssyncadd.s32 $0xFFFFE000  }
0x10b: {  	[tilespmem:s0], [sflag:$0x2] =	stream.linear.gather [hbm4b:s13+s2], $0x2000, $0x38;
	[tilespmem:$0x18000] =	vst v63  }
0x10c: {  	_ =	swait.ge [sflag:s7], $0x2000  }
0x10d: {  	s13 =	sld [smem:$0x7EE]  }
0x10e: {  	[sflag:s7] =	ssyncset.done $0x0  }
0x10f: {  	s5 =	simm.s32 $0x14;
	[sflag:s7] =	ssyncadd.s32 $0xFFFFE000  }
0x110: {  	[tilespmem:s21], [sflag:$0x5] =	stream.linear.gather [hbm4b:s13+s2], $0x2000, $0x38;
	[tilespmem:$0x18000] =	vst v63  }
0x111: {  	_ =	swait.ge [sflag:s5], $0x2000  }
0x112: {  	s13 =	sld [smem:$0x7EF]  }
0x113: {  	[sflag:s5] =	ssyncset.done $0x0  }
0x114: {  	s4 =	simm.s32 $0x17;
	[sflag:s5] =	ssyncadd.s32 $0xFFFFE000  }
0x115: {  	[tilespmem:s24], [sflag:$0x8] =	stream.linear.gather [hbm4b:s13+s2], $0x2000, $0x38;
	[tilespmem:$0x18000] =	vst v63  }
0x116: {  	_ =	swait.ge [sflag:s4], $0x2000  }
0x117: {  	s13 =	sld [smem:$0x7F0]  }
0x118: {  	[sflag:s4] =	ssyncset.done $0x0  }
0x119: {  	[sflag:s4] =	ssyncadd.s32 $0xFFFFE000  }
0x11a: {  	[tilespmem:s31], [sflag:$0xB] =	stream.linear.gather [hbm4b:s13+s2], $0x2000, $0x38;
	[tilespmem:$0x18000] =	vst v63  }
0x11b: {  	_ =	swait.ge [sflag:s3], $0x2000  }
0x11c: {  	s12 =	sld [smem:$0x7F1]  }
0x11d: {  	[sflag:s3] =	ssyncset.done $0x0  }
0x11e: {  	s13 =	simm.s32 $0x4000;
	[sflag:s3] =	ssyncadd.s32 $0xFFFFE000  }
0x11f: {  	[hbm4b:s12+s2] =	stream.linear.scatter [tilespmem:s13], [sflag:$0xF], $0x2000, $0x38;
	[tilespmem:$0x18000] =	vst v63  }
0x120: {  	_ =	swait.ge [sflag:s6], $0x2000  }
0x121: {  	s12 =	sld [smem:$0x7F2]  }
0x122: {  	[sflag:s6] =	ssyncset.done $0x0  }
0x123: {  	s13 =	simm.s32 $0xA000;
	[sflag:s6] =	ssyncadd.s32 $0xFFFFE000  }
0x124: {  	[hbm4b:s12+s2] =	stream.linear.scatter [tilespmem:s13], [sflag:$0x12], $0x2000, $0x38;
	[tilespmem:$0x18000] =	vst v63  }
0x125: {  	_ =	swait.ge [sflag:s8], $0x2000  }
0x126: {  	s12 =	sld [smem:$0x7F3]  }
0x127: {  	[sflag:s8] =	ssyncset.done $0x0  }
0x128: {  	s13 =	simm.s32 $0x10000;
	[sflag:s8] =	ssyncadd.s32 $0xFFFFE000  }
0x129: {  	[hbm4b:s12+s2] =	stream.linear.scatter [tilespmem:s13], [sflag:$0x15], $0x2000, $0x38;
	[tilespmem:$0x18000] =	vst v63  }
0x12a: {  	_ =	swait.ge [sflag:s16], $0x2000  }
0x12b: {  	s13 =	sld [smem:$0x7F4]  }
0x12c: {  	[sflag:s16] =	ssyncset.done $0x0  }
0x12d: {  	[sflag:s16] =	ssyncadd.s32 $0xFFFFE000  }
0x12e: {  	[hbm4b:s13+s2] =	stream.linear.scatter [tilespmem:s20], [sflag:$0x18], $0x2000, $0x38;
	[tilespmem:$0x18000] =	vst v63  }
0x12f: {  	_ =	swait.ge [sflag:s14], $0x2000  }
0x130: {  	s13 =	sld [smem:$0x7F5]  }
0x131: {  	[sflag:s14] =	ssyncset.done $0x0  }
0x132: {  	[sflag:s14] =	ssyncadd.s32 $0xFFFFE000  }
0x133: {  	[hbm4b:s13+s2] =	stream.linear.scatter [tilespmem:s2], [sflag:$0xD], $0x2000, $0x38;
	[tilespmem:$0x18000] =	vst v63  }
0x134: {  	_ =	swait.ge [sflag:s23], $0x2000  }
0x135: {  	s14 =	sld [smem:$0x7F6]  }
0x136: {  	[sflag:s23] =	ssyncset.done $0x0  }
0x137: {  	[sflag:s23] =	ssyncadd.s32 $0xFFFFE000  }
0x138: {  	[hbm4b:s14+s2] =	stream.linear.scatter [tilespmem:s15], [sflag:$0x10], $0x2000, $0x38;
	[tilespmem:$0x18000] =	vst v63  }
0x139: {  	_ =	swait.ge [sflag:s30], $0x2000  }
0x13a: {  	s16 =	sld [smem:$0x7F7]  }
0x13b: {  	[sflag:s30] =	ssyncset.done $0x0  }
0x13c: {  	[sflag:s30] =	ssyncadd.s32 $0xFFFFE000  }
0x13d: {  	[hbm4b:s16+s2] =	stream.linear.scatter [tilespmem:s11], [sflag:$0x13], $0x2000, $0x38;
	[tilespmem:$0x18000] =	vst v63  }
0x13e: {  	_ =	swait.ge [sflag:s28], $0x2000  }
0x13f: {  	s20 =	sld [smem:$0x7F8]  }
0x140: {  	[sflag:s28] =	ssyncset.done $0x0  }
0x141: {  	[sflag:s28] =	ssyncadd.s32 $0xFFFFE000  }
0x142: {  	[hbm4b:s20+s2] =	stream.linear.scatter [tilespmem:s1], [sflag:$0x16], $0x2000, $0x38;
	[tilespmem:$0x18000] =	vst v63  }
0x143: {  	_ =	swait.ge [sflag:s29], $0x2000  }
0x144: {  	s23 =	sld [smem:$0x7F9]  }
0x145: {  	[sflag:s29] =	ssyncset.done $0x0  }
0x146: {  	[sflag:s29] =	ssyncadd.s32 $0xFFFFE000  }
0x147: {  	[hbm4b:s23+s2] =	stream.linear.scatter [tilespmem:s0], [sflag:$0xE], $0x2000, $0x38;
	[tilespmem:$0x18000] =	vst v63  }
0x148: {  	_ =	swait.ge [sflag:s17], $0x2000  }
0x149: {  	s28 =	sld [smem:$0x7FA]  }
0x14a: {  	[sflag:s17] =	ssyncset.done $0x0  }
0x14b: {  	[sflag:s17] =	ssyncadd.s32 $0xFFFFE000  }
0x14c: {  	[hbm4b:s28+s2] =	stream.linear.scatter [tilespmem:s21], [sflag:$0x11], $0x2000, $0x38;
	[tilespmem:$0x18000] =	vst v63  }
0x14d: {  	_ =	swait.ge [sflag:s19], $0x2000  }
0x14e: {  	s29 =	sld [smem:$0x7FB]  }
0x14f: {  	[sflag:s19] =	ssyncset.done $0x0  }
0x150: {  	[sflag:s19] =	ssyncadd.s32 $0xFFFFE000  }
0x151: {  	[hbm4b:s29+s2] =	stream.linear.scatter [tilespmem:s24], [sflag:$0x14], $0x2000, $0x38;
	[tilespmem:$0x18000] =	vst v63  }
0x152: {  	_ =	swait.ge [sflag:s18], $0x2000  }
0x153: {  	s30 =	sld [smem:$0x7FD]  }
0x154: {  	[sflag:s18] =	ssyncset.done $0x0  }
0x155: {  	[sflag:s18] =	ssyncadd.s32 $0xFFFFE000  }
0x156: {  	[hbm4b:s30+s2] =	stream.linear.scatter [tilespmem:s31], [sflag:$0x17], $0x2000, $0x38;
	[tilespmem:$0x18000] =	vst v63  }
0x157: {  	_ =	swait.ge [sflag:s10], $0x2000  }
0x158: {  	[sflag:s10] =	ssyncset.done $0x0  }
0x159: {  	[sflag:s10] =	ssyncadd.s32 $0xFFFFE000  }
0x15a: {  	_ =	swait.ge [sflag:s22], $0x2000  }
0x15b: {  	[sflag:s22] =	ssyncset.done $0x0  }
0x15c: {  	[sflag:s22] =	ssyncadd.s32 $0xFFFFE000  }
0x15d: {  	_ =	swait.ge [sflag:s25], $0x2000  }
0x15e: {  	[sflag:s25] =	ssyncset.done $0x0  }
0x15f: {  	[sflag:s25] =	ssyncadd.s32 $0xFFFFE000  }
0x160: {  	_ =	swait.ge [sflag:s26], $0x2000  }
0x161: {  	[sflag:s26] =	ssyncset.done $0x0  }
0x162: {  	s10 =	simm.s32 $0xD;
	[sflag:s26] =	ssyncadd.s32 $0xFFFFE000  }
0x163: {  	_ =	swait.ge [sflag:s10], $0x2000  }
0x164: {  	[sflag:s10] =	ssyncset.done $0x0  }
0x165: {  	s8 =	simm.s32 $0x10;
	[sflag:s10] =	ssyncadd.s32 $0xFFFFE000  }
0x166: {  	_ =	swait.ge [sflag:s8], $0x2000  }
0x167: {  	[sflag:s8] =	ssyncset.done $0x0  }
0x168: {  	s6 =	simm.s32 $0x13;
	[sflag:s8] =	ssyncadd.s32 $0xFFFFE000  }
0x169: {  	_ =	swait.ge [sflag:s6], $0x2000  }
0x16a: {  	[sflag:s6] =	ssyncset.done $0x0  }
0x16b: {  	s4 =	simm.s32 $0x16;
	[sflag:s6] =	ssyncadd.s32 $0xFFFFE000  }
0x16c: {  	_ =	swait.ge [sflag:s4], $0x2000  }
0x16d: {  	[sflag:s4] =	ssyncset.done $0x0  }
0x16e: {  	[sflag:s4] =	ssyncadd.s32 $0xFFFFE000  }
0x16f: {  	_ =	swait.ge [sflag:s9], $0x2000  }
0x170: {  	[sflag:s9] =	ssyncset.done $0x0  }
0x171: {  	[sflag:s9] =	ssyncadd.s32 $0xFFFFE000  }
0x172: {  	_ =	swait.ge [sflag:s7], $0x2000  }
0x173: {  	[sflag:s7] =	ssyncset.done $0x0  }
0x174: {  	[sflag:s7] =	ssyncadd.s32 $0xFFFFE000  }
0x175: {  	_ =	swait.ge [sflag:s5], $0x2000  }
0x176: {  	s31 =	sld [smem:$0x7DA];
	_ =	sdelay $0x2  }
0x177: {  	p1 =	sne.s32 s31, $0x1  }
.Ltmp1:
0x178: {  	_ = 	snop;
	(pc) =	sbr.rel @!p1 .LBB2_7-.Ltmp1, $4  }
0x179: {  	[sflag:s5] =	ssyncset.done $0x0  }
0x17a: {  	s3 =	simm.s32 $0x17;
	[sflag:s5] =	ssyncadd.s32 $0xFFFFE000  }
0x17b: {  	p0 =	por $0x1, $0x1;
	_ =	swait.ge [sflag:s3], $0x2000  }
0x17c: {  	s12 =	sadd.s32 $0xFFFFFFFF, s31;
	s13 =	rddreg [dreg:$0x3];
	[sflag:s3] =	ssyncset.done $0x0  }
0x17d: {  	s15 =	simm.s32 $0x6000;
	s11 =	simm.s32 $0xC000  }
0x17e: {  	s1 =	simm.s32 $0x12000;
	s0 =	simm.s32 $0x2000;
	s21 =	simm.s32 $0x8000  }
0x17f: {  	s24 =	simm.s32 $0xE000;
	s31 =	simm.s32 $0x14000;
	s23 =	simm.s32 $0x4  }
0x180: {  	s30 =	simm.s32 $0x7;
	s28 =	simm.s32 $0xA;
	s29 =	simm.s32 $0x2  }
.LBB2_4:
0x181: {  	[sflag:s3] =	ssyncadd.s32 $0xFFFFE000  }
0x182: {  	[tilespmem:s2], [sflag:$0x1] =	stream.linear.gather [hbm4b:s13+s2], $0x2000, $0x38;
	[tilespmem:$0x18000] =	vst v63  }
0x183: {  	s14 =	rddreg [dreg:$0x4]  }
0x184: {  	[tilespmem:s15], [sflag:$0x4] =	stream.linear.gather [hbm4b:s14+s2], $0x2000, $0x38;
	[tilespmem:$0x18000] =	vst v63  }
0x185: {  	s26 =	rddreg [dreg:$0x5]  }
0x186: {  	[tilespmem:s11], [sflag:$0x7] =	stream.linear.gather [hbm4b:s26+s2], $0x2000, $0x38;
	[tilespmem:$0x18000] =	vst v63  }
0x187: {  	s22 =	rddreg [dreg:$0x6]  }
0x188: {  	[tilespmem:s1], [sflag:$0xA] =	stream.linear.gather [hbm4b:s22+s2], $0x2000, $0x38;
	[tilespmem:$0x18000] =	vst v63  }
0x189: {  	s25 =	rddreg [dreg:$0x7]  }
0x18a: {  	[tilespmem:s0], [sflag:$0x2] =	stream.linear.gather [hbm4b:s25+s2], $0x2000, $0x38;
	[tilespmem:$0x18000] =	vst v63  }
0x18b: {  	s26 =	rddreg [dreg:$0x8]  }
0x18c: {  	[tilespmem:s21], [sflag:$0x5] =	stream.linear.gather [hbm4b:s26+s2], $0x2000, $0x38;
	[tilespmem:$0x18000] =	vst v63  }
0x18d: {  	s22 =	rddreg [dreg:$0x9]  }
0x18e: {  	[tilespmem:s24], [sflag:$0x8] =	stream.linear.gather [hbm4b:s22+s2], $0x2000, $0x38;
	[tilespmem:$0x18000] =	vst v63  }
0x18f: {  	s25 =	rddreg [dreg:$0xa]  }
0x190: {  	[tilespmem:s31], [sflag:$0xB] =	stream.linear.gather [hbm4b:s25+s2], $0x2000, $0x38;
	[tilespmem:$0x18000] =	vst v63  }
0x191: {  	s16 =	simm.s32 $0x4000;
	s26 =	rddreg [dreg:$0xb]  }
0x192: {  	[tilespmem:s16], [sflag:$0x3] =	stream.linear.gather [hbm4b:s26+s2], $0x2000, $0x38;
	[tilespmem:$0x18000] =	vst v63  }
0x193: {  	s20 =	simm.s32 $0xA000;
	s22 =	rddreg [dreg:$0xc]  }
0x194: {  	[tilespmem:s20], [sflag:$0x6] =	stream.linear.gather [hbm4b:s22+s2], $0x2000, $0x38;
	[tilespmem:$0x18000] =	vst v63  }
0x195: {  	s19 =	simm.s32 $0x10000;
	s25 =	rddreg [dreg:$0xd]  }
0x196: {  	[tilespmem:s19], [sflag:$0x9] =	stream.linear.gather [hbm4b:s25+s2], $0x2000, $0x38;
	[tilespmem:$0x18000] =	vst v63  }
0x197: {  	s17 =	simm.s32 $0x16000;
	s14 =	simm.s32 $0x1;
	s26 =	rddreg [dreg:$0xe]  }
0x198: {  	[tilespmem:s17], [sflag:$0xC] =	stream.linear.gather [hbm4b:s26+s2], $0x2000, $0x38;
	[tilespmem:$0x18000] =	vst v63  }
0x199: {  	_ =	swait.ge [sflag:s14], $0x2000  }
0x19a: {  	s17 =	sld [smem:$0x7FC]  }
0x19b: {  	[sflag:s14] =	ssyncset.done $0x0  }
0x19c: {  	[sflag:s14] =	ssyncadd.s32 $0xFFFFE000  }
0x19d: {  	[hbm4b:s17+s2] =	stream.linear.scatter [tilespmem:s2], [sflag:$0xD], $0x2000, $0x38;
	[tilespmem:$0x18000] =	vst v63  }
0x19e: {  	_ =	swait.ge [sflag:s23], $0x2000  }
0x19f: {  	[sflag:s23] =	ssyncset.done $0x0  }
0x1a0: {  	s19 =	rddreg [dreg:$0xf];
	[sflag:s23] =	ssyncadd.s32 $0xFFFFE000  }
0x1a1: {  	[hbm4b:s19+s2] =	stream.linear.scatter [tilespmem:s15], [sflag:$0x10], $0x2000, $0x38;
	[tilespmem:$0x18000] =	vst v63  }
0x1a2: {  	_ =	swait.ge [sflag:s30], $0x2000  }
0x1a3: {  	[sflag:s30] =	ssyncset.done $0x0  }
0x1a4: {  	s20 =	rddreg [dreg:$0x10];
	[sflag:s30] =	ssyncadd.s32 $0xFFFFE000  }
0x1a5: {  	[hbm4b:s20+s2] =	stream.linear.scatter [tilespmem:s11], [sflag:$0x13], $0x2000, $0x38;
	[tilespmem:$0x18000] =	vst v63  }
0x1a6: {  	_ =	swait.ge [sflag:s28], $0x2000  }
0x1a7: {  	[sflag:s28] =	ssyncset.done $0x0  }
0x1a8: {  	s22 =	rddreg [dreg:$0x11];
	[sflag:s28] =	ssyncadd.s32 $0xFFFFE000  }
0x1a9: {  	[hbm4b:s22+s2] =	stream.linear.scatter [tilespmem:s1], [sflag:$0x16], $0x2000, $0x38;
	[tilespmem:$0x18000] =	vst v63  }
0x1aa: {  	_ =	swait.ge [sflag:s10], $0x2000  }
0x1ab: {  	[sflag:s10] =	ssyncset.done $0x0  }
0x1ac: {  	s25 =	rddreg [dreg:$0x12];
	[sflag:s10] =	ssyncadd.s32 $0xFFFFE000  }
0x1ad: {  	[tilespmem:s2], [sflag:$0x1] =	stream.linear.gather [hbm4b:s25+s2], $0x2000, $0x38;
	[tilespmem:$0x18000] =	vst v63  }
0x1ae: {  	_ =	swait.ge [sflag:s8], $0x2000  }
0x1af: {  	[sflag:s8] =	ssyncset.done $0x0  }
0x1b0: {  	s26 =	rddreg [dreg:$0x13];
	[sflag:s8] =	ssyncadd.s32 $0xFFFFE000  }
0x1b1: {  	[tilespmem:s15], [sflag:$0x4] =	stream.linear.gather [hbm4b:s26+s2], $0x2000, $0x38;
	[tilespmem:$0x18000] =	vst v63  }
0x1b2: {  	_ =	swait.ge [sflag:s6], $0x2000  }
0x1b3: {  	[sflag:s6] =	ssyncset.done $0x0  }
0x1b4: {  	s10 =	rddreg [dreg:$0x14];
	[sflag:s6] =	ssyncadd.s32 $0xFFFFE000  }
0x1b5: {  	[tilespmem:s11], [sflag:$0x7] =	stream.linear.gather [hbm4b:s10+s2], $0x2000, $0x38;
	[tilespmem:$0x18000] =	vst v63  }
0x1b6: {  	_ =	swait.ge [sflag:s4], $0x2000  }
0x1b7: {  	[sflag:s4] =	ssyncset.done $0x0  }
0x1b8: {  	s17 =	rddreg [dreg:$0x15];
	[sflag:s4] =	ssyncadd.s32 $0xFFFFE000  }
0x1b9: {  	[tilespmem:s1], [sflag:$0xA] =	stream.linear.gather [hbm4b:s17+s2], $0x2000, $0x38;
	[tilespmem:$0x18000] =	vst v63  }
0x1ba: {  	_ =	swait.ge [sflag:s29], $0x2000  }
0x1bb: {  	[sflag:s29] =	ssyncset.done $0x0  }
0x1bc: {  	s17 =	simm.s32 $0x5;
	s19 =	rddreg [dreg:$0x16];
	[sflag:s29] =	ssyncadd.s32 $0xFFFFE000  }
0x1bd: {  	[hbm4b:s19+s2] =	stream.linear.scatter [tilespmem:s0], [sflag:$0xE], $0x2000, $0x38;
	[tilespmem:$0x18000] =	vst v63  }
0x1be: {  	_ =	swait.ge [sflag:s17], $0x2000  }
0x1bf: {  	[sflag:s17] =	ssyncset.done $0x0  }
0x1c0: {  	s19 =	simm.s32 $0x8;
	s20 =	rddreg [dreg:$0x17];
	[sflag:s17] =	ssyncadd.s32 $0xFFFFE000  }
0x1c1: {  	[hbm4b:s20+s2] =	stream.linear.scatter [tilespmem:s21], [sflag:$0x11], $0x2000, $0x38;
	[tilespmem:$0x18000] =	vst v63  }
0x1c2: {  	_ =	swait.ge [sflag:s19], $0x2000  }
0x1c3: {  	[sflag:s19] =	ssyncset.done $0x0  }
0x1c4: {  	s22 =	rddreg [dreg:$0x18];
	[sflag:s19] =	ssyncadd.s32 $0xFFFFE000  }
0x1c5: {  	[hbm4b:s22+s2] =	stream.linear.scatter [tilespmem:s24], [sflag:$0x14], $0x2000, $0x38;
	[tilespmem:$0x18000] =	vst v63  }
0x1c6: {  	_ =	swait.ge [sflag:s18], $0x2000  }
0x1c7: {  	[sflag:s18] =	ssyncset.done $0x0  }
0x1c8: {  	s25 =	rddreg [dreg:$0x19];
	[sflag:s18] =	ssyncadd.s32 $0xFFFFE000  }
0x1c9: {  	[hbm4b:s25+s2] =	stream.linear.scatter [tilespmem:s31], [sflag:$0x17], $0x2000, $0x38;
	[tilespmem:$0x18000] =	vst v63  }
0x1ca: {  	_ =	swait.ge [sflag:s9], $0x2000  }
0x1cb: {  	[sflag:s9] =	ssyncset.done $0x0  }
0x1cc: {  	s26 =	rddreg [dreg:$0x1a];
	[sflag:s9] =	ssyncadd.s32 $0xFFFFE000  }
0x1cd: {  	[tilespmem:s0], [sflag:$0x2] =	stream.linear.gather [hbm4b:s26+s2], $0x2000, $0x38;
	[tilespmem:$0x18000] =	vst v63  }
0x1ce: {  	_ =	swait.ge [sflag:s7], $0x2000  }
0x1cf: {  	[sflag:s7] =	ssyncset.done $0x0  }
0x1d0: {  	s4 =	rddreg [dreg:$0x1b];
	[sflag:s7] =	ssyncadd.s32 $0xFFFFE000  }
0x1d1: {  	[tilespmem:s21], [sflag:$0x5] =	stream.linear.gather [hbm4b:s4+s2], $0x2000, $0x38;
	[tilespmem:$0x18000] =	vst v63  }
0x1d2: {  	_ =	swait.ge [sflag:s5], $0x2000  }
0x1d3: {  	[sflag:s5] =	ssyncset.done $0x0  }
0x1d4: {  	s6 =	rddreg [dreg:$0x1c];
	[sflag:s5] =	ssyncadd.s32 $0xFFFFE000  }
0x1d5: {  	[tilespmem:s24], [sflag:$0x8] =	stream.linear.gather [hbm4b:s6+s2], $0x2000, $0x38;
	[tilespmem:$0x18000] =	vst v63  }
0x1d6: {  	_ =	swait.ge [sflag:s3], $0x2000  }
0x1d7: {  	[sflag:s3] =	ssyncset.done $0x0  }
0x1d8: {  	s7 =	rddreg [dreg:$0x1d];
	[sflag:s3] =	ssyncadd.s32 $0xFFFFE000;
	s3 =	simm.s32 $0x3  }
0x1d9: {  	[tilespmem:s31], [sflag:$0xB] =	stream.linear.gather [hbm4b:s7+s2], $0x2000, $0x38;
	[tilespmem:$0x18000] =	vst v63  }
0x1da: {  	_ =	swait.ge [sflag:s3], $0x2000  }
0x1db: {  	s22 =	simm.s32 $0x4000;
	[sflag:s3] =	ssyncset.done $0x0  }
0x1dc: {  	s6 =	simm.s32 $0x6;
	s8 =	rddreg [dreg:$0x1e];
	[sflag:s3] =	ssyncadd.s32 $0xFFFFE000  }
0x1dd: {  	[hbm4b:s8+s2] =	stream.linear.scatter [tilespmem:s22], [sflag:$0xF], $0x2000, $0x38;
	[tilespmem:$0x18000] =	vst v63  }
0x1de: {  	_ =	swait.ge [sflag:s6], $0x2000  }
0x1df: {  	s25 =	simm.s32 $0xA000;
	[sflag:s6] =	ssyncset.done $0x0  }
0x1e0: {  	s8 =	simm.s32 $0x9;
	s9 =	rddreg [dreg:$0x1f];
	[sflag:s6] =	ssyncadd.s32 $0xFFFFE000  }
0x1e1: {  	[hbm4b:s9+s2] =	stream.linear.scatter [tilespmem:s25], [sflag:$0x12], $0x2000, $0x38;
	[tilespmem:$0x18000] =	vst v63  }
0x1e2: {  	_ =	swait.ge [sflag:s8], $0x2000  }
0x1e3: {  	s10 =	sld [smem:$0x7DB]  }
0x1e4: {  	[sflag:s8] =	ssyncset.done $0x0  }
0x1e5: {  	s16 =	simm.s32 $0xC;
	s26 =	simm.s32 $0x10000;
	[sflag:s8] =	ssyncadd.s32 $0xFFFFE000  }
0x1e6: {  	[hbm4b:s10+s2] =	stream.linear.scatter [tilespmem:s26], [sflag:$0x15], $0x2000, $0x38;
	[tilespmem:$0x18000] =	vst v63  }
0x1e7: {  	_ =	swait.ge [sflag:s16], $0x2000  }
0x1e8: {  	s18 =	sld [smem:$0x7DC]  }
0x1e9: {  	[sflag:s16] =	ssyncset.done $0x0  }
0x1ea: {  	s20 =	simm.s32 $0x16000;
	s10 =	simm.s32 $0xF;
	[sflag:s16] =	ssyncadd.s32 $0xFFFFE000  }
0x1eb: {  	[hbm4b:s18+s2] =	stream.linear.scatter [tilespmem:s20], [sflag:$0x18], $0x2000, $0x38;
	[tilespmem:$0x18000] =	vst v63  }
0x1ec: {  	_ =	swait.ge [sflag:s10], $0x2000  }
0x1ed: {  	s13 =	sld [smem:$0x7DD]  }
0x1ee: {  	[sflag:s10] =	ssyncset.done $0x0  }
0x1ef: {  	[sflag:s10] =	ssyncadd.s32 $0xFFFFE000  }
0x1f0: {  	[tilespmem:s22], [sflag:$0x3] =	stream.linear.gather [hbm4b:s13+s2], $0x2000, $0x38;
	[tilespmem:$0x18000] =	vst v63  }
0x1f1: {  	s22 =	simm.s32 $0x12  }
0x1f2: {  	_ =	swait.ge [sflag:s22], $0x2000  }
0x1f3: {  	s13 =	sld [smem:$0x7DE]  }
0x1f4: {  	[sflag:s22] =	ssyncset.done $0x0  }
0x1f5: {  	[sflag:s22] =	ssyncadd.s32 $0xFFFFE000  }
0x1f6: {  	[tilespmem:s25], [sflag:$0x6] =	stream.linear.gather [hbm4b:s13+s2], $0x2000, $0x38;
	[tilespmem:$0x18000] =	vst v63  }
0x1f7: {  	s25 =	simm.s32 $0x15  }
0x1f8: {  	_ =	swait.ge [sflag:s25], $0x2000  }
0x1f9: {  	s13 =	sld [smem:$0x7DF]  }
0x1fa: {  	[sflag:s25] =	ssyncset.done $0x0  }
0x1fb: {  	[sflag:s25] =	ssyncadd.s32 $0xFFFFE000  }
0x1fc: {  	[tilespmem:s26], [sflag:$0x9] =	stream.linear.gather [hbm4b:s13+s2], $0x2000, $0x38;
	[tilespmem:$0x18000] =	vst v63  }
0x1fd: {  	s26 =	simm.s32 $0x18  }
0x1fe: {  	_ =	swait.ge [sflag:s26], $0x2000  }
0x1ff: {  	s13 =	sld [smem:$0x7E0]  }
0x200: {  	[sflag:s26] =	ssyncset.done $0x0  }
0x201: {  	[sflag:s26] =	ssyncadd.s32 $0xFFFFE000  }
0x202: {  	[tilespmem:s20], [sflag:$0xC] =	stream.linear.gather [hbm4b:s13+s2], $0x2000, $0x38;
	[tilespmem:$0x18000] =	vst v63  }
0x203: {  	_ =	swait.ge [sflag:s14], $0x2000  }
0x204: {  	s20 =	sld [smem:$0x7E1]  }
0x205: {  	[sflag:s14] =	ssyncset.done $0x0  }
0x206: {  	[sflag:s14] =	ssyncadd.s32 $0xFFFFE000  }
0x207: {  	[hbm4b:s20+s2] =	stream.linear.scatter [tilespmem:s2], [sflag:$0xD], $0x2000, $0x38;
	[tilespmem:$0x18000] =	vst v63  }
0x208: {  	_ =	swait.ge [sflag:s23], $0x2000  }
0x209: {  	s20 =	sld [smem:$0x7E2]  }
0x20a: {  	[sflag:s23] =	ssyncset.done $0x0  }
0x20b: {  	[sflag:s23] =	ssyncadd.s32 $0xFFFFE000  }
0x20c: {  	[hbm4b:s20+s2] =	stream.linear.scatter [tilespmem:s15], [sflag:$0x10], $0x2000, $0x38;
	[tilespmem:$0x18000] =	vst v63  }
0x20d: {  	_ =	swait.ge [sflag:s30], $0x2000  }
0x20e: {  	s20 =	sld [smem:$0x7E3]  }
0x20f: {  	[sflag:s30] =	ssyncset.done $0x0  }
0x210: {  	[sflag:s30] =	ssyncadd.s32 $0xFFFFE000  }
0x211: {  	[hbm4b:s20+s2] =	stream.linear.scatter [tilespmem:s11], [sflag:$0x13], $0x2000, $0x38;
	[tilespmem:$0x18000] =	vst v63  }
0x212: {  	_ =	swait.ge [sflag:s28], $0x2000  }
0x213: {  	s20 =	sld [smem:$0x7E4]  }
0x214: {  	[sflag:s28] =	ssyncset.done $0x0  }
0x215: {  	s18 =	simm.s32 $0xD;
	[sflag:s28] =	ssyncadd.s32 $0xFFFFE000  }
0x216: {  	[hbm4b:s20+s2] =	stream.linear.scatter [tilespmem:s1], [sflag:$0x16], $0x2000, $0x38;
	[tilespmem:$0x18000] =	vst v63  }
0x217: {  	_ =	swait.ge [sflag:s18], $0x2000  }
0x218: {  	s20 =	sld [smem:$0x7E5]  }
0x219: {  	[sflag:s18] =	ssyncset.done $0x0  }
0x21a: {  	s9 =	simm.s32 $0x10;
	[sflag:s18] =	ssyncadd.s32 $0xFFFFE000  }
0x21b: {  	[tilespmem:s2], [sflag:$0x1] =	stream.linear.gather [hbm4b:s20+s2], $0x2000, $0x38;
	[tilespmem:$0x18000] =	vst v63  }
0x21c: {  	_ =	swait.ge [sflag:s9], $0x2000  }
0x21d: {  	s20 =	sld [smem:$0x7E6]  }
0x21e: {  	[sflag:s9] =	ssyncset.done $0x0  }
0x21f: {  	s7 =	simm.s32 $0x13;
	[sflag:s9] =	ssyncadd.s32 $0xFFFFE000  }
0x220: {  	[tilespmem:s15], [sflag:$0x4] =	stream.linear.gather [hbm4b:s20+s2], $0x2000, $0x38;
	[tilespmem:$0x18000] =	vst v63  }
0x221: {  	_ =	swait.ge [sflag:s7], $0x2000  }
0x222: {  	s20 =	sld [smem:$0x7E7]  }
0x223: {  	[sflag:s7] =	ssyncset.done $0x0  }
0x224: {  	s5 =	simm.s32 $0x16;
	[sflag:s7] =	ssyncadd.s32 $0xFFFFE000  }
0x225: {  	[tilespmem:s11], [sflag:$0x7] =	stream.linear.gather [hbm4b:s20+s2], $0x2000, $0x38;
	[tilespmem:$0x18000] =	vst v63  }
0x226: {  	_ =	swait.ge [sflag:s5], $0x2000  }
0x227: {  	s20 =	sld [smem:$0x7E8]  }
0x228: {  	[sflag:s5] =	ssyncset.done $0x0  }
0x229: {  	[sflag:s5] =	ssyncadd.s32 $0xFFFFE000  }
0x22a: {  	[tilespmem:s1], [sflag:$0xA] =	stream.linear.gather [hbm4b:s20+s2], $0x2000, $0x38;
	[tilespmem:$0x18000] =	vst v63  }
0x22b: {  	_ =	swait.ge [sflag:s29], $0x2000  }
0x22c: {  	s20 =	sld [smem:$0x7E9]  }
0x22d: {  	[sflag:s29] =	ssyncset.done $0x0  }
0x22e: {  	[sflag:s29] =	ssyncadd.s32 $0xFFFFE000  }
0x22f: {  	[hbm4b:s20+s2] =	stream.linear.scatter [tilespmem:s0], [sflag:$0xE], $0x2000, $0x38;
	[tilespmem:$0x18000] =	vst v63  }
0x230: {  	_ =	swait.ge [sflag:s17], $0x2000  }
0x231: {  	s20 =	sld [smem:$0x7EA]  }
0x232: {  	[sflag:s17] =	ssyncset.done $0x0  }
0x233: {  	[sflag:s17] =	ssyncadd.s32 $0xFFFFE000  }
0x234: {  	[hbm4b:s20+s2] =	stream.linear.scatter [tilespmem:s21], [sflag:$0x11], $0x2000, $0x38;
	[tilespmem:$0x18000] =	vst v63  }
0x235: {  	_ =	swait.ge [sflag:s19], $0x2000  }
0x236: {  	s20 =	sld [smem:$0x7EB]  }
0x237: {  	[sflag:s19] =	ssyncset.done $0x0  }
0x238: {  	s18 =	simm.s32 $0xB;
	[sflag:s19] =	ssyncadd.s32 $0xFFFFE000  }
0x239: {  	[hbm4b:s20+s2] =	stream.linear.scatter [tilespmem:s24], [sflag:$0x14], $0x2000, $0x38;
	[tilespmem:$0x18000] =	vst v63  }
0x23a: {  	_ =	swait.ge [sflag:s18], $0x2000  }
0x23b: {  	s20 =	sld [smem:$0x7EC]  }
0x23c: {  	[sflag:s18] =	ssyncset.done $0x0  }
0x23d: {  	s9 =	simm.s32 $0xE;
	[sflag:s18] =	ssyncadd.s32 $0xFFFFE000  }
0x23e: {  	[hbm4b:s20+s2] =	stream.linear.scatter [tilespmem:s31], [sflag:$0x17], $0x2000, $0x38;
	[tilespmem:$0x18000] =	vst v63  }
0x23f: {  	_ =	swait.ge [sflag:s9], $0x2000  }
0x240: {  	s20 =	sld [smem:$0x7ED]  }
0x241: {  	[sflag:s9] =	ssyncset.done $0x0  }
0x242: {  	s7 =	simm.s32 $0x11;
	[sflag:s9] =	ssyncadd.s32 $0xFFFFE000  }
0x243: {  	[tilespmem:s0], [sflag:$0x2] =	stream.linear.gather [hbm4b:s20+s2], $0x2000, $0x38;
	[tilespmem:$0x18000] =	vst v63  }
0x244: {  	_ =	swait.ge [sflag:s7], $0x2000  }
0x245: {  	s20 =	sld [smem:$0x7EE]  }
0x246: {  	[sflag:s7] =	ssyncset.done $0x0  }
0x247: {  	s5 =	simm.s32 $0x14;
	[sflag:s7] =	ssyncadd.s32 $0xFFFFE000  }
0x248: {  	[tilespmem:s21], [sflag:$0x5] =	stream.linear.gather [hbm4b:s20+s2], $0x2000, $0x38;
	[tilespmem:$0x18000] =	vst v63  }
0x249: {  	_ =	swait.ge [sflag:s5], $0x2000  }
0x24a: {  	s20 =	sld [smem:$0x7EF]  }
0x24b: {  	[sflag:s5] =	ssyncset.done $0x0  }
0x24c: {  	s4 =	simm.s32 $0x17;
	[sflag:s5] =	ssyncadd.s32 $0xFFFFE000  }
0x24d: {  	[tilespmem:s24], [sflag:$0x8] =	stream.linear.gather [hbm4b:s20+s2], $0x2000, $0x38;
	[tilespmem:$0x18000] =	vst v63  }
0x24e: {  	_ =	swait.ge [sflag:s4], $0x2000  }
0x24f: {  	s20 =	sld [smem:$0x7F0]  }
0x250: {  	[sflag:s4] =	ssyncset.done $0x0  }
0x251: {  	[sflag:s4] =	ssyncadd.s32 $0xFFFFE000  }
0x252: {  	[tilespmem:s31], [sflag:$0xB] =	stream.linear.gather [hbm4b:s20+s2], $0x2000, $0x38;
	[tilespmem:$0x18000] =	vst v63  }
0x253: {  	_ =	swait.ge [sflag:s3], $0x2000  }
0x254: {  	s13 =	sld [smem:$0x7F1]  }
0x255: {  	[sflag:s3] =	ssyncset.done $0x0  }
0x256: {  	s20 =	simm.s32 $0x4000;
	[sflag:s3] =	ssyncadd.s32 $0xFFFFE000  }
0x257: {  	[hbm4b:s13+s2] =	stream.linear.scatter [tilespmem:s20], [sflag:$0xF], $0x2000, $0x38;
	[tilespmem:$0x18000] =	vst v63  }
0x258: {  	_ =	swait.ge [sflag:s6], $0x2000  }
0x259: {  	s13 =	sld [smem:$0x7F2]  }
0x25a: {  	[sflag:s6] =	ssyncset.done $0x0  }
0x25b: {  	s20 =	simm.s32 $0xA000;
	[sflag:s6] =	ssyncadd.s32 $0xFFFFE000  }
0x25c: {  	[hbm4b:s13+s2] =	stream.linear.scatter [tilespmem:s20], [sflag:$0x12], $0x2000, $0x38;
	[tilespmem:$0x18000] =	vst v63  }
0x25d: {  	_ =	swait.ge [sflag:s8], $0x2000  }
0x25e: {  	s13 =	sld [smem:$0x7F3]  }
0x25f: {  	[sflag:s8] =	ssyncset.done $0x0  }
0x260: {  	s20 =	simm.s32 $0x10000;
	[sflag:s8] =	ssyncadd.s32 $0xFFFFE000  }
0x261: {  	[hbm4b:s13+s2] =	stream.linear.scatter [tilespmem:s20], [sflag:$0x15], $0x2000, $0x38;
	[tilespmem:$0x18000] =	vst v63  }
0x262: {  	_ =	swait.ge [sflag:s16], $0x2000  }
0x263: {  	s13 =	sld [smem:$0x7F4]  }
0x264: {  	[sflag:s16] =	ssyncset.done $0x0  }
0x265: {  	s20 =	simm.s32 $0x16000;
	[sflag:s16] =	ssyncadd.s32 $0xFFFFE000  }
0x266: {  	[hbm4b:s13+s2] =	stream.linear.scatter [tilespmem:s20], [sflag:$0x18], $0x2000, $0x38;
	[tilespmem:$0x18000] =	vst v63  }
0x267: {  	_ =	swait.ge [sflag:s14], $0x2000  }
0x268: {  	s20 =	sld [smem:$0x7F5]  }
0x269: {  	[sflag:s14] =	ssyncset.done $0x0  }
0x26a: {  	[sflag:s14] =	ssyncadd.s32 $0xFFFFE000  }
0x26b: {  	[hbm4b:s20+s2] =	stream.linear.scatter [tilespmem:s2], [sflag:$0xD], $0x2000, $0x38;
	[tilespmem:$0x18000] =	vst v63  }
0x26c: {  	_ =	swait.ge [sflag:s23], $0x2000  }
0x26d: {  	s14 =	sld [smem:$0x7F6]  }
0x26e: {  	[sflag:s23] =	ssyncset.done $0x0  }
0x26f: {  	[sflag:s23] =	ssyncadd.s32 $0xFFFFE000  }
0x270: {  	[hbm4b:s14+s2] =	stream.linear.scatter [tilespmem:s15], [sflag:$0x10], $0x2000, $0x38;
	[tilespmem:$0x18000] =	vst v63  }
0x271: {  	_ =	swait.ge [sflag:s30], $0x2000  }
0x272: {  	s16 =	sld [smem:$0x7F7]  }
0x273: {  	[sflag:s30] =	ssyncset.done $0x0  }
0x274: {  	[sflag:s30] =	ssyncadd.s32 $0xFFFFE000  }
0x275: {  	[hbm4b:s16+s2] =	stream.linear.scatter [tilespmem:s11], [sflag:$0x13], $0x2000, $0x38;
	[tilespmem:$0x18000] =	vst v63  }
0x276: {  	_ =	swait.ge [sflag:s28], $0x2000  }
0x277: {  	s20 =	sld [smem:$0x7F8]  }
0x278: {  	[sflag:s28] =	ssyncset.done $0x0  }
0x279: {  	[sflag:s28] =	ssyncadd.s32 $0xFFFFE000  }
0x27a: {  	[hbm4b:s20+s2] =	stream.linear.scatter [tilespmem:s1], [sflag:$0x16], $0x2000, $0x38;
	[tilespmem:$0x18000] =	vst v63  }
0x27b: {  	_ =	swait.ge [sflag:s29], $0x2000  }
0x27c: {  	s14 =	sld [smem:$0x7F9]  }
0x27d: {  	[sflag:s29] =	ssyncset.done $0x0  }
0x27e: {  	[sflag:s29] =	ssyncadd.s32 $0xFFFFE000  }
0x27f: {  	[hbm4b:s14+s2] =	stream.linear.scatter [tilespmem:s0], [sflag:$0xE], $0x2000, $0x38;
	[tilespmem:$0x18000] =	vst v63  }
0x280: {  	_ =	swait.ge [sflag:s17], $0x2000  }
0x281: {  	s16 =	sld [smem:$0x7FA]  }
0x282: {  	[sflag:s17] =	ssyncset.done $0x0  }
0x283: {  	[sflag:s17] =	ssyncadd.s32 $0xFFFFE000  }
0x284: {  	[hbm4b:s16+s2] =	stream.linear.scatter [tilespmem:s21], [sflag:$0x11], $0x2000, $0x38;
	[tilespmem:$0x18000] =	vst v63  }
0x285: {  	_ =	swait.ge [sflag:s19], $0x2000  }
0x286: {  	s17 =	sld [smem:$0x7FB]  }
0x287: {  	[sflag:s19] =	ssyncset.done $0x0  }
0x288: {  	[sflag:s19] =	ssyncadd.s32 $0xFFFFE000  }
0x289: {  	[hbm4b:s17+s2] =	stream.linear.scatter [tilespmem:s24], [sflag:$0x14], $0x2000, $0x38;
	[tilespmem:$0x18000] =	vst v63  }
0x28a: {  	_ =	swait.ge [sflag:s18], $0x2000  }
0x28b: {  	s20 =	sld [smem:$0x7FD]  }
0x28c: {  	[sflag:s18] =	ssyncset.done $0x0  }
0x28d: {  	[sflag:s18] =	ssyncadd.s32 $0xFFFFE000  }
0x28e: {  	[hbm4b:s20+s2] =	stream.linear.scatter [tilespmem:s31], [sflag:$0x17], $0x2000, $0x38;
	[tilespmem:$0x18000] =	vst v63  }
0x28f: {  	_ =	swait.ge [sflag:s10], $0x2000  }
0x290: {  	[sflag:s10] =	ssyncset.done $0x0  }
0x291: {  	[sflag:s10] =	ssyncadd.s32 $0xFFFFE000  }
0x292: {  	_ =	swait.ge [sflag:s22], $0x2000  }
0x293: {  	[sflag:s22] =	ssyncset.done $0x0  }
0x294: {  	[sflag:s22] =	ssyncadd.s32 $0xFFFFE000  }
0x295: {  	_ =	swait.ge [sflag:s25], $0x2000  }
0x296: {  	[sflag:s25] =	ssyncset.done $0x0  }
0x297: {  	[sflag:s25] =	ssyncadd.s32 $0xFFFFE000  }
0x298: {  	_ =	swait.ge [sflag:s26], $0x2000  }
0x299: {  	[sflag:s26] =	ssyncset.done $0x0  }
0x29a: {  	s10 =	simm.s32 $0xD;
	[sflag:s26] =	ssyncadd.s32 $0xFFFFE000  }
0x29b: {  	_ =	swait.ge [sflag:s10], $0x2000  }
0x29c: {  	[sflag:s10] =	ssyncset.done $0x0  }
0x29d: {  	s8 =	simm.s32 $0x10;
	[sflag:s10] =	ssyncadd.s32 $0xFFFFE000  }
0x29e: {  	_ =	swait.ge [sflag:s8], $0x2000  }
0x29f: {  	[sflag:s8] =	ssyncset.done $0x0  }
0x2a0: {  	s6 =	simm.s32 $0x13;
	[sflag:s8] =	ssyncadd.s32 $0xFFFFE000  }
0x2a1: {  	_ =	swait.ge [sflag:s6], $0x2000  }
0x2a2: {  	[sflag:s6] =	ssyncset.done $0x0  }
0x2a3: {  	s4 =	simm.s32 $0x16;
	[sflag:s6] =	ssyncadd.s32 $0xFFFFE000  }
0x2a4: {  	_ =	swait.ge [sflag:s4], $0x2000  }
0x2a5: {  	[sflag:s4] =	ssyncset.done $0x0  }
0x2a6: {  	[sflag:s4] =	ssyncadd.s32 $0xFFFFE000  }
0x2a7: {  	_ =	swait.ge [sflag:s9], $0x2000  }
0x2a8: {  	[sflag:s9] =	ssyncset.done $0x0  }
0x2a9: {  	[sflag:s9] =	ssyncadd.s32 $0xFFFFE000  }
0x2aa: {  	_ =	swait.ge [sflag:s7], $0x2000  }
0x2ab: {  	[sflag:s7] =	ssyncset.done $0x0  }
0x2ac: {  	p1 =	sne.s32 s12, $0x1;
	[sflag:s7] =	ssyncadd.s32 $0xFFFFE000  }
.Ltmp2:
0x2ad: {  	_ =	swait.ge [sflag:s5], $0x2000;
	(pc) =	sbr.rel @p1 .LBB2_4-.Ltmp2, $4  }
0x2ae: {  	[sflag:s5] =	ssyncset.done $0x0  }
0x2af: {  	s3 =	simm.s32 $0x17;
	[sflag:s5] =	ssyncadd.s32 $0xFFFFE000  }
0x2b0: {  	_ =	swait.ge [sflag:s3], $0x2000  }
0x2b1: {  	s12 =	sadd.s32 $0xFFFFFFFF, s12;
	s13 =	rddreg [dreg:$0x3];
	[sflag:s3] =	ssyncset.done $0x0  }
0x2b2: {  	s0 =	sld [smem:$0x7FC];
	s1 =	simm.s32 $0x8  }
0x2b3: {  	s23 =	simm.s32 $0x5;
	s25 =	simm.s32 $0xA;
	s26 =	simm.s32 $0x2  }
0x2b4: {  	s28 =	simm.s32 $0x7;
	s29 =	simm.s32 $0x4;
	s30 =	simm.s32 $0x1  }
.LBB2_6:
0x2b5: {  	[sflag:s3] =	ssyncadd.s32 @p0 $0xFFFFE000  }
0x2b6: {  	[tilespmem:s2], [sflag:$0x1] =	stream.linear.gather [hbm4b:s13+s2], $0x2000, $0x38;
	[tilespmem:$0x18000] =	vst v63  }
0x2b7: {  	s12 =	rddreg [dreg:$0x4];
	s31 =	simm.s32 $0x6000  }
0x2b8: {  	[tilespmem:s31], [sflag:$0x4] =	stream.linear.gather [hbm4b:s12+s2], $0x2000, $0x38;
	[tilespmem:$0x18000] =	vst v63  }
0x2b9: {  	s15 =	rddreg [dreg:$0x5];
	s11 =	simm.s32 $0xC000  }
0x2ba: {  	[tilespmem:s11], [sflag:$0x7] =	stream.linear.gather [hbm4b:s15+s2], $0x2000, $0x38;
	[tilespmem:$0x18000] =	vst v63  }
0x2bb: {  	s16 =	rddreg [dreg:$0x6];
	s19 =	simm.s32 $0x12000  }
0x2bc: {  	[tilespmem:s19], [sflag:$0xA] =	stream.linear.gather [hbm4b:s16+s2], $0x2000, $0x38;
	[tilespmem:$0x18000] =	vst v63  }
0x2bd: {  	s17 =	rddreg [dreg:$0x7];
	s21 =	simm.s32 $0x2000  }
0x2be: {  	[tilespmem:s21], [sflag:$0x2] =	stream.linear.gather [hbm4b:s17+s2], $0x2000, $0x38;
	[tilespmem:$0x18000] =	vst v63  }
0x2bf: {  	s20 =	rddreg [dreg:$0x8];
	s24 =	simm.s32 $0x8000  }
0x2c0: {  	[tilespmem:s24], [sflag:$0x5] =	stream.linear.gather [hbm4b:s20+s2], $0x2000, $0x38;
	[tilespmem:$0x18000] =	vst v63  }
0x2c1: {  	s22 =	rddreg [dreg:$0x9];
	s15 =	simm.s32 $0xE000  }
0x2c2: {  	[tilespmem:s15], [sflag:$0x8] =	stream.linear.gather [hbm4b:s22+s2], $0x2000, $0x38;
	[tilespmem:$0x18000] =	vst v63  }
0x2c3: {  	s14 =	rddreg [dreg:$0xa];
	s17 =	simm.s32 $0x14000  }
0x2c4: {  	[tilespmem:s17], [sflag:$0xB] =	stream.linear.gather [hbm4b:s14+s2], $0x2000, $0x38;
	[tilespmem:$0x18000] =	vst v63  }
0x2c5: {  	s16 =	rddreg [dreg:$0xb];
	s14 =	simm.s32 $0x4000  }
0x2c6: {  	[tilespmem:s14], [sflag:$0x3] =	stream.linear.gather [hbm4b:s16+s2], $0x2000, $0x38;
	[tilespmem:$0x18000] =	vst v63  }
0x2c7: {  	s19 =	rddreg [dreg:$0xc];
	s21 =	simm.s32 $0xA000  }
0x2c8: {  	[tilespmem:s21], [sflag:$0x6] =	stream.linear.gather [hbm4b:s19+s2], $0x2000, $0x38;
	[tilespmem:$0x18000] =	vst v63  }
0x2c9: {  	s20 =	rddreg [dreg:$0xd];
	s24 =	simm.s32 $0x10000  }
0x2ca: {  	[tilespmem:s24], [sflag:$0x9] =	stream.linear.gather [hbm4b:s20+s2], $0x2000, $0x38;
	[tilespmem:$0x18000] =	vst v63  }
0x2cb: {  	s22 =	rddreg [dreg:$0xe];
	s20 =	simm.s32 $0x16000  }
0x2cc: {  	[tilespmem:s20], [sflag:$0xC] =	stream.linear.gather [hbm4b:s22+s2], $0x2000, $0x38;
	[tilespmem:$0x18000] =	vst v63  }
0x2cd: {  	_ =	swait.ge [sflag:s30], $0x2000  }
0x2ce: {  	[sflag:s30] =	ssyncset.done $0x0  }
0x2cf: {  	[sflag:s30] =	ssyncadd.s32 $0xFFFFE000  }
0x2d0: {  	[hbm4b:s0+s2] =	stream.linear.scatter [tilespmem:s2], [sflag:$0xD], $0x2000, $0x38;
	[tilespmem:$0x18000] =	vst v63  }
0x2d1: {  	_ =	swait.ge [sflag:s29], $0x2000  }
0x2d2: {  	[sflag:s29] =	ssyncset.done $0x0  }
0x2d3: {  	s14 =	rddreg [dreg:$0xf];
	[sflag:s29] =	ssyncadd.s32 $0xFFFFE000  }
0x2d4: {  	[hbm4b:s14+s2] =	stream.linear.scatter [tilespmem:s31], [sflag:$0x10], $0x2000, $0x38;
	[tilespmem:$0x18000] =	vst v63  }
0x2d5: {  	_ =	swait.ge [sflag:s28], $0x2000  }
0x2d6: {  	[sflag:s28] =	ssyncset.done $0x0  }
0x2d7: {  	s16 =	simm.s32 $0xC000;
	s15 =	rddreg [dreg:$0x10];
	[sflag:s28] =	ssyncadd.s32 $0xFFFFE000  }
0x2d8: {  	[hbm4b:s15+s2] =	stream.linear.scatter [tilespmem:s16], [sflag:$0x13], $0x2000, $0x38;
	[tilespmem:$0x18000] =	vst v63  }
0x2d9: {  	_ =	swait.ge [sflag:s25], $0x2000  }
0x2da: {  	[sflag:s25] =	ssyncset.done $0x0  }
0x2db: {  	s19 =	simm.s32 $0x12000;
	s17 =	rddreg [dreg:$0x11];
	[sflag:s25] =	ssyncadd.s32 $0xFFFFE000  }
0x2dc: {  	[hbm4b:s17+s2] =	stream.linear.scatter [tilespmem:s19], [sflag:$0x16], $0x2000, $0x38;
	[tilespmem:$0x18000] =	vst v63  }
0x2dd: {  	_ =	swait.ge [sflag:s10], $0x2000  }
0x2de: {  	[sflag:s10] =	ssyncset.done $0x0  }
0x2df: {  	s21 =	rddreg [dreg:$0x12];
	[sflag:s10] =	ssyncadd.s32 $0xFFFFE000  }
0x2e0: {  	[tilespmem:s2], [sflag:$0x1] =	stream.linear.gather [hbm4b:s21+s2], $0x2000, $0x38;
	[tilespmem:$0x18000] =	vst v63  }
0x2e1: {  	_ =	swait.ge [sflag:s8], $0x2000  }
0x2e2: {  	[sflag:s8] =	ssyncset.done $0x0  }
0x2e3: {  	s22 =	rddreg [dreg:$0x13];
	[sflag:s8] =	ssyncadd.s32 $0xFFFFE000  }
0x2e4: {  	[tilespmem:s31], [sflag:$0x4] =	stream.linear.gather [hbm4b:s22+s2], $0x2000, $0x38;
	[tilespmem:$0x18000] =	vst v63  }
0x2e5: {  	_ =	swait.ge [sflag:s6], $0x2000  }
0x2e6: {  	[sflag:s6] =	ssyncset.done $0x0  }
0x2e7: {  	s24 =	rddreg [dreg:$0x14];
	[sflag:s6] =	ssyncadd.s32 $0xFFFFE000  }
0x2e8: {  	[tilespmem:s16], [sflag:$0x7] =	stream.linear.gather [hbm4b:s24+s2], $0x2000, $0x38;
	[tilespmem:$0x18000] =	vst v63  }
0x2e9: {  	_ =	swait.ge [sflag:s4], $0x2000  }
0x2ea: {  	[sflag:s4] =	ssyncset.done $0x0  }
0x2eb: {  	s14 =	rddreg [dreg:$0x15];
	[sflag:s4] =	ssyncadd.s32 $0xFFFFE000  }
0x2ec: {  	[tilespmem:s19], [sflag:$0xA] =	stream.linear.gather [hbm4b:s14+s2], $0x2000, $0x38;
	[tilespmem:$0x18000] =	vst v63  }
0x2ed: {  	_ =	swait.ge [sflag:s26], $0x2000  }
0x2ee: {  	[sflag:s26] =	ssyncset.done $0x0  }
0x2ef: {  	s16 =	simm.s32 $0x2000;
	s15 =	rddreg [dreg:$0x16];
	[sflag:s26] =	ssyncadd.s32 $0xFFFFE000  }
0x2f0: {  	[hbm4b:s15+s2] =	stream.linear.scatter [tilespmem:s16], [sflag:$0xE], $0x2000, $0x38;
	[tilespmem:$0x18000] =	vst v63  }
0x2f1: {  	_ =	swait.ge [sflag:s23], $0x2000  }
0x2f2: {  	[sflag:s23] =	ssyncset.done $0x0  }
0x2f3: {  	s19 =	simm.s32 $0x8000;
	s17 =	rddreg [dreg:$0x17];
	[sflag:s23] =	ssyncadd.s32 $0xFFFFE000  }
0x2f4: {  	[hbm4b:s17+s2] =	stream.linear.scatter [tilespmem:s19], [sflag:$0x11], $0x2000, $0x38;
	[tilespmem:$0x18000] =	vst v63  }
0x2f5: {  	_ =	swait.ge [sflag:s1], $0x2000  }
0x2f6: {  	[sflag:s1] =	ssyncset.done $0x0  }
0x2f7: {  	s22 =	simm.s32 $0xE000;
	s21 =	rddreg [dreg:$0x18];
	[sflag:s1] =	ssyncadd.s32 $0xFFFFE000  }
0x2f8: {  	[hbm4b:s21+s2] =	stream.linear.scatter [tilespmem:s22], [sflag:$0x14], $0x2000, $0x38;
	[tilespmem:$0x18000] =	vst v63  }
0x2f9: {  	_ =	swait.ge [sflag:s18], $0x2000  }
0x2fa: {  	[sflag:s18] =	ssyncset.done $0x0  }
0x2fb: {  	s11 =	simm.s32 $0x14000;
	s24 =	rddreg [dreg:$0x19];
	[sflag:s18] =	ssyncadd.s32 $0xFFFFE000  }
0x2fc: {  	[hbm4b:s24+s2] =	stream.linear.scatter [tilespmem:s11], [sflag:$0x17], $0x2000, $0x38;
	[tilespmem:$0x18000] =	vst v63  }
0x2fd: {  	_ =	swait.ge [sflag:s9], $0x2000  }
0x2fe: {  	[sflag:s9] =	ssyncset.done $0x0  }
0x2ff: {  	s1 =	rddreg [dreg:$0x1a];
	[sflag:s9] =	ssyncadd.s32 $0xFFFFE000  }
0x300: {  	[tilespmem:s16], [sflag:$0x2] =	stream.linear.gather [hbm4b:s1+s2], $0x2000, $0x38;
	[tilespmem:$0x18000] =	vst v63  }
0x301: {  	_ =	swait.ge [sflag:s7], $0x2000  }
0x302: {  	[sflag:s7] =	ssyncset.done $0x0  }
0x303: {  	s14 =	rddreg [dreg:$0x1b];
	[sflag:s7] =	ssyncadd.s32 $0xFFFFE000  }
0x304: {  	[tilespmem:s19], [sflag:$0x5] =	stream.linear.gather [hbm4b:s14+s2], $0x2000, $0x38;
	[tilespmem:$0x18000] =	vst v63  }
0x305: {  	_ =	swait.ge [sflag:s5], $0x2000  }
0x306: {  	[sflag:s5] =	ssyncset.done $0x0  }
0x307: {  	s15 =	rddreg [dreg:$0x1c];
	[sflag:s5] =	ssyncadd.s32 $0xFFFFE000  }
0x308: {  	[tilespmem:s22], [sflag:$0x8] =	stream.linear.gather [hbm4b:s15+s2], $0x2000, $0x38;
	[tilespmem:$0x18000] =	vst v63  }
0x309: {  	_ =	swait.ge [sflag:s3], $0x2000  }
0x30a: {  	[sflag:s3] =	ssyncset.done $0x0  }
0x30b: {  	s19 =	simm.s32 $0x3;
	s16 =	rddreg [dreg:$0x1d];
	[sflag:s3] =	ssyncadd.s32 $0xFFFFE000  }
0x30c: {  	[tilespmem:s11], [sflag:$0xB] =	stream.linear.gather [hbm4b:s16+s2], $0x2000, $0x38;
	[tilespmem:$0x18000] =	vst v63  }
0x30d: {  	_ =	swait.ge [sflag:s19], $0x2000  }
0x30e: {  	s13 =	simm.s32 $0x6;
	[sflag:s19] =	ssyncset.done $0x0  }
0x30f: {  	s22 =	simm.s32 $0x4000;
	s17 =	rddreg [dreg:$0x1e];
	[sflag:s19] =	ssyncadd.s32 $0xFFFFE000  }
0x310: {  	[hbm4b:s17+s2] =	stream.linear.scatter [tilespmem:s22], [sflag:$0xF], $0x2000, $0x38;
	[tilespmem:$0x18000] =	vst v63  }
0x311: {  	_ =	swait.ge [sflag:s13], $0x2000  }
0x312: {  	s15 =	simm.s32 $0xA000;
	[sflag:s13] =	ssyncset.done $0x0  }
0x313: {  	s16 =	simm.s32 $0x9;
	s21 =	rddreg [dreg:$0x1f];
	[sflag:s13] =	ssyncadd.s32 $0xFFFFE000  }
0x314: {  	[hbm4b:s21+s2] =	stream.linear.scatter [tilespmem:s15], [sflag:$0x12], $0x2000, $0x38;
	[tilespmem:$0x18000] =	vst v63  }
0x315: {  	_ =	swait.ge [sflag:s16], $0x2000  }
0x316: {  	s24 =	sld [smem:$0x7DB]  }
0x317: {  	[sflag:s16] =	ssyncset.done $0x0  }
0x318: {  	s14 =	simm.s32 $0x10000;
	s17 =	simm.s32 $0xC;
	[sflag:s16] =	ssyncadd.s32 $0xFFFFE000  }
0x319: {  	[hbm4b:s24+s2] =	stream.linear.scatter [tilespmem:s14], [sflag:$0x15], $0x2000, $0x38;
	[tilespmem:$0x18000] =	vst v63  }
0x31a: {  	_ =	swait.ge [sflag:s17], $0x2000  }
0x31b: {  	s0 =	sld [smem:$0x7DC]  }
0x31c: {  	[sflag:s17] =	ssyncset.done $0x0  }
0x31d: {  	s21 =	simm.s32 $0xF;
	[sflag:s17] =	ssyncadd.s32 $0xFFFFE000  }
0x31e: {  	[hbm4b:s0+s2] =	stream.linear.scatter [tilespmem:s20], [sflag:$0x18], $0x2000, $0x38;
	[tilespmem:$0x18000] =	vst v63  }
0x31f: {  	_ =	swait.ge [sflag:s21], $0x2000  }
0x320: {  	s1 =	sld [smem:$0x7DD]  }
0x321: {  	[sflag:s21] =	ssyncset.done $0x0  }
0x322: {  	s24 =	simm.s32 $0x12;
	[sflag:s21] =	ssyncadd.s32 $0xFFFFE000  }
0x323: {  	[tilespmem:s22], [sflag:$0x3] =	stream.linear.gather [hbm4b:s1+s2], $0x2000, $0x38;
	[tilespmem:$0x18000] =	vst v63  }
0x324: {  	_ =	swait.ge [sflag:s24], $0x2000  }
0x325: {  	s11 =	sld [smem:$0x7DE]  }
0x326: {  	[sflag:s24] =	ssyncset.done $0x0  }
0x327: {  	[sflag:s24] =	ssyncadd.s32 $0xFFFFE000  }
0x328: {  	[tilespmem:s15], [sflag:$0x6] =	stream.linear.gather [hbm4b:s11+s2], $0x2000, $0x38;
	[tilespmem:$0x18000] =	vst v63  }
0x329: {  	s15 =	simm.s32 $0x15  }
0x32a: {  	_ =	swait.ge [sflag:s15], $0x2000  }
0x32b: {  	s20 =	sld [smem:$0x7DF]  }
0x32c: {  	[sflag:s15] =	ssyncset.done $0x0  }
0x32d: {  	[sflag:s15] =	ssyncadd.s32 $0xFFFFE000  }
0x32e: {  	[tilespmem:s14], [sflag:$0x9] =	stream.linear.gather [hbm4b:s20+s2], $0x2000, $0x38;
	[tilespmem:$0x18000] =	vst v63  }
0x32f: {  	s14 =	simm.s32 $0x18  }
0x330: {  	_ =	swait.ge [sflag:s14], $0x2000  }
0x331: {  	s1 =	sld [smem:$0x7E0]  }
0x332: {  	[sflag:s14] =	ssyncset.done $0x0  }
0x333: {  	s0 =	simm.s32 $0x16000;
	[sflag:s14] =	ssyncadd.s32 $0xFFFFE000  }
0x334: {  	[tilespmem:s0], [sflag:$0xC] =	stream.linear.gather [hbm4b:s1+s2], $0x2000, $0x38;
	[tilespmem:$0x18000] =	vst v63  }
0x335: {  	_ =	swait.ge [sflag:s30], $0x2000  }
0x336: {  	s11 =	sld [smem:$0x7E1]  }
0x337: {  	[sflag:s30] =	ssyncset.done $0x0  }
0x338: {  	[sflag:s30] =	ssyncadd.s32 $0xFFFFE000  }
0x339: {  	[hbm4b:s11+s2] =	stream.linear.scatter [tilespmem:s2], [sflag:$0xD], $0x2000, $0x38;
	[tilespmem:$0x18000] =	vst v63  }
0x33a: {  	_ =	swait.ge [sflag:s29], $0x2000  }
0x33b: {  	s20 =	sld [smem:$0x7E2]  }
0x33c: {  	[sflag:s29] =	ssyncset.done $0x0  }
0x33d: {  	[sflag:s29] =	ssyncadd.s32 $0xFFFFE000  }
0x33e: {  	[hbm4b:s20+s2] =	stream.linear.scatter [tilespmem:s31], [sflag:$0x10], $0x2000, $0x38;
	[tilespmem:$0x18000] =	vst v63  }
0x33f: {  	_ =	swait.ge [sflag:s28], $0x2000  }
0x340: {  	s0 =	sld [smem:$0x7E3]  }
0x341: {  	[sflag:s28] =	ssyncset.done $0x0  }
0x342: {  	s1 =	simm.s32 $0xC000;
	[sflag:s28] =	ssyncadd.s32 $0xFFFFE000  }
0x343: {  	[hbm4b:s0+s2] =	stream.linear.scatter [tilespmem:s1], [sflag:$0x13], $0x2000, $0x38;
	[tilespmem:$0x18000] =	vst v63  }
0x344: {  	_ =	swait.ge [sflag:s25], $0x2000  }
0x345: {  	s11 =	sld [smem:$0x7E4]  }
0x346: {  	[sflag:s25] =	ssyncset.done $0x0  }
0x347: {  	s0 =	simm.s32 $0x12000;
	[sflag:s25] =	ssyncadd.s32 $0xFFFFE000  }
0x348: {  	[hbm4b:s11+s2] =	stream.linear.scatter [tilespmem:s0], [sflag:$0x16], $0x2000, $0x38;
	[tilespmem:$0x18000] =	vst v63  }
0x349: {  	_ =	swait.ge [sflag:s10], $0x2000  }
0x34a: {  	s20 =	sld [smem:$0x7E5]  }
0x34b: {  	[sflag:s10] =	ssyncset.done $0x0  }
0x34c: {  	[sflag:s10] =	ssyncadd.s32 $0xFFFFE000  }
0x34d: {  	[tilespmem:s2], [sflag:$0x1] =	stream.linear.gather [hbm4b:s20+s2], $0x2000, $0x38;
	[tilespmem:$0x18000] =	vst v63  }
0x34e: {  	_ =	swait.ge [sflag:s8], $0x2000  }
0x34f: {  	s11 =	sld [smem:$0x7E6]  }
0x350: {  	[sflag:s8] =	ssyncset.done $0x0  }
0x351: {  	[sflag:s8] =	ssyncadd.s32 $0xFFFFE000  }
0x352: {  	[tilespmem:s31], [sflag:$0x4] =	stream.linear.gather [hbm4b:s11+s2], $0x2000, $0x38;
	[tilespmem:$0x18000] =	vst v63  }
0x353: {  	_ =	swait.ge [sflag:s6], $0x2000  }
0x354: {  	s20 =	sld [smem:$0x7E7]  }
0x355: {  	[sflag:s6] =	ssyncset.done $0x0  }
0x356: {  	[sflag:s6] =	ssyncadd.s32 $0xFFFFE000  }
0x357: {  	[tilespmem:s1], [sflag:$0x7] =	stream.linear.gather [hbm4b:s20+s2], $0x2000, $0x38;
	[tilespmem:$0x18000] =	vst v63  }
0x358: {  	_ =	swait.ge [sflag:s4], $0x2000  }
0x359: {  	s11 =	sld [smem:$0x7E8]  }
0x35a: {  	[sflag:s4] =	ssyncset.done $0x0  }
0x35b: {  	[sflag:s4] =	ssyncadd.s32 $0xFFFFE000  }
0x35c: {  	[tilespmem:s0], [sflag:$0xA] =	stream.linear.gather [hbm4b:s11+s2], $0x2000, $0x38;
	[tilespmem:$0x18000] =	vst v63  }
0x35d: {  	_ =	swait.ge [sflag:s26], $0x2000  }
0x35e: {  	s20 =	sld [smem:$0x7E9]  }
0x35f: {  	[sflag:s26] =	ssyncset.done $0x0  }
0x360: {  	s11 =	simm.s32 $0x2000;
	[sflag:s26] =	ssyncadd.s32 $0xFFFFE000  }
0x361: {  	[hbm4b:s20+s2] =	stream.linear.scatter [tilespmem:s11], [sflag:$0xE], $0x2000, $0x38;
	[tilespmem:$0x18000] =	vst v63  }
0x362: {  	_ =	swait.ge [sflag:s23], $0x2000  }
0x363: {  	s0 =	sld [smem:$0x7EA]  }
0x364: {  	[sflag:s23] =	ssyncset.done $0x0  }
0x365: {  	s22 =	simm.s32 $0x8;
	s1 =	simm.s32 $0x8000;
	[sflag:s23] =	ssyncadd.s32 $0xFFFFE000  }
0x366: {  	[hbm4b:s0+s2] =	stream.linear.scatter [tilespmem:s1], [sflag:$0x11], $0x2000, $0x38;
	[tilespmem:$0x18000] =	vst v63  }
0x367: {  	_ =	swait.ge [sflag:s22], $0x2000  }
0x368: {  	s20 =	sld [smem:$0x7EB]  }
0x369: {  	[sflag:s22] =	ssyncset.done $0x0  }
0x36a: {  	s0 =	simm.s32 $0xE000;
	[sflag:s22] =	ssyncadd.s32 $0xFFFFE000  }
0x36b: {  	[hbm4b:s20+s2] =	stream.linear.scatter [tilespmem:s0], [sflag:$0x14], $0x2000, $0x38;
	[tilespmem:$0x18000] =	vst v63  }
0x36c: {  	_ =	swait.ge [sflag:s18], $0x2000  }
0x36d: {  	s12 =	sld [smem:$0x7EC]  }
0x36e: {  	[sflag:s18] =	ssyncset.done $0x0  }
0x36f: {  	s20 =	simm.s32 $0x14000;
	[sflag:s18] =	ssyncadd.s32 $0xFFFFE000  }
0x370: {  	[hbm4b:s12+s2] =	stream.linear.scatter [tilespmem:s20], [sflag:$0x17], $0x2000, $0x38;
	[tilespmem:$0x18000] =	vst v63  }
0x371: {  	_ =	swait.ge [sflag:s9], $0x2000  }
0x372: {  	s12 =	sld [smem:$0x7ED]  }
0x373: {  	[sflag:s9] =	ssyncset.done $0x0  }
0x374: {  	[sflag:s9] =	ssyncadd.s32 $0xFFFFE000  }
0x375: {  	[tilespmem:s11], [sflag:$0x2] =	stream.linear.gather [hbm4b:s12+s2], $0x2000, $0x38;
	[tilespmem:$0x18000] =	vst v63  }
0x376: {  	_ =	swait.ge [sflag:s7], $0x2000  }
0x377: {  	s11 =	sld [smem:$0x7EE]  }
0x378: {  	[sflag:s7] =	ssyncset.done $0x0  }
0x379: {  	[sflag:s7] =	ssyncadd.s32 $0xFFFFE000  }
0x37a: {  	[tilespmem:s1], [sflag:$0x5] =	stream.linear.gather [hbm4b:s11+s2], $0x2000, $0x38;
	[tilespmem:$0x18000] =	vst v63  }
0x37b: {  	_ =	swait.ge [sflag:s5], $0x2000  }
0x37c: {  	s11 =	sld [smem:$0x7EF]  }
0x37d: {  	[sflag:s5] =	ssyncset.done $0x0  }
0x37e: {  	[sflag:s5] =	ssyncadd.s32 $0xFFFFE000  }
0x37f: {  	[tilespmem:s0], [sflag:$0x8] =	stream.linear.gather [hbm4b:s11+s2], $0x2000, $0x38;
	[tilespmem:$0x18000] =	vst v63  }
0x380: {  	_ =	swait.ge [sflag:s3], $0x2000  }
0x381: {  	s11 =	sld [smem:$0x7F0]  }
0x382: {  	[sflag:s3] =	ssyncset.done $0x0  }
0x383: {  	[sflag:s3] =	ssyncadd.s32 $0xFFFFE000  }
0x384: {  	[tilespmem:s20], [sflag:$0xB] =	stream.linear.gather [hbm4b:s11+s2], $0x2000, $0x38;
	[tilespmem:$0x18000] =	vst v63  }
0x385: {  	_ =	swait.ge [sflag:s19], $0x2000  }
0x386: {  	s0 =	sld [smem:$0x7F1]  }
0x387: {  	[sflag:s19] =	ssyncset.done $0x0  }
0x388: {  	s11 =	simm.s32 $0x4000;
	[sflag:s19] =	ssyncadd.s32 $0xFFFFE000  }
0x389: {  	[hbm4b:s0+s2] =	stream.linear.scatter [tilespmem:s11], [sflag:$0xF], $0x2000, $0x38;
	[tilespmem:$0x18000] =	vst v63  }
0x38a: {  	_ =	swait.ge [sflag:s13], $0x2000  }
0x38b: {  	s12 =	sld [smem:$0x7F2]  }
0x38c: {  	[sflag:s13] =	ssyncset.done $0x0  }
0x38d: {  	s19 =	simm.s32 $0xA000;
	[sflag:s13] =	ssyncadd.s32 $0xFFFFE000  }
0x38e: {  	[hbm4b:s12+s2] =	stream.linear.scatter [tilespmem:s19], [sflag:$0x12], $0x2000, $0x38;
	[tilespmem:$0x18000] =	vst v63  }
0x38f: {  	_ =	swait.ge [sflag:s16], $0x2000  }
0x390: {  	s12 =	sld [smem:$0x7F3]  }
0x391: {  	[sflag:s16] =	ssyncset.done $0x0  }
0x392: {  	s13 =	simm.s32 $0x10000;
	[sflag:s16] =	ssyncadd.s32 $0xFFFFE000  }
0x393: {  	[hbm4b:s12+s2] =	stream.linear.scatter [tilespmem:s13], [sflag:$0x15], $0x2000, $0x38;
	[tilespmem:$0x18000] =	vst v63  }
0x394: {  	_ =	swait.ge [sflag:s17], $0x2000  }
0x395: {  	s16 =	sld [smem:$0x7F4]  }
0x396: {  	[sflag:s17] =	ssyncset.done $0x0  }
0x397: {  	[sflag:s17] =	ssyncadd.s32 $0xFFFFE000;
	s17 =	simm.s32 $0x16000  }
0x398: {  	[hbm4b:s16+s2] =	stream.linear.scatter [tilespmem:s17], [sflag:$0x18], $0x2000, $0x38;
	[tilespmem:$0x18000] =	vst v63  }
0x399: {  	_ =	swait.ge [sflag:s30], $0x2000  }
0x39a: {  	s19 =	sld [smem:$0x7F5]  }
0x39b: {  	[sflag:s30] =	ssyncset.done $0x0  }
0x39c: {  	[sflag:s30] =	ssyncadd.s32 $0xFFFFE000  }
0x39d: {  	[hbm4b:s19+s2] =	stream.linear.scatter [tilespmem:s2], [sflag:$0xD], $0x2000, $0x38;
	[tilespmem:$0x18000] =	vst v63  }
0x39e: {  	_ =	swait.ge [sflag:s29], $0x2000  }
0x39f: {  	s11 =	sld [smem:$0x7F6]  }
0x3a0: {  	[sflag:s29] =	ssyncset.done $0x0  }
0x3a1: {  	[sflag:s29] =	ssyncadd.s32 $0xFFFFE000  }
0x3a2: {  	[hbm4b:s11+s2] =	stream.linear.scatter [tilespmem:s31], [sflag:$0x10], $0x2000, $0x38;
	[tilespmem:$0x18000] =	vst v63  }
0x3a3: {  	_ =	swait.ge [sflag:s28], $0x2000  }
0x3a4: {  	s12 =	sld [smem:$0x7F7]  }
0x3a5: {  	[sflag:s28] =	ssyncset.done $0x0  }
0x3a6: {  	s13 =	simm.s32 $0xC000;
	[sflag:s28] =	ssyncadd.s32 $0xFFFFE000  }
0x3a7: {  	[hbm4b:s12+s2] =	stream.linear.scatter [tilespmem:s13], [sflag:$0x13], $0x2000, $0x38;
	[tilespmem:$0x18000] =	vst v63  }
0x3a8: {  	_ =	swait.ge [sflag:s25], $0x2000  }
0x3a9: {  	s16 =	sld [smem:$0x7F8]  }
0x3aa: {  	[sflag:s25] =	ssyncset.done $0x0  }
0x3ab: {  	s17 =	simm.s32 $0x12000;
	[sflag:s25] =	ssyncadd.s32 $0xFFFFE000  }
0x3ac: {  	[hbm4b:s16+s2] =	stream.linear.scatter [tilespmem:s17], [sflag:$0x16], $0x2000, $0x38;
	[tilespmem:$0x18000] =	vst v63  }
0x3ad: {  	_ =	swait.ge [sflag:s26], $0x2000  }
0x3ae: {  	s19 =	sld [smem:$0x7F9]  }
0x3af: {  	[sflag:s26] =	ssyncset.done $0x0  }
0x3b0: {  	s25 =	simm.s32 $0x2000;
	[sflag:s26] =	ssyncadd.s32 $0xFFFFE000  }
0x3b1: {  	[hbm4b:s19+s2] =	stream.linear.scatter [tilespmem:s25], [sflag:$0xE], $0x2000, $0x38;
	[tilespmem:$0x18000] =	vst v63  }
0x3b2: {  	_ =	swait.ge [sflag:s23], $0x2000  }
0x3b3: {  	s26 =	sld [smem:$0x7FA]  }
0x3b4: {  	[sflag:s23] =	ssyncset.done $0x0  }
0x3b5: {  	s1 =	simm.s32 $0x8000;
	[sflag:s23] =	ssyncadd.s32 $0xFFFFE000  }
0x3b6: {  	[hbm4b:s26+s2] =	stream.linear.scatter [tilespmem:s1], [sflag:$0x11], $0x2000, $0x38;
	[tilespmem:$0x18000] =	vst v63  }
0x3b7: {  	_ =	swait.ge [sflag:s22], $0x2000  }
0x3b8: {  	s28 =	sld [smem:$0x7FB]  }
0x3b9: {  	[sflag:s22] =	ssyncset.done $0x0  }
0x3ba: {  	s29 =	simm.s32 $0xE000;
	[sflag:s22] =	ssyncadd.s32 $0xFFFFE000  }
0x3bb: {  	[hbm4b:s28+s2] =	stream.linear.scatter [tilespmem:s29], [sflag:$0x14], $0x2000, $0x38;
	[tilespmem:$0x18000] =	vst v63  }
0x3bc: {  	_ =	swait.ge [sflag:s18], $0x2000  }
0x3bd: {  	s30 =	sld [smem:$0x7FD]  }
0x3be: {  	[sflag:s18] =	ssyncset.done $0x0  }
0x3bf: {  	s20 =	simm.s32 $0x14000;
	[sflag:s18] =	ssyncadd.s32 $0xFFFFE000  }
0x3c0: {  	[hbm4b:s30+s2] =	stream.linear.scatter [tilespmem:s20], [sflag:$0x17], $0x2000, $0x38;
	[tilespmem:$0x18000] =	vst v63  }
0x3c1: {  	_ =	swait.ge [sflag:s21], $0x2000  }
0x3c2: {  	[sflag:s21] =	ssyncset.done $0x0  }
0x3c3: {  	[sflag:s21] =	ssyncadd.s32 $0xFFFFE000  }
0x3c4: {  	_ =	swait.ge [sflag:s24], $0x2000  }
0x3c5: {  	[sflag:s24] =	ssyncset.done $0x0  }
0x3c6: {  	[sflag:s24] =	ssyncadd.s32 $0xFFFFE000  }
0x3c7: {  	_ =	swait.ge [sflag:s15], $0x2000  }
0x3c8: {  	[sflag:s15] =	ssyncset.done $0x0  }
0x3c9: {  	[sflag:s15] =	ssyncadd.s32 $0xFFFFE000  }
0x3ca: {  	_ =	swait.ge [sflag:s14], $0x2000  }
0x3cb: {  	[sflag:s14] =	ssyncset.done $0x0  }
0x3cc: {  	[sflag:s14] =	ssyncadd.s32 $0xFFFFE000  }
0x3cd: {  	_ =	swait.ge [sflag:s10], $0x2000  }
0x3ce: {  	[sflag:s10] =	ssyncset.done $0x0  }
0x3cf: {  	[sflag:s10] =	ssyncadd.s32 $0xFFFFE000  }
0x3d0: {  	_ =	swait.ge [sflag:s8], $0x2000  }
0x3d1: {  	[sflag:s8] =	ssyncset.done $0x0  }
0x3d2: {  	[sflag:s8] =	ssyncadd.s32 $0xFFFFE000  }
0x3d3: {  	_ =	swait.ge [sflag:s6], $0x2000  }
0x3d4: {  	[sflag:s6] =	ssyncset.done $0x0  }
0x3d5: {  	[sflag:s6] =	ssyncadd.s32 $0xFFFFE000  }
0x3d6: {  	_ =	swait.ge [sflag:s4], $0x2000  }
0x3d7: {  	[sflag:s4] =	ssyncset.done $0x0  }
0x3d8: {  	[sflag:s4] =	ssyncadd.s32 $0xFFFFE000  }
0x3d9: {  	_ =	swait.ge [sflag:s9], $0x2000  }
0x3da: {  	[sflag:s9] =	ssyncset.done $0x0  }
0x3db: {  	[sflag:s9] =	ssyncadd.s32 $0xFFFFE000  }
0x3dc: {  	_ =	swait.ge [sflag:s7], $0x2000  }
0x3dd: {  	[sflag:s7] =	ssyncset.done $0x0  }
0x3de: {  	[sflag:s7] =	ssyncadd.s32 $0xFFFFE000  }
0x3df: {  	_ =	swait.ge [sflag:s5], $0x2000  }
0x3e0: {  	[sflag:s5] =	ssyncset.done $0x0  }
0x3e1: {  	[sflag:s5] =	ssyncadd.s32 $0xFFFFE000  }
0x3e2: {  	_ =	swait.ge [sflag:s3], $0x2000  }
0x3e3: {  	[sflag:s3] =	ssyncset.done $0x0  }
0x3e4: {  	[sflag:s3] =	ssyncadd.s32 $0xFFFFE000  }
0x3e5: {  	_ =	sfence.sel $0x180000  }
0x3e6: {  	[bflag:$0x0] =	sbarrier.arrive $0xFFFF  }
0x3e7: {  	_ =	strace $0x90000047  }
0x3e8: {  	s31 =	stileid.u32;
	[bflag:$0x2] =	sbarrier.arrive $0xFFFF  }
0x3e9: {  	p0 =	sne.s32 s31, $0x0;
	s0 =	rddreg [dreg:$0x2]  }
0x3ea: {  	s0 =	sadd.s32 @!p0 $0x100000, s0  }
0x3eb: {  	[sflag:s0] =	ssyncadd.tile.s32 @!p0 $0x1;
	_ =	shalt  }
.LBB2_1:
.Ltmp3:
0x3ec: {  	(pc) =	sbr.rel .LBB2_6-.Ltmp3, $2  }
0x3ed: {  	_ =	sdelay $0x2  }
0x3ee: {  	s0 =	sld [smem:$0x7FC]  }
.LBB2_7:
.Ltmp4:
0x3ef: {  	(pc) =	sbr.rel .LBB2_6-.Ltmp4, $4  }
0x3f0: {  	_ = 	snop  }
0x3f1: {  	s0 =	sld [smem:$0x7FC];
	s1 =	simm.s32 $0x8  }
0x3f2: {  	s23 =	simm.s32 $0x5;
	s25 =	simm.s32 $0xA;
	s26 =	simm.s32 $0x2  }
0x3f3: {  	s28 =	simm.s32 $0x7;
	s29 =	simm.s32 $0x4;
	s30 =	simm.s32 $0x1  }
.Lfunc_end2:
_tile_overlayer_lowered:
.L_overlay_start_2:
0x3f4: {  	(tag) =	ssettag $0x2  }
0x3f5: {  	s0 =	rddreg [dreg:$0x0];
	s2 =	stileid.u32  }
0x3f6: {  	s1 =	rddreg [dreg:$0x1];
	p0 =	sne.s32 s2, $0x0  }
0x3f7: {  	s3 =	rddreg [dreg:$0x2];
	[bflag:$0x3] =	sbarrier.arrive $0xFFFF;
	s2 =	simm.s32 @!p0 $0x1C19  }
0x3f8: {  	[timem:s3], [sflag:s2] =	dma.local @!p0 [hbm:s0], s1  }
0x3f9: {  	s0 =	simm.s32 @!p0 $0x19  }
0x3fa: {  	_ =	swait.ge @!p0 [sflag:s0], s1  }
0x3fb: {  	s1 =	ssub.s32 @!p0 $0x0, s1;
	[sflag:s0] =	ssyncset.done @!p0 $0x0  }
0x3fc: {  	[sflag:s0] =	ssyncadd.s32 @!p0 s1  }
0x3fd: {  	[bflag:$0x3] =	sbarrier.arrive $0xFFFF  }
0x3fe: {  	_ =	shalt  }

</sc_bundles>
